<compile_context>
chip_gen: v7x
topology: tpu7x:2x2x1
jax: 0.10.2.dev20260603
libtpu: 0.0.44.dev20260713+nightly
codegen_flags: <defaults>
</compile_context>

<pallas_src>
import functools

import jax
import jax.numpy as jnp
import numpy as np
from jax import lax
from jax.experimental import pallas as pl
from jax.experimental.pallas import tpu as pltpu
from jax.experimental.pallas import tpu_sc as plsc

N = 16384
C = 1000
QLO = (0, 256, 504, 760)
QHI = (256, 504, 760, 1000)
R0 = 256
R1 = 248
NC = 2
NS = 16
NW = NC * NS
CPW = N // NW
BLK = 128
NBLK = CPW // BLK
L = 16

_mesh = plsc.VectorSubcoreMesh(core_axis_name="c", subcore_axis_name="s")

_Z0 = np.zeros((R0, BLK), np.float32)
_Z1 = np.zeros((R1, BLK), np.float32)


@functools.partial(
    pl.kernel,
    out_type=jax.ShapeDtypeStruct((C, N), jnp.float32),
    mesh=_mesh,
    scratch_types=[
        pltpu.VMEM((CPW,), jnp.int32),
        pltpu.VMEM((R0, BLK), jnp.float32),
        pltpu.VMEM((R1, BLK), jnp.float32),
        pltpu.SemaphoreType.DMA,
        pltpu.SemaphoreType.DMA,
    ],
    compiler_params=pltpu.CompilerParams(
        needs_layout_passes=False,
        skip_device_barrier=True,
        disable_bounds_checks=True,
        disable_semaphore_checks=True,
    ),
)
def _onehot_sc(x_hbm, z0_hbm, z1_hbm, out_hbm, idx_v, buf_0, buf_1, sem_0, sem_1):
    wid = lax.axis_index("s") * NC + lax.axis_index("c")
    base = wid * CPW
    init_0 = pltpu.async_copy(z0_hbm, buf_0, sem_0)
    init_1 = pltpu.async_copy(z1_hbm, buf_1, sem_1)
    pltpu.sync_copy(x_hbm.at[pl.ds(base, CPW)], idx_v)

    ones = jnp.full((L,), 1.0, jnp.float32)
    zeros = jnp.zeros((L,), jnp.float32)
    cols = lax.iota(jnp.int32, L)

    def scatter(buf, q, b, val):
        lo, hi = QLO[q], QHI[q]
        for j in range(BLK // L):
            xv = idx_v[pl.ds(b * BLK + j * L, L)]
            rv = xv - lo
            mask = (xv >= lo) & (xv < hi)
            plsc.store_scatter(buf, [rv, cols + j * L], val, mask=mask)

    bufs = (buf_0, buf_1)
    sems = (sem_0, sem_1)
    pending = [init_0, init_1]
    prev_unit = [None, None]
    for b in range(NBLK):
        for q in range(len(QLO)):
            p = q % 2
            buf, sem = bufs[p], sems[p]
            pending[p].wait()
            if prev_unit[p] is not None:
                pb, pq = prev_unit[p]
                scatter(buf, pq, pb, zeros)
            scatter(buf, q, b, ones)
            nrows = QHI[q] - QLO[q]
            src = buf if nrows == buf.shape[0] else buf.at[pl.ds(0, nrows), :]
            pending[p] = pltpu.async_copy(
                src,
                out_hbm.at[pl.ds(QLO[q], nrows), pl.ds(base + b * BLK, BLK)],
                sem,
            )
            prev_unit[p] = (b, q)
    pending[0].wait()
    pending[1].wait()


def kernel(x):
    return _onehot_sc(x.astype(jnp.int32), _Z0, _Z1).T

# --- scband reference (transcript-rebuilt; emitter-appended) ---
"""Pipeline reference for scband-onehotify-16209206575122 (READ-ONLY COPY).

The authoritative reference and input builder live on the scoring server;
editing this copy changes nothing except your own understanding.
"""

import jax, jax.numpy as jnp
import numpy as np

NUM_CLASSES = 1000

def setup_inputs(seed: int = 0) -> dict:
    key = jax.random.key(seed)
    x = jax.random.randint(key, (16384,), 0, NUM_CLASSES, dtype=jnp.int64 if jax.config.jax_enable_x64 else jnp.int32)
    return {"x": x}

def reference(x) -> jnp.ndarray:
    # Faithful translation of torch.nn.functional.one_hot(x, num_classes).float()
    return jax.nn.one_hot(x, NUM_CLASSES, dtype=jnp.float32)

if __name__ == "__main__":
    import jax
    _d = setup_inputs()
    print(jax.jit(kernel)(*tuple(_d.values())))

</pallas_src>

<mosaic_0001>
#map = affine_map<(d0, d1) -> (0)>
#map1 = affine_map<(d0, d1) -> (0, 0)>
module attributes {stable_mosaic.version = 14 : i64} {
  func.func @_onehot_sc(%arg0: i32, %arg1: i32, %arg2: memref<16384xi32, #tpu.memory_space<hbm>>, %arg3: memref<256x128xf32, #tpu.memory_space<hbm>>, %arg4: memref<248x128xf32, #tpu.memory_space<hbm>>, %arg5: memref<1000x16384xf32, #tpu.memory_space<hbm>>, %arg6: memref<512xi32, #tpu.memory_space<vmem>>, %arg7: memref<256x128xf32, #tpu.memory_space<vmem>>, %arg8: memref<248x128xf32, #tpu.memory_space<vmem>>, %arg9: memref<!tpu.dma_semaphore, #tpu.memory_space<semaphore_mem>>, %arg10: memref<!tpu.dma_semaphore, #tpu.memory_space<semaphore_mem>>) attributes {dimension_semantics = [#tpu.dimension_semantics<core_parallel>, #tpu.dimension_semantics<subcore_parallel>], iteration_bounds = array<i64: 2, 16>, scalar_prefetch = 0 : i64, scratch_operands = 5 : i64, tpu.core_type = #tpu.core_type<sc_vector_subcore>, window_params = [{transform_indices = #map}, {transform_indices = #map1}, {transform_indices = #map1}, {transform_indices = #map1}]} {
    %mul3A = arith.constant 2 : i32
    %mul3A_0 = arith.muli %arg1, %mul3A : i32
    %add3A = arith.addi %mul3A_0, %arg0 : i32
    %mul3A_1 = arith.constant 512 : i32
    %mul3A_2 = arith.muli %add3A, %mul3A_1 : i32
    tpu.enqueue_dma source(%arg3 : memref<256x128xf32, #tpu.memory_space<hbm>>) target(%arg7 : memref<256x128xf32, #tpu.memory_space<vmem>>) target_semaphore(%arg9 : memref<!tpu.dma_semaphore, #tpu.memory_space<semaphore_mem>>)
    tpu.enqueue_dma source(%arg4 : memref<248x128xf32, #tpu.memory_space<hbm>>) target(%arg8 : memref<248x128xf32, #tpu.memory_space<vmem>>) target_semaphore(%arg10 : memref<!tpu.dma_semaphore, #tpu.memory_space<semaphore_mem>>)
    "tpu.region"() ({
      %run_scoped3A = tpu.sem_alloc : memref<!tpu.dma_semaphore, #tpu.memory_space<semaphore_mem>>
      %dma_start3A_3807 = tpu.memref_slice %arg2[%mul3A_2] : memref<16384xi32, #tpu.memory_space<hbm>> -> memref<512xi32, #tpu.memory_space<hbm>>
      %dma_start3A_3808 = tpu.memref_slice %arg2[%mul3A_2] : memref<16384xi32, #tpu.memory_space<hbm>> -> memref<512xi32, #tpu.memory_space<hbm>>
      tpu.enqueue_dma source(%dma_start3A_3808 : memref<512xi32, #tpu.memory_space<hbm>>) target(%arg6 : memref<512xi32, #tpu.memory_space<vmem>>) target_semaphore(%run_scoped3A : memref<!tpu.dma_semaphore, #tpu.memory_space<semaphore_mem>>)
      %dma_wait3A_3809 = tpu.memref_slice %arg2[%mul3A_2] : memref<16384xi32, #tpu.memory_space<hbm>> -> memref<512xi32, #tpu.memory_space<hbm>>
      %dma_wait3A_3810 = tpu.memref_slice %arg2[%mul3A_2] : memref<16384xi32, #tpu.memory_space<hbm>> -> memref<512xi32, #tpu.memory_space<hbm>>
      tpu.wait_dma2 semaphore(%run_scoped3A : memref<!tpu.dma_semaphore, #tpu.memory_space<semaphore_mem>>) src(%dma_wait3A_3810 : memref<512xi32, #tpu.memory_space<hbm>>) dst(%arg6 : memref<512xi32, #tpu.memory_space<vmem>>)
      tpu.yield
    }) : () -> ()
    %broadcast_in_dim3A = arith.constant 1.000000e+00 : f32
    %broadcast_in_dim3A_3 = vector.broadcast %broadcast_in_dim3A : f32 to vector<16xf32>
    %broadcast_in_dim3A_4 = arith.constant 0.000000e+00 : f32
    %broadcast_in_dim3A_5 = vector.broadcast %broadcast_in_dim3A_4 : f32 to vector<16xf32>
    %iota3A = tpu.iota {dimensions = array<i32: 0>} : vector<16xi32>
    tpu.wait_dma2 semaphore(%arg9 : memref<!tpu.dma_semaphore, #tpu.memory_space<semaphore_mem>>) src(%arg3 : memref<256x128xf32, #tpu.memory_space<hbm>>) dst(%arg7 : memref<256x128xf32, #tpu.memory_space<vmem>>)
    %get3A = arith.constant 0 : index
    %get3A_6 = tpu.vector_load %arg6[%get3A] {strides = array<i32>} : memref<512xi32, #tpu.memory_space<vmem>>, vector<16xi32>,
    %sub3A = arith.constant 0 : i32
    %sub3A_7 = vector.broadcast %sub3A : i32 to vector<16xi32>
    %sub3A_8 = arith.subi %get3A_6, %sub3A_7 : vector<16xi32>
    %ge3A = arith.constant 0 : i32
    %ge3A_9 = vector.broadcast %ge3A : i32 to vector<16xi32>
    %ge3A_10 = arith.cmpi sge, %get3A_6, %ge3A_9 : vector<16xi32>
    %lt3A = arith.constant 256 : i32
    %lt3A_11 = vector.broadcast %lt3A : i32 to vector<16xi32>
    %lt3A_12 = arith.cmpi slt, %get3A_6, %lt3A_11 : vector<16xi32>
    %and3A = arith.andi %ge3A_10, %lt3A_12 : vector<16xi1>
    %add3A_13 = arith.constant 0 : i32
    %add3A_14 = vector.broadcast %add3A_13 : i32 to vector<16xi32>
    %add3A_15 = arith.addi %iota3A, %add3A_14 : vector<16xi32>
    tpu.vector_store_idx %arg7[%sub3A_8, %add3A_15], %broadcast_in_dim3A_3 masked %and3A : memref<256x128xf32, #tpu.memory_space<vmem>>[vector<16xi32>, vector<16xi32>], vector<16xf32>, vector<16xi1>
    %get3A_16 = arith.constant 16 : index
    %get3A_17 = tpu.vector_load %arg6[%get3A_16] {strides = array<i32>} : memref<512xi32, #tpu.memory_space<vmem>>, vector<16xi32>,
    %sub3A_18 = arith.constant 0 : i32
    %sub3A_19 = vector.broadcast %sub3A_18 : i32 to vector<16xi32>
    %sub3A_20 = arith.subi %get3A_17, %sub3A_19 : vector<16xi32>
    %ge3A_21 = arith.constant 0 : i32
    %ge3A_22 = vector.broadcast %ge3A_21 : i32 to vector<16xi32>
    %ge3A_23 = arith.cmpi sge, %get3A_17, %ge3A_22 : vector<16xi32>
    %lt3A_24 = arith.constant 256 : i32
    %lt3A_25 = vector.broadcast %lt3A_24 : i32 to vector<16xi32>
    %lt3A_26 = arith.cmpi slt, %get3A_17, %lt3A_25 : vector<16xi32>
    %and3A_27 = arith.andi %ge3A_23, %lt3A_26 : vector<16xi1>
    %add3A_28 = arith.constant 16 : i32
    %add3A_29 = vector.broadcast %add3A_28 : i32 to vector<16xi32>
    %add3A_30 = arith.addi %iota3A, %add3A_29 : vector<16xi32>
    tpu.vector_store_idx %arg7[%sub3A_20, %add3A_30], %broadcast_in_dim3A_3 masked %and3A_27 : memref<256x128xf32, #tpu.memory_space<vmem>>[vector<16xi32>, vector<16xi32>], vector<16xf32>, vector<16xi1>
    %get3A_31 = arith.constant 32 : index
    %get3A_32 = tpu.vector_load %arg6[%get3A_31] {strides = array<i32>} : memref<512xi32, #tpu.memory_space<vmem>>, vector<16xi32>,
    %sub3A_33 = arith.constant 0 : i32
    %sub3A_34 = vector.broadcast %sub3A_33 : i32 to vector<16xi32>
    %sub3A_35 = arith.subi %get3A_32, %sub3A_34 : vector<16xi32>
    %ge3A_36 = arith.constant 0 : i32
    %ge3A_37 = vector.broadcast %ge3A_36 : i32 to vector<16xi32>
    %ge3A_38 = arith.cmpi sge, %get3A_32, %ge3A_37 : vector<16xi32>
    %lt3A_39 = arith.constant 256 : i32
    %lt3A_40 = vector.broadcast %lt3A_39 : i32 to vector<16xi32>
    %lt3A_41 = arith.cmpi slt, %get3A_32, %lt3A_40 : vector<16xi32>
    %and3A_42 = arith.andi %ge3A_38, %lt3A_41 : vector<16xi1>
    %add3A_43 = arith.constant 32 : i32
    %add3A_44 = vector.broadcast %add3A_43 : i32 to vector<16xi32>
    %add3A_45 = arith.addi %iota3A, %add3A_44 : vector<16xi32>
    tpu.vector_store_idx %arg7[%sub3A_35, %add3A_45], %broadcast_in_dim3A_3 masked %and3A_42 : memref<256x128xf32, #tpu.memory_space<vmem>>[vector<16xi32>, vector<16xi32>], vector<16xf32>, vector<16xi1>
    %get3A_46 = arith.constant 48 : index
    %get3A_47 = tpu.vector_load %arg6[%get3A_46] {strides = array<i32>} : memref<512xi32, #tpu.memory_space<vmem>>, vector<16xi32>,
    %sub3A_48 = arith.constant 0 : i32
    %sub3A_49 = vector.broadcast %sub3A_48 : i32 to vector<16xi32>
    %sub3A_50 = arith.subi %get3A_47, %sub3A_49 : vector<16xi32>
    %ge3A_51 = arith.constant 0 : i32
    %ge3A_52 = vector.broadcast %ge3A_51 : i32 to vector<16xi32>
    %ge3A_53 = arith.cmpi sge, %get3A_47, %ge3A_52 : vector<16xi32>
    %lt3A_54 = arith.constant 256 : i32
    %lt3A_55 = vector.broadcast %lt3A_54 : i32 to vector<16xi32>
    %lt3A_56 = arith.cmpi slt, %get3A_47, %lt3A_55 : vector<16xi32>
    %and3A_57 = arith.andi %ge3A_53, %lt3A_56 : vector<16xi1>
    %add3A_58 = arith.constant 48 : i32
    %add3A_59 = vector.broadcast %add3A_58 : i32 to vector<16xi32>
    %add3A_60 = arith.addi %iota3A, %add3A_59 : vector<16xi32>
    tpu.vector_store_idx %arg7[%sub3A_50, %add3A_60], %broadcast_in_dim3A_3 masked %and3A_57 : memref<256x128xf32, #tpu.memory_space<vmem>>[vector<16xi32>, vector<16xi32>], vector<16xf32>, vector<16xi1>
    %get3A_61 = arith.constant 64 : index
    %get3A_62 = tpu.vector_load %arg6[%get3A_61] {strides = array<i32>} : memref<512xi32, #tpu.memory_space<vmem>>, vector<16xi32>,
    %sub3A_63 = arith.constant 0 : i32
    %sub3A_64 = vector.broadcast %sub3A_63 : i32 to vector<16xi32>
    %sub3A_65 = arith.subi %get3A_62, %sub3A_64 : vector<16xi32>
    %ge3A_66 = arith.constant 0 : i32
    %ge3A_67 = vector.broadcast %ge3A_66 : i32 to vector<16xi32>
    %ge3A_68 = arith.cmpi sge, %get3A_62, %ge3A_67 : vector<16xi32>
    %lt3A_69 = arith.constant 256 : i32
    %lt3A_70 = vector.broadcast %lt3A_69 : i32 to vector<16xi32>
    %lt3A_71 = arith.cmpi slt, %get3A_62, %lt3A_70 : vector<16xi32>
    %and3A_72 = arith.andi %ge3A_68, %lt3A_71 : vector<16xi1>
    %add3A_73 = arith.constant 64 : i32
    %add3A_74 = vector.broadcast %add3A_73 : i32 to vector<16xi32>
    %add3A_75 = arith.addi %iota3A, %add3A_74 : vector<16xi32>
    tpu.vector_store_idx %arg7[%sub3A_65, %add3A_75], %broadcast_in_dim3A_3 masked %and3A_72 : memref<256x128xf32, #tpu.memory_space<vmem>>[vector<16xi32>, vector<16xi32>], vector<16xf32>, vector<16xi1>
    %get3A_76 = arith.constant 80 : index
    %get3A_77 = tpu.vector_load %arg6[%get3A_76] {strides = array<i32>} : memref<512xi32, #tpu.memory_space<vmem>>, vector<16xi32>,
    %sub3A_78 = arith.constant 0 : i32
    %sub3A_79 = vector.broadcast %sub3A_78 : i32 to vector<16xi32>
    %sub3A_80 = arith.subi %get3A_77, %sub3A_79 : vector<16xi32>
    %ge3A_81 = arith.constant 0 : i32
    %ge3A_82 = vector.broadcast %ge3A_81 : i32 to vector<16xi32>
    %ge3A_83 = arith.cmpi sge, %get3A_77, %ge3A_82 : vector<16xi32>
    %lt3A_84 = arith.constant 256 : i32
    %lt3A_85 = vector.broadcast %lt3A_84 : i32 to vector<16xi32>
    %lt3A_86 = arith.cmpi slt, %get3A_77, %lt3A_85 : vector<16xi32>
    %and3A_87 = arith.andi %ge3A_83, %lt3A_86 : vector<16xi1>
    %add3A_88 = arith.constant 80 : i32
    %add3A_89 = vector.broadcast %add3A_88 : i32 to vector<16xi32>
    %add3A_90 = arith.addi %iota3A, %add3A_89 : vector<16xi32>
    tpu.vector_store_idx %arg7[%sub3A_80, %add3A_90], %broadcast_in_dim3A_3 masked %and3A_87 : memref<256x128xf32, #tpu.memory_space<vmem>>[vector<16xi32>, vector<16xi32>], vector<16xf32>, vector<16xi1>
    %get3A_91 = arith.constant 96 : index
    %get3A_92 = tpu.vector_load %arg6[%get3A_91] {strides = array<i32>} : memref<512xi32, #tpu.memory_space<vmem>>, vector<16xi32>,
    %sub3A_93 = arith.constant 0 : i32
    %sub3A_94 = vector.broadcast %sub3A_93 : i32 to vector<16xi32>
    %sub3A_95 = arith.subi %get3A_92, %sub3A_94 : vector<16xi32>
    %ge3A_96 = arith.constant 0 : i32
    %ge3A_97 = vector.broadcast %ge3A_96 : i32 to vector<16xi32>
    %ge3A_98 = arith.cmpi sge, %get3A_92, %ge3A_97 : vector<16xi32>
    %lt3A_99 = arith.constant 256 : i32
    %lt3A_100 = vector.broadcast %lt3A_99 : i32 to vector<16xi32>
    %lt3A_101 = arith.cmpi slt, %get3A_92, %lt3A_100 : vector<16xi32>
    %and3A_102 = arith.andi %ge3A_98, %lt3A_101 : vector<16xi1>
    %add3A_103 = arith.constant 96 : i32
    %add3A_104 = vector.broadcast %add3A_103 : i32 to vector<16xi32>
    %add3A_105 = arith.addi %iota3A, %add3A_104 : vector<16xi32>
    tpu.vector_store_idx %arg7[%sub3A_95, %add3A_105], %broadcast_in_dim3A_3 masked %and3A_102 : memref<256x128xf32, #tpu.memory_space<vmem>>[vector<16xi32>, vector<16xi32>], vector<16xf32>, vector<16xi1>
    %get3A_106 = arith.constant 112 : index
    %get3A_107 = tpu.vector_load %arg6[%get3A_106] {strides = array<i32>} : memref<512xi32, #tpu.memory_space<vmem>>, vector<16xi32>,
    %sub3A_108 = arith.constant 0 : i32
    %sub3A_109 = vector.broadcast %sub3A_108 : i32 to vector<16xi32>
    %sub3A_110 = arith.subi %get3A_107, %sub3A_109 : vector<16xi32>
    %ge3A_111 = arith.constant 0 : i32
    %ge3A_112 = vector.broadcast %ge3A_111 : i32 to vector<16xi32>
    %ge3A_113 = arith.cmpi sge, %get3A_107, %ge3A_112 : vector<16xi32>
    %lt3A_114 = arith.constant 256 : i32
    %lt3A_115 = vector.broadcast %lt3A_114 : i32 to vector<16xi32>
    %lt3A_116 = arith.cmpi slt, %get3A_107, %lt3A_115 : vector<16xi32>
    %and3A_117 = arith.andi %ge3A_113, %lt3A_116 : vector<16xi1>
    %add3A_118 = arith.constant 112 : i32
    %add3A_119 = vector.broadcast %add3A_118 : i32 to vector<16xi32>
    %add3A_120 = arith.addi %iota3A, %add3A_119 : vector<16xi32>
    tpu.vector_store_idx %arg7[%sub3A_110, %add3A_120], %broadcast_in_dim3A_3 masked %and3A_117 : memref<256x128xf32, #tpu.memory_space<vmem>>[vector<16xi32>, vector<16xi32>], vector<16xf32>, vector<16xi1>
    %add3A_121 = arith.constant 0 : i32
    %add3A_122 = arith.addi %mul3A_2, %add3A_121 : i32
    %dma_start3A = arith.constant 0 : i32
    %dma_start3A_123 = tpu.memref_slice %arg5[%dma_start3A, %add3A_122] : memref<1000x16384xf32, #tpu.memory_space<hbm>> -> memref<256x128xf32, #tpu.memory_space<hbm>>
    %dma_start3A_124 = arith.constant 0 : i32
    %dma_start3A_125 = tpu.memref_slice %arg5[%dma_start3A_124, %add3A_122] : memref<1000x16384xf32, #tpu.memory_space<hbm>> -> memref<256x128xf32, #tpu.memory_space<hbm>>
    tpu.enqueue_dma source(%arg7 : memref<256x128xf32, #tpu.memory_space<vmem>>) target(%dma_start3A_125 : memref<256x128xf32, #tpu.memory_space<hbm>>) target_semaphore(%arg9 : memref<!tpu.dma_semaphore, #tpu.memory_space<semaphore_mem>>)
    tpu.wait_dma2 semaphore(%arg10 : memref<!tpu.dma_semaphore, #tpu.memory_space<semaphore_mem>>) src(%arg4 : memref<248x128xf32, #tpu.memory_space<hbm>>) dst(%arg8 : memref<248x128xf32, #tpu.memory_space<vmem>>)
    %get3A_126 = arith.constant 0 : index
    %get3A_127 = tpu.vector_load %arg6[%get3A_126] {strides = array<i32>} : memref<512xi32, #tpu.memory_space<vmem>>, vector<16xi32>,
    %sub3A_128 = arith.constant 256 : i32
    %sub3A_129 = vector.broadcast %sub3A_128 : i32 to vector<16xi32>
    %sub3A_130 = arith.subi %get3A_127, %sub3A_129 : vector<16xi32>
    %ge3A_131 = arith.constant 256 : i32
    %ge3A_132 = vector.broadcast %ge3A_131 : i32 to vector<16xi32>
    %ge3A_133 = arith.cmpi sge, %get3A_127, %ge3A_132 : vector<16xi32>
    %lt3A_134 = arith.constant 504 : i32
    %lt3A_135 = vector.broadcast %lt3A_134 : i32 to vector<16xi32>
    %lt3A_136 = arith.cmpi slt, %get3A_127, %lt3A_135 : vector<16xi32>
    %and3A_137 = arith.andi %ge3A_133, %lt3A_136 : vector<16xi1>
    %add3A_138 = arith.constant 0 : i32
    %add3A_139 = vector.broadcast %add3A_138 : i32 to vector<16xi32>
    %add3A_140 = arith.addi %iota3A, %add3A_139 : vector<16xi32>
    tpu.vector_store_idx %arg8[%sub3A_130, %add3A_140], %broadcast_in_dim3A_3 masked %and3A_137 : memref<248x128xf32, #tpu.memory_space<vmem>>[vector<16xi32>, vector<16xi32>], vector<16xf32>, vector<16xi1>
    %get3A_141 = arith.constant 16 : index
    %get3A_142 = tpu.vector_load %arg6[%get3A_141] {strides = array<i32>} : memref<512xi32, #tpu.memory_space<vmem>>, vector<16xi32>,
    %sub3A_143 = arith.constant 256 : i32
    %sub3A_144 = vector.broadcast %sub3A_143 : i32 to vector<16xi32>
    %sub3A_145 = arith.subi %get3A_142, %sub3A_144 : vector<16xi32>
    %ge3A_146 = arith.constant 256 : i32
    %ge3A_147 = vector.broadcast %ge3A_146 : i32 to vector<16xi32>
    %ge3A_148 = arith.cmpi sge, %get3A_142, %ge3A_147 : vector<16xi32>
    %lt3A_149 = arith.constant 504 : i32
    %lt3A_150 = vector.broadcast %lt3A_149 : i32 to vector<16xi32>
    %lt3A_151 = arith.cmpi slt, %get3A_142, %lt3A_150 : vector<16xi32>
    %and3A_152 = arith.andi %ge3A_148, %lt3A_151 : vector<16xi1>
    %add3A_153 = arith.constant 16 : i32
    %add3A_154 = vector.broadcast %add3A_153 : i32 to vector<16xi32>
    %add3A_155 = arith.addi %iota3A, %add3A_154 : vector<16xi32>
    tpu.vector_store_idx %arg8[%sub3A_145, %add3A_155], %broadcast_in_dim3A_3 masked %and3A_152 : memref<248x128xf32, #tpu.memory_space<vmem>>[vector<16xi32>, vector<16xi32>], vector<16xf32>, vector<16xi1>
    %get3A_156 = arith.constant 32 : index
    %get3A_157 = tpu.vector_load %arg6[%get3A_156] {strides = array<i32>} : memref<512xi32, #tpu.memory_space<vmem>>, vector<16xi32>,
    %sub3A_158 = arith.constant 256 : i32
    %sub3A_159 = vector.broadcast %sub3A_158 : i32 to vector<16xi32>
    %sub3A_160 = arith.subi %get3A_157, %sub3A_159 : vector<16xi32>
    %ge3A_161 = arith.constant 256 : i32
    %ge3A_162 = vector.broadcast %ge3A_161 : i32 to vector<16xi32>
    %ge3A_163 = arith.cmpi sge, %get3A_157, %ge3A_162 : vector<16xi32>
    %lt3A_164 = arith.constant 504 : i32
    %lt3A_165 = vector.broadcast %lt3A_164 : i32 to vector<16xi32>
    %lt3A_166 = arith.cmpi slt, %get3A_157, %lt3A_165 : vector<16xi32>
    %and3A_167 = arith.andi %ge3A_163, %lt3A_166 : vector<16xi1>
    %add3A_168 = arith.constant 32 : i32
    %add3A_169 = vector.broadcast %add3A_168 : i32 to vector<16xi32>
    %add3A_170 = arith.addi %iota3A, %add3A_169 : vector<16xi32>
    tpu.vector_store_idx %arg8[%sub3A_160, %add3A_170], %broadcast_in_dim3A_3 masked %and3A_167 : memref<248x128xf32, #tpu.memory_space<vmem>>[vector<16xi32>, vector<16xi32>], vector<16xf32>, vector<16xi1>
    %get3A_171 = arith.constant 48 : index
    %get3A_172 = tpu.vector_load %arg6[%get3A_171] {strides = array<i32>} : memref<512xi32, #tpu.memory_space<vmem>>, vector<16xi32>,
    %sub3A_173 = arith.constant 256 : i32
    %sub3A_174 = vector.broadcast %sub3A_173 : i32 to vector<16xi32>
    %sub3A_175 = arith.subi %get3A_172, %sub3A_174 : vector<16xi32>
    %ge3A_176 = arith.constant 256 : i32
    %ge3A_177 = vector.broadcast %ge3A_176 : i32 to vector<16xi32>
    %ge3A_178 = arith.cmpi sge, %get3A_172, %ge3A_177 : vector<16xi32>
    %lt3A_179 = arith.constant 504 : i32
    %lt3A_180 = vector.broadcast %lt3A_179 : i32 to vector<16xi32>
    %lt3A_181 = arith.cmpi slt, %get3A_172, %lt3A_180 : vector<16xi32>
    %and3A_182 = arith.andi %ge3A_178, %lt3A_181 : vector<16xi1>
    %add3A_183 = arith.constant 48 : i32
    %add3A_184 = vector.broadcast %add3A_183 : i32 to vector<16xi32>
    %add3A_185 = arith.addi %iota3A, %add3A_184 : vector<16xi32>
    tpu.vector_store_idx %arg8[%sub3A_175, %add3A_185], %broadcast_in_dim3A_3 masked %and3A_182 : memref<248x128xf32, #tpu.memory_space<vmem>>[vector<16xi32>, vector<16xi32>], vector<16xf32>, vector<16xi1>
    %get3A_186 = arith.constant 64 : index
    %get3A_187 = tpu.vector_load %arg6[%get3A_186] {strides = array<i32>} : memref<512xi32, #tpu.memory_space<vmem>>, vector<16xi32>,
    %sub3A_188 = arith.constant 256 : i32
    %sub3A_189 = vector.broadcast %sub3A_188 : i32 to vector<16xi32>
    %sub3A_190 = arith.subi %get3A_187, %sub3A_189 : vector<16xi32>
    %ge3A_191 = arith.constant 256 : i32
    %ge3A_192 = vector.broadcast %ge3A_191 : i32 to vector<16xi32>
    %ge3A_193 = arith.cmpi sge, %get3A_187, %ge3A_192 : vector<16xi32>
    %lt3A_194 = arith.constant 504 : i32
    %lt3A_195 = vector.broadcast %lt3A_194 : i32 to vector<16xi32>
    %lt3A_196 = arith.cmpi slt, %get3A_187, %lt3A_195 : vector<16xi32>
    %and3A_197 = arith.andi %ge3A_193, %lt3A_196 : vector<16xi1>
    %add3A_198 = arith.constant 64 : i32
    %add3A_199 = vector.broadcast %add3A_198 : i32 to vector<16xi32>
    %add3A_200 = arith.addi %iota3A, %add3A_199 : vector<16xi32>
    tpu.vector_store_idx %arg8[%sub3A_190, %add3A_200], %broadcast_in_dim3A_3 masked %and3A_197 : memref<248x128xf32, #tpu.memory_space<vmem>>[vector<16xi32>, vector<16xi32>], vector<16xf32>, vector<16xi1>
    %get3A_201 = arith.constant 80 : index
    %get3A_202 = tpu.vector_load %arg6[%get3A_201] {strides = array<i32>} : memref<512xi32, #tpu.memory_space<vmem>>, vector<16xi32>,
    %sub3A_203 = arith.constant 256 : i32
    %sub3A_204 = vector.broadcast %sub3A_203 : i32 to vector<16xi32>
    %sub3A_205 = arith.subi %get3A_202, %sub3A_204 : vector<16xi32>
    %ge3A_206 = arith.constant 256 : i32
    %ge3A_207 = vector.broadcast %ge3A_206 : i32 to vector<16xi32>
    %ge3A_208 = arith.cmpi sge, %get3A_202, %ge3A_207 : vector<16xi32>
    %lt3A_209 = arith.constant 504 : i32
    %lt3A_210 = vector.broadcast %lt3A_209 : i32 to vector<16xi32>
    %lt3A_211 = arith.cmpi slt, %get3A_202, %lt3A_210 : vector<16xi32>
    %and3A_212 = arith.andi %ge3A_208, %lt3A_211 : vector<16xi1>
    %add3A_213 = arith.constant 80 : i32
    %add3A_214 = vector.broadcast %add3A_213 : i32 to vector<16xi32>
    %add3A_215 = arith.addi %iota3A, %add3A_214 : vector<16xi32>
    tpu.vector_store_idx %arg8[%sub3A_205, %add3A_215], %broadcast_in_dim3A_3 masked %and3A_212 : memref<248x128xf32, #tpu.memory_space<vmem>>[vector<16xi32>, vector<16xi32>], vector<16xf32>, vector<16xi1>
    %get3A_216 = arith.constant 96 : index
    %get3A_217 = tpu.vector_load %arg6[%get3A_216] {strides = array<i32>} : memref<512xi32, #tpu.memory_space<vmem>>, vector<16xi32>,
    %sub3A_218 = arith.constant 256 : i32
    %sub3A_219 = vector.broadcast %sub3A_218 : i32 to vector<16xi32>
    %sub3A_220 = arith.subi %get3A_217, %sub3A_219 : vector<16xi32>
    %ge3A_221 = arith.constant 256 : i32
    %ge3A_222 = vector.broadcast %ge3A_221 : i32 to vector<16xi32>
    %ge3A_223 = arith.cmpi sge, %get3A_217, %ge3A_222 : vector<16xi32>
    %lt3A_224 = arith.constant 504 : i32
    %lt3A_225 = vector.broadcast %lt3A_224 : i32 to vector<16xi32>
    %lt3A_226 = arith.cmpi slt, %get3A_217, %lt3A_225 : vector<16xi32>
    %and3A_227 = arith.andi %ge3A_223, %lt3A_226 : vector<16xi1>
    %add3A_228 = arith.constant 96 : i32
    %add3A_229 = vector.broadcast %add3A_228 : i32 to vector<16xi32>
    %add3A_230 = arith.addi %iota3A, %add3A_229 : vector<16xi32>
    tpu.vector_store_idx %arg8[%sub3A_220, %add3A_230], %broadcast_in_dim3A_3 masked %and3A_227 : memref<248x128xf32, #tpu.memory_space<vmem>>[vector<16xi32>, vector<16xi32>], vector<16xf32>, vector<16xi1>
    %get3A_231 = arith.constant 112 : index
    %get3A_232 = tpu.vector_load %arg6[%get3A_231] {strides = array<i32>} : memref<512xi32, #tpu.memory_space<vmem>>, vector<16xi32>,
    %sub3A_233 = arith.constant 256 : i32
    %sub3A_234 = vector.broadcast %sub3A_233 : i32 to vector<16xi32>
    %sub3A_235 = arith.subi %get3A_232, %sub3A_234 : vector<16xi32>
    %ge3A_236 = arith.constant 256 : i32
    %ge3A_237 = vector.broadcast %ge3A_236 : i32 to vector<16xi32>
    %ge3A_238 = arith.cmpi sge, %get3A_232, %ge3A_237 : vector<16xi32>
    %lt3A_239 = arith.constant 504 : i32
    %lt3A_240 = vector.broadcast %lt3A_239 : i32 to vector<16xi32>
    %lt3A_241 = arith.cmpi slt, %get3A_232, %lt3A_240 : vector<16xi32>
    %and3A_242 = arith.andi %ge3A_238, %lt3A_241 : vector<16xi1>
    %add3A_243 = arith.constant 112 : i32
    %add3A_244 = vector.broadcast %add3A_243 : i32 to vector<16xi32>
    %add3A_245 = arith.addi %iota3A, %add3A_244 : vector<16xi32>
    tpu.vector_store_idx %arg8[%sub3A_235, %add3A_245], %broadcast_in_dim3A_3 masked %and3A_242 : memref<248x128xf32, #tpu.memory_space<vmem>>[vector<16xi32>, vector<16xi32>], vector<16xf32>, vector<16xi1>
    %add3A_246 = arith.constant 0 : i32
    %add3A_247 = arith.addi %mul3A_2, %add3A_246 : i32
    %dma_start3A_248 = arith.constant 256 : i32
    %dma_start3A_249 = tpu.memref_slice %arg5[%dma_start3A_248, %add3A_247] : memref<1000x16384xf32, #tpu.memory_space<hbm>> -> memref<248x128xf32, #tpu.memory_space<hbm>>
    %dma_start3A_250 = arith.constant 256 : i32
    %dma_start3A_251 = tpu.memref_slice %arg5[%dma_start3A_250, %add3A_247] : memref<1000x16384xf32, #tpu.memory_space<hbm>> -> memref<248x128xf32, #tpu.memory_space<hbm>>
    tpu.enqueue_dma source(%arg8 : memref<248x128xf32, #tpu.memory_space<vmem>>) target(%dma_start3A_251 : memref<248x128xf32, #tpu.memory_space<hbm>>) target_semaphore(%arg10 : memref<!tpu.dma_semaphore, #tpu.memory_space<semaphore_mem>>)
    %dma_wait3A = arith.constant 0 : i32
    %dma_wait3A_252 = tpu.memref_slice %arg5[%dma_wait3A, %add3A_122] : memref<1000x16384xf32, #tpu.memory_space<hbm>> -> memref<256x128xf32, #tpu.memory_space<hbm>>
    %dma_wait3A_253 = arith.constant 0 : i32
    %dma_wait3A_254 = tpu.memref_slice %arg5[%dma_wait3A_253, %add3A_122] : memref<1000x16384xf32, #tpu.memory_space<hbm>> -> memref<256x128xf32, #tpu.memory_space<hbm>>
    tpu.wait_dma2 semaphore(%arg9 : memref<!tpu.dma_semaphore, #tpu.memory_space<semaphore_mem>>) src(%arg7 : memref<256x128xf32, #tpu.memory_space<vmem>>) dst(%dma_wait3A_254 : memref<256x128xf32, #tpu.memory_space<hbm>>)
    %get3A_255 = arith.constant 0 : index
    %get3A_256 = tpu.vector_load %arg6[%get3A_255] {strides = array<i32>} : memref<512xi32, #tpu.memory_space<vmem>>, vector<16xi32>,
    %sub3A_257 = arith.constant 0 : i32
    %sub3A_258 = vector.broadcast %sub3A_257 : i32 to vector<16xi32>
    %sub3A_259 = arith.subi %get3A_256, %sub3A_258 : vector<16xi32>
    %ge3A_260 = arith.constant 0 : i32
    %ge3A_261 = vector.broadcast %ge3A_260 : i32 to vector<16xi32>
    %ge3A_262 = arith.cmpi sge, %get3A_256, %ge3A_261 : vector<16xi32>
    %lt3A_263 = arith.constant 256 : i32
    %lt3A_264 = vector.broadcast %lt3A_263 : i32 to vector<16xi32>
    %lt3A_265 = arith.cmpi slt, %get3A_256, %lt3A_264 : vector<16xi32>
    %and3A_266 = arith.andi %ge3A_262, %lt3A_265 : vector<16xi1>
    %add3A_267 = arith.constant 0 : i32
    %add3A_268 = vector.broadcast %add3A_267 : i32 to vector<16xi32>
    %add3A_269 = arith.addi %iota3A, %add3A_268 : vector<16xi32>
    tpu.vector_store_idx %arg7[%sub3A_259, %add3A_269], %broadcast_in_dim3A_5 masked %and3A_266 : memref<256x128xf32, #tpu.memory_space<vmem>>[vector<16xi32>, vector<16xi32>], vector<16xf32>, vector<16xi1>
    %get3A_270 = arith.constant 16 : index
    %get3A_271 = tpu.vector_load %arg6[%get3A_270] {strides = array<i32>} : memref<512xi32, #tpu.memory_space<vmem>>, vector<16xi32>,
    %sub3A_272 = arith.constant 0 : i32
    %sub3A_273 = vector.broadcast %sub3A_272 : i32 to vector<16xi32>
    %sub3A_274 = arith.subi %get3A_271, %sub3A_273 : vector<16xi32>
    %ge3A_275 = arith.constant 0 : i32
    %ge3A_276 = vector.broadcast %ge3A_275 : i32 to vector<16xi32>
    %ge3A_277 = arith.cmpi sge, %get3A_271, %ge3A_276 : vector<16xi32>
    %lt3A_278 = arith.constant 256 : i32
    %lt3A_279 = vector.broadcast %lt3A_278 : i32 to vector<16xi32>
    %lt3A_280 = arith.cmpi slt, %get3A_271, %lt3A_279 : vector<16xi32>
    %and3A_281 = arith.andi %ge3A_277, %lt3A_280 : vector<16xi1>
    %add3A_282 = arith.constant 16 : i32
    %add3A_283 = vector.broadcast %add3A_282 : i32 to vector<16xi32>
    %add3A_284 = arith.addi %iota3A, %add3A_283 : vector<16xi32>
    tpu.vector_store_idx %arg7[%sub3A_274, %add3A_284], %broadcast_in_dim3A_5 masked %and3A_281 : memref<256x128xf32, #tpu.memory_space<vmem>>[vector<16xi32>, vector<16xi32>], vector<16xf32>, vector<16xi1>
    %get3A_285 = arith.constant 32 : index
    %get3A_286 = tpu.vector_load %arg6[%get3A_285] {strides = array<i32>} : memref<512xi32, #tpu.memory_space<vmem>>, vector<16xi32>,
    %sub3A_287 = arith.constant 0 : i32
    %sub3A_288 = vector.broadcast %sub3A_287 : i32 to vector<16xi32>
    %sub3A_289 = arith.subi %get3A_286, %sub3A_288 : vector<16xi32>
    %ge3A_290 = arith.constant 0 : i32
    %ge3A_291 = vector.broadcast %ge3A_290 : i32 to vector<16xi32>
    %ge3A_292 = arith.cmpi sge, %get3A_286, %ge3A_291 : vector<16xi32>
    %lt3A_293 = arith.constant 256 : i32
    %lt3A_294 = vector.broadcast %lt3A_293 : i32 to vector<16xi32>
    %lt3A_295 = arith.cmpi slt, %get3A_286, %lt3A_294 : vector<16xi32>
    %and3A_296 = arith.andi %ge3A_292, %lt3A_295 : vector<16xi1>
    %add3A_297 = arith.constant 32 : i32
    %add3A_298 = vector.broadcast %add3A_297 : i32 to vector<16xi32>
    %add3A_299 = arith.addi %iota3A, %add3A_298 : vector<16xi32>
    tpu.vector_store_idx %arg7[%sub3A_289, %add3A_299], %broadcast_in_dim3A_5 masked %and3A_296 : memref<256x128xf32, #tpu.memory_space<vmem>>[vector<16xi32>, vector<16xi32>], vector<16xf32>, vector<16xi1>
    %get3A_300 = arith.constant 48 : index
    %get3A_301 = tpu.vector_load %arg6[%get3A_300] {strides = array<i32>} : memref<512xi32, #tpu.memory_space<vmem>>, vector<16xi32>,
    %sub3A_302 = arith.constant 0 : i32
    %sub3A_303 = vector.broadcast %sub3A_302 : i32 to vector<16xi32>
    %sub3A_304 = arith.subi %get3A_301, %sub3A_303 : vector<16xi32>
    %ge3A_305 = arith.constant 0 : i32
    %ge3A_306 = vector.broadcast %ge3A_305 : i32 to vector<16xi32>
    %ge3A_307 = arith.cmpi sge, %get3A_301, %ge3A_306 : vector<16xi32>
    %lt3A_308 = arith.constant 256 : i32
    %lt3A_309 = vector.broadcast %lt3A_308 : i32 to vector<16xi32>
    %lt3A_310 = arith.cmpi slt, %get3A_301, %lt3A_309 : vector<16xi32>
    %and3A_311 = arith.andi %ge3A_307, %lt3A_310 : vector<16xi1>
    %add3A_312 = arith.constant 48 : i32
    %add3A_313 = vector.broadcast %add3A_312 : i32 to vector<16xi32>
    %add3A_314 = arith.addi %iota3A, %add3A_313 : vector<16xi32>
    tpu.vector_store_idx %arg7[%sub3A_304, %add3A_314], %broadcast_in_dim3A_5 masked %and3A_311 : memref<256x128xf32, #tpu.memory_space<vmem>>[vector<16xi32>, vector<16xi32>], vector<16xf32>, vector<16xi1>
    %get3A_315 = arith.constant 64 : index
    %get3A_316 = tpu.vector_load %arg6[%get3A_315] {strides = array<i32>} : memref<512xi32, #tpu.memory_space<vmem>>, vector<16xi32>,
    %sub3A_317 = arith.constant 0 : i32
    %sub3A_318 = vector.broadcast %sub3A_317 : i32 to vector<16xi32>
    %sub3A_319 = arith.subi %get3A_316, %sub3A_318 : vector<16xi32>
    %ge3A_320 = arith.constant 0 : i32
    %ge3A_321 = vector.broadcast %ge3A_320 : i32 to vector<16xi32>
    %ge3A_322 = arith.cmpi sge, %get3A_316, %ge3A_321 : vector<16xi32>
    %lt3A_323 = arith.constant 256 : i32
    %lt3A_324 = vector.broadcast %lt3A_323 : i32 to vector<16xi32>
    %lt3A_325 = arith.cmpi slt, %get3A_316, %lt3A_324 : vector<16xi32>
    %and3A_326 = arith.andi %ge3A_322, %lt3A_325 : vector<16xi1>
    %add3A_327 = arith.constant 64 : i32
    %add3A_328 = vector.broadcast %add3A_327 : i32 to vector<16xi32>
    %add3A_329 = arith.addi %iota3A, %add3A_328 : vector<16xi32>
    tpu.vector_store_idx %arg7[%sub3A_319, %add3A_329], %broadcast_in_dim3A_5 masked %and3A_326 : memref<256x128xf32, #tpu.memory_space<vmem>>[vector<16xi32>, vector<16xi32>], vector<16xf32>, vector<16xi1>
    %get3A_330 = arith.constant 80 : index
    %get3A_331 = tpu.vector_load %arg6[%get3A_330] {strides = array<i32>} : memref<512xi32, #tpu.memory_space<vmem>>, vector<16xi32>,
    %sub3A_332 = arith.constant 0 : i32
    %sub3A_333 = vector.broadcast %sub3A_332 : i32 to vector<16xi32>
    %sub3A_334 = arith.subi %get3A_331, %sub3A_333 : vector<16xi32>
    %ge3A_335 = arith.constant 0 : i32
    %ge3A_336 = vector.broadcast %ge3A_335 : i32 to vector<16xi32>
    %ge3A_337 = arith.cmpi sge, %get3A_331, %ge3A_336 : vector<16xi32>
    %lt3A_338 = arith.constant 256 : i32
    %lt3A_339 = vector.broadcast %lt3A_338 : i32 to vector<16xi32>
    %lt3A_340 = arith.cmpi slt, %get3A_331, %lt3A_339 : vector<16xi32>
    %and3A_341 = arith.andi %ge3A_337, %lt3A_340 : vector<16xi1>
    %add3A_342 = arith.constant 80 : i32
    %add3A_343 = vector.broadcast %add3A_342 : i32 to vector<16xi32>
    %add3A_344 = arith.addi %iota3A, %add3A_343 : vector<16xi32>
    tpu.vector_store_idx %arg7[%sub3A_334, %add3A_344], %broadcast_in_dim3A_5 masked %and3A_341 : memref<256x128xf32, #tpu.memory_space<vmem>>[vector<16xi32>, vector<16xi32>], vector<16xf32>, vector<16xi1>
    %get3A_345 = arith.constant 96 : index
    %get3A_346 = tpu.vector_load %arg6[%get3A_345] {strides = array<i32>} : memref<512xi32, #tpu.memory_space<vmem>>, vector<16xi32>,
    %sub3A_347 = arith.constant 0 : i32
    %sub3A_348 = vector.broadcast %sub3A_347 : i32 to vector<16xi32>
    %sub3A_349 = arith.subi %get3A_346, %sub3A_348 : vector<16xi32>
    %ge3A_350 = arith.constant 0 : i32
    %ge3A_351 = vector.broadcast %ge3A_350 : i32 to vector<16xi32>
    %ge3A_352 = arith.cmpi sge, %get3A_346, %ge3A_351 : vector<16xi32>
    %lt3A_353 = arith.constant 256 : i32
    %lt3A_354 = vector.broadcast %lt3A_353 : i32 to vector<16xi32>
    %lt3A_355 = arith.cmpi slt, %get3A_346, %lt3A_354 : vector<16xi32>
    %and3A_356 = arith.andi %ge3A_352, %lt3A_355 : vector<16xi1>
    %add3A_357 = arith.constant 96 : i32
    %add3A_358 = vector.broadcast %add3A_357 : i32 to vector<16xi32>
    %add3A_359 = arith.addi %iota3A, %add3A_358 : vector<16xi32>
    tpu.vector_store_idx %arg7[%sub3A_349, %add3A_359], %broadcast_in_dim3A_5 masked %and3A_356 : memref<256x128xf32, #tpu.memory_space<vmem>>[vector<16xi32>, vector<16xi32>], vector<16xf32>, vector<16xi1>
    %get3A_360 = arith.constant 112 : index
    %get3A_361 = tpu.vector_load %arg6[%get3A_360] {strides = array<i32>} : memref<512xi32, #tpu.memory_space<vmem>>, vector<16xi32>,
    %sub3A_362 = arith.constant 0 : i32
    %sub3A_363 = vector.broadcast %sub3A_362 : i32 to vector<16xi32>
    %sub3A_364 = arith.subi %get3A_361, %sub3A_363 : vector<16xi32>
    %ge3A_365 = arith.constant 0 : i32
    %ge3A_366 = vector.broadcast %ge3A_365 : i32 to vector<16xi32>
    %ge3A_367 = arith.cmpi sge, %get3A_361, %ge3A_366 : vector<16xi32>
    %lt3A_368 = arith.constant 256 : i32
    %lt3A_369 = vector.broadcast %lt3A_368 : i32 to vector<16xi32>
    %lt3A_370 = arith.cmpi slt, %get3A_361, %lt3A_369 : vector<16xi32>
    %and3A_371 = arith.andi %ge3A_367, %lt3A_370 : vector<16xi1>
    %add3A_372 = arith.constant 112 : i32
    %add3A_373 = vector.broadcast %add3A_372 : i32 to vector<16xi32>
    %add3A_374 = arith.addi %iota3A, %add3A_373 : vector<16xi32>
    tpu.vector_store_idx %arg7[%sub3A_364, %add3A_374], %broadcast_in_dim3A_5 masked %and3A_371 : memref<256x128xf32, #tpu.memory_space<vmem>>[vector<16xi32>, vector<16xi32>], vector<16xf32>, vector<16xi1>
    %get3A_375 = arith.constant 0 : index
    %get3A_376 = tpu.vector_load %arg6[%get3A_375] {strides = array<i32>} : memref<512xi32, #tpu.memory_space<vmem>>, vector<16xi32>,
    %sub3A_377 = arith.constant 504 : i32
    %sub3A_378 = vector.broadcast %sub3A_377 : i32 to vector<16xi32>
    %sub3A_379 = arith.subi %get3A_376, %sub3A_378 : vector<16xi32>
    %ge3A_380 = arith.constant 504 : i32
    %ge3A_381 = vector.broadcast %ge3A_380 : i32 to vector<16xi32>
    %ge3A_382 = arith.cmpi sge, %get3A_376, %ge3A_381 : vector<16xi32>
    %lt3A_383 = arith.constant 760 : i32
    %lt3A_384 = vector.broadcast %lt3A_383 : i32 to vector<16xi32>
    %lt3A_385 = arith.cmpi slt, %get3A_376, %lt3A_384 : vector<16xi32>
    %and3A_386 = arith.andi %ge3A_382, %lt3A_385 : vector<16xi1>
    %add3A_387 = arith.constant 0 : i32
    %add3A_388 = vector.broadcast %add3A_387 : i32 to vector<16xi32>
    %add3A_389 = arith.addi %iota3A, %add3A_388 : vector<16xi32>
    tpu.vector_store_idx %arg7[%sub3A_379, %add3A_389], %broadcast_in_dim3A_3 masked %and3A_386 : memref<256x128xf32, #tpu.memory_space<vmem>>[vector<16xi32>, vector<16xi32>], vector<16xf32>, vector<16xi1>
    %get3A_390 = arith.constant 16 : index
    %get3A_391 = tpu.vector_load %arg6[%get3A_390] {strides = array<i32>} : memref<512xi32, #tpu.memory_space<vmem>>, vector<16xi32>,
    %sub3A_392 = arith.constant 504 : i32
    %sub3A_393 = vector.broadcast %sub3A_392 : i32 to vector<16xi32>
    %sub3A_394 = arith.subi %get3A_391, %sub3A_393 : vector<16xi32>
    %ge3A_395 = arith.constant 504 : i32
    %ge3A_396 = vector.broadcast %ge3A_395 : i32 to vector<16xi32>
    %ge3A_397 = arith.cmpi sge, %get3A_391, %ge3A_396 : vector<16xi32>
    %lt3A_398 = arith.constant 760 : i32
    %lt3A_399 = vector.broadcast %lt3A_398 : i32 to vector<16xi32>
    %lt3A_400 = arith.cmpi slt, %get3A_391, %lt3A_399 : vector<16xi32>
    %and3A_401 = arith.andi %ge3A_397, %lt3A_400 : vector<16xi1>
    %add3A_402 = arith.constant 16 : i32
    %add3A_403 = vector.broadcast %add3A_402 : i32 to vector<16xi32>
    %add3A_404 = arith.addi %iota3A, %add3A_403 : vector<16xi32>
    tpu.vector_store_idx %arg7[%sub3A_394, %add3A_404], %broadcast_in_dim3A_3 masked %and3A_401 : memref<256x128xf32, #tpu.memory_space<vmem>>[vector<16xi32>, vector<16xi32>], vector<16xf32>, vector<16xi1>
    %get3A_405 = arith.constant 32 : index
    %get3A_406 = tpu.vector_load %arg6[%get3A_405] {strides = array<i32>} : memref<512xi32, #tpu.memory_space<vmem>>, vector<16xi32>,
    %sub3A_407 = arith.constant 504 : i32
    %sub3A_408 = vector.broadcast %sub3A_407 : i32 to vector<16xi32>
    %sub3A_409 = arith.subi %get3A_406, %sub3A_408 : vector<16xi32>
    %ge3A_410 = arith.constant 504 : i32
    %ge3A_411 = vector.broadcast %ge3A_410 : i32 to vector<16xi32>
    %ge3A_412 = arith.cmpi sge, %get3A_406, %ge3A_411 : vector<16xi32>
    %lt3A_413 = arith.constant 760 : i32
    %lt3A_414 = vector.broadcast %lt3A_413 : i32 to vector<16xi32>
    %lt3A_415 = arith.cmpi slt, %get3A_406, %lt3A_414 : vector<16xi32>
    %and3A_416 = arith.andi %ge3A_412, %lt3A_415 : vector<16xi1>
    %add3A_417 = arith.constant 32 : i32
    %add3A_418 = vector.broadcast %add3A_417 : i32 to vector<16xi32>
    %add3A_419 = arith.addi %iota3A, %add3A_418 : vector<16xi32>
    tpu.vector_store_idx %arg7[%sub3A_409, %add3A_419], %broadcast_in_dim3A_3 masked %and3A_416 : memref<256x128xf32, #tpu.memory_space<vmem>>[vector<16xi32>, vector<16xi32>], vector<16xf32>, vector<16xi1>
    %get3A_420 = arith.constant 48 : index
    %get3A_421 = tpu.vector_load %arg6[%get3A_420] {strides = array<i32>} : memref<512xi32, #tpu.memory_space<vmem>>, vector<16xi32>,
    %sub3A_422 = arith.constant 504 : i32
    %sub3A_423 = vector.broadcast %sub3A_422 : i32 to vector<16xi32>
    %sub3A_424 = arith.subi %get3A_421, %sub3A_423 : vector<16xi32>
    %ge3A_425 = arith.constant 504 : i32
    %ge3A_426 = vector.broadcast %ge3A_425 : i32 to vector<16xi32>
    %ge3A_427 = arith.cmpi sge, %get3A_421, %ge3A_426 : vector<16xi32>
    %lt3A_428 = arith.constant 760 : i32
    %lt3A_429 = vector.broadcast %lt3A_428 : i32 to vector<16xi32>
    %lt3A_430 = arith.cmpi slt, %get3A_421, %lt3A_429 : vector<16xi32>
    %and3A_431 = arith.andi %ge3A_427, %lt3A_430 : vector<16xi1>
    %add3A_432 = arith.constant 48 : i32
    %add3A_433 = vector.broadcast %add3A_432 : i32 to vector<16xi32>
    %add3A_434 = arith.addi %iota3A, %add3A_433 : vector<16xi32>
    tpu.vector_store_idx %arg7[%sub3A_424, %add3A_434], %broadcast_in_dim3A_3 masked %and3A_431 : memref<256x128xf32, #tpu.memory_space<vmem>>[vector<16xi32>, vector<16xi32>], vector<16xf32>, vector<16xi1>
    %get3A_435 = arith.constant 64 : index
    %get3A_436 = tpu.vector_load %arg6[%get3A_435] {strides = array<i32>} : memref<512xi32, #tpu.memory_space<vmem>>, vector<16xi32>,
    %sub3A_437 = arith.constant 504 : i32
    %sub3A_438 = vector.broadcast %sub3A_437 : i32 to vector<16xi32>
    %sub3A_439 = arith.subi %get3A_436, %sub3A_438 : vector<16xi32>
    %ge3A_440 = arith.constant 504 : i32
    %ge3A_441 = vector.broadcast %ge3A_440 : i32 to vector<16xi32>
    %ge3A_442 = arith.cmpi sge, %get3A_436, %ge3A_441 : vector<16xi32>
    %lt3A_443 = arith.constant 760 : i32
    %lt3A_444 = vector.broadcast %lt3A_443 : i32 to vector<16xi32>
    %lt3A_445 = arith.cmpi slt, %get3A_436, %lt3A_444 : vector<16xi32>
    %and3A_446 = arith.andi %ge3A_442, %lt3A_445 : vector<16xi1>
    %add3A_447 = arith.constant 64 : i32
    %add3A_448 = vector.broadcast %add3A_447 : i32 to vector<16xi32>
    %add3A_449 = arith.addi %iota3A, %add3A_448 : vector<16xi32>
    tpu.vector_store_idx %arg7[%sub3A_439, %add3A_449], %broadcast_in_dim3A_3 masked %and3A_446 : memref<256x128xf32, #tpu.memory_space<vmem>>[vector<16xi32>, vector<16xi32>], vector<16xf32>, vector<16xi1>
    %get3A_450 = arith.constant 80 : index
    %get3A_451 = tpu.vector_load %arg6[%get3A_450] {strides = array<i32>} : memref<512xi32, #tpu.memory_space<vmem>>, vector<16xi32>,
    %sub3A_452 = arith.constant 504 : i32
    %sub3A_453 = vector.broadcast %sub3A_452 : i32 to vector<16xi32>
    %sub3A_454 = arith.subi %get3A_451, %sub3A_453 : vector<16xi32>
    %ge3A_455 = arith.constant 504 : i32
    %ge3A_456 = vector.broadcast %ge3A_455 : i32 to vector<16xi32>
    %ge3A_457 = arith.cmpi sge, %get3A_451, %ge3A_456 : vector<16xi32>
    %lt3A_458 = arith.constant 760 : i32
    %lt3A_459 = vector.broadcast %lt3A_458 : i32 to vector<16xi32>
    %lt3A_460 = arith.cmpi slt, %get3A_451, %lt3A_459 : vector<16xi32>
    %and3A_461 = arith.andi %ge3A_457, %lt3A_460 : vector<16xi1>
    %add3A_462 = arith.constant 80 : i32
    %add3A_463 = vector.broadcast %add3A_462 : i32 to vector<16xi32>
    %add3A_464 = arith.addi %iota3A, %add3A_463 : vector<16xi32>
    tpu.vector_store_idx %arg7[%sub3A_454, %add3A_464], %broadcast_in_dim3A_3 masked %and3A_461 : memref<256x128xf32, #tpu.memory_space<vmem>>[vector<16xi32>, vector<16xi32>], vector<16xf32>, vector<16xi1>
    %get3A_465 = arith.constant 96 : index
    %get3A_466 = tpu.vector_load %arg6[%get3A_465] {strides = array<i32>} : memref<512xi32, #tpu.memory_space<vmem>>, vector<16xi32>,
    %sub3A_467 = arith.constant 504 : i32
    %sub3A_468 = vector.broadcast %sub3A_467 : i32 to vector<16xi32>
    %sub3A_469 = arith.subi %get3A_466, %sub3A_468 : vector<16xi32>
    %ge3A_470 = arith.constant 504 : i32
    %ge3A_471 = vector.broadcast %ge3A_470 : i32 to vector<16xi32>
    %ge3A_472 = arith.cmpi sge, %get3A_466, %ge3A_471 : vector<16xi32>
    %lt3A_473 = arith.constant 760 : i32
    %lt3A_474 = vector.broadcast %lt3A_473 : i32 to vector<16xi32>
    %lt3A_475 = arith.cmpi slt, %get3A_466, %lt3A_474 : vector<16xi32>
    %and3A_476 = arith.andi %ge3A_472, %lt3A_475 : vector<16xi1>
    %add3A_477 = arith.constant 96 : i32
    %add3A_478 = vector.broadcast %add3A_477 : i32 to vector<16xi32>
    %add3A_479 = arith.addi %iota3A, %add3A_478 : vector<16xi32>
    tpu.vector_store_idx %arg7[%sub3A_469, %add3A_479], %broadcast_in_dim3A_3 masked %and3A_476 : memref<256x128xf32, #tpu.memory_space<vmem>>[vector<16xi32>, vector<16xi32>], vector<16xf32>, vector<16xi1>
    %get3A_480 = arith.constant 112 : index
    %get3A_481 = tpu.vector_load %arg6[%get3A_480] {strides = array<i32>} : memref<512xi32, #tpu.memory_space<vmem>>, vector<16xi32>,
    %sub3A_482 = arith.constant 504 : i32
    %sub3A_483 = vector.broadcast %sub3A_482 : i32 to vector<16xi32>
    %sub3A_484 = arith.subi %get3A_481, %sub3A_483 : vector<16xi32>
    %ge3A_485 = arith.constant 504 : i32
    %ge3A_486 = vector.broadcast %ge3A_485 : i32 to vector<16xi32>
    %ge3A_487 = arith.cmpi sge, %get3A_481, %ge3A_486 : vector<16xi32>
    %lt3A_488 = arith.constant 760 : i32
    %lt3A_489 = vector.broadcast %lt3A_488 : i32 to vector<16xi32>
    %lt3A_490 = arith.cmpi slt, %get3A_481, %lt3A_489 : vector<16xi32>
    %and3A_491 = arith.andi %ge3A_487, %lt3A_490 : vector<16xi1>
    %add3A_492 = arith.constant 112 : i32
    %add3A_493 = vector.broadcast %add3A_492 : i32 to vector<16xi32>
    %add3A_494 = arith.addi %iota3A, %add3A_493 : vector<16xi32>
    tpu.vector_store_idx %arg7[%sub3A_484, %add3A_494], %broadcast_in_dim3A_3 masked %and3A_491 : memref<256x128xf32, #tpu.memory_space<vmem>>[vector<16xi32>, vector<16xi32>], vector<16xf32>, vector<16xi1>
    %add3A_495 = arith.constant 0 : i32
    %add3A_496 = arith.addi %mul3A_2, %add3A_495 : i32
    %dma_start3A_497 = arith.constant 504 : i32
    %dma_start3A_498 = tpu.memref_slice %arg5[%dma_start3A_497, %add3A_496] : memref<1000x16384xf32, #tpu.memory_space<hbm>> -> memref<256x128xf32, #tpu.memory_space<hbm>>
    %dma_start3A_499 = arith.constant 504 : i32
    %dma_start3A_500 = tpu.memref_slice %arg5[%dma_start3A_499, %add3A_496] : memref<1000x16384xf32, #tpu.memory_space<hbm>> -> memref<256x128xf32, #tpu.memory_space<hbm>>
    tpu.enqueue_dma source(%arg7 : memref<256x128xf32, #tpu.memory_space<vmem>>) target(%dma_start3A_500 : memref<256x128xf32, #tpu.memory_space<hbm>>) target_semaphore(%arg9 : memref<!tpu.dma_semaphore, #tpu.memory_space<semaphore_mem>>)
    %dma_wait3A_501 = arith.constant 256 : i32
    %dma_wait3A_502 = tpu.memref_slice %arg5[%dma_wait3A_501, %add3A_247] : memref<1000x16384xf32, #tpu.memory_space<hbm>> -> memref<248x128xf32, #tpu.memory_space<hbm>>
    %dma_wait3A_503 = arith.constant 256 : i32
    %dma_wait3A_504 = tpu.memref_slice %arg5[%dma_wait3A_503, %add3A_247] : memref<1000x16384xf32, #tpu.memory_space<hbm>> -> memref<248x128xf32, #tpu.memory_space<hbm>>
    tpu.wait_dma2 semaphore(%arg10 : memref<!tpu.dma_semaphore, #tpu.memory_space<semaphore_mem>>) src(%arg8 : memref<248x128xf32, #tpu.memory_space<vmem>>) dst(%dma_wait3A_504 : memref<248x128xf32, #tpu.memory_space<hbm>>)
    %get3A_505 = arith.constant 0 : index
    %get3A_506 = tpu.vector_load %arg6[%get3A_505] {strides = array<i32>} : memref<512xi32, #tpu.memory_space<vmem>>, vector<16xi32>,
    %sub3A_507 = arith.constant 256 : i32
    %sub3A_508 = vector.broadcast %sub3A_507 : i32 to vector<16xi32>
    %sub3A_509 = arith.subi %get3A_506, %sub3A_508 : vector<16xi32>
    %ge3A_510 = arith.constant 256 : i32
    %ge3A_511 = vector.broadcast %ge3A_510 : i32 to vector<16xi32>
    %ge3A_512 = arith.cmpi sge, %get3A_506, %ge3A_511 : vector<16xi32>
    %lt3A_513 = arith.constant 504 : i32
    %lt3A_514 = vector.broadcast %lt3A_513 : i32 to vector<16xi32>
    %lt3A_515 = arith.cmpi slt, %get3A_506, %lt3A_514 : vector<16xi32>
    %and3A_516 = arith.andi %ge3A_512, %lt3A_515 : vector<16xi1>
    %add3A_517 = arith.constant 0 : i32
    %add3A_518 = vector.broadcast %add3A_517 : i32 to vector<16xi32>
    %add3A_519 = arith.addi %iota3A, %add3A_518 : vector<16xi32>
    tpu.vector_store_idx %arg8[%sub3A_509, %add3A_519], %broadcast_in_dim3A_5 masked %and3A_516 : memref<248x128xf32, #tpu.memory_space<vmem>>[vector<16xi32>, vector<16xi32>], vector<16xf32>, vector<16xi1>
    %get3A_520 = arith.constant 16 : index
    %get3A_521 = tpu.vector_load %arg6[%get3A_520] {strides = array<i32>} : memref<512xi32, #tpu.memory_space<vmem>>, vector<16xi32>,
    %sub3A_522 = arith.constant 256 : i32
    %sub3A_523 = vector.broadcast %sub3A_522 : i32 to vector<16xi32>
    %sub3A_524 = arith.subi %get3A_521, %sub3A_523 : vector<16xi32>
    %ge3A_525 = arith.constant 256 : i32
    %ge3A_526 = vector.broadcast %ge3A_525 : i32 to vector<16xi32>
    %ge3A_527 = arith.cmpi sge, %get3A_521, %ge3A_526 : vector<16xi32>
    %lt3A_528 = arith.constant 504 : i32
    %lt3A_529 = vector.broadcast %lt3A_528 : i32 to vector<16xi32>
    %lt3A_530 = arith.cmpi slt, %get3A_521, %lt3A_529 : vector<16xi32>
    %and3A_531 = arith.andi %ge3A_527, %lt3A_530 : vector<16xi1>
    %add3A_532 = arith.constant 16 : i32
    %add3A_533 = vector.broadcast %add3A_532 : i32 to vector<16xi32>
    %add3A_534 = arith.addi %iota3A, %add3A_533 : vector<16xi32>
    tpu.vector_store_idx %arg8[%sub3A_524, %add3A_534], %broadcast_in_dim3A_5 masked %and3A_531 : memref<248x128xf32, #tpu.memory_space<vmem>>[vector<16xi32>, vector<16xi32>], vector<16xf32>, vector<16xi1>
    %get3A_535 = arith.constant 32 : index
    %get3A_536 = tpu.vector_load %arg6[%get3A_535] {strides = array<i32>} : memref<512xi32, #tpu.memory_space<vmem>>, vector<16xi32>,
    %sub3A_537 = arith.constant 256 : i32
    %sub3A_538 = vector.broadcast %sub3A_537 : i32 to vector<16xi32>
    %sub3A_539 = arith.subi %get3A_536, %sub3A_538 : vector<16xi32>
    %ge3A_540 = arith.constant 256 : i32
    %ge3A_541 = vector.broadcast %ge3A_540 : i32 to vector<16xi32>
    %ge3A_542 = arith.cmpi sge, %get3A_536, %ge3A_541 : vector<16xi32>
    %lt3A_543 = arith.constant 504 : i32
    %lt3A_544 = vector.broadcast %lt3A_543 : i32 to vector<16xi32>
    %lt3A_545 = arith.cmpi slt, %get3A_536, %lt3A_544 : vector<16xi32>
    %and3A_546 = arith.andi %ge3A_542, %lt3A_545 : vector<16xi1>
    %add3A_547 = arith.constant 32 : i32
    %add3A_548 = vector.broadcast %add3A_547 : i32 to vector<16xi32>
    %add3A_549 = arith.addi %iota3A, %add3A_548 : vector<16xi32>
    tpu.vector_store_idx %arg8[%sub3A_539, %add3A_549], %broadcast_in_dim3A_5 masked %and3A_546 : memref<248x128xf32, #tpu.memory_space<vmem>>[vector<16xi32>, vector<16xi32>], vector<16xf32>, vector<16xi1>
    %get3A_550 = arith.constant 48 : index
    %get3A_551 = tpu.vector_load %arg6[%get3A_550] {strides = array<i32>} : memref<512xi32, #tpu.memory_space<vmem>>, vector<16xi32>,
    %sub3A_552 = arith.constant 256 : i32
    %sub3A_553 = vector.broadcast %sub3A_552 : i32 to vector<16xi32>
    %sub3A_554 = arith.subi %get3A_551, %sub3A_553 : vector<16xi32>
    %ge3A_555 = arith.constant 256 : i32
    %ge3A_556 = vector.broadcast %ge3A_555 : i32 to vector<16xi32>
    %ge3A_557 = arith.cmpi sge, %get3A_551, %ge3A_556 : vector<16xi32>
    %lt3A_558 = arith.constant 504 : i32
    %lt3A_559 = vector.broadcast %lt3A_558 : i32 to vector<16xi32>
    %lt3A_560 = arith.cmpi slt, %get3A_551, %lt3A_559 : vector<16xi32>
    %and3A_561 = arith.andi %ge3A_557, %lt3A_560 : vector<16xi1>
    %add3A_562 = arith.constant 48 : i32
    %add3A_563 = vector.broadcast %add3A_562 : i32 to vector<16xi32>
    %add3A_564 = arith.addi %iota3A, %add3A_563 : vector<16xi32>
    tpu.vector_store_idx %arg8[%sub3A_554, %add3A_564], %broadcast_in_dim3A_5 masked %and3A_561 : memref<248x128xf32, #tpu.memory_space<vmem>>[vector<16xi32>, vector<16xi32>], vector<16xf32>, vector<16xi1>
    %get3A_565 = arith.constant 64 : index
    %get3A_566 = tpu.vector_load %arg6[%get3A_565] {strides = array<i32>} : memref<512xi32, #tpu.memory_space<vmem>>, vector<16xi32>,
    %sub3A_567 = arith.constant 256 : i32
    %sub3A_568 = vector.broadcast %sub3A_567 : i32 to vector<16xi32>
    %sub3A_569 = arith.subi %get3A_566, %sub3A_568 : vector<16xi32>
    %ge3A_570 = arith.constant 256 : i32
    %ge3A_571 = vector.broadcast %ge3A_570 : i32 to vector<16xi32>
    %ge3A_572 = arith.cmpi sge, %get3A_566, %ge3A_571 : vector<16xi32>
    %lt3A_573 = arith.constant 504 : i32
    %lt3A_574 = vector.broadcast %lt3A_573 : i32 to vector<16xi32>
    %lt3A_575 = arith.cmpi slt, %get3A_566, %lt3A_574 : vector<16xi32>
    %and3A_576 = arith.andi %ge3A_572, %lt3A_575 : vector<16xi1>
    %add3A_577 = arith.constant 64 : i32
    %add3A_578 = vector.broadcast %add3A_577 : i32 to vector<16xi32>
    %add3A_579 = arith.addi %iota3A, %add3A_578 : vector<16xi32>
    tpu.vector_store_idx %arg8[%sub3A_569, %add3A_579], %broadcast_in_dim3A_5 masked %and3A_576 : memref<248x128xf32, #tpu.memory_space<vmem>>[vector<16xi32>, vector<16xi32>], vector<16xf32>, vector<16xi1>
    %get3A_580 = arith.constant 80 : index
    %get3A_581 = tpu.vector_load %arg6[%get3A_580] {strides = array<i32>} : memref<512xi32, #tpu.memory_space<vmem>>, vector<16xi32>,
    %sub3A_582 = arith.constant 256 : i32
    %sub3A_583 = vector.broadcast %sub3A_582 : i32 to vector<16xi32>
    %sub3A_584 = arith.subi %get3A_581, %sub3A_583 : vector<16xi32>
    %ge3A_585 = arith.constant 256 : i32
    %ge3A_586 = vector.broadcast %ge3A_585 : i32 to vector<16xi32>
    %ge3A_587 = arith.cmpi sge, %get3A_581, %ge3A_586 : vector<16xi32>
    %lt3A_588 = arith.constant 504 : i32
    %lt3A_589 = vector.broadcast %lt3A_588 : i32 to vector<16xi32>
    %lt3A_590 = arith.cmpi slt, %get3A_581, %lt3A_589 : vector<16xi32>
    %and3A_591 = arith.andi %ge3A_587, %lt3A_590 : vector<16xi1>
    %add3A_592 = arith.constant 80 : i32
    %add3A_593 = vector.broadcast %add3A_592 : i32 to vector<16xi32>
    %add3A_594 = arith.addi %iota3A, %add3A_593 : vector<16xi32>
    tpu.vector_store_idx %arg8[%sub3A_584, %add3A_594], %broadcast_in_dim3A_5 masked %and3A_591 : memref<248x128xf32, #tpu.memory_space<vmem>>[vector<16xi32>, vector<16xi32>], vector<16xf32>, vector<16xi1>
    %get3A_595 = arith.constant 96 : index
    %get3A_596 = tpu.vector_load %arg6[%get3A_595] {strides = array<i32>} : memref<512xi32, #tpu.memory_space<vmem>>, vector<16xi32>,
    %sub3A_597 = arith.constant 256 : i32
    %sub3A_598 = vector.broadcast %sub3A_597 : i32 to vector<16xi32>
    %sub3A_599 = arith.subi %get3A_596, %sub3A_598 : vector<16xi32>
    %ge3A_600 = arith.constant 256 : i32
    %ge3A_601 = vector.broadcast %ge3A_600 : i32 to vector<16xi32>
    %ge3A_602 = arith.cmpi sge, %get3A_596, %ge3A_601 : vector<16xi32>
    %lt3A_603 = arith.constant 504 : i32
    %lt3A_604 = vector.broadcast %lt3A_603 : i32 to vector<16xi32>
    %lt3A_605 = arith.cmpi slt, %get3A_596, %lt3A_604 : vector<16xi32>
    %and3A_606 = arith.andi %ge3A_602, %lt3A_605 : vector<16xi1>
    %add3A_607 = arith.constant 96 : i32
    %add3A_608 = vector.broadcast %add3A_607 : i32 to vector<16xi32>
    %add3A_609 = arith.addi %iota3A, %add3A_608 : vector<16xi32>
    tpu.vector_store_idx %arg8[%sub3A_599, %add3A_609], %broadcast_in_dim3A_5 masked %and3A_606 : memref<248x128xf32, #tpu.memory_space<vmem>>[vector<16xi32>, vector<16xi32>], vector<16xf32>, vector<16xi1>
    %get3A_610 = arith.constant 112 : index
    %get3A_611 = tpu.vector_load %arg6[%get3A_610] {strides = array<i32>} : memref<512xi32, #tpu.memory_space<vmem>>, vector<16xi32>,
    %sub3A_612 = arith.constant 256 : i32
    %sub3A_613 = vector.broadcast %sub3A_612 : i32 to vector<16xi32>
    %sub3A_614 = arith.subi %get3A_611, %sub3A_613 : vector<16xi32>
    %ge3A_615 = arith.constant 256 : i32
    %ge3A_616 = vector.broadcast %ge3A_615 : i32 to vector<16xi32>
    %ge3A_617 = arith.cmpi sge, %get3A_611, %ge3A_616 : vector<16xi32>
    %lt3A_618 = arith.constant 504 : i32
    %lt3A_619 = vector.broadcast %lt3A_618 : i32 to vector<16xi32>
    %lt3A_620 = arith.cmpi slt, %get3A_611, %lt3A_619 : vector<16xi32>
    %and3A_621 = arith.andi %ge3A_617, %lt3A_620 : vector<16xi1>
    %add3A_622 = arith.constant 112 : i32
    %add3A_623 = vector.broadcast %add3A_622 : i32 to vector<16xi32>
    %add3A_624 = arith.addi %iota3A, %add3A_623 : vector<16xi32>
    tpu.vector_store_idx %arg8[%sub3A_614, %add3A_624], %broadcast_in_dim3A_5 masked %and3A_621 : memref<248x128xf32, #tpu.memory_space<vmem>>[vector<16xi32>, vector<16xi32>], vector<16xf32>, vector<16xi1>
    %get3A_625 = arith.constant 0 : index
    %get3A_626 = tpu.vector_load %arg6[%get3A_625] {strides = array<i32>} : memref<512xi32, #tpu.memory_space<vmem>>, vector<16xi32>,
    %sub3A_627 = arith.constant 760 : i32
    %sub3A_628 = vector.broadcast %sub3A_627 : i32 to vector<16xi32>
    %sub3A_629 = arith.subi %get3A_626, %sub3A_628 : vector<16xi32>
    %ge3A_630 = arith.constant 760 : i32
    %ge3A_631 = vector.broadcast %ge3A_630 : i32 to vector<16xi32>
    %ge3A_632 = arith.cmpi sge, %get3A_626, %ge3A_631 : vector<16xi32>
    %lt3A_633 = arith.constant 1000 : i32
    %lt3A_634 = vector.broadcast %lt3A_633 : i32 to vector<16xi32>
    %lt3A_635 = arith.cmpi slt, %get3A_626, %lt3A_634 : vector<16xi32>
    %and3A_636 = arith.andi %ge3A_632, %lt3A_635 : vector<16xi1>
    %add3A_637 = arith.constant 0 : i32
    %add3A_638 = vector.broadcast %add3A_637 : i32 to vector<16xi32>
    %add3A_639 = arith.addi %iota3A, %add3A_638 : vector<16xi32>
    tpu.vector_store_idx %arg8[%sub3A_629, %add3A_639], %broadcast_in_dim3A_3 masked %and3A_636 : memref<248x128xf32, #tpu.memory_space<vmem>>[vector<16xi32>, vector<16xi32>], vector<16xf32>, vector<16xi1>
    %get3A_640 = arith.constant 16 : index
    %get3A_641 = tpu.vector_load %arg6[%get3A_640] {strides = array<i32>} : memref<512xi32, #tpu.memory_space<vmem>>, vector<16xi32>,
    %sub3A_642 = arith.constant 760 : i32
    %sub3A_643 = vector.broadcast %sub3A_642 : i32 to vector<16xi32>
    %sub3A_644 = arith.subi %get3A_641, %sub3A_643 : vector<16xi32>
    %ge3A_645 = arith.constant 760 : i32
    %ge3A_646 = vector.broadcast %ge3A_645 : i32 to vector<16xi32>
    %ge3A_647 = arith.cmpi sge, %get3A_641, %ge3A_646 : vector<16xi32>
    %lt3A_648 = arith.constant 1000 : i32
    %lt3A_649 = vector.broadcast %lt3A_648 : i32 to vector<16xi32>
    %lt3A_650 = arith.cmpi slt, %get3A_641, %lt3A_649 : vector<16xi32>
    %and3A_651 = arith.andi %ge3A_647, %lt3A_650 : vector<16xi1>
    %add3A_652 = arith.constant 16 : i32
    %add3A_653 = vector.broadcast %add3A_652 : i32 to vector<16xi32>
    %add3A_654 = arith.addi %iota3A, %add3A_653 : vector<16xi32>
    tpu.vector_store_idx %arg8[%sub3A_644, %add3A_654], %broadcast_in_dim3A_3 masked %and3A_651 : memref<248x128xf32, #tpu.memory_space<vmem>>[vector<16xi32>, vector<16xi32>], vector<16xf32>, vector<16xi1>
    %get3A_655 = arith.constant 32 : index
    %get3A_656 = tpu.vector_load %arg6[%get3A_655] {strides = array<i32>} : memref<512xi32, #tpu.memory_space<vmem>>, vector<16xi32>,
    %sub3A_657 = arith.constant 760 : i32
    %sub3A_658 = vector.broadcast %sub3A_657 : i32 to vector<16xi32>
    %sub3A_659 = arith.subi %get3A_656, %sub3A_658 : vector<16xi32>
    %ge3A_660 = arith.constant 760 : i32
    %ge3A_661 = vector.broadcast %ge3A_660 : i32 to vector<16xi32>
    %ge3A_662 = arith.cmpi sge, %get3A_656, %ge3A_661 : vector<16xi32>
    %lt3A_663 = arith.constant 1000 : i32
    %lt3A_664 = vector.broadcast %lt3A_663 : i32 to vector<16xi32>
    %lt3A_665 = arith.cmpi slt, %get3A_656, %lt3A_664 : vector<16xi32>
    %and3A_666 = arith.andi %ge3A_662, %lt3A_665 : vector<16xi1>
    %add3A_667 = arith.constant 32 : i32
    %add3A_668 = vector.broadcast %add3A_667 : i32 to vector<16xi32>
    %add3A_669 = arith.addi %iota3A, %add3A_668 : vector<16xi32>
    tpu.vector_store_idx %arg8[%sub3A_659, %add3A_669], %broadcast_in_dim3A_3 masked %and3A_666 : memref<248x128xf32, #tpu.memory_space<vmem>>[vector<16xi32>, vector<16xi32>], vector<16xf32>, vector<16xi1>
    %get3A_670 = arith.constant 48 : index
    %get3A_671 = tpu.vector_load %arg6[%get3A_670] {strides = array<i32>} : memref<512xi32, #tpu.memory_space<vmem>>, vector<16xi32>,
    %sub3A_672 = arith.constant 760 : i32
    %sub3A_673 = vector.broadcast %sub3A_672 : i32 to vector<16xi32>
    %sub3A_674 = arith.subi %get3A_671, %sub3A_673 : vector<16xi32>
    %ge3A_675 = arith.constant 760 : i32
    %ge3A_676 = vector.broadcast %ge3A_675 : i32 to vector<16xi32>
    %ge3A_677 = arith.cmpi sge, %get3A_671, %ge3A_676 : vector<16xi32>
    %lt3A_678 = arith.constant 1000 : i32
    %lt3A_679 = vector.broadcast %lt3A_678 : i32 to vector<16xi32>
    %lt3A_680 = arith.cmpi slt, %get3A_671, %lt3A_679 : vector<16xi32>
    %and3A_681 = arith.andi %ge3A_677, %lt3A_680 : vector<16xi1>
    %add3A_682 = arith.constant 48 : i32
    %add3A_683 = vector.broadcast %add3A_682 : i32 to vector<16xi32>
    %add3A_684 = arith.addi %iota3A, %add3A_683 : vector<16xi32>
    tpu.vector_store_idx %arg8[%sub3A_674, %add3A_684], %broadcast_in_dim3A_3 masked %and3A_681 : memref<248x128xf32, #tpu.memory_space<vmem>>[vector<16xi32>, vector<16xi32>], vector<16xf32>, vector<16xi1>
    %get3A_685 = arith.constant 64 : index
    %get3A_686 = tpu.vector_load %arg6[%get3A_685] {strides = array<i32>} : memref<512xi32, #tpu.memory_space<vmem>>, vector<16xi32>,
    %sub3A_687 = arith.constant 760 : i32
    %sub3A_688 = vector.broadcast %sub3A_687 : i32 to vector<16xi32>
    %sub3A_689 = arith.subi %get3A_686, %sub3A_688 : vector<16xi32>
    %ge3A_690 = arith.constant 760 : i32
    %ge3A_691 = vector.broadcast %ge3A_690 : i32 to vector<16xi32>
    %ge3A_692 = arith.cmpi sge, %get3A_686, %ge3A_691 : vector<16xi32>
    %lt3A_693 = arith.constant 1000 : i32
    %lt3A_694 = vector.broadcast %lt3A_693 : i32 to vector<16xi32>
    %lt3A_695 = arith.cmpi slt, %get3A_686, %lt3A_694 : vector<16xi32>
    %and3A_696 = arith.andi %ge3A_692, %lt3A_695 : vector<16xi1>
    %add3A_697 = arith.constant 64 : i32
    %add3A_698 = vector.broadcast %add3A_697 : i32 to vector<16xi32>
    %add3A_699 = arith.addi %iota3A, %add3A_698 : vector<16xi32>
    tpu.vector_store_idx %arg8[%sub3A_689, %add3A_699], %broadcast_in_dim3A_3 masked %and3A_696 : memref<248x128xf32, #tpu.memory_space<vmem>>[vector<16xi32>, vector<16xi32>], vector<16xf32>, vector<16xi1>
    %get3A_700 = arith.constant 80 : index
    %get3A_701 = tpu.vector_load %arg6[%get3A_700] {strides = array<i32>} : memref<512xi32, #tpu.memory_space<vmem>>, vector<16xi32>,
    %sub3A_702 = arith.constant 760 : i32
    %sub3A_703 = vector.broadcast %sub3A_702 : i32 to vector<16xi32>
    %sub3A_704 = arith.subi %get3A_701, %sub3A_703 : vector<16xi32>
    %ge3A_705 = arith.constant 760 : i32
    %ge3A_706 = vector.broadcast %ge3A_705 : i32 to vector<16xi32>
    %ge3A_707 = arith.cmpi sge, %get3A_701, %ge3A_706 : vector<16xi32>
    %lt3A_708 = arith.constant 1000 : i32
    %lt3A_709 = vector.broadcast %lt3A_708 : i32 to vector<16xi32>
    %lt3A_710 = arith.cmpi slt, %get3A_701, %lt3A_709 : vector<16xi32>
    %and3A_711 = arith.andi %ge3A_707, %lt3A_710 : vector<16xi1>
    %add3A_712 = arith.constant 80 : i32
    %add3A_713 = vector.broadcast %add3A_712 : i32 to vector<16xi32>
    %add3A_714 = arith.addi %iota3A, %add3A_713 : vector<16xi32>
    tpu.vector_store_idx %arg8[%sub3A_704, %add3A_714], %broadcast_in_dim3A_3 masked %and3A_711 : memref<248x128xf32, #tpu.memory_space<vmem>>[vector<16xi32>, vector<16xi32>], vector<16xf32>, vector<16xi1>
    %get3A_715 = arith.constant 96 : index
    %get3A_716 = tpu.vector_load %arg6[%get3A_715] {strides = array<i32>} : memref<512xi32, #tpu.memory_space<vmem>>, vector<16xi32>,
    %sub3A_717 = arith.constant 760 : i32
    %sub3A_718 = vector.broadcast %sub3A_717 : i32 to vector<16xi32>
    %sub3A_719 = arith.subi %get3A_716, %sub3A_718 : vector<16xi32>
    %ge3A_720 = arith.constant 760 : i32
    %ge3A_721 = vector.broadcast %ge3A_720 : i32 to vector<16xi32>
    %ge3A_722 = arith.cmpi sge, %get3A_716, %ge3A_721 : vector<16xi32>
    %lt3A_723 = arith.constant 1000 : i32
    %lt3A_724 = vector.broadcast %lt3A_723 : i32 to vector<16xi32>
    %lt3A_725 = arith.cmpi slt, %get3A_716, %lt3A_724 : vector<16xi32>
    %and3A_726 = arith.andi %ge3A_722, %lt3A_725 : vector<16xi1>
    %add3A_727 = arith.constant 96 : i32
    %add3A_728 = vector.broadcast %add3A_727 : i32 to vector<16xi32>
    %add3A_729 = arith.addi %iota3A, %add3A_728 : vector<16xi32>
    tpu.vector_store_idx %arg8[%sub3A_719, %add3A_729], %broadcast_in_dim3A_3 masked %and3A_726 : memref<248x128xf32, #tpu.memory_space<vmem>>[vector<16xi32>, vector<16xi32>], vector<16xf32>, vector<16xi1>
    %get3A_730 = arith.constant 112 : index
    %get3A_731 = tpu.vector_load %arg6[%get3A_730] {strides = array<i32>} : memref<512xi32, #tpu.memory_space<vmem>>, vector<16xi32>,
    %sub3A_732 = arith.constant 760 : i32
    %sub3A_733 = vector.broadcast %sub3A_732 : i32 to vector<16xi32>
    %sub3A_734 = arith.subi %get3A_731, %sub3A_733 : vector<16xi32>
    %ge3A_735 = arith.constant 760 : i32
    %ge3A_736 = vector.broadcast %ge3A_735 : i32 to vector<16xi32>
    %ge3A_737 = arith.cmpi sge, %get3A_731, %ge3A_736 : vector<16xi32>
    %lt3A_738 = arith.constant 1000 : i32
    %lt3A_739 = vector.broadcast %lt3A_738 : i32 to vector<16xi32>
    %lt3A_740 = arith.cmpi slt, %get3A_731, %lt3A_739 : vector<16xi32>
    %and3A_741 = arith.andi %ge3A_737, %lt3A_740 : vector<16xi1>
    %add3A_742 = arith.constant 112 : i32
    %add3A_743 = vector.broadcast %add3A_742 : i32 to vector<16xi32>
    %add3A_744 = arith.addi %iota3A, %add3A_743 : vector<16xi32>
    tpu.vector_store_idx %arg8[%sub3A_734, %add3A_744], %broadcast_in_dim3A_3 masked %and3A_741 : memref<248x128xf32, #tpu.memory_space<vmem>>[vector<16xi32>, vector<16xi32>], vector<16xf32>, vector<16xi1>
    %add3A_745 = arith.constant 0 : i32
    %add3A_746 = arith.addi %mul3A_2, %add3A_745 : i32
    %dma_start3A_747 = arith.constant 0 : i32
    %dma_start3A_748 = arith.constant 0 : i32
    %dma_start3A_749 = tpu.memref_slice %arg8[%dma_start3A_747, %dma_start3A_748] : memref<248x128xf32, #tpu.memory_space<vmem>> -> memref<240x128xf32, #tpu.memory_space<vmem>>
    %dma_start3A_750 = arith.constant 760 : i32
    %dma_start3A_751 = tpu.memref_slice %arg5[%dma_start3A_750, %add3A_746] : memref<1000x16384xf32, #tpu.memory_space<hbm>> -> memref<240x128xf32, #tpu.memory_space<hbm>>
    %dma_start3A_752 = arith.constant 760 : i32
    %dma_start3A_753 = tpu.memref_slice %arg5[%dma_start3A_752, %add3A_746] : memref<1000x16384xf32, #tpu.memory_space<hbm>> -> memref<240x128xf32, #tpu.memory_space<hbm>>
    %dma_start3A_754 = arith.constant 0 : i32
    %dma_start3A_755 = arith.constant 0 : i32
    %dma_start3A_756 = tpu.memref_slice %arg8[%dma_start3A_754, %dma_start3A_755] : memref<248x128xf32, #tpu.memory_space<vmem>> -> memref<240x128xf32, #tpu.memory_space<vmem>>
    tpu.enqueue_dma source(%dma_start3A_756 : memref<240x128xf32, #tpu.memory_space<vmem>>) target(%dma_start3A_753 : memref<240x128xf32, #tpu.memory_space<hbm>>) target_semaphore(%arg10 : memref<!tpu.dma_semaphore, #tpu.memory_space<semaphore_mem>>)
    %dma_wait3A_757 = arith.constant 504 : i32
    %dma_wait3A_758 = tpu.memref_slice %arg5[%dma_wait3A_757, %add3A_496] : memref<1000x16384xf32, #tpu.memory_space<hbm>> -> memref<256x128xf32, #tpu.memory_space<hbm>>
    %dma_wait3A_759 = arith.constant 504 : i32
    %dma_wait3A_760 = tpu.memref_slice %arg5[%dma_wait3A_759, %add3A_496] : memref<1000x16384xf32, #tpu.memory_space<hbm>> -> memref<256x128xf32, #tpu.memory_space<hbm>>
    tpu.wait_dma2 semaphore(%arg9 : memref<!tpu.dma_semaphore, #tpu.memory_space<semaphore_mem>>) src(%arg7 : memref<256x128xf32, #tpu.memory_space<vmem>>) dst(%dma_wait3A_760 : memref<256x128xf32, #tpu.memory_space<hbm>>)
    %get3A_761 = arith.constant 0 : index
    %get3A_762 = tpu.vector_load %arg6[%get3A_761] {strides = array<i32>} : memref<512xi32, #tpu.memory_space<vmem>>, vector<16xi32>,
    %sub3A_763 = arith.constant 504 : i32
    %sub3A_764 = vector.broadcast %sub3A_763 : i32 to vector<16xi32>
    %sub3A_765 = arith.subi %get3A_762, %sub3A_764 : vector<16xi32>
    %ge3A_766 = arith.constant 504 : i32
    %ge3A_767 = vector.broadcast %ge3A_766 : i32 to vector<16xi32>
    %ge3A_768 = arith.cmpi sge, %get3A_762, %ge3A_767 : vector<16xi32>
    %lt3A_769 = arith.constant 760 : i32
    %lt3A_770 = vector.broadcast %lt3A_769 : i32 to vector<16xi32>
    %lt3A_771 = arith.cmpi slt, %get3A_762, %lt3A_770 : vector<16xi32>
    %and3A_772 = arith.andi %ge3A_768, %lt3A_771 : vector<16xi1>
    %add3A_773 = arith.constant 0 : i32
    %add3A_774 = vector.broadcast %add3A_773 : i32 to vector<16xi32>
    %add3A_775 = arith.addi %iota3A, %add3A_774 : vector<16xi32>
    tpu.vector_store_idx %arg7[%sub3A_765, %add3A_775], %broadcast_in_dim3A_5 masked %and3A_772 : memref<256x128xf32, #tpu.memory_space<vmem>>[vector<16xi32>, vector<16xi32>], vector<16xf32>, vector<16xi1>
    %get3A_776 = arith.constant 16 : index
    %get3A_777 = tpu.vector_load %arg6[%get3A_776] {strides = array<i32>} : memref<512xi32, #tpu.memory_space<vmem>>, vector<16xi32>,
    %sub3A_778 = arith.constant 504 : i32
    %sub3A_779 = vector.broadcast %sub3A_778 : i32 to vector<16xi32>
    %sub3A_780 = arith.subi %get3A_777, %sub3A_779 : vector<16xi32>
    %ge3A_781 = arith.constant 504 : i32
    %ge3A_782 = vector.broadcast %ge3A_781 : i32 to vector<16xi32>
    %ge3A_783 = arith.cmpi sge, %get3A_777, %ge3A_782 : vector<16xi32>
    %lt3A_784 = arith.constant 760 : i32
    %lt3A_785 = vector.broadcast %lt3A_784 : i32 to vector<16xi32>
    %lt3A_786 = arith.cmpi slt, %get3A_777, %lt3A_785 : vector<16xi32>
    %and3A_787 = arith.andi %ge3A_783, %lt3A_786 : vector<16xi1>
    %add3A_788 = arith.constant 16 : i32
    %add3A_789 = vector.broadcast %add3A_788 : i32 to vector<16xi32>
    %add3A_790 = arith.addi %iota3A, %add3A_789 : vector<16xi32>
    tpu.vector_store_idx %arg7[%sub3A_780, %add3A_790], %broadcast_in_dim3A_5 masked %and3A_787 : memref<256x128xf32, #tpu.memory_space<vmem>>[vector<16xi32>, vector<16xi32>], vector<16xf32>, vector<16xi1>
    %get3A_791 = arith.constant 32 : index
    %get3A_792 = tpu.vector_load %arg6[%get3A_791] {strides = array<i32>} : memref<512xi32, #tpu.memory_space<vmem>>, vector<16xi32>,
    %sub3A_793 = arith.constant 504 : i32
    %sub3A_794 = vector.broadcast %sub3A_793 : i32 to vector<16xi32>
    %sub3A_795 = arith.subi %get3A_792, %sub3A_794 : vector<16xi32>
    %ge3A_796 = arith.constant 504 : i32
    %ge3A_797 = vector.broadcast %ge3A_796 : i32 to vector<16xi32>
    %ge3A_798 = arith.cmpi sge, %get3A_792, %ge3A_797 : vector<16xi32>
    %lt3A_799 = arith.constant 760 : i32
    %lt3A_800 = vector.broadcast %lt3A_799 : i32 to vector<16xi32>
    %lt3A_801 = arith.cmpi slt, %get3A_792, %lt3A_800 : vector<16xi32>
    %and3A_802 = arith.andi %ge3A_798, %lt3A_801 : vector<16xi1>
    %add3A_803 = arith.constant 32 : i32
    %add3A_804 = vector.broadcast %add3A_803 : i32 to vector<16xi32>
    %add3A_805 = arith.addi %iota3A, %add3A_804 : vector<16xi32>
    tpu.vector_store_idx %arg7[%sub3A_795, %add3A_805], %broadcast_in_dim3A_5 masked %and3A_802 : memref<256x128xf32, #tpu.memory_space<vmem>>[vector<16xi32>, vector<16xi32>], vector<16xf32>, vector<16xi1>
    %get3A_806 = arith.constant 48 : index
    %get3A_807 = tpu.vector_load %arg6[%get3A_806] {strides = array<i32>} : memref<512xi32, #tpu.memory_space<vmem>>, vector<16xi32>,
    %sub3A_808 = arith.constant 504 : i32
    %sub3A_809 = vector.broadcast %sub3A_808 : i32 to vector<16xi32>
    %sub3A_810 = arith.subi %get3A_807, %sub3A_809 : vector<16xi32>
    %ge3A_811 = arith.constant 504 : i32
    %ge3A_812 = vector.broadcast %ge3A_811 : i32 to vector<16xi32>
    %ge3A_813 = arith.cmpi sge, %get3A_807, %ge3A_812 : vector<16xi32>
    %lt3A_814 = arith.constant 760 : i32
    %lt3A_815 = vector.broadcast %lt3A_814 : i32 to vector<16xi32>
    %lt3A_816 = arith.cmpi slt, %get3A_807, %lt3A_815 : vector<16xi32>
    %and3A_817 = arith.andi %ge3A_813, %lt3A_816 : vector<16xi1>
    %add3A_818 = arith.constant 48 : i32
    %add3A_819 = vector.broadcast %add3A_818 : i32 to vector<16xi32>
    %add3A_820 = arith.addi %iota3A, %add3A_819 : vector<16xi32>
    tpu.vector_store_idx %arg7[%sub3A_810, %add3A_820], %broadcast_in_dim3A_5 masked %and3A_817 : memref<256x128xf32, #tpu.memory_space<vmem>>[vector<16xi32>, vector<16xi32>], vector<16xf32>, vector<16xi1>
    %get3A_821 = arith.constant 64 : index
    %get3A_822 = tpu.vector_load %arg6[%get3A_821] {strides = array<i32>} : memref<512xi32, #tpu.memory_space<vmem>>, vector<16xi32>,
    %sub3A_823 = arith.constant 504 : i32
    %sub3A_824 = vector.broadcast %sub3A_823 : i32 to vector<16xi32>
    %sub3A_825 = arith.subi %get3A_822, %sub3A_824 : vector<16xi32>
    %ge3A_826 = arith.constant 504 : i32
    %ge3A_827 = vector.broadcast %ge3A_826 : i32 to vector<16xi32>
    %ge3A_828 = arith.cmpi sge, %get3A_822, %ge3A_827 : vector<16xi32>
    %lt3A_829 = arith.constant 760 : i32
    %lt3A_830 = vector.broadcast %lt3A_829 : i32 to vector<16xi32>
    %lt3A_831 = arith.cmpi slt, %get3A_822, %lt3A_830 : vector<16xi32>
    %and3A_832 = arith.andi %ge3A_828, %lt3A_831 : vector<16xi1>
    %add3A_833 = arith.constant 64 : i32
    %add3A_834 = vector.broadcast %add3A_833 : i32 to vector<16xi32>
    %add3A_835 = arith.addi %iota3A, %add3A_834 : vector<16xi32>
    tpu.vector_store_idx %arg7[%sub3A_825, %add3A_835], %broadcast_in_dim3A_5 masked %and3A_832 : memref<256x128xf32, #tpu.memory_space<vmem>>[vector<16xi32>, vector<16xi32>], vector<16xf32>, vector<16xi1>
    %get3A_836 = arith.constant 80 : index
    %get3A_837 = tpu.vector_load %arg6[%get3A_836] {strides = array<i32>} : memref<512xi32, #tpu.memory_space<vmem>>, vector<16xi32>,
    %sub3A_838 = arith.constant 504 : i32
    %sub3A_839 = vector.broadcast %sub3A_838 : i32 to vector<16xi32>
    %sub3A_840 = arith.subi %get3A_837, %sub3A_839 : vector<16xi32>
    %ge3A_841 = arith.constant 504 : i32
    %ge3A_842 = vector.broadcast %ge3A_841 : i32 to vector<16xi32>
    %ge3A_843 = arith.cmpi sge, %get3A_837, %ge3A_842 : vector<16xi32>
    %lt3A_844 = arith.constant 760 : i32
    %lt3A_845 = vector.broadcast %lt3A_844 : i32 to vector<16xi32>
    %lt3A_846 = arith.cmpi slt, %get3A_837, %lt3A_845 : vector<16xi32>
    %and3A_847 = arith.andi %ge3A_843, %lt3A_846 : vector<16xi1>
    %add3A_848 = arith.constant 80 : i32
    %add3A_849 = vector.broadcast %add3A_848 : i32 to vector<16xi32>
    %add3A_850 = arith.addi %iota3A, %add3A_849 : vector<16xi32>
    tpu.vector_store_idx %arg7[%sub3A_840, %add3A_850], %broadcast_in_dim3A_5 masked %and3A_847 : memref<256x128xf32, #tpu.memory_space<vmem>>[vector<16xi32>, vector<16xi32>], vector<16xf32>, vector<16xi1>
    %get3A_851 = arith.constant 96 : index
    %get3A_852 = tpu.vector_load %arg6[%get3A_851] {strides = array<i32>} : memref<512xi32, #tpu.memory_space<vmem>>, vector<16xi32>,
    %sub3A_853 = arith.constant 504 : i32
    %sub3A_854 = vector.broadcast %sub3A_853 : i32 to vector<16xi32>
    %sub3A_855 = arith.subi %get3A_852, %sub3A_854 : vector<16xi32>
    %ge3A_856 = arith.constant 504 : i32
    %ge3A_857 = vector.broadcast %ge3A_856 : i32 to vector<16xi32>
    %ge3A_858 = arith.cmpi sge, %get3A_852, %ge3A_857 : vector<16xi32>
    %lt3A_859 = arith.constant 760 : i32
    %lt3A_860 = vector.broadcast %lt3A_859 : i32 to vector<16xi32>
    %lt3A_861 = arith.cmpi slt, %get3A_852, %lt3A_860 : vector<16xi32>
    %and3A_862 = arith.andi %ge3A_858, %lt3A_861 : vector<16xi1>
    %add3A_863 = arith.constant 96 : i32
    %add3A_864 = vector.broadcast %add3A_863 : i32 to vector<16xi32>
    %add3A_865 = arith.addi %iota3A, %add3A_864 : vector<16xi32>
    tpu.vector_store_idx %arg7[%sub3A_855, %add3A_865], %broadcast_in_dim3A_5 masked %and3A_862 : memref<256x128xf32, #tpu.memory_space<vmem>>[vector<16xi32>, vector<16xi32>], vector<16xf32>, vector<16xi1>
    %get3A_866 = arith.constant 112 : index
    %get3A_867 = tpu.vector_load %arg6[%get3A_866] {strides = array<i32>} : memref<512xi32, #tpu.memory_space<vmem>>, vector<16xi32>,
    %sub3A_868 = arith.constant 504 : i32
    %sub3A_869 = vector.broadcast %sub3A_868 : i32 to vector<16xi32>
    %sub3A_870 = arith.subi %get3A_867, %sub3A_869 : vector<16xi32>
    %ge3A_871 = arith.constant 504 : i32
    %ge3A_872 = vector.broadcast %ge3A_871 : i32 to vector<16xi32>
    %ge3A_873 = arith.cmpi sge, %get3A_867, %ge3A_872 : vector<16xi32>
    %lt3A_874 = arith.constant 760 : i32
    %lt3A_875 = vector.broadcast %lt3A_874 : i32 to vector<16xi32>
    %lt3A_876 = arith.cmpi slt, %get3A_867, %lt3A_875 : vector<16xi32>
    %and3A_877 = arith.andi %ge3A_873, %lt3A_876 : vector<16xi1>
    %add3A_878 = arith.constant 112 : i32
    %add3A_879 = vector.broadcast %add3A_878 : i32 to vector<16xi32>
    %add3A_880 = arith.addi %iota3A, %add3A_879 : vector<16xi32>
    tpu.vector_store_idx %arg7[%sub3A_870, %add3A_880], %broadcast_in_dim3A_5 masked %and3A_877 : memref<256x128xf32, #tpu.memory_space<vmem>>[vector<16xi32>, vector<16xi32>], vector<16xf32>, vector<16xi1>
    %get3A_881 = arith.constant 128 : index
    %get3A_882 = tpu.vector_load %arg6[%get3A_881] {strides = array<i32>} : memref<512xi32, #tpu.memory_space<vmem>>, vector<16xi32>,
    %sub3A_883 = arith.constant 0 : i32
    %sub3A_884 = vector.broadcast %sub3A_883 : i32 to vector<16xi32>
    %sub3A_885 = arith.subi %get3A_882, %sub3A_884 : vector<16xi32>
    %ge3A_886 = arith.constant 0 : i32
    %ge3A_887 = vector.broadcast %ge3A_886 : i32 to vector<16xi32>
    %ge3A_888 = arith.cmpi sge, %get3A_882, %ge3A_887 : vector<16xi32>
    %lt3A_889 = arith.constant 256 : i32
    %lt3A_890 = vector.broadcast %lt3A_889 : i32 to vector<16xi32>
    %lt3A_891 = arith.cmpi slt, %get3A_882, %lt3A_890 : vector<16xi32>
    %and3A_892 = arith.andi %ge3A_888, %lt3A_891 : vector<16xi1>
    %add3A_893 = arith.constant 0 : i32
    %add3A_894 = vector.broadcast %add3A_893 : i32 to vector<16xi32>
    %add3A_895 = arith.addi %iota3A, %add3A_894 : vector<16xi32>
    tpu.vector_store_idx %arg7[%sub3A_885, %add3A_895], %broadcast_in_dim3A_3 masked %and3A_892 : memref<256x128xf32, #tpu.memory_space<vmem>>[vector<16xi32>, vector<16xi32>], vector<16xf32>, vector<16xi1>
    %get3A_896 = arith.constant 144 : index
    %get3A_897 = tpu.vector_load %arg6[%get3A_896] {strides = array<i32>} : memref<512xi32, #tpu.memory_space<vmem>>, vector<16xi32>,
    %sub3A_898 = arith.constant 0 : i32
    %sub3A_899 = vector.broadcast %sub3A_898 : i32 to vector<16xi32>
    %sub3A_900 = arith.subi %get3A_897, %sub3A_899 : vector<16xi32>
    %ge3A_901 = arith.constant 0 : i32
    %ge3A_902 = vector.broadcast %ge3A_901 : i32 to vector<16xi32>
    %ge3A_903 = arith.cmpi sge, %get3A_897, %ge3A_902 : vector<16xi32>
    %lt3A_904 = arith.constant 256 : i32
    %lt3A_905 = vector.broadcast %lt3A_904 : i32 to vector<16xi32>
    %lt3A_906 = arith.cmpi slt, %get3A_897, %lt3A_905 : vector<16xi32>
    %and3A_907 = arith.andi %ge3A_903, %lt3A_906 : vector<16xi1>
    %add3A_908 = arith.constant 16 : i32
    %add3A_909 = vector.broadcast %add3A_908 : i32 to vector<16xi32>
    %add3A_910 = arith.addi %iota3A, %add3A_909 : vector<16xi32>
    tpu.vector_store_idx %arg7[%sub3A_900, %add3A_910], %broadcast_in_dim3A_3 masked %and3A_907 : memref<256x128xf32, #tpu.memory_space<vmem>>[vector<16xi32>, vector<16xi32>], vector<16xf32>, vector<16xi1>
    %get3A_911 = arith.constant 160 : index
    %get3A_912 = tpu.vector_load %arg6[%get3A_911] {strides = array<i32>} : memref<512xi32, #tpu.memory_space<vmem>>, vector<16xi32>,
    %sub3A_913 = arith.constant 0 : i32
    %sub3A_914 = vector.broadcast %sub3A_913 : i32 to vector<16xi32>
    %sub3A_915 = arith.subi %get3A_912, %sub3A_914 : vector<16xi32>
    %ge3A_916 = arith.constant 0 : i32
    %ge3A_917 = vector.broadcast %ge3A_916 : i32 to vector<16xi32>
    %ge3A_918 = arith.cmpi sge, %get3A_912, %ge3A_917 : vector<16xi32>
    %lt3A_919 = arith.constant 256 : i32
    %lt3A_920 = vector.broadcast %lt3A_919 : i32 to vector<16xi32>
    %lt3A_921 = arith.cmpi slt, %get3A_912, %lt3A_920 : vector<16xi32>
    %and3A_922 = arith.andi %ge3A_918, %lt3A_921 : vector<16xi1>
    %add3A_923 = arith.constant 32 : i32
    %add3A_924 = vector.broadcast %add3A_923 : i32 to vector<16xi32>
    %add3A_925 = arith.addi %iota3A, %add3A_924 : vector<16xi32>
    tpu.vector_store_idx %arg7[%sub3A_915, %add3A_925], %broadcast_in_dim3A_3 masked %and3A_922 : memref<256x128xf32, #tpu.memory_space<vmem>>[vector<16xi32>, vector<16xi32>], vector<16xf32>, vector<16xi1>
    %get3A_926 = arith.constant 176 : index
    %get3A_927 = tpu.vector_load %arg6[%get3A_926] {strides = array<i32>} : memref<512xi32, #tpu.memory_space<vmem>>, vector<16xi32>,
    %sub3A_928 = arith.constant 0 : i32
    %sub3A_929 = vector.broadcast %sub3A_928 : i32 to vector<16xi32>
    %sub3A_930 = arith.subi %get3A_927, %sub3A_929 : vector<16xi32>
    %ge3A_931 = arith.constant 0 : i32
    %ge3A_932 = vector.broadcast %ge3A_931 : i32 to vector<16xi32>
    %ge3A_933 = arith.cmpi sge, %get3A_927, %ge3A_932 : vector<16xi32>
    %lt3A_934 = arith.constant 256 : i32
    %lt3A_935 = vector.broadcast %lt3A_934 : i32 to vector<16xi32>
    %lt3A_936 = arith.cmpi slt, %get3A_927, %lt3A_935 : vector<16xi32>
    %and3A_937 = arith.andi %ge3A_933, %lt3A_936 : vector<16xi1>
    %add3A_938 = arith.constant 48 : i32
    %add3A_939 = vector.broadcast %add3A_938 : i32 to vector<16xi32>
    %add3A_940 = arith.addi %iota3A, %add3A_939 : vector<16xi32>
    tpu.vector_store_idx %arg7[%sub3A_930, %add3A_940], %broadcast_in_dim3A_3 masked %and3A_937 : memref<256x128xf32, #tpu.memory_space<vmem>>[vector<16xi32>, vector<16xi32>], vector<16xf32>, vector<16xi1>
    %get3A_941 = arith.constant 192 : index
    %get3A_942 = tpu.vector_load %arg6[%get3A_941] {strides = array<i32>} : memref<512xi32, #tpu.memory_space<vmem>>, vector<16xi32>,
    %sub3A_943 = arith.constant 0 : i32
    %sub3A_944 = vector.broadcast %sub3A_943 : i32 to vector<16xi32>
    %sub3A_945 = arith.subi %get3A_942, %sub3A_944 : vector<16xi32>
    %ge3A_946 = arith.constant 0 : i32
    %ge3A_947 = vector.broadcast %ge3A_946 : i32 to vector<16xi32>
    %ge3A_948 = arith.cmpi sge, %get3A_942, %ge3A_947 : vector<16xi32>
    %lt3A_949 = arith.constant 256 : i32
    %lt3A_950 = vector.broadcast %lt3A_949 : i32 to vector<16xi32>
    %lt3A_951 = arith.cmpi slt, %get3A_942, %lt3A_950 : vector<16xi32>
    %and3A_952 = arith.andi %ge3A_948, %lt3A_951 : vector<16xi1>
    %add3A_953 = arith.constant 64 : i32
    %add3A_954 = vector.broadcast %add3A_953 : i32 to vector<16xi32>
    %add3A_955 = arith.addi %iota3A, %add3A_954 : vector<16xi32>
    tpu.vector_store_idx %arg7[%sub3A_945, %add3A_955], %broadcast_in_dim3A_3 masked %and3A_952 : memref<256x128xf32, #tpu.memory_space<vmem>>[vector<16xi32>, vector<16xi32>], vector<16xf32>, vector<16xi1>
    %get3A_956 = arith.constant 208 : index
    %get3A_957 = tpu.vector_load %arg6[%get3A_956] {strides = array<i32>} : memref<512xi32, #tpu.memory_space<vmem>>, vector<16xi32>,
    %sub3A_958 = arith.constant 0 : i32
    %sub3A_959 = vector.broadcast %sub3A_958 : i32 to vector<16xi32>
    %sub3A_960 = arith.subi %get3A_957, %sub3A_959 : vector<16xi32>
    %ge3A_961 = arith.constant 0 : i32
    %ge3A_962 = vector.broadcast %ge3A_961 : i32 to vector<16xi32>
    %ge3A_963 = arith.cmpi sge, %get3A_957, %ge3A_962 : vector<16xi32>
    %lt3A_964 = arith.constant 256 : i32
    %lt3A_965 = vector.broadcast %lt3A_964 : i32 to vector<16xi32>
    %lt3A_966 = arith.cmpi slt, %get3A_957, %lt3A_965 : vector<16xi32>
    %and3A_967 = arith.andi %ge3A_963, %lt3A_966 : vector<16xi1>
    %add3A_968 = arith.constant 80 : i32
    %add3A_969 = vector.broadcast %add3A_968 : i32 to vector<16xi32>
    %add3A_970 = arith.addi %iota3A, %add3A_969 : vector<16xi32>
    tpu.vector_store_idx %arg7[%sub3A_960, %add3A_970], %broadcast_in_dim3A_3 masked %and3A_967 : memref<256x128xf32, #tpu.memory_space<vmem>>[vector<16xi32>, vector<16xi32>], vector<16xf32>, vector<16xi1>
    %get3A_971 = arith.constant 224 : index
    %get3A_972 = tpu.vector_load %arg6[%get3A_971] {strides = array<i32>} : memref<512xi32, #tpu.memory_space<vmem>>, vector<16xi32>,
    %sub3A_973 = arith.constant 0 : i32
    %sub3A_974 = vector.broadcast %sub3A_973 : i32 to vector<16xi32>
    %sub3A_975 = arith.subi %get3A_972, %sub3A_974 : vector<16xi32>
    %ge3A_976 = arith.constant 0 : i32
    %ge3A_977 = vector.broadcast %ge3A_976 : i32 to vector<16xi32>
    %ge3A_978 = arith.cmpi sge, %get3A_972, %ge3A_977 : vector<16xi32>
    %lt3A_979 = arith.constant 256 : i32
    %lt3A_980 = vector.broadcast %lt3A_979 : i32 to vector<16xi32>
    %lt3A_981 = arith.cmpi slt, %get3A_972, %lt3A_980 : vector<16xi32>
    %and3A_982 = arith.andi %ge3A_978, %lt3A_981 : vector<16xi1>
    %add3A_983 = arith.constant 96 : i32
    %add3A_984 = vector.broadcast %add3A_983 : i32 to vector<16xi32>
    %add3A_985 = arith.addi %iota3A, %add3A_984 : vector<16xi32>
    tpu.vector_store_idx %arg7[%sub3A_975, %add3A_985], %broadcast_in_dim3A_3 masked %and3A_982 : memref<256x128xf32, #tpu.memory_space<vmem>>[vector<16xi32>, vector<16xi32>], vector<16xf32>, vector<16xi1>
    %get3A_986 = arith.constant 240 : index
    %get3A_987 = tpu.vector_load %arg6[%get3A_986] {strides = array<i32>} : memref<512xi32, #tpu.memory_space<vmem>>, vector<16xi32>,
    %sub3A_988 = arith.constant 0 : i32
    %sub3A_989 = vector.broadcast %sub3A_988 : i32 to vector<16xi32>
    %sub3A_990 = arith.subi %get3A_987, %sub3A_989 : vector<16xi32>
    %ge3A_991 = arith.constant 0 : i32
    %ge3A_992 = vector.broadcast %ge3A_991 : i32 to vector<16xi32>
    %ge3A_993 = arith.cmpi sge, %get3A_987, %ge3A_992 : vector<16xi32>
    %lt3A_994 = arith.constant 256 : i32
    %lt3A_995 = vector.broadcast %lt3A_994 : i32 to vector<16xi32>
    %lt3A_996 = arith.cmpi slt, %get3A_987, %lt3A_995 : vector<16xi32>
    %and3A_997 = arith.andi %ge3A_993, %lt3A_996 : vector<16xi1>
    %add3A_998 = arith.constant 112 : i32
    %add3A_999 = vector.broadcast %add3A_998 : i32 to vector<16xi32>
    %add3A_1000 = arith.addi %iota3A, %add3A_999 : vector<16xi32>
    tpu.vector_store_idx %arg7[%sub3A_990, %add3A_1000], %broadcast_in_dim3A_3 masked %and3A_997 : memref<256x128xf32, #tpu.memory_space<vmem>>[vector<16xi32>, vector<16xi32>], vector<16xf32>, vector<16xi1>
    %add3A_1001 = arith.constant 128 : i32
    %add3A_1002 = arith.addi %mul3A_2, %add3A_1001 : i32
    %dma_start3A_1003 = arith.constant 0 : i32
    %dma_start3A_1004 = tpu.memref_slice %arg5[%dma_start3A_1003, %add3A_1002] : memref<1000x16384xf32, #tpu.memory_space<hbm>> -> memref<256x128xf32, #tpu.memory_space<hbm>>
    %dma_start3A_1005 = arith.constant 0 : i32
    %dma_start3A_1006 = tpu.memref_slice %arg5[%dma_start3A_1005, %add3A_1002] : memref<1000x16384xf32, #tpu.memory_space<hbm>> -> memref<256x128xf32, #tpu.memory_space<hbm>>
    tpu.enqueue_dma source(%arg7 : memref<256x128xf32, #tpu.memory_space<vmem>>) target(%dma_start3A_1006 : memref<256x128xf32, #tpu.memory_space<hbm>>) target_semaphore(%arg9 : memref<!tpu.dma_semaphore, #tpu.memory_space<semaphore_mem>>)
    %dma_wait3A_1007 = arith.constant 0 : i32
    %dma_wait3A_1008 = arith.constant 0 : i32
    %dma_wait3A_1009 = tpu.memref_slice %arg8[%dma_wait3A_1007, %dma_wait3A_1008] : memref<248x128xf32, #tpu.memory_space<vmem>> -> memref<240x128xf32, #tpu.memory_space<vmem>>
    %dma_wait3A_1010 = arith.constant 760 : i32
    %dma_wait3A_1011 = tpu.memref_slice %arg5[%dma_wait3A_1010, %add3A_746] : memref<1000x16384xf32, #tpu.memory_space<hbm>> -> memref<240x128xf32, #tpu.memory_space<hbm>>
    %dma_wait3A_1012 = arith.constant 760 : i32
    %dma_wait3A_1013 = tpu.memref_slice %arg5[%dma_wait3A_1012, %add3A_746] : memref<1000x16384xf32, #tpu.memory_space<hbm>> -> memref<240x128xf32, #tpu.memory_space<hbm>>
    %dma_wait3A_1014 = arith.constant 0 : i32
    %dma_wait3A_1015 = arith.constant 0 : i32
    %dma_wait3A_1016 = tpu.memref_slice %arg8[%dma_wait3A_1014, %dma_wait3A_1015] : memref<248x128xf32, #tpu.memory_space<vmem>> -> memref<240x128xf32, #tpu.memory_space<vmem>>
    tpu.wait_dma2 semaphore(%arg10 : memref<!tpu.dma_semaphore, #tpu.memory_space<semaphore_mem>>) src(%dma_wait3A_1016 : memref<240x128xf32, #tpu.memory_space<vmem>>) dst(%dma_wait3A_1013 : memref<240x128xf32, #tpu.memory_space<hbm>>)
    %get3A_1017 = arith.constant 0 : index
    %get3A_1018 = tpu.vector_load %arg6[%get3A_1017] {strides = array<i32>} : memref<512xi32, #tpu.memory_space<vmem>>, vector<16xi32>,
    %sub3A_1019 = arith.constant 760 : i32
    %sub3A_1020 = vector.broadcast %sub3A_1019 : i32 to vector<16xi32>
    %sub3A_1021 = arith.subi %get3A_1018, %sub3A_1020 : vector<16xi32>
    %ge3A_1022 = arith.constant 760 : i32
    %ge3A_1023 = vector.broadcast %ge3A_1022 : i32 to vector<16xi32>
    %ge3A_1024 = arith.cmpi sge, %get3A_1018, %ge3A_1023 : vector<16xi32>
    %lt3A_1025 = arith.constant 1000 : i32
    %lt3A_1026 = vector.broadcast %lt3A_1025 : i32 to vector<16xi32>
    %lt3A_1027 = arith.cmpi slt, %get3A_1018, %lt3A_1026 : vector<16xi32>
    %and3A_1028 = arith.andi %ge3A_1024, %lt3A_1027 : vector<16xi1>
    %add3A_1029 = arith.constant 0 : i32
    %add3A_1030 = vector.broadcast %add3A_1029 : i32 to vector<16xi32>
    %add3A_1031 = arith.addi %iota3A, %add3A_1030 : vector<16xi32>
    tpu.vector_store_idx %arg8[%sub3A_1021, %add3A_1031], %broadcast_in_dim3A_5 masked %and3A_1028 : memref<248x128xf32, #tpu.memory_space<vmem>>[vector<16xi32>, vector<16xi32>], vector<16xf32>, vector<16xi1>
    %get3A_1032 = arith.constant 16 : index
    %get3A_1033 = tpu.vector_load %arg6[%get3A_1032] {strides = array<i32>} : memref<512xi32, #tpu.memory_space<vmem>>, vector<16xi32>,
    %sub3A_1034 = arith.constant 760 : i32
    %sub3A_1035 = vector.broadcast %sub3A_1034 : i32 to vector<16xi32>
    %sub3A_1036 = arith.subi %get3A_1033, %sub3A_1035 : vector<16xi32>
    %ge3A_1037 = arith.constant 760 : i32
    %ge3A_1038 = vector.broadcast %ge3A_1037 : i32 to vector<16xi32>
    %ge3A_1039 = arith.cmpi sge, %get3A_1033, %ge3A_1038 : vector<16xi32>
    %lt3A_1040 = arith.constant 1000 : i32
    %lt3A_1041 = vector.broadcast %lt3A_1040 : i32 to vector<16xi32>
    %lt3A_1042 = arith.cmpi slt, %get3A_1033, %lt3A_1041 : vector<16xi32>
    %and3A_1043 = arith.andi %ge3A_1039, %lt3A_1042 : vector<16xi1>
    %add3A_1044 = arith.constant 16 : i32
    %add3A_1045 = vector.broadcast %add3A_1044 : i32 to vector<16xi32>
    %add3A_1046 = arith.addi %iota3A, %add3A_1045 : vector<16xi32>
    tpu.vector_store_idx %arg8[%sub3A_1036, %add3A_1046], %broadcast_in_dim3A_5 masked %and3A_1043 : memref<248x128xf32, #tpu.memory_space<vmem>>[vector<16xi32>, vector<16xi32>], vector<16xf32>, vector<16xi1>
    %get3A_1047 = arith.constant 32 : index
    %get3A_1048 = tpu.vector_load %arg6[%get3A_1047] {strides = array<i32>} : memref<512xi32, #tpu.memory_space<vmem>>, vector<16xi32>,
    %sub3A_1049 = arith.constant 760 : i32
    %sub3A_1050 = vector.broadcast %sub3A_1049 : i32 to vector<16xi32>
    %sub3A_1051 = arith.subi %get3A_1048, %sub3A_1050 : vector<16xi32>
    %ge3A_1052 = arith.constant 760 : i32
    %ge3A_1053 = vector.broadcast %ge3A_1052 : i32 to vector<16xi32>
    %ge3A_1054 = arith.cmpi sge, %get3A_1048, %ge3A_1053 : vector<16xi32>
    %lt3A_1055 = arith.constant 1000 : i32
    %lt3A_1056 = vector.broadcast %lt3A_1055 : i32 to vector<16xi32>
    %lt3A_1057 = arith.cmpi slt, %get3A_1048, %lt3A_1056 : vector<16xi32>
    %and3A_1058 = arith.andi %ge3A_1054, %lt3A_1057 : vector<16xi1>
    %add3A_1059 = arith.constant 32 : i32
    %add3A_1060 = vector.broadcast %add3A_1059 : i32 to vector<16xi32>
    %add3A_1061 = arith.addi %iota3A, %add3A_1060 : vector<16xi32>
    tpu.vector_store_idx %arg8[%sub3A_1051, %add3A_1061], %broadcast_in_dim3A_5 masked %and3A_1058 : memref<248x128xf32, #tpu.memory_space<vmem>>[vector<16xi32>, vector<16xi32>], vector<16xf32>, vector<16xi1>
    %get3A_1062 = arith.constant 48 : index
    %get3A_1063 = tpu.vector_load %arg6[%get3A_1062] {strides = array<i32>} : memref<512xi32, #tpu.memory_space<vmem>>, vector<16xi32>,
    %sub3A_1064 = arith.constant 760 : i32
    %sub3A_1065 = vector.broadcast %sub3A_1064 : i32 to vector<16xi32>
    %sub3A_1066 = arith.subi %get3A_1063, %sub3A_1065 : vector<16xi32>
    %ge3A_1067 = arith.constant 760 : i32
    %ge3A_1068 = vector.broadcast %ge3A_1067 : i32 to vector<16xi32>
    %ge3A_1069 = arith.cmpi sge, %get3A_1063, %ge3A_1068 : vector<16xi32>
    %lt3A_1070 = arith.constant 1000 : i32
    %lt3A_1071 = vector.broadcast %lt3A_1070 : i32 to vector<16xi32>
    %lt3A_1072 = arith.cmpi slt, %get3A_1063, %lt3A_1071 : vector<16xi32>
    %and3A_1073 = arith.andi %ge3A_1069, %lt3A_1072 : vector<16xi1>
    %add3A_1074 = arith.constant 48 : i32
    %add3A_1075 = vector.broadcast %add3A_1074 : i32 to vector<16xi32>
    %add3A_1076 = arith.addi %iota3A, %add3A_1075 : vector<16xi32>
    tpu.vector_store_idx %arg8[%sub3A_1066, %add3A_1076], %broadcast_in_dim3A_5 masked %and3A_1073 : memref<248x128xf32, #tpu.memory_space<vmem>>[vector<16xi32>, vector<16xi32>], vector<16xf32>, vector<16xi1>
    %get3A_1077 = arith.constant 64 : index
    %get3A_1078 = tpu.vector_load %arg6[%get3A_1077] {strides = array<i32>} : memref<512xi32, #tpu.memory_space<vmem>>, vector<16xi32>,
    %sub3A_1079 = arith.constant 760 : i32
    %sub3A_1080 = vector.broadcast %sub3A_1079 : i32 to vector<16xi32>
    %sub3A_1081 = arith.subi %get3A_1078, %sub3A_1080 : vector<16xi32>
    %ge3A_1082 = arith.constant 760 : i32
    %ge3A_1083 = vector.broadcast %ge3A_1082 : i32 to vector<16xi32>
    %ge3A_1084 = arith.cmpi sge, %get3A_1078, %ge3A_1083 : vector<16xi32>
    %lt3A_1085 = arith.constant 1000 : i32
    %lt3A_1086 = vector.broadcast %lt3A_1085 : i32 to vector<16xi32>
    %lt3A_1087 = arith.cmpi slt, %get3A_1078, %lt3A_1086 : vector<16xi32>
    %and3A_1088 = arith.andi %ge3A_1084, %lt3A_1087 : vector<16xi1>
    %add3A_1089 = arith.constant 64 : i32
    %add3A_1090 = vector.broadcast %add3A_1089 : i32 to vector<16xi32>
    %add3A_1091 = arith.addi %iota3A, %add3A_1090 : vector<16xi32>
    tpu.vector_store_idx %arg8[%sub3A_1081, %add3A_1091], %broadcast_in_dim3A_5 masked %and3A_1088 : memref<248x128xf32, #tpu.memory_space<vmem>>[vector<16xi32>, vector<16xi32>], vector<16xf32>, vector<16xi1>
    %get3A_1092 = arith.constant 80 : index
    %get3A_1093 = tpu.vector_load %arg6[%get3A_1092] {strides = array<i32>} : memref<512xi32, #tpu.memory_space<vmem>>, vector<16xi32>,
    %sub3A_1094 = arith.constant 760 : i32
    %sub3A_1095 = vector.broadcast %sub3A_1094 : i32 to vector<16xi32>
    %sub3A_1096 = arith.subi %get3A_1093, %sub3A_1095 : vector<16xi32>
    %ge3A_1097 = arith.constant 760 : i32
    %ge3A_1098 = vector.broadcast %ge3A_1097 : i32 to vector<16xi32>
    %ge3A_1099 = arith.cmpi sge, %get3A_1093, %ge3A_1098 : vector<16xi32>
    %lt3A_1100 = arith.constant 1000 : i32
    %lt3A_1101 = vector.broadcast %lt3A_1100 : i32 to vector<16xi32>
    %lt3A_1102 = arith.cmpi slt, %get3A_1093, %lt3A_1101 : vector<16xi32>
    %and3A_1103 = arith.andi %ge3A_1099, %lt3A_1102 : vector<16xi1>
    %add3A_1104 = arith.constant 80 : i32
    %add3A_1105 = vector.broadcast %add3A_1104 : i32 to vector<16xi32>
    %add3A_1106 = arith.addi %iota3A, %add3A_1105 : vector<16xi32>
    tpu.vector_store_idx %arg8[%sub3A_1096, %add3A_1106], %broadcast_in_dim3A_5 masked %and3A_1103 : memref<248x128xf32, #tpu.memory_space<vmem>>[vector<16xi32>, vector<16xi32>], vector<16xf32>, vector<16xi1>
    %get3A_1107 = arith.constant 96 : index
    %get3A_1108 = tpu.vector_load %arg6[%get3A_1107] {strides = array<i32>} : memref<512xi32, #tpu.memory_space<vmem>>, vector<16xi32>,
    %sub3A_1109 = arith.constant 760 : i32
    %sub3A_1110 = vector.broadcast %sub3A_1109 : i32 to vector<16xi32>
    %sub3A_1111 = arith.subi %get3A_1108, %sub3A_1110 : vector<16xi32>
    %ge3A_1112 = arith.constant 760 : i32
    %ge3A_1113 = vector.broadcast %ge3A_1112 : i32 to vector<16xi32>
    %ge3A_1114 = arith.cmpi sge, %get3A_1108, %ge3A_1113 : vector<16xi32>
    %lt3A_1115 = arith.constant 1000 : i32
    %lt3A_1116 = vector.broadcast %lt3A_1115 : i32 to vector<16xi32>
    %lt3A_1117 = arith.cmpi slt, %get3A_1108, %lt3A_1116 : vector<16xi32>
    %and3A_1118 = arith.andi %ge3A_1114, %lt3A_1117 : vector<16xi1>
    %add3A_1119 = arith.constant 96 : i32
    %add3A_1120 = vector.broadcast %add3A_1119 : i32 to vector<16xi32>
    %add3A_1121 = arith.addi %iota3A, %add3A_1120 : vector<16xi32>
    tpu.vector_store_idx %arg8[%sub3A_1111, %add3A_1121], %broadcast_in_dim3A_5 masked %and3A_1118 : memref<248x128xf32, #tpu.memory_space<vmem>>[vector<16xi32>, vector<16xi32>], vector<16xf32>, vector<16xi1>
    %get3A_1122 = arith.constant 112 : index
    %get3A_1123 = tpu.vector_load %arg6[%get3A_1122] {strides = array<i32>} : memref<512xi32, #tpu.memory_space<vmem>>, vector<16xi32>,
    %sub3A_1124 = arith.constant 760 : i32
    %sub3A_1125 = vector.broadcast %sub3A_1124 : i32 to vector<16xi32>
    %sub3A_1126 = arith.subi %get3A_1123, %sub3A_1125 : vector<16xi32>
    %ge3A_1127 = arith.constant 760 : i32
    %ge3A_1128 = vector.broadcast %ge3A_1127 : i32 to vector<16xi32>
    %ge3A_1129 = arith.cmpi sge, %get3A_1123, %ge3A_1128 : vector<16xi32>
    %lt3A_1130 = arith.constant 1000 : i32
    %lt3A_1131 = vector.broadcast %lt3A_1130 : i32 to vector<16xi32>
    %lt3A_1132 = arith.cmpi slt, %get3A_1123, %lt3A_1131 : vector<16xi32>
    %and3A_1133 = arith.andi %ge3A_1129, %lt3A_1132 : vector<16xi1>
    %add3A_1134 = arith.constant 112 : i32
    %add3A_1135 = vector.broadcast %add3A_1134 : i32 to vector<16xi32>
    %add3A_1136 = arith.addi %iota3A, %add3A_1135 : vector<16xi32>
    tpu.vector_store_idx %arg8[%sub3A_1126, %add3A_1136], %broadcast_in_dim3A_5 masked %and3A_1133 : memref<248x128xf32, #tpu.memory_space<vmem>>[vector<16xi32>, vector<16xi32>], vector<16xf32>, vector<16xi1>
    %get3A_1137 = arith.constant 128 : index
    %get3A_1138 = tpu.vector_load %arg6[%get3A_1137] {strides = array<i32>} : memref<512xi32, #tpu.memory_space<vmem>>, vector<16xi32>,
    %sub3A_1139 = arith.constant 256 : i32
    %sub3A_1140 = vector.broadcast %sub3A_1139 : i32 to vector<16xi32>
    %sub3A_1141 = arith.subi %get3A_1138, %sub3A_1140 : vector<16xi32>
    %ge3A_1142 = arith.constant 256 : i32
    %ge3A_1143 = vector.broadcast %ge3A_1142 : i32 to vector<16xi32>
    %ge3A_1144 = arith.cmpi sge, %get3A_1138, %ge3A_1143 : vector<16xi32>
    %lt3A_1145 = arith.constant 504 : i32
    %lt3A_1146 = vector.broadcast %lt3A_1145 : i32 to vector<16xi32>
    %lt3A_1147 = arith.cmpi slt, %get3A_1138, %lt3A_1146 : vector<16xi32>
    %and3A_1148 = arith.andi %ge3A_1144, %lt3A_1147 : vector<16xi1>
    %add3A_1149 = arith.constant 0 : i32
    %add3A_1150 = vector.broadcast %add3A_1149 : i32 to vector<16xi32>
    %add3A_1151 = arith.addi %iota3A, %add3A_1150 : vector<16xi32>
    tpu.vector_store_idx %arg8[%sub3A_1141, %add3A_1151], %broadcast_in_dim3A_3 masked %and3A_1148 : memref<248x128xf32, #tpu.memory_space<vmem>>[vector<16xi32>, vector<16xi32>], vector<16xf32>, vector<16xi1>
    %get3A_1152 = arith.constant 144 : index
    %get3A_1153 = tpu.vector_load %arg6[%get3A_1152] {strides = array<i32>} : memref<512xi32, #tpu.memory_space<vmem>>, vector<16xi32>,
    %sub3A_1154 = arith.constant 256 : i32
    %sub3A_1155 = vector.broadcast %sub3A_1154 : i32 to vector<16xi32>
    %sub3A_1156 = arith.subi %get3A_1153, %sub3A_1155 : vector<16xi32>
    %ge3A_1157 = arith.constant 256 : i32
    %ge3A_1158 = vector.broadcast %ge3A_1157 : i32 to vector<16xi32>
    %ge3A_1159 = arith.cmpi sge, %get3A_1153, %ge3A_1158 : vector<16xi32>
    %lt3A_1160 = arith.constant 504 : i32
    %lt3A_1161 = vector.broadcast %lt3A_1160 : i32 to vector<16xi32>
    %lt3A_1162 = arith.cmpi slt, %get3A_1153, %lt3A_1161 : vector<16xi32>
    %and3A_1163 = arith.andi %ge3A_1159, %lt3A_1162 : vector<16xi1>
    %add3A_1164 = arith.constant 16 : i32
    %add3A_1165 = vector.broadcast %add3A_1164 : i32 to vector<16xi32>
    %add3A_1166 = arith.addi %iota3A, %add3A_1165 : vector<16xi32>
    tpu.vector_store_idx %arg8[%sub3A_1156, %add3A_1166], %broadcast_in_dim3A_3 masked %and3A_1163 : memref<248x128xf32, #tpu.memory_space<vmem>>[vector<16xi32>, vector<16xi32>], vector<16xf32>, vector<16xi1>
    %get3A_1167 = arith.constant 160 : index
    %get3A_1168 = tpu.vector_load %arg6[%get3A_1167] {strides = array<i32>} : memref<512xi32, #tpu.memory_space<vmem>>, vector<16xi32>,
    %sub3A_1169 = arith.constant 256 : i32
    %sub3A_1170 = vector.broadcast %sub3A_1169 : i32 to vector<16xi32>
    %sub3A_1171 = arith.subi %get3A_1168, %sub3A_1170 : vector<16xi32>
    %ge3A_1172 = arith.constant 256 : i32
    %ge3A_1173 = vector.broadcast %ge3A_1172 : i32 to vector<16xi32>
    %ge3A_1174 = arith.cmpi sge, %get3A_1168, %ge3A_1173 : vector<16xi32>
    %lt3A_1175 = arith.constant 504 : i32
    %lt3A_1176 = vector.broadcast %lt3A_1175 : i32 to vector<16xi32>
    %lt3A_1177 = arith.cmpi slt, %get3A_1168, %lt3A_1176 : vector<16xi32>
    %and3A_1178 = arith.andi %ge3A_1174, %lt3A_1177 : vector<16xi1>
    %add3A_1179 = arith.constant 32 : i32
    %add3A_1180 = vector.broadcast %add3A_1179 : i32 to vector<16xi32>
    %add3A_1181 = arith.addi %iota3A, %add3A_1180 : vector<16xi32>
    tpu.vector_store_idx %arg8[%sub3A_1171, %add3A_1181], %broadcast_in_dim3A_3 masked %and3A_1178 : memref<248x128xf32, #tpu.memory_space<vmem>>[vector<16xi32>, vector<16xi32>], vector<16xf32>, vector<16xi1>
    %get3A_1182 = arith.constant 176 : index
    %get3A_1183 = tpu.vector_load %arg6[%get3A_1182] {strides = array<i32>} : memref<512xi32, #tpu.memory_space<vmem>>, vector<16xi32>,
    %sub3A_1184 = arith.constant 256 : i32
    %sub3A_1185 = vector.broadcast %sub3A_1184 : i32 to vector<16xi32>
    %sub3A_1186 = arith.subi %get3A_1183, %sub3A_1185 : vector<16xi32>
    %ge3A_1187 = arith.constant 256 : i32
    %ge3A_1188 = vector.broadcast %ge3A_1187 : i32 to vector<16xi32>
    %ge3A_1189 = arith.cmpi sge, %get3A_1183, %ge3A_1188 : vector<16xi32>
    %lt3A_1190 = arith.constant 504 : i32
    %lt3A_1191 = vector.broadcast %lt3A_1190 : i32 to vector<16xi32>
    %lt3A_1192 = arith.cmpi slt, %get3A_1183, %lt3A_1191 : vector<16xi32>
    %and3A_1193 = arith.andi %ge3A_1189, %lt3A_1192 : vector<16xi1>
    %add3A_1194 = arith.constant 48 : i32
    %add3A_1195 = vector.broadcast %add3A_1194 : i32 to vector<16xi32>
    %add3A_1196 = arith.addi %iota3A, %add3A_1195 : vector<16xi32>
    tpu.vector_store_idx %arg8[%sub3A_1186, %add3A_1196], %broadcast_in_dim3A_3 masked %and3A_1193 : memref<248x128xf32, #tpu.memory_space<vmem>>[vector<16xi32>, vector<16xi32>], vector<16xf32>, vector<16xi1>
    %get3A_1197 = arith.constant 192 : index
    %get3A_1198 = tpu.vector_load %arg6[%get3A_1197] {strides = array<i32>} : memref<512xi32, #tpu.memory_space<vmem>>, vector<16xi32>,
    %sub3A_1199 = arith.constant 256 : i32
    %sub3A_1200 = vector.broadcast %sub3A_1199 : i32 to vector<16xi32>
    %sub3A_1201 = arith.subi %get3A_1198, %sub3A_1200 : vector<16xi32>
    %ge3A_1202 = arith.constant 256 : i32
    %ge3A_1203 = vector.broadcast %ge3A_1202 : i32 to vector<16xi32>
    %ge3A_1204 = arith.cmpi sge, %get3A_1198, %ge3A_1203 : vector<16xi32>
    %lt3A_1205 = arith.constant 504 : i32
    %lt3A_1206 = vector.broadcast %lt3A_1205 : i32 to vector<16xi32>
    %lt3A_1207 = arith.cmpi slt, %get3A_1198, %lt3A_1206 : vector<16xi32>
    %and3A_1208 = arith.andi %ge3A_1204, %lt3A_1207 : vector<16xi1>
    %add3A_1209 = arith.constant 64 : i32
    %add3A_1210 = vector.broadcast %add3A_1209 : i32 to vector<16xi32>
    %add3A_1211 = arith.addi %iota3A, %add3A_1210 : vector<16xi32>
    tpu.vector_store_idx %arg8[%sub3A_1201, %add3A_1211], %broadcast_in_dim3A_3 masked %and3A_1208 : memref<248x128xf32, #tpu.memory_space<vmem>>[vector<16xi32>, vector<16xi32>], vector<16xf32>, vector<16xi1>
    %get3A_1212 = arith.constant 208 : index
    %get3A_1213 = tpu.vector_load %arg6[%get3A_1212] {strides = array<i32>} : memref<512xi32, #tpu.memory_space<vmem>>, vector<16xi32>,
    %sub3A_1214 = arith.constant 256 : i32
    %sub3A_1215 = vector.broadcast %sub3A_1214 : i32 to vector<16xi32>
    %sub3A_1216 = arith.subi %get3A_1213, %sub3A_1215 : vector<16xi32>
    %ge3A_1217 = arith.constant 256 : i32
    %ge3A_1218 = vector.broadcast %ge3A_1217 : i32 to vector<16xi32>
    %ge3A_1219 = arith.cmpi sge, %get3A_1213, %ge3A_1218 : vector<16xi32>
    %lt3A_1220 = arith.constant 504 : i32
    %lt3A_1221 = vector.broadcast %lt3A_1220 : i32 to vector<16xi32>
    %lt3A_1222 = arith.cmpi slt, %get3A_1213, %lt3A_1221 : vector<16xi32>
    %and3A_1223 = arith.andi %ge3A_1219, %lt3A_1222 : vector<16xi1>
    %add3A_1224 = arith.constant 80 : i32
    %add3A_1225 = vector.broadcast %add3A_1224 : i32 to vector<16xi32>
    %add3A_1226 = arith.addi %iota3A, %add3A_1225 : vector<16xi32>
    tpu.vector_store_idx %arg8[%sub3A_1216, %add3A_1226], %broadcast_in_dim3A_3 masked %and3A_1223 : memref<248x128xf32, #tpu.memory_space<vmem>>[vector<16xi32>, vector<16xi32>], vector<16xf32>, vector<16xi1>
    %get3A_1227 = arith.constant 224 : index
    %get3A_1228 = tpu.vector_load %arg6[%get3A_1227] {strides = array<i32>} : memref<512xi32, #tpu.memory_space<vmem>>, vector<16xi32>,
    %sub3A_1229 = arith.constant 256 : i32
    %sub3A_1230 = vector.broadcast %sub3A_1229 : i32 to vector<16xi32>
    %sub3A_1231 = arith.subi %get3A_1228, %sub3A_1230 : vector<16xi32>
    %ge3A_1232 = arith.constant 256 : i32
    %ge3A_1233 = vector.broadcast %ge3A_1232 : i32 to vector<16xi32>
    %ge3A_1234 = arith.cmpi sge, %get3A_1228, %ge3A_1233 : vector<16xi32>
    %lt3A_1235 = arith.constant 504 : i32
    %lt3A_1236 = vector.broadcast %lt3A_1235 : i32 to vector<16xi32>
    %lt3A_1237 = arith.cmpi slt, %get3A_1228, %lt3A_1236 : vector<16xi32>
    %and3A_1238 = arith.andi %ge3A_1234, %lt3A_1237 : vector<16xi1>
    %add3A_1239 = arith.constant 96 : i32
    %add3A_1240 = vector.broadcast %add3A_1239 : i32 to vector<16xi32>
    %add3A_1241 = arith.addi %iota3A, %add3A_1240 : vector<16xi32>
    tpu.vector_store_idx %arg8[%sub3A_1231, %add3A_1241], %broadcast_in_dim3A_3 masked %and3A_1238 : memref<248x128xf32, #tpu.memory_space<vmem>>[vector<16xi32>, vector<16xi32>], vector<16xf32>, vector<16xi1>
    %get3A_1242 = arith.constant 240 : index
    %get3A_1243 = tpu.vector_load %arg6[%get3A_1242] {strides = array<i32>} : memref<512xi32, #tpu.memory_space<vmem>>, vector<16xi32>,
    %sub3A_1244 = arith.constant 256 : i32
    %sub3A_1245 = vector.broadcast %sub3A_1244 : i32 to vector<16xi32>
    %sub3A_1246 = arith.subi %get3A_1243, %sub3A_1245 : vector<16xi32>
    %ge3A_1247 = arith.constant 256 : i32
    %ge3A_1248 = vector.broadcast %ge3A_1247 : i32 to vector<16xi32>
    %ge3A_1249 = arith.cmpi sge, %get3A_1243, %ge3A_1248 : vector<16xi32>
    %lt3A_1250 = arith.constant 504 : i32
    %lt3A_1251 = vector.broadcast %lt3A_1250 : i32 to vector<16xi32>
    %lt3A_1252 = arith.cmpi slt, %get3A_1243, %lt3A_1251 : vector<16xi32>
    %and3A_1253 = arith.andi %ge3A_1249, %lt3A_1252 : vector<16xi1>
    %add3A_1254 = arith.constant 112 : i32
    %add3A_1255 = vector.broadcast %add3A_1254 : i32 to vector<16xi32>
    %add3A_1256 = arith.addi %iota3A, %add3A_1255 : vector<16xi32>
    tpu.vector_store_idx %arg8[%sub3A_1246, %add3A_1256], %broadcast_in_dim3A_3 masked %and3A_1253 : memref<248x128xf32, #tpu.memory_space<vmem>>[vector<16xi32>, vector<16xi32>], vector<16xf32>, vector<16xi1>
    %add3A_1257 = arith.constant 128 : i32
    %add3A_1258 = arith.addi %mul3A_2, %add3A_1257 : i32
    %dma_start3A_1259 = arith.constant 256 : i32
    %dma_start3A_1260 = tpu.memref_slice %arg5[%dma_start3A_1259, %add3A_1258] : memref<1000x16384xf32, #tpu.memory_space<hbm>> -> memref<248x128xf32, #tpu.memory_space<hbm>>
    %dma_start3A_1261 = arith.constant 256 : i32
    %dma_start3A_1262 = tpu.memref_slice %arg5[%dma_start3A_1261, %add3A_1258] : memref<1000x16384xf32, #tpu.memory_space<hbm>> -> memref<248x128xf32, #tpu.memory_space<hbm>>
    tpu.enqueue_dma source(%arg8 : memref<248x128xf32, #tpu.memory_space<vmem>>) target(%dma_start3A_1262 : memref<248x128xf32, #tpu.memory_space<hbm>>) target_semaphore(%arg10 : memref<!tpu.dma_semaphore, #tpu.memory_space<semaphore_mem>>)
    %dma_wait3A_1263 = arith.constant 0 : i32
    %dma_wait3A_1264 = tpu.memref_slice %arg5[%dma_wait3A_1263, %add3A_1002] : memref<1000x16384xf32, #tpu.memory_space<hbm>> -> memref<256x128xf32, #tpu.memory_space<hbm>>
    %dma_wait3A_1265 = arith.constant 0 : i32
    %dma_wait3A_1266 = tpu.memref_slice %arg5[%dma_wait3A_1265, %add3A_1002] : memref<1000x16384xf32, #tpu.memory_space<hbm>> -> memref<256x128xf32, #tpu.memory_space<hbm>>
    tpu.wait_dma2 semaphore(%arg9 : memref<!tpu.dma_semaphore, #tpu.memory_space<semaphore_mem>>) src(%arg7 : memref<256x128xf32, #tpu.memory_space<vmem>>) dst(%dma_wait3A_1266 : memref<256x128xf32, #tpu.memory_space<hbm>>)
    %get3A_1267 = arith.constant 128 : index
    %get3A_1268 = tpu.vector_load %arg6[%get3A_1267] {strides = array<i32>} : memref<512xi32, #tpu.memory_space<vmem>>, vector<16xi32>,
    %sub3A_1269 = arith.constant 0 : i32
    %sub3A_1270 = vector.broadcast %sub3A_1269 : i32 to vector<16xi32>
    %sub3A_1271 = arith.subi %get3A_1268, %sub3A_1270 : vector<16xi32>
    %ge3A_1272 = arith.constant 0 : i32
    %ge3A_1273 = vector.broadcast %ge3A_1272 : i32 to vector<16xi32>
    %ge3A_1274 = arith.cmpi sge, %get3A_1268, %ge3A_1273 : vector<16xi32>
    %lt3A_1275 = arith.constant 256 : i32
    %lt3A_1276 = vector.broadcast %lt3A_1275 : i32 to vector<16xi32>
    %lt3A_1277 = arith.cmpi slt, %get3A_1268, %lt3A_1276 : vector<16xi32>
    %and3A_1278 = arith.andi %ge3A_1274, %lt3A_1277 : vector<16xi1>
    %add3A_1279 = arith.constant 0 : i32
    %add3A_1280 = vector.broadcast %add3A_1279 : i32 to vector<16xi32>
    %add3A_1281 = arith.addi %iota3A, %add3A_1280 : vector<16xi32>
    tpu.vector_store_idx %arg7[%sub3A_1271, %add3A_1281], %broadcast_in_dim3A_5 masked %and3A_1278 : memref<256x128xf32, #tpu.memory_space<vmem>>[vector<16xi32>, vector<16xi32>], vector<16xf32>, vector<16xi1>
    %get3A_1282 = arith.constant 144 : index
    %get3A_1283 = tpu.vector_load %arg6[%get3A_1282] {strides = array<i32>} : memref<512xi32, #tpu.memory_space<vmem>>, vector<16xi32>,
    %sub3A_1284 = arith.constant 0 : i32
    %sub3A_1285 = vector.broadcast %sub3A_1284 : i32 to vector<16xi32>
    %sub3A_1286 = arith.subi %get3A_1283, %sub3A_1285 : vector<16xi32>
    %ge3A_1287 = arith.constant 0 : i32
    %ge3A_1288 = vector.broadcast %ge3A_1287 : i32 to vector<16xi32>
    %ge3A_1289 = arith.cmpi sge, %get3A_1283, %ge3A_1288 : vector<16xi32>
    %lt3A_1290 = arith.constant 256 : i32
    %lt3A_1291 = vector.broadcast %lt3A_1290 : i32 to vector<16xi32>
    %lt3A_1292 = arith.cmpi slt, %get3A_1283, %lt3A_1291 : vector<16xi32>
    %and3A_1293 = arith.andi %ge3A_1289, %lt3A_1292 : vector<16xi1>
    %add3A_1294 = arith.constant 16 : i32
    %add3A_1295 = vector.broadcast %add3A_1294 : i32 to vector<16xi32>
    %add3A_1296 = arith.addi %iota3A, %add3A_1295 : vector<16xi32>
    tpu.vector_store_idx %arg7[%sub3A_1286, %add3A_1296], %broadcast_in_dim3A_5 masked %and3A_1293 : memref<256x128xf32, #tpu.memory_space<vmem>>[vector<16xi32>, vector<16xi32>], vector<16xf32>, vector<16xi1>
    %get3A_1297 = arith.constant 160 : index
    %get3A_1298 = tpu.vector_load %arg6[%get3A_1297] {strides = array<i32>} : memref<512xi32, #tpu.memory_space<vmem>>, vector<16xi32>,
    %sub3A_1299 = arith.constant 0 : i32
    %sub3A_1300 = vector.broadcast %sub3A_1299 : i32 to vector<16xi32>
    %sub3A_1301 = arith.subi %get3A_1298, %sub3A_1300 : vector<16xi32>
    %ge3A_1302 = arith.constant 0 : i32
    %ge3A_1303 = vector.broadcast %ge3A_1302 : i32 to vector<16xi32>
    %ge3A_1304 = arith.cmpi sge, %get3A_1298, %ge3A_1303 : vector<16xi32>
    %lt3A_1305 = arith.constant 256 : i32
    %lt3A_1306 = vector.broadcast %lt3A_1305 : i32 to vector<16xi32>
    %lt3A_1307 = arith.cmpi slt, %get3A_1298, %lt3A_1306 : vector<16xi32>
    %and3A_1308 = arith.andi %ge3A_1304, %lt3A_1307 : vector<16xi1>
    %add3A_1309 = arith.constant 32 : i32
    %add3A_1310 = vector.broadcast %add3A_1309 : i32 to vector<16xi32>
    %add3A_1311 = arith.addi %iota3A, %add3A_1310 : vector<16xi32>
    tpu.vector_store_idx %arg7[%sub3A_1301, %add3A_1311], %broadcast_in_dim3A_5 masked %and3A_1308 : memref<256x128xf32, #tpu.memory_space<vmem>>[vector<16xi32>, vector<16xi32>], vector<16xf32>, vector<16xi1>
    %get3A_1312 = arith.constant 176 : index
    %get3A_1313 = tpu.vector_load %arg6[%get3A_1312] {strides = array<i32>} : memref<512xi32, #tpu.memory_space<vmem>>, vector<16xi32>,
    %sub3A_1314 = arith.constant 0 : i32
    %sub3A_1315 = vector.broadcast %sub3A_1314 : i32 to vector<16xi32>
    %sub3A_1316 = arith.subi %get3A_1313, %sub3A_1315 : vector<16xi32>
    %ge3A_1317 = arith.constant 0 : i32
    %ge3A_1318 = vector.broadcast %ge3A_1317 : i32 to vector<16xi32>
    %ge3A_1319 = arith.cmpi sge, %get3A_1313, %ge3A_1318 : vector<16xi32>
    %lt3A_1320 = arith.constant 256 : i32
    %lt3A_1321 = vector.broadcast %lt3A_1320 : i32 to vector<16xi32>
    %lt3A_1322 = arith.cmpi slt, %get3A_1313, %lt3A_1321 : vector<16xi32>
    %and3A_1323 = arith.andi %ge3A_1319, %lt3A_1322 : vector<16xi1>
    %add3A_1324 = arith.constant 48 : i32
    %add3A_1325 = vector.broadcast %add3A_1324 : i32 to vector<16xi32>
    %add3A_1326 = arith.addi %iota3A, %add3A_1325 : vector<16xi32>
    tpu.vector_store_idx %arg7[%sub3A_1316, %add3A_1326], %broadcast_in_dim3A_5 masked %and3A_1323 : memref<256x128xf32, #tpu.memory_space<vmem>>[vector<16xi32>, vector<16xi32>], vector<16xf32>, vector<16xi1>
    %get3A_1327 = arith.constant 192 : index
    %get3A_1328 = tpu.vector_load %arg6[%get3A_1327] {strides = array<i32>} : memref<512xi32, #tpu.memory_space<vmem>>, vector<16xi32>,
    %sub3A_1329 = arith.constant 0 : i32
    %sub3A_1330 = vector.broadcast %sub3A_1329 : i32 to vector<16xi32>
    %sub3A_1331 = arith.subi %get3A_1328, %sub3A_1330 : vector<16xi32>
    %ge3A_1332 = arith.constant 0 : i32
    %ge3A_1333 = vector.broadcast %ge3A_1332 : i32 to vector<16xi32>
    %ge3A_1334 = arith.cmpi sge, %get3A_1328, %ge3A_1333 : vector<16xi32>
    %lt3A_1335 = arith.constant 256 : i32
    %lt3A_1336 = vector.broadcast %lt3A_1335 : i32 to vector<16xi32>
    %lt3A_1337 = arith.cmpi slt, %get3A_1328, %lt3A_1336 : vector<16xi32>
    %and3A_1338 = arith.andi %ge3A_1334, %lt3A_1337 : vector<16xi1>
    %add3A_1339 = arith.constant 64 : i32
    %add3A_1340 = vector.broadcast %add3A_1339 : i32 to vector<16xi32>
    %add3A_1341 = arith.addi %iota3A, %add3A_1340 : vector<16xi32>
    tpu.vector_store_idx %arg7[%sub3A_1331, %add3A_1341], %broadcast_in_dim3A_5 masked %and3A_1338 : memref<256x128xf32, #tpu.memory_space<vmem>>[vector<16xi32>, vector<16xi32>], vector<16xf32>, vector<16xi1>
    %get3A_1342 = arith.constant 208 : index
    %get3A_1343 = tpu.vector_load %arg6[%get3A_1342] {strides = array<i32>} : memref<512xi32, #tpu.memory_space<vmem>>, vector<16xi32>,
    %sub3A_1344 = arith.constant 0 : i32
    %sub3A_1345 = vector.broadcast %sub3A_1344 : i32 to vector<16xi32>
    %sub3A_1346 = arith.subi %get3A_1343, %sub3A_1345 : vector<16xi32>
    %ge3A_1347 = arith.constant 0 : i32
    %ge3A_1348 = vector.broadcast %ge3A_1347 : i32 to vector<16xi32>
    %ge3A_1349 = arith.cmpi sge, %get3A_1343, %ge3A_1348 : vector<16xi32>
    %lt3A_1350 = arith.constant 256 : i32
    %lt3A_1351 = vector.broadcast %lt3A_1350 : i32 to vector<16xi32>
    %lt3A_1352 = arith.cmpi slt, %get3A_1343, %lt3A_1351 : vector<16xi32>
    %and3A_1353 = arith.andi %ge3A_1349, %lt3A_1352 : vector<16xi1>
    %add3A_1354 = arith.constant 80 : i32
    %add3A_1355 = vector.broadcast %add3A_1354 : i32 to vector<16xi32>
    %add3A_1356 = arith.addi %iota3A, %add3A_1355 : vector<16xi32>
    tpu.vector_store_idx %arg7[%sub3A_1346, %add3A_1356], %broadcast_in_dim3A_5 masked %and3A_1353 : memref<256x128xf32, #tpu.memory_space<vmem>>[vector<16xi32>, vector<16xi32>], vector<16xf32>, vector<16xi1>
    %get3A_1357 = arith.constant 224 : index
    %get3A_1358 = tpu.vector_load %arg6[%get3A_1357] {strides = array<i32>} : memref<512xi32, #tpu.memory_space<vmem>>, vector<16xi32>,
    %sub3A_1359 = arith.constant 0 : i32
    %sub3A_1360 = vector.broadcast %sub3A_1359 : i32 to vector<16xi32>
    %sub3A_1361 = arith.subi %get3A_1358, %sub3A_1360 : vector<16xi32>
    %ge3A_1362 = arith.constant 0 : i32
    %ge3A_1363 = vector.broadcast %ge3A_1362 : i32 to vector<16xi32>
    %ge3A_1364 = arith.cmpi sge, %get3A_1358, %ge3A_1363 : vector<16xi32>
    %lt3A_1365 = arith.constant 256 : i32
    %lt3A_1366 = vector.broadcast %lt3A_1365 : i32 to vector<16xi32>
    %lt3A_1367 = arith.cmpi slt, %get3A_1358, %lt3A_1366 : vector<16xi32>
    %and3A_1368 = arith.andi %ge3A_1364, %lt3A_1367 : vector<16xi1>
    %add3A_1369 = arith.constant 96 : i32
    %add3A_1370 = vector.broadcast %add3A_1369 : i32 to vector<16xi32>
    %add3A_1371 = arith.addi %iota3A, %add3A_1370 : vector<16xi32>
    tpu.vector_store_idx %arg7[%sub3A_1361, %add3A_1371], %broadcast_in_dim3A_5 masked %and3A_1368 : memref<256x128xf32, #tpu.memory_space<vmem>>[vector<16xi32>, vector<16xi32>], vector<16xf32>, vector<16xi1>
    %get3A_1372 = arith.constant 240 : index
    %get3A_1373 = tpu.vector_load %arg6[%get3A_1372] {strides = array<i32>} : memref<512xi32, #tpu.memory_space<vmem>>, vector<16xi32>,
    %sub3A_1374 = arith.constant 0 : i32
    %sub3A_1375 = vector.broadcast %sub3A_1374 : i32 to vector<16xi32>
    %sub3A_1376 = arith.subi %get3A_1373, %sub3A_1375 : vector<16xi32>
    %ge3A_1377 = arith.constant 0 : i32
    %ge3A_1378 = vector.broadcast %ge3A_1377 : i32 to vector<16xi32>
    %ge3A_1379 = arith.cmpi sge, %get3A_1373, %ge3A_1378 : vector<16xi32>
    %lt3A_1380 = arith.constant 256 : i32
    %lt3A_1381 = vector.broadcast %lt3A_1380 : i32 to vector<16xi32>
    %lt3A_1382 = arith.cmpi slt, %get3A_1373, %lt3A_1381 : vector<16xi32>
    %and3A_1383 = arith.andi %ge3A_1379, %lt3A_1382 : vector<16xi1>
    %add3A_1384 = arith.constant 112 : i32
    %add3A_1385 = vector.broadcast %add3A_1384 : i32 to vector<16xi32>
    %add3A_1386 = arith.addi %iota3A, %add3A_1385 : vector<16xi32>
    tpu.vector_store_idx %arg7[%sub3A_1376, %add3A_1386], %broadcast_in_dim3A_5 masked %and3A_1383 : memref<256x128xf32, #tpu.memory_space<vmem>>[vector<16xi32>, vector<16xi32>], vector<16xf32>, vector<16xi1>
    %get3A_1387 = arith.constant 128 : index
    %get3A_1388 = tpu.vector_load %arg6[%get3A_1387] {strides = array<i32>} : memref<512xi32, #tpu.memory_space<vmem>>, vector<16xi32>,
    %sub3A_1389 = arith.constant 504 : i32
    %sub3A_1390 = vector.broadcast %sub3A_1389 : i32 to vector<16xi32>
    %sub3A_1391 = arith.subi %get3A_1388, %sub3A_1390 : vector<16xi32>
    %ge3A_1392 = arith.constant 504 : i32
    %ge3A_1393 = vector.broadcast %ge3A_1392 : i32 to vector<16xi32>
    %ge3A_1394 = arith.cmpi sge, %get3A_1388, %ge3A_1393 : vector<16xi32>
    %lt3A_1395 = arith.constant 760 : i32
    %lt3A_1396 = vector.broadcast %lt3A_1395 : i32 to vector<16xi32>
    %lt3A_1397 = arith.cmpi slt, %get3A_1388, %lt3A_1396 : vector<16xi32>
    %and3A_1398 = arith.andi %ge3A_1394, %lt3A_1397 : vector<16xi1>
    %add3A_1399 = arith.constant 0 : i32
    %add3A_1400 = vector.broadcast %add3A_1399 : i32 to vector<16xi32>
    %add3A_1401 = arith.addi %iota3A, %add3A_1400 : vector<16xi32>
    tpu.vector_store_idx %arg7[%sub3A_1391, %add3A_1401], %broadcast_in_dim3A_3 masked %and3A_1398 : memref<256x128xf32, #tpu.memory_space<vmem>>[vector<16xi32>, vector<16xi32>], vector<16xf32>, vector<16xi1>
    %get3A_1402 = arith.constant 144 : index
    %get3A_1403 = tpu.vector_load %arg6[%get3A_1402] {strides = array<i32>} : memref<512xi32, #tpu.memory_space<vmem>>, vector<16xi32>,
    %sub3A_1404 = arith.constant 504 : i32
    %sub3A_1405 = vector.broadcast %sub3A_1404 : i32 to vector<16xi32>
    %sub3A_1406 = arith.subi %get3A_1403, %sub3A_1405 : vector<16xi32>
    %ge3A_1407 = arith.constant 504 : i32
    %ge3A_1408 = vector.broadcast %ge3A_1407 : i32 to vector<16xi32>
    %ge3A_1409 = arith.cmpi sge, %get3A_1403, %ge3A_1408 : vector<16xi32>
    %lt3A_1410 = arith.constant 760 : i32
    %lt3A_1411 = vector.broadcast %lt3A_1410 : i32 to vector<16xi32>
    %lt3A_1412 = arith.cmpi slt, %get3A_1403, %lt3A_1411 : vector<16xi32>
    %and3A_1413 = arith.andi %ge3A_1409, %lt3A_1412 : vector<16xi1>
    %add3A_1414 = arith.constant 16 : i32
    %add3A_1415 = vector.broadcast %add3A_1414 : i32 to vector<16xi32>
    %add3A_1416 = arith.addi %iota3A, %add3A_1415 : vector<16xi32>
    tpu.vector_store_idx %arg7[%sub3A_1406, %add3A_1416], %broadcast_in_dim3A_3 masked %and3A_1413 : memref<256x128xf32, #tpu.memory_space<vmem>>[vector<16xi32>, vector<16xi32>], vector<16xf32>, vector<16xi1>
    %get3A_1417 = arith.constant 160 : index
    %get3A_1418 = tpu.vector_load %arg6[%get3A_1417] {strides = array<i32>} : memref<512xi32, #tpu.memory_space<vmem>>, vector<16xi32>,
    %sub3A_1419 = arith.constant 504 : i32
    %sub3A_1420 = vector.broadcast %sub3A_1419 : i32 to vector<16xi32>
    %sub3A_1421 = arith.subi %get3A_1418, %sub3A_1420 : vector<16xi32>
    %ge3A_1422 = arith.constant 504 : i32
    %ge3A_1423 = vector.broadcast %ge3A_1422 : i32 to vector<16xi32>
    %ge3A_1424 = arith.cmpi sge, %get3A_1418, %ge3A_1423 : vector<16xi32>
    %lt3A_1425 = arith.constant 760 : i32
    %lt3A_1426 = vector.broadcast %lt3A_1425 : i32 to vector<16xi32>
    %lt3A_1427 = arith.cmpi slt, %get3A_1418, %lt3A_1426 : vector<16xi32>
    %and3A_1428 = arith.andi %ge3A_1424, %lt3A_1427 : vector<16xi1>
    %add3A_1429 = arith.constant 32 : i32
    %add3A_1430 = vector.broadcast %add3A_1429 : i32 to vector<16xi32>
    %add3A_1431 = arith.addi %iota3A, %add3A_1430 : vector<16xi32>
    tpu.vector_store_idx %arg7[%sub3A_1421, %add3A_1431], %broadcast_in_dim3A_3 masked %and3A_1428 : memref<256x128xf32, #tpu.memory_space<vmem>>[vector<16xi32>, vector<16xi32>], vector<16xf32>, vector<16xi1>
    %get3A_1432 = arith.constant 176 : index
    %get3A_1433 = tpu.vector_load %arg6[%get3A_1432] {strides = array<i32>} : memref<512xi32, #tpu.memory_space<vmem>>, vector<16xi32>,
    %sub3A_1434 = arith.constant 504 : i32
    %sub3A_1435 = vector.broadcast %sub3A_1434 : i32 to vector<16xi32>
    %sub3A_1436 = arith.subi %get3A_1433, %sub3A_1435 : vector<16xi32>
    %ge3A_1437 = arith.constant 504 : i32
    %ge3A_1438 = vector.broadcast %ge3A_1437 : i32 to vector<16xi32>
    %ge3A_1439 = arith.cmpi sge, %get3A_1433, %ge3A_1438 : vector<16xi32>
    %lt3A_1440 = arith.constant 760 : i32
    %lt3A_1441 = vector.broadcast %lt3A_1440 : i32 to vector<16xi32>
    %lt3A_1442 = arith.cmpi slt, %get3A_1433, %lt3A_1441 : vector<16xi32>
    %and3A_1443 = arith.andi %ge3A_1439, %lt3A_1442 : vector<16xi1>
    %add3A_1444 = arith.constant 48 : i32
    %add3A_1445 = vector.broadcast %add3A_1444 : i32 to vector<16xi32>
    %add3A_1446 = arith.addi %iota3A, %add3A_1445 : vector<16xi32>
    tpu.vector_store_idx %arg7[%sub3A_1436, %add3A_1446], %broadcast_in_dim3A_3 masked %and3A_1443 : memref<256x128xf32, #tpu.memory_space<vmem>>[vector<16xi32>, vector<16xi32>], vector<16xf32>, vector<16xi1>
    %get3A_1447 = arith.constant 192 : index
    %get3A_1448 = tpu.vector_load %arg6[%get3A_1447] {strides = array<i32>} : memref<512xi32, #tpu.memory_space<vmem>>, vector<16xi32>,
    %sub3A_1449 = arith.constant 504 : i32
    %sub3A_1450 = vector.broadcast %sub3A_1449 : i32 to vector<16xi32>
    %sub3A_1451 = arith.subi %get3A_1448, %sub3A_1450 : vector<16xi32>
    %ge3A_1452 = arith.constant 504 : i32
    %ge3A_1453 = vector.broadcast %ge3A_1452 : i32 to vector<16xi32>
    %ge3A_1454 = arith.cmpi sge, %get3A_1448, %ge3A_1453 : vector<16xi32>
    %lt3A_1455 = arith.constant 760 : i32
    %lt3A_1456 = vector.broadcast %lt3A_1455 : i32 to vector<16xi32>
    %lt3A_1457 = arith.cmpi slt, %get3A_1448, %lt3A_1456 : vector<16xi32>
    %and3A_1458 = arith.andi %ge3A_1454, %lt3A_1457 : vector<16xi1>
    %add3A_1459 = arith.constant 64 : i32
    %add3A_1460 = vector.broadcast %add3A_1459 : i32 to vector<16xi32>
    %add3A_1461 = arith.addi %iota3A, %add3A_1460 : vector<16xi32>
    tpu.vector_store_idx %arg7[%sub3A_1451, %add3A_1461], %broadcast_in_dim3A_3 masked %and3A_1458 : memref<256x128xf32, #tpu.memory_space<vmem>>[vector<16xi32>, vector<16xi32>], vector<16xf32>, vector<16xi1>
    %get3A_1462 = arith.constant 208 : index
    %get3A_1463 = tpu.vector_load %arg6[%get3A_1462] {strides = array<i32>} : memref<512xi32, #tpu.memory_space<vmem>>, vector<16xi32>,
    %sub3A_1464 = arith.constant 504 : i32
    %sub3A_1465 = vector.broadcast %sub3A_1464 : i32 to vector<16xi32>
    %sub3A_1466 = arith.subi %get3A_1463, %sub3A_1465 : vector<16xi32>
    %ge3A_1467 = arith.constant 504 : i32
    %ge3A_1468 = vector.broadcast %ge3A_1467 : i32 to vector<16xi32>
    %ge3A_1469 = arith.cmpi sge, %get3A_1463, %ge3A_1468 : vector<16xi32>
    %lt3A_1470 = arith.constant 760 : i32
    %lt3A_1471 = vector.broadcast %lt3A_1470 : i32 to vector<16xi32>
    %lt3A_1472 = arith.cmpi slt, %get3A_1463, %lt3A_1471 : vector<16xi32>
    %and3A_1473 = arith.andi %ge3A_1469, %lt3A_1472 : vector<16xi1>
    %add3A_1474 = arith.constant 80 : i32
    %add3A_1475 = vector.broadcast %add3A_1474 : i32 to vector<16xi32>
    %add3A_1476 = arith.addi %iota3A, %add3A_1475 : vector<16xi32>
    tpu.vector_store_idx %arg7[%sub3A_1466, %add3A_1476], %broadcast_in_dim3A_3 masked %and3A_1473 : memref<256x128xf32, #tpu.memory_space<vmem>>[vector<16xi32>, vector<16xi32>], vector<16xf32>, vector<16xi1>
    %get3A_1477 = arith.constant 224 : index
    %get3A_1478 = tpu.vector_load %arg6[%get3A_1477] {strides = array<i32>} : memref<512xi32, #tpu.memory_space<vmem>>, vector<16xi32>,
    %sub3A_1479 = arith.constant 504 : i32
    %sub3A_1480 = vector.broadcast %sub3A_1479 : i32 to vector<16xi32>
    %sub3A_1481 = arith.subi %get3A_1478, %sub3A_1480 : vector<16xi32>
    %ge3A_1482 = arith.constant 504 : i32
    %ge3A_1483 = vector.broadcast %ge3A_1482 : i32 to vector<16xi32>
    %ge3A_1484 = arith.cmpi sge, %get3A_1478, %ge3A_1483 : vector<16xi32>
    %lt3A_1485 = arith.constant 760 : i32
    %lt3A_1486 = vector.broadcast %lt3A_1485 : i32 to vector<16xi32>
    %lt3A_1487 = arith.cmpi slt, %get3A_1478, %lt3A_1486 : vector<16xi32>
    %and3A_1488 = arith.andi %ge3A_1484, %lt3A_1487 : vector<16xi1>
    %add3A_1489 = arith.constant 96 : i32
    %add3A_1490 = vector.broadcast %add3A_1489 : i32 to vector<16xi32>
    %add3A_1491 = arith.addi %iota3A, %add3A_1490 : vector<16xi32>
    tpu.vector_store_idx %arg7[%sub3A_1481, %add3A_1491], %broadcast_in_dim3A_3 masked %and3A_1488 : memref<256x128xf32, #tpu.memory_space<vmem>>[vector<16xi32>, vector<16xi32>], vector<16xf32>, vector<16xi1>
    %get3A_1492 = arith.constant 240 : index
    %get3A_1493 = tpu.vector_load %arg6[%get3A_1492] {strides = array<i32>} : memref<512xi32, #tpu.memory_space<vmem>>, vector<16xi32>,
    %sub3A_1494 = arith.constant 504 : i32
    %sub3A_1495 = vector.broadcast %sub3A_1494 : i32 to vector<16xi32>
    %sub3A_1496 = arith.subi %get3A_1493, %sub3A_1495 : vector<16xi32>
    %ge3A_1497 = arith.constant 504 : i32
    %ge3A_1498 = vector.broadcast %ge3A_1497 : i32 to vector<16xi32>
    %ge3A_1499 = arith.cmpi sge, %get3A_1493, %ge3A_1498 : vector<16xi32>
    %lt3A_1500 = arith.constant 760 : i32
    %lt3A_1501 = vector.broadcast %lt3A_1500 : i32 to vector<16xi32>
    %lt3A_1502 = arith.cmpi slt, %get3A_1493, %lt3A_1501 : vector<16xi32>
    %and3A_1503 = arith.andi %ge3A_1499, %lt3A_1502 : vector<16xi1>
    %add3A_1504 = arith.constant 112 : i32
    %add3A_1505 = vector.broadcast %add3A_1504 : i32 to vector<16xi32>
    %add3A_1506 = arith.addi %iota3A, %add3A_1505 : vector<16xi32>
    tpu.vector_store_idx %arg7[%sub3A_1496, %add3A_1506], %broadcast_in_dim3A_3 masked %and3A_1503 : memref<256x128xf32, #tpu.memory_space<vmem>>[vector<16xi32>, vector<16xi32>], vector<16xf32>, vector<16xi1>
    %add3A_1507 = arith.constant 128 : i32
    %add3A_1508 = arith.addi %mul3A_2, %add3A_1507 : i32
    %dma_start3A_1509 = arith.constant 504 : i32
    %dma_start3A_1510 = tpu.memref_slice %arg5[%dma_start3A_1509, %add3A_1508] : memref<1000x16384xf32, #tpu.memory_space<hbm>> -> memref<256x128xf32, #tpu.memory_space<hbm>>
    %dma_start3A_1511 = arith.constant 504 : i32
    %dma_start3A_1512 = tpu.memref_slice %arg5[%dma_start3A_1511, %add3A_1508] : memref<1000x16384xf32, #tpu.memory_space<hbm>> -> memref<256x128xf32, #tpu.memory_space<hbm>>
    tpu.enqueue_dma source(%arg7 : memref<256x128xf32, #tpu.memory_space<vmem>>) target(%dma_start3A_1512 : memref<256x128xf32, #tpu.memory_space<hbm>>) target_semaphore(%arg9 : memref<!tpu.dma_semaphore, #tpu.memory_space<semaphore_mem>>)
    %dma_wait3A_1513 = arith.constant 256 : i32
    %dma_wait3A_1514 = tpu.memref_slice %arg5[%dma_wait3A_1513, %add3A_1258] : memref<1000x16384xf32, #tpu.memory_space<hbm>> -> memref<248x128xf32, #tpu.memory_space<hbm>>
    %dma_wait3A_1515 = arith.constant 256 : i32
    %dma_wait3A_1516 = tpu.memref_slice %arg5[%dma_wait3A_1515, %add3A_1258] : memref<1000x16384xf32, #tpu.memory_space<hbm>> -> memref<248x128xf32, #tpu.memory_space<hbm>>
    tpu.wait_dma2 semaphore(%arg10 : memref<!tpu.dma_semaphore, #tpu.memory_space<semaphore_mem>>) src(%arg8 : memref<248x128xf32, #tpu.memory_space<vmem>>) dst(%dma_wait3A_1516 : memref<248x128xf32, #tpu.memory_space<hbm>>)
    %get3A_1517 = arith.constant 128 : index
    %get3A_1518 = tpu.vector_load %arg6[%get3A_1517] {strides = array<i32>} : memref<512xi32, #tpu.memory_space<vmem>>, vector<16xi32>,
    %sub3A_1519 = arith.constant 256 : i32
    %sub3A_1520 = vector.broadcast %sub3A_1519 : i32 to vector<16xi32>
    %sub3A_1521 = arith.subi %get3A_1518, %sub3A_1520 : vector<16xi32>
    %ge3A_1522 = arith.constant 256 : i32
    %ge3A_1523 = vector.broadcast %ge3A_1522 : i32 to vector<16xi32>
    %ge3A_1524 = arith.cmpi sge, %get3A_1518, %ge3A_1523 : vector<16xi32>
    %lt3A_1525 = arith.constant 504 : i32
    %lt3A_1526 = vector.broadcast %lt3A_1525 : i32 to vector<16xi32>
    %lt3A_1527 = arith.cmpi slt, %get3A_1518, %lt3A_1526 : vector<16xi32>
    %and3A_1528 = arith.andi %ge3A_1524, %lt3A_1527 : vector<16xi1>
    %add3A_1529 = arith.constant 0 : i32
    %add3A_1530 = vector.broadcast %add3A_1529 : i32 to vector<16xi32>
    %add3A_1531 = arith.addi %iota3A, %add3A_1530 : vector<16xi32>
    tpu.vector_store_idx %arg8[%sub3A_1521, %add3A_1531], %broadcast_in_dim3A_5 masked %and3A_1528 : memref<248x128xf32, #tpu.memory_space<vmem>>[vector<16xi32>, vector<16xi32>], vector<16xf32>, vector<16xi1>
    %get3A_1532 = arith.constant 144 : index
    %get3A_1533 = tpu.vector_load %arg6[%get3A_1532] {strides = array<i32>} : memref<512xi32, #tpu.memory_space<vmem>>, vector<16xi32>,
    %sub3A_1534 = arith.constant 256 : i32
    %sub3A_1535 = vector.broadcast %sub3A_1534 : i32 to vector<16xi32>
    %sub3A_1536 = arith.subi %get3A_1533, %sub3A_1535 : vector<16xi32>
    %ge3A_1537 = arith.constant 256 : i32
    %ge3A_1538 = vector.broadcast %ge3A_1537 : i32 to vector<16xi32>
    %ge3A_1539 = arith.cmpi sge, %get3A_1533, %ge3A_1538 : vector<16xi32>
    %lt3A_1540 = arith.constant 504 : i32
    %lt3A_1541 = vector.broadcast %lt3A_1540 : i32 to vector<16xi32>
    %lt3A_1542 = arith.cmpi slt, %get3A_1533, %lt3A_1541 : vector<16xi32>
    %and3A_1543 = arith.andi %ge3A_1539, %lt3A_1542 : vector<16xi1>
    %add3A_1544 = arith.constant 16 : i32
    %add3A_1545 = vector.broadcast %add3A_1544 : i32 to vector<16xi32>
    %add3A_1546 = arith.addi %iota3A, %add3A_1545 : vector<16xi32>
    tpu.vector_store_idx %arg8[%sub3A_1536, %add3A_1546], %broadcast_in_dim3A_5 masked %and3A_1543 : memref<248x128xf32, #tpu.memory_space<vmem>>[vector<16xi32>, vector<16xi32>], vector<16xf32>, vector<16xi1>
    %get3A_1547 = arith.constant 160 : index
    %get3A_1548 = tpu.vector_load %arg6[%get3A_1547] {strides = array<i32>} : memref<512xi32, #tpu.memory_space<vmem>>, vector<16xi32>,
    %sub3A_1549 = arith.constant 256 : i32
    %sub3A_1550 = vector.broadcast %sub3A_1549 : i32 to vector<16xi32>
    %sub3A_1551 = arith.subi %get3A_1548, %sub3A_1550 : vector<16xi32>
    %ge3A_1552 = arith.constant 256 : i32
    %ge3A_1553 = vector.broadcast %ge3A_1552 : i32 to vector<16xi32>
    %ge3A_1554 = arith.cmpi sge, %get3A_1548, %ge3A_1553 : vector<16xi32>
    %lt3A_1555 = arith.constant 504 : i32
    %lt3A_1556 = vector.broadcast %lt3A_1555 : i32 to vector<16xi32>
    %lt3A_1557 = arith.cmpi slt, %get3A_1548, %lt3A_1556 : vector<16xi32>
    %and3A_1558 = arith.andi %ge3A_1554, %lt3A_1557 : vector<16xi1>
    %add3A_1559 = arith.constant 32 : i32
    %add3A_1560 = vector.broadcast %add3A_1559 : i32 to vector<16xi32>
    %add3A_1561 = arith.addi %iota3A, %add3A_1560 : vector<16xi32>
    tpu.vector_store_idx %arg8[%sub3A_1551, %add3A_1561], %broadcast_in_dim3A_5 masked %and3A_1558 : memref<248x128xf32, #tpu.memory_space<vmem>>[vector<16xi32>, vector<16xi32>], vector<16xf32>, vector<16xi1>
    %get3A_1562 = arith.constant 176 : index
    %get3A_1563 = tpu.vector_load %arg6[%get3A_1562] {strides = array<i32>} : memref<512xi32, #tpu.memory_space<vmem>>, vector<16xi32>,
    %sub3A_1564 = arith.constant 256 : i32
    %sub3A_1565 = vector.broadcast %sub3A_1564 : i32 to vector<16xi32>
    %sub3A_1566 = arith.subi %get3A_1563, %sub3A_1565 : vector<16xi32>
    %ge3A_1567 = arith.constant 256 : i32
    %ge3A_1568 = vector.broadcast %ge3A_1567 : i32 to vector<16xi32>
    %ge3A_1569 = arith.cmpi sge, %get3A_1563, %ge3A_1568 : vector<16xi32>
    %lt3A_1570 = arith.constant 504 : i32
    %lt3A_1571 = vector.broadcast %lt3A_1570 : i32 to vector<16xi32>
    %lt3A_1572 = arith.cmpi slt, %get3A_1563, %lt3A_1571 : vector<16xi32>
    %and3A_1573 = arith.andi %ge3A_1569, %lt3A_1572 : vector<16xi1>
    %add3A_1574 = arith.constant 48 : i32
    %add3A_1575 = vector.broadcast %add3A_1574 : i32 to vector<16xi32>
    %add3A_1576 = arith.addi %iota3A, %add3A_1575 : vector<16xi32>
    tpu.vector_store_idx %arg8[%sub3A_1566, %add3A_1576], %broadcast_in_dim3A_5 masked %and3A_1573 : memref<248x128xf32, #tpu.memory_space<vmem>>[vector<16xi32>, vector<16xi32>], vector<16xf32>, vector<16xi1>
    %get3A_1577 = arith.constant 192 : index
    %get3A_1578 = tpu.vector_load %arg6[%get3A_1577] {strides = array<i32>} : memref<512xi32, #tpu.memory_space<vmem>>, vector<16xi32>,
    %sub3A_1579 = arith.constant 256 : i32
    %sub3A_1580 = vector.broadcast %sub3A_1579 : i32 to vector<16xi32>
    %sub3A_1581 = arith.subi %get3A_1578, %sub3A_1580 : vector<16xi32>
    %ge3A_1582 = arith.constant 256 : i32
    %ge3A_1583 = vector.broadcast %ge3A_1582 : i32 to vector<16xi32>
    %ge3A_1584 = arith.cmpi sge, %get3A_1578, %ge3A_1583 : vector<16xi32>
    %lt3A_1585 = arith.constant 504 : i32
    %lt3A_1586 = vector.broadcast %lt3A_1585 : i32 to vector<16xi32>
    %lt3A_1587 = arith.cmpi slt, %get3A_1578, %lt3A_1586 : vector<16xi32>
    %and3A_1588 = arith.andi %ge3A_1584, %lt3A_1587 : vector<16xi1>
    %add3A_1589 = arith.constant 64 : i32
    %add3A_1590 = vector.broadcast %add3A_1589 : i32 to vector<16xi32>
    %add3A_1591 = arith.addi %iota3A, %add3A_1590 : vector<16xi32>
    tpu.vector_store_idx %arg8[%sub3A_1581, %add3A_1591], %broadcast_in_dim3A_5 masked %and3A_1588 : memref<248x128xf32, #tpu.memory_space<vmem>>[vector<16xi32>, vector<16xi32>], vector<16xf32>, vector<16xi1>
    %get3A_1592 = arith.constant 208 : index
    %get3A_1593 = tpu.vector_load %arg6[%get3A_1592] {strides = array<i32>} : memref<512xi32, #tpu.memory_space<vmem>>, vector<16xi32>,
    %sub3A_1594 = arith.constant 256 : i32
    %sub3A_1595 = vector.broadcast %sub3A_1594 : i32 to vector<16xi32>
    %sub3A_1596 = arith.subi %get3A_1593, %sub3A_1595 : vector<16xi32>
    %ge3A_1597 = arith.constant 256 : i32
    %ge3A_1598 = vector.broadcast %ge3A_1597 : i32 to vector<16xi32>
    %ge3A_1599 = arith.cmpi sge, %get3A_1593, %ge3A_1598 : vector<16xi32>
    %lt3A_1600 = arith.constant 504 : i32
    %lt3A_1601 = vector.broadcast %lt3A_1600 : i32 to vector<16xi32>
    %lt3A_1602 = arith.cmpi slt, %get3A_1593, %lt3A_1601 : vector<16xi32>
    %and3A_1603 = arith.andi %ge3A_1599, %lt3A_1602 : vector<16xi1>
    %add3A_1604 = arith.constant 80 : i32
    %add3A_1605 = vector.broadcast %add3A_1604 : i32 to vector<16xi32>
    %add3A_1606 = arith.addi %iota3A, %add3A_1605 : vector<16xi32>
    tpu.vector_store_idx %arg8[%sub3A_1596, %add3A_1606], %broadcast_in_dim3A_5 masked %and3A_1603 : memref<248x128xf32, #tpu.memory_space<vmem>>[vector<16xi32>, vector<16xi32>], vector<16xf32>, vector<16xi1>
    %get3A_1607 = arith.constant 224 : index
    %get3A_1608 = tpu.vector_load %arg6[%get3A_1607] {strides = array<i32>} : memref<512xi32, #tpu.memory_space<vmem>>, vector<16xi32>,
    %sub3A_1609 = arith.constant 256 : i32
    %sub3A_1610 = vector.broadcast %sub3A_1609 : i32 to vector<16xi32>
    %sub3A_1611 = arith.subi %get3A_1608, %sub3A_1610 : vector<16xi32>
    %ge3A_1612 = arith.constant 256 : i32
    %ge3A_1613 = vector.broadcast %ge3A_1612 : i32 to vector<16xi32>
    %ge3A_1614 = arith.cmpi sge, %get3A_1608, %ge3A_1613 : vector<16xi32>
    %lt3A_1615 = arith.constant 504 : i32
    %lt3A_1616 = vector.broadcast %lt3A_1615 : i32 to vector<16xi32>
    %lt3A_1617 = arith.cmpi slt, %get3A_1608, %lt3A_1616 : vector<16xi32>
    %and3A_1618 = arith.andi %ge3A_1614, %lt3A_1617 : vector<16xi1>
    %add3A_1619 = arith.constant 96 : i32
    %add3A_1620 = vector.broadcast %add3A_1619 : i32 to vector<16xi32>
    %add3A_1621 = arith.addi %iota3A, %add3A_1620 : vector<16xi32>
    tpu.vector_store_idx %arg8[%sub3A_1611, %add3A_1621], %broadcast_in_dim3A_5 masked %and3A_1618 : memref<248x128xf32, #tpu.memory_space<vmem>>[vector<16xi32>, vector<16xi32>], vector<16xf32>, vector<16xi1>
    %get3A_1622 = arith.constant 240 : index
    %get3A_1623 = tpu.vector_load %arg6[%get3A_1622] {strides = array<i32>} : memref<512xi32, #tpu.memory_space<vmem>>, vector<16xi32>,
    %sub3A_1624 = arith.constant 256 : i32
    %sub3A_1625 = vector.broadcast %sub3A_1624 : i32 to vector<16xi32>
    %sub3A_1626 = arith.subi %get3A_1623, %sub3A_1625 : vector<16xi32>
    %ge3A_1627 = arith.constant 256 : i32
    %ge3A_1628 = vector.broadcast %ge3A_1627 : i32 to vector<16xi32>
    %ge3A_1629 = arith.cmpi sge, %get3A_1623, %ge3A_1628 : vector<16xi32>
    %lt3A_1630 = arith.constant 504 : i32
    %lt3A_1631 = vector.broadcast %lt3A_1630 : i32 to vector<16xi32>
    %lt3A_1632 = arith.cmpi slt, %get3A_1623, %lt3A_1631 : vector<16xi32>
    %and3A_1633 = arith.andi %ge3A_1629, %lt3A_1632 : vector<16xi1>
    %add3A_1634 = arith.constant 112 : i32
    %add3A_1635 = vector.broadcast %add3A_1634 : i32 to vector<16xi32>
    %add3A_1636 = arith.addi %iota3A, %add3A_1635 : vector<16xi32>
    tpu.vector_store_idx %arg8[%sub3A_1626, %add3A_1636], %broadcast_in_dim3A_5 masked %and3A_1633 : memref<248x128xf32, #tpu.memory_space<vmem>>[vector<16xi32>, vector<16xi32>], vector<16xf32>, vector<16xi1>
    %get3A_1637 = arith.constant 128 : index
    %get3A_1638 = tpu.vector_load %arg6[%get3A_1637] {strides = array<i32>} : memref<512xi32, #tpu.memory_space<vmem>>, vector<16xi32>,
    %sub3A_1639 = arith.constant 760 : i32
    %sub3A_1640 = vector.broadcast %sub3A_1639 : i32 to vector<16xi32>
    %sub3A_1641 = arith.subi %get3A_1638, %sub3A_1640 : vector<16xi32>
    %ge3A_1642 = arith.constant 760 : i32
    %ge3A_1643 = vector.broadcast %ge3A_1642 : i32 to vector<16xi32>
    %ge3A_1644 = arith.cmpi sge, %get3A_1638, %ge3A_1643 : vector<16xi32>
    %lt3A_1645 = arith.constant 1000 : i32
    %lt3A_1646 = vector.broadcast %lt3A_1645 : i32 to vector<16xi32>
    %lt3A_1647 = arith.cmpi slt, %get3A_1638, %lt3A_1646 : vector<16xi32>
    %and3A_1648 = arith.andi %ge3A_1644, %lt3A_1647 : vector<16xi1>
    %add3A_1649 = arith.constant 0 : i32
    %add3A_1650 = vector.broadcast %add3A_1649 : i32 to vector<16xi32>
    %add3A_1651 = arith.addi %iota3A, %add3A_1650 : vector<16xi32>
    tpu.vector_store_idx %arg8[%sub3A_1641, %add3A_1651], %broadcast_in_dim3A_3 masked %and3A_1648 : memref<248x128xf32, #tpu.memory_space<vmem>>[vector<16xi32>, vector<16xi32>], vector<16xf32>, vector<16xi1>
    %get3A_1652 = arith.constant 144 : index
    %get3A_1653 = tpu.vector_load %arg6[%get3A_1652] {strides = array<i32>} : memref<512xi32, #tpu.memory_space<vmem>>, vector<16xi32>,
    %sub3A_1654 = arith.constant 760 : i32
    %sub3A_1655 = vector.broadcast %sub3A_1654 : i32 to vector<16xi32>
    %sub3A_1656 = arith.subi %get3A_1653, %sub3A_1655 : vector<16xi32>
    %ge3A_1657 = arith.constant 760 : i32
    %ge3A_1658 = vector.broadcast %ge3A_1657 : i32 to vector<16xi32>
    %ge3A_1659 = arith.cmpi sge, %get3A_1653, %ge3A_1658 : vector<16xi32>
    %lt3A_1660 = arith.constant 1000 : i32
    %lt3A_1661 = vector.broadcast %lt3A_1660 : i32 to vector<16xi32>
    %lt3A_1662 = arith.cmpi slt, %get3A_1653, %lt3A_1661 : vector<16xi32>
    %and3A_1663 = arith.andi %ge3A_1659, %lt3A_1662 : vector<16xi1>
    %add3A_1664 = arith.constant 16 : i32
    %add3A_1665 = vector.broadcast %add3A_1664 : i32 to vector<16xi32>
    %add3A_1666 = arith.addi %iota3A, %add3A_1665 : vector<16xi32>
    tpu.vector_store_idx %arg8[%sub3A_1656, %add3A_1666], %broadcast_in_dim3A_3 masked %and3A_1663 : memref<248x128xf32, #tpu.memory_space<vmem>>[vector<16xi32>, vector<16xi32>], vector<16xf32>, vector<16xi1>
    %get3A_1667 = arith.constant 160 : index
    %get3A_1668 = tpu.vector_load %arg6[%get3A_1667] {strides = array<i32>} : memref<512xi32, #tpu.memory_space<vmem>>, vector<16xi32>,
    %sub3A_1669 = arith.constant 760 : i32
    %sub3A_1670 = vector.broadcast %sub3A_1669 : i32 to vector<16xi32>
    %sub3A_1671 = arith.subi %get3A_1668, %sub3A_1670 : vector<16xi32>
    %ge3A_1672 = arith.constant 760 : i32
    %ge3A_1673 = vector.broadcast %ge3A_1672 : i32 to vector<16xi32>
    %ge3A_1674 = arith.cmpi sge, %get3A_1668, %ge3A_1673 : vector<16xi32>
    %lt3A_1675 = arith.constant 1000 : i32
    %lt3A_1676 = vector.broadcast %lt3A_1675 : i32 to vector<16xi32>
    %lt3A_1677 = arith.cmpi slt, %get3A_1668, %lt3A_1676 : vector<16xi32>
    %and3A_1678 = arith.andi %ge3A_1674, %lt3A_1677 : vector<16xi1>
    %add3A_1679 = arith.constant 32 : i32
    %add3A_1680 = vector.broadcast %add3A_1679 : i32 to vector<16xi32>
    %add3A_1681 = arith.addi %iota3A, %add3A_1680 : vector<16xi32>
    tpu.vector_store_idx %arg8[%sub3A_1671, %add3A_1681], %broadcast_in_dim3A_3 masked %and3A_1678 : memref<248x128xf32, #tpu.memory_space<vmem>>[vector<16xi32>, vector<16xi32>], vector<16xf32>, vector<16xi1>
    %get3A_1682 = arith.constant 176 : index
    %get3A_1683 = tpu.vector_load %arg6[%get3A_1682] {strides = array<i32>} : memref<512xi32, #tpu.memory_space<vmem>>, vector<16xi32>,
    %sub3A_1684 = arith.constant 760 : i32
    %sub3A_1685 = vector.broadcast %sub3A_1684 : i32 to vector<16xi32>
    %sub3A_1686 = arith.subi %get3A_1683, %sub3A_1685 : vector<16xi32>
    %ge3A_1687 = arith.constant 760 : i32
    %ge3A_1688 = vector.broadcast %ge3A_1687 : i32 to vector<16xi32>
    %ge3A_1689 = arith.cmpi sge, %get3A_1683, %ge3A_1688 : vector<16xi32>
    %lt3A_1690 = arith.constant 1000 : i32
    %lt3A_1691 = vector.broadcast %lt3A_1690 : i32 to vector<16xi32>
    %lt3A_1692 = arith.cmpi slt, %get3A_1683, %lt3A_1691 : vector<16xi32>
    %and3A_1693 = arith.andi %ge3A_1689, %lt3A_1692 : vector<16xi1>
    %add3A_1694 = arith.constant 48 : i32
    %add3A_1695 = vector.broadcast %add3A_1694 : i32 to vector<16xi32>
    %add3A_1696 = arith.addi %iota3A, %add3A_1695 : vector<16xi32>
    tpu.vector_store_idx %arg8[%sub3A_1686, %add3A_1696], %broadcast_in_dim3A_3 masked %and3A_1693 : memref<248x128xf32, #tpu.memory_space<vmem>>[vector<16xi32>, vector<16xi32>], vector<16xf32>, vector<16xi1>
    %get3A_1697 = arith.constant 192 : index
    %get3A_1698 = tpu.vector_load %arg6[%get3A_1697] {strides = array<i32>} : memref<512xi32, #tpu.memory_space<vmem>>, vector<16xi32>,
    %sub3A_1699 = arith.constant 760 : i32
    %sub3A_1700 = vector.broadcast %sub3A_1699 : i32 to vector<16xi32>
    %sub3A_1701 = arith.subi %get3A_1698, %sub3A_1700 : vector<16xi32>
    %ge3A_1702 = arith.constant 760 : i32
    %ge3A_1703 = vector.broadcast %ge3A_1702 : i32 to vector<16xi32>
    %ge3A_1704 = arith.cmpi sge, %get3A_1698, %ge3A_1703 : vector<16xi32>
    %lt3A_1705 = arith.constant 1000 : i32
    %lt3A_1706 = vector.broadcast %lt3A_1705 : i32 to vector<16xi32>
    %lt3A_1707 = arith.cmpi slt, %get3A_1698, %lt3A_1706 : vector<16xi32>
    %and3A_1708 = arith.andi %ge3A_1704, %lt3A_1707 : vector<16xi1>
    %add3A_1709 = arith.constant 64 : i32
    %add3A_1710 = vector.broadcast %add3A_1709 : i32 to vector<16xi32>
    %add3A_1711 = arith.addi %iota3A, %add3A_1710 : vector<16xi32>
    tpu.vector_store_idx %arg8[%sub3A_1701, %add3A_1711], %broadcast_in_dim3A_3 masked %and3A_1708 : memref<248x128xf32, #tpu.memory_space<vmem>>[vector<16xi32>, vector<16xi32>], vector<16xf32>, vector<16xi1>
    %get3A_1712 = arith.constant 208 : index
    %get3A_1713 = tpu.vector_load %arg6[%get3A_1712] {strides = array<i32>} : memref<512xi32, #tpu.memory_space<vmem>>, vector<16xi32>,
    %sub3A_1714 = arith.constant 760 : i32
    %sub3A_1715 = vector.broadcast %sub3A_1714 : i32 to vector<16xi32>
    %sub3A_1716 = arith.subi %get3A_1713, %sub3A_1715 : vector<16xi32>
    %ge3A_1717 = arith.constant 760 : i32
    %ge3A_1718 = vector.broadcast %ge3A_1717 : i32 to vector<16xi32>
    %ge3A_1719 = arith.cmpi sge, %get3A_1713, %ge3A_1718 : vector<16xi32>
    %lt3A_1720 = arith.constant 1000 : i32
    %lt3A_1721 = vector.broadcast %lt3A_1720 : i32 to vector<16xi32>
    %lt3A_1722 = arith.cmpi slt, %get3A_1713, %lt3A_1721 : vector<16xi32>
    %and3A_1723 = arith.andi %ge3A_1719, %lt3A_1722 : vector<16xi1>
    %add3A_1724 = arith.constant 80 : i32
    %add3A_1725 = vector.broadcast %add3A_1724 : i32 to vector<16xi32>
    %add3A_1726 = arith.addi %iota3A, %add3A_1725 : vector<16xi32>
    tpu.vector_store_idx %arg8[%sub3A_1716, %add3A_1726], %broadcast_in_dim3A_3 masked %and3A_1723 : memref<248x128xf32, #tpu.memory_space<vmem>>[vector<16xi32>, vector<16xi32>], vector<16xf32>, vector<16xi1>
    %get3A_1727 = arith.constant 224 : index
    %get3A_1728 = tpu.vector_load %arg6[%get3A_1727] {strides = array<i32>} : memref<512xi32, #tpu.memory_space<vmem>>, vector<16xi32>,
    %sub3A_1729 = arith.constant 760 : i32
    %sub3A_1730 = vector.broadcast %sub3A_1729 : i32 to vector<16xi32>
    %sub3A_1731 = arith.subi %get3A_1728, %sub3A_1730 : vector<16xi32>
    %ge3A_1732 = arith.constant 760 : i32
    %ge3A_1733 = vector.broadcast %ge3A_1732 : i32 to vector<16xi32>
    %ge3A_1734 = arith.cmpi sge, %get3A_1728, %ge3A_1733 : vector<16xi32>
    %lt3A_1735 = arith.constant 1000 : i32
    %lt3A_1736 = vector.broadcast %lt3A_1735 : i32 to vector<16xi32>
    %lt3A_1737 = arith.cmpi slt, %get3A_1728, %lt3A_1736 : vector<16xi32>
    %and3A_1738 = arith.andi %ge3A_1734, %lt3A_1737 : vector<16xi1>
    %add3A_1739 = arith.constant 96 : i32
    %add3A_1740 = vector.broadcast %add3A_1739 : i32 to vector<16xi32>
    %add3A_1741 = arith.addi %iota3A, %add3A_1740 : vector<16xi32>
    tpu.vector_store_idx %arg8[%sub3A_1731, %add3A_1741], %broadcast_in_dim3A_3 masked %and3A_1738 : memref<248x128xf32, #tpu.memory_space<vmem>>[vector<16xi32>, vector<16xi32>], vector<16xf32>, vector<16xi1>
    %get3A_1742 = arith.constant 240 : index
    %get3A_1743 = tpu.vector_load %arg6[%get3A_1742] {strides = array<i32>} : memref<512xi32, #tpu.memory_space<vmem>>, vector<16xi32>,
    %sub3A_1744 = arith.constant 760 : i32
    %sub3A_1745 = vector.broadcast %sub3A_1744 : i32 to vector<16xi32>
    %sub3A_1746 = arith.subi %get3A_1743, %sub3A_1745 : vector<16xi32>
    %ge3A_1747 = arith.constant 760 : i32
    %ge3A_1748 = vector.broadcast %ge3A_1747 : i32 to vector<16xi32>
    %ge3A_1749 = arith.cmpi sge, %get3A_1743, %ge3A_1748 : vector<16xi32>
    %lt3A_1750 = arith.constant 1000 : i32
    %lt3A_1751 = vector.broadcast %lt3A_1750 : i32 to vector<16xi32>
    %lt3A_1752 = arith.cmpi slt, %get3A_1743, %lt3A_1751 : vector<16xi32>
    %and3A_1753 = arith.andi %ge3A_1749, %lt3A_1752 : vector<16xi1>
    %add3A_1754 = arith.constant 112 : i32
    %add3A_1755 = vector.broadcast %add3A_1754 : i32 to vector<16xi32>
    %add3A_1756 = arith.addi %iota3A, %add3A_1755 : vector<16xi32>
    tpu.vector_store_idx %arg8[%sub3A_1746, %add3A_1756], %broadcast_in_dim3A_3 masked %and3A_1753 : memref<248x128xf32, #tpu.memory_space<vmem>>[vector<16xi32>, vector<16xi32>], vector<16xf32>, vector<16xi1>
    %add3A_1757 = arith.constant 128 : i32
    %add3A_1758 = arith.addi %mul3A_2, %add3A_1757 : i32
    %dma_start3A_1759 = arith.constant 0 : i32
    %dma_start3A_1760 = arith.constant 0 : i32
    %dma_start3A_1761 = tpu.memref_slice %arg8[%dma_start3A_1759, %dma_start3A_1760] : memref<248x128xf32, #tpu.memory_space<vmem>> -> memref<240x128xf32, #tpu.memory_space<vmem>>
    %dma_start3A_1762 = arith.constant 760 : i32
    %dma_start3A_1763 = tpu.memref_slice %arg5[%dma_start3A_1762, %add3A_1758] : memref<1000x16384xf32, #tpu.memory_space<hbm>> -> memref<240x128xf32, #tpu.memory_space<hbm>>
    %dma_start3A_1764 = arith.constant 760 : i32
    %dma_start3A_1765 = tpu.memref_slice %arg5[%dma_start3A_1764, %add3A_1758] : memref<1000x16384xf32, #tpu.memory_space<hbm>> -> memref<240x128xf32, #tpu.memory_space<hbm>>
    %dma_start3A_1766 = arith.constant 0 : i32
    %dma_start3A_1767 = arith.constant 0 : i32
    %dma_start3A_1768 = tpu.memref_slice %arg8[%dma_start3A_1766, %dma_start3A_1767] : memref<248x128xf32, #tpu.memory_space<vmem>> -> memref<240x128xf32, #tpu.memory_space<vmem>>
    tpu.enqueue_dma source(%dma_start3A_1768 : memref<240x128xf32, #tpu.memory_space<vmem>>) target(%dma_start3A_1765 : memref<240x128xf32, #tpu.memory_space<hbm>>) target_semaphore(%arg10 : memref<!tpu.dma_semaphore, #tpu.memory_space<semaphore_mem>>)
    %dma_wait3A_1769 = arith.constant 504 : i32
    %dma_wait3A_1770 = tpu.memref_slice %arg5[%dma_wait3A_1769, %add3A_1508] : memref<1000x16384xf32, #tpu.memory_space<hbm>> -> memref<256x128xf32, #tpu.memory_space<hbm>>
    %dma_wait3A_1771 = arith.constant 504 : i32
    %dma_wait3A_1772 = tpu.memref_slice %arg5[%dma_wait3A_1771, %add3A_1508] : memref<1000x16384xf32, #tpu.memory_space<hbm>> -> memref<256x128xf32, #tpu.memory_space<hbm>>
    tpu.wait_dma2 semaphore(%arg9 : memref<!tpu.dma_semaphore, #tpu.memory_space<semaphore_mem>>) src(%arg7 : memref<256x128xf32, #tpu.memory_space<vmem>>) dst(%dma_wait3A_1772 : memref<256x128xf32, #tpu.memory_space<hbm>>)
    %get3A_1773 = arith.constant 128 : index
    %get3A_1774 = tpu.vector_load %arg6[%get3A_1773] {strides = array<i32>} : memref<512xi32, #tpu.memory_space<vmem>>, vector<16xi32>,
    %sub3A_1775 = arith.constant 504 : i32
    %sub3A_1776 = vector.broadcast %sub3A_1775 : i32 to vector<16xi32>
    %sub3A_1777 = arith.subi %get3A_1774, %sub3A_1776 : vector<16xi32>
    %ge3A_1778 = arith.constant 504 : i32
    %ge3A_1779 = vector.broadcast %ge3A_1778 : i32 to vector<16xi32>
    %ge3A_1780 = arith.cmpi sge, %get3A_1774, %ge3A_1779 : vector<16xi32>
    %lt3A_1781 = arith.constant 760 : i32
    %lt3A_1782 = vector.broadcast %lt3A_1781 : i32 to vector<16xi32>
    %lt3A_1783 = arith.cmpi slt, %get3A_1774, %lt3A_1782 : vector<16xi32>
    %and3A_1784 = arith.andi %ge3A_1780, %lt3A_1783 : vector<16xi1>
    %add3A_1785 = arith.constant 0 : i32
    %add3A_1786 = vector.broadcast %add3A_1785 : i32 to vector<16xi32>
    %add3A_1787 = arith.addi %iota3A, %add3A_1786 : vector<16xi32>
    tpu.vector_store_idx %arg7[%sub3A_1777, %add3A_1787], %broadcast_in_dim3A_5 masked %and3A_1784 : memref<256x128xf32, #tpu.memory_space<vmem>>[vector<16xi32>, vector<16xi32>], vector<16xf32>, vector<16xi1>
    %get3A_1788 = arith.constant 144 : index
    %get3A_1789 = tpu.vector_load %arg6[%get3A_1788] {strides = array<i32>} : memref<512xi32, #tpu.memory_space<vmem>>, vector<16xi32>,
    %sub3A_1790 = arith.constant 504 : i32
    %sub3A_1791 = vector.broadcast %sub3A_1790 : i32 to vector<16xi32>
    %sub3A_1792 = arith.subi %get3A_1789, %sub3A_1791 : vector<16xi32>
    %ge3A_1793 = arith.constant 504 : i32
    %ge3A_1794 = vector.broadcast %ge3A_1793 : i32 to vector<16xi32>
    %ge3A_1795 = arith.cmpi sge, %get3A_1789, %ge3A_1794 : vector<16xi32>
    %lt3A_1796 = arith.constant 760 : i32
    %lt3A_1797 = vector.broadcast %lt3A_1796 : i32 to vector<16xi32>
    %lt3A_1798 = arith.cmpi slt, %get3A_1789, %lt3A_1797 : vector<16xi32>
    %and3A_1799 = arith.andi %ge3A_1795, %lt3A_1798 : vector<16xi1>
    %add3A_1800 = arith.constant 16 : i32
    %add3A_1801 = vector.broadcast %add3A_1800 : i32 to vector<16xi32>
    %add3A_1802 = arith.addi %iota3A, %add3A_1801 : vector<16xi32>
    tpu.vector_store_idx %arg7[%sub3A_1792, %add3A_1802], %broadcast_in_dim3A_5 masked %and3A_1799 : memref<256x128xf32, #tpu.memory_space<vmem>>[vector<16xi32>, vector<16xi32>], vector<16xf32>, vector<16xi1>
    %get3A_1803 = arith.constant 160 : index
    %get3A_1804 = tpu.vector_load %arg6[%get3A_1803] {strides = array<i32>} : memref<512xi32, #tpu.memory_space<vmem>>, vector<16xi32>,
    %sub3A_1805 = arith.constant 504 : i32
    %sub3A_1806 = vector.broadcast %sub3A_1805 : i32 to vector<16xi32>
    %sub3A_1807 = arith.subi %get3A_1804, %sub3A_1806 : vector<16xi32>
    %ge3A_1808 = arith.constant 504 : i32
    %ge3A_1809 = vector.broadcast %ge3A_1808 : i32 to vector<16xi32>
    %ge3A_1810 = arith.cmpi sge, %get3A_1804, %ge3A_1809 : vector<16xi32>
    %lt3A_1811 = arith.constant 760 : i32
    %lt3A_1812 = vector.broadcast %lt3A_1811 : i32 to vector<16xi32>
    %lt3A_1813 = arith.cmpi slt, %get3A_1804, %lt3A_1812 : vector<16xi32>
    %and3A_1814 = arith.andi %ge3A_1810, %lt3A_1813 : vector<16xi1>
    %add3A_1815 = arith.constant 32 : i32
    %add3A_1816 = vector.broadcast %add3A_1815 : i32 to vector<16xi32>
    %add3A_1817 = arith.addi %iota3A, %add3A_1816 : vector<16xi32>
    tpu.vector_store_idx %arg7[%sub3A_1807, %add3A_1817], %broadcast_in_dim3A_5 masked %and3A_1814 : memref<256x128xf32, #tpu.memory_space<vmem>>[vector<16xi32>, vector<16xi32>], vector<16xf32>, vector<16xi1>
    %get3A_1818 = arith.constant 176 : index
    %get3A_1819 = tpu.vector_load %arg6[%get3A_1818] {strides = array<i32>} : memref<512xi32, #tpu.memory_space<vmem>>, vector<16xi32>,
    %sub3A_1820 = arith.constant 504 : i32
    %sub3A_1821 = vector.broadcast %sub3A_1820 : i32 to vector<16xi32>
    %sub3A_1822 = arith.subi %get3A_1819, %sub3A_1821 : vector<16xi32>
    %ge3A_1823 = arith.constant 504 : i32
    %ge3A_1824 = vector.broadcast %ge3A_1823 : i32 to vector<16xi32>
    %ge3A_1825 = arith.cmpi sge, %get3A_1819, %ge3A_1824 : vector<16xi32>
    %lt3A_1826 = arith.constant 760 : i32
    %lt3A_1827 = vector.broadcast %lt3A_1826 : i32 to vector<16xi32>
    %lt3A_1828 = arith.cmpi slt, %get3A_1819, %lt3A_1827 : vector<16xi32>
    %and3A_1829 = arith.andi %ge3A_1825, %lt3A_1828 : vector<16xi1>
    %add3A_1830 = arith.constant 48 : i32
    %add3A_1831 = vector.broadcast %add3A_1830 : i32 to vector<16xi32>
    %add3A_1832 = arith.addi %iota3A, %add3A_1831 : vector<16xi32>
    tpu.vector_store_idx %arg7[%sub3A_1822, %add3A_1832], %broadcast_in_dim3A_5 masked %and3A_1829 : memref<256x128xf32, #tpu.memory_space<vmem>>[vector<16xi32>, vector<16xi32>], vector<16xf32>, vector<16xi1>
    %get3A_1833 = arith.constant 192 : index
    %get3A_1834 = tpu.vector_load %arg6[%get3A_1833] {strides = array<i32>} : memref<512xi32, #tpu.memory_space<vmem>>, vector<16xi32>,
    %sub3A_1835 = arith.constant 504 : i32
    %sub3A_1836 = vector.broadcast %sub3A_1835 : i32 to vector<16xi32>
    %sub3A_1837 = arith.subi %get3A_1834, %sub3A_1836 : vector<16xi32>
    %ge3A_1838 = arith.constant 504 : i32
    %ge3A_1839 = vector.broadcast %ge3A_1838 : i32 to vector<16xi32>
    %ge3A_1840 = arith.cmpi sge, %get3A_1834, %ge3A_1839 : vector<16xi32>
    %lt3A_1841 = arith.constant 760 : i32
    %lt3A_1842 = vector.broadcast %lt3A_1841 : i32 to vector<16xi32>
    %lt3A_1843 = arith.cmpi slt, %get3A_1834, %lt3A_1842 : vector<16xi32>
    %and3A_1844 = arith.andi %ge3A_1840, %lt3A_1843 : vector<16xi1>
    %add3A_1845 = arith.constant 64 : i32
    %add3A_1846 = vector.broadcast %add3A_1845 : i32 to vector<16xi32>
    %add3A_1847 = arith.addi %iota3A, %add3A_1846 : vector<16xi32>
    tpu.vector_store_idx %arg7[%sub3A_1837, %add3A_1847], %broadcast_in_dim3A_5 masked %and3A_1844 : memref<256x128xf32, #tpu.memory_space<vmem>>[vector<16xi32>, vector<16xi32>], vector<16xf32>, vector<16xi1>
    %get3A_1848 = arith.constant 208 : index
    %get3A_1849 = tpu.vector_load %arg6[%get3A_1848] {strides = array<i32>} : memref<512xi32, #tpu.memory_space<vmem>>, vector<16xi32>,
    %sub3A_1850 = arith.constant 504 : i32
    %sub3A_1851 = vector.broadcast %sub3A_1850 : i32 to vector<16xi32>
    %sub3A_1852 = arith.subi %get3A_1849, %sub3A_1851 : vector<16xi32>
    %ge3A_1853 = arith.constant 504 : i32
    %ge3A_1854 = vector.broadcast %ge3A_1853 : i32 to vector<16xi32>
    %ge3A_1855 = arith.cmpi sge, %get3A_1849, %ge3A_1854 : vector<16xi32>
    %lt3A_1856 = arith.constant 760 : i32
    %lt3A_1857 = vector.broadcast %lt3A_1856 : i32 to vector<16xi32>
    %lt3A_1858 = arith.cmpi slt, %get3A_1849, %lt3A_1857 : vector<16xi32>
    %and3A_1859 = arith.andi %ge3A_1855, %lt3A_1858 : vector<16xi1>
    %add3A_1860 = arith.constant 80 : i32
    %add3A_1861 = vector.broadcast %add3A_1860 : i32 to vector<16xi32>
    %add3A_1862 = arith.addi %iota3A, %add3A_1861 : vector<16xi32>
    tpu.vector_store_idx %arg7[%sub3A_1852, %add3A_1862], %broadcast_in_dim3A_5 masked %and3A_1859 : memref<256x128xf32, #tpu.memory_space<vmem>>[vector<16xi32>, vector<16xi32>], vector<16xf32>, vector<16xi1>
    %get3A_1863 = arith.constant 224 : index
    %get3A_1864 = tpu.vector_load %arg6[%get3A_1863] {strides = array<i32>} : memref<512xi32, #tpu.memory_space<vmem>>, vector<16xi32>,
    %sub3A_1865 = arith.constant 504 : i32
    %sub3A_1866 = vector.broadcast %sub3A_1865 : i32 to vector<16xi32>
    %sub3A_1867 = arith.subi %get3A_1864, %sub3A_1866 : vector<16xi32>
    %ge3A_1868 = arith.constant 504 : i32
    %ge3A_1869 = vector.broadcast %ge3A_1868 : i32 to vector<16xi32>
    %ge3A_1870 = arith.cmpi sge, %get3A_1864, %ge3A_1869 : vector<16xi32>
    %lt3A_1871 = arith.constant 760 : i32
    %lt3A_1872 = vector.broadcast %lt3A_1871 : i32 to vector<16xi32>
    %lt3A_1873 = arith.cmpi slt, %get3A_1864, %lt3A_1872 : vector<16xi32>
    %and3A_1874 = arith.andi %ge3A_1870, %lt3A_1873 : vector<16xi1>
    %add3A_1875 = arith.constant 96 : i32
    %add3A_1876 = vector.broadcast %add3A_1875 : i32 to vector<16xi32>
    %add3A_1877 = arith.addi %iota3A, %add3A_1876 : vector<16xi32>
    tpu.vector_store_idx %arg7[%sub3A_1867, %add3A_1877], %broadcast_in_dim3A_5 masked %and3A_1874 : memref<256x128xf32, #tpu.memory_space<vmem>>[vector<16xi32>, vector<16xi32>], vector<16xf32>, vector<16xi1>
    %get3A_1878 = arith.constant 240 : index
    %get3A_1879 = tpu.vector_load %arg6[%get3A_1878] {strides = array<i32>} : memref<512xi32, #tpu.memory_space<vmem>>, vector<16xi32>,
    %sub3A_1880 = arith.constant 504 : i32
    %sub3A_1881 = vector.broadcast %sub3A_1880 : i32 to vector<16xi32>
    %sub3A_1882 = arith.subi %get3A_1879, %sub3A_1881 : vector<16xi32>
    %ge3A_1883 = arith.constant 504 : i32
    %ge3A_1884 = vector.broadcast %ge3A_1883 : i32 to vector<16xi32>
    %ge3A_1885 = arith.cmpi sge, %get3A_1879, %ge3A_1884 : vector<16xi32>
    %lt3A_1886 = arith.constant 760 : i32
    %lt3A_1887 = vector.broadcast %lt3A_1886 : i32 to vector<16xi32>
    %lt3A_1888 = arith.cmpi slt, %get3A_1879, %lt3A_1887 : vector<16xi32>
    %and3A_1889 = arith.andi %ge3A_1885, %lt3A_1888 : vector<16xi1>
    %add3A_1890 = arith.constant 112 : i32
    %add3A_1891 = vector.broadcast %add3A_1890 : i32 to vector<16xi32>
    %add3A_1892 = arith.addi %iota3A, %add3A_1891 : vector<16xi32>
    tpu.vector_store_idx %arg7[%sub3A_1882, %add3A_1892], %broadcast_in_dim3A_5 masked %and3A_1889 : memref<256x128xf32, #tpu.memory_space<vmem>>[vector<16xi32>, vector<16xi32>], vector<16xf32>, vector<16xi1>
    %get3A_1893 = arith.constant 256 : index
    %get3A_1894 = tpu.vector_load %arg6[%get3A_1893] {strides = array<i32>} : memref<512xi32, #tpu.memory_space<vmem>>, vector<16xi32>,
    %sub3A_1895 = arith.constant 0 : i32
    %sub3A_1896 = vector.broadcast %sub3A_1895 : i32 to vector<16xi32>
    %sub3A_1897 = arith.subi %get3A_1894, %sub3A_1896 : vector<16xi32>
    %ge3A_1898 = arith.constant 0 : i32
    %ge3A_1899 = vector.broadcast %ge3A_1898 : i32 to vector<16xi32>
    %ge3A_1900 = arith.cmpi sge, %get3A_1894, %ge3A_1899 : vector<16xi32>
    %lt3A_1901 = arith.constant 256 : i32
    %lt3A_1902 = vector.broadcast %lt3A_1901 : i32 to vector<16xi32>
    %lt3A_1903 = arith.cmpi slt, %get3A_1894, %lt3A_1902 : vector<16xi32>
    %and3A_1904 = arith.andi %ge3A_1900, %lt3A_1903 : vector<16xi1>
    %add3A_1905 = arith.constant 0 : i32
    %add3A_1906 = vector.broadcast %add3A_1905 : i32 to vector<16xi32>
    %add3A_1907 = arith.addi %iota3A, %add3A_1906 : vector<16xi32>
    tpu.vector_store_idx %arg7[%sub3A_1897, %add3A_1907], %broadcast_in_dim3A_3 masked %and3A_1904 : memref<256x128xf32, #tpu.memory_space<vmem>>[vector<16xi32>, vector<16xi32>], vector<16xf32>, vector<16xi1>
    %get3A_1908 = arith.constant 272 : index
    %get3A_1909 = tpu.vector_load %arg6[%get3A_1908] {strides = array<i32>} : memref<512xi32, #tpu.memory_space<vmem>>, vector<16xi32>,
    %sub3A_1910 = arith.constant 0 : i32
    %sub3A_1911 = vector.broadcast %sub3A_1910 : i32 to vector<16xi32>
    %sub3A_1912 = arith.subi %get3A_1909, %sub3A_1911 : vector<16xi32>
    %ge3A_1913 = arith.constant 0 : i32
    %ge3A_1914 = vector.broadcast %ge3A_1913 : i32 to vector<16xi32>
    %ge3A_1915 = arith.cmpi sge, %get3A_1909, %ge3A_1914 : vector<16xi32>
    %lt3A_1916 = arith.constant 256 : i32
    %lt3A_1917 = vector.broadcast %lt3A_1916 : i32 to vector<16xi32>
    %lt3A_1918 = arith.cmpi slt, %get3A_1909, %lt3A_1917 : vector<16xi32>
    %and3A_1919 = arith.andi %ge3A_1915, %lt3A_1918 : vector<16xi1>
    %add3A_1920 = arith.constant 16 : i32
    %add3A_1921 = vector.broadcast %add3A_1920 : i32 to vector<16xi32>
    %add3A_1922 = arith.addi %iota3A, %add3A_1921 : vector<16xi32>
    tpu.vector_store_idx %arg7[%sub3A_1912, %add3A_1922], %broadcast_in_dim3A_3 masked %and3A_1919 : memref<256x128xf32, #tpu.memory_space<vmem>>[vector<16xi32>, vector<16xi32>], vector<16xf32>, vector<16xi1>
    %get3A_1923 = arith.constant 288 : index
    %get3A_1924 = tpu.vector_load %arg6[%get3A_1923] {strides = array<i32>} : memref<512xi32, #tpu.memory_space<vmem>>, vector<16xi32>,
    %sub3A_1925 = arith.constant 0 : i32
    %sub3A_1926 = vector.broadcast %sub3A_1925 : i32 to vector<16xi32>
    %sub3A_1927 = arith.subi %get3A_1924, %sub3A_1926 : vector<16xi32>
    %ge3A_1928 = arith.constant 0 : i32
    %ge3A_1929 = vector.broadcast %ge3A_1928 : i32 to vector<16xi32>
    %ge3A_1930 = arith.cmpi sge, %get3A_1924, %ge3A_1929 : vector<16xi32>
    %lt3A_1931 = arith.constant 256 : i32
    %lt3A_1932 = vector.broadcast %lt3A_1931 : i32 to vector<16xi32>
    %lt3A_1933 = arith.cmpi slt, %get3A_1924, %lt3A_1932 : vector<16xi32>
    %and3A_1934 = arith.andi %ge3A_1930, %lt3A_1933 : vector<16xi1>
    %add3A_1935 = arith.constant 32 : i32
    %add3A_1936 = vector.broadcast %add3A_1935 : i32 to vector<16xi32>
    %add3A_1937 = arith.addi %iota3A, %add3A_1936 : vector<16xi32>
    tpu.vector_store_idx %arg7[%sub3A_1927, %add3A_1937], %broadcast_in_dim3A_3 masked %and3A_1934 : memref<256x128xf32, #tpu.memory_space<vmem>>[vector<16xi32>, vector<16xi32>], vector<16xf32>, vector<16xi1>
    %get3A_1938 = arith.constant 304 : index
    %get3A_1939 = tpu.vector_load %arg6[%get3A_1938] {strides = array<i32>} : memref<512xi32, #tpu.memory_space<vmem>>, vector<16xi32>,
    %sub3A_1940 = arith.constant 0 : i32
    %sub3A_1941 = vector.broadcast %sub3A_1940 : i32 to vector<16xi32>
    %sub3A_1942 = arith.subi %get3A_1939, %sub3A_1941 : vector<16xi32>
    %ge3A_1943 = arith.constant 0 : i32
    %ge3A_1944 = vector.broadcast %ge3A_1943 : i32 to vector<16xi32>
    %ge3A_1945 = arith.cmpi sge, %get3A_1939, %ge3A_1944 : vector<16xi32>
    %lt3A_1946 = arith.constant 256 : i32
    %lt3A_1947 = vector.broadcast %lt3A_1946 : i32 to vector<16xi32>
    %lt3A_1948 = arith.cmpi slt, %get3A_1939, %lt3A_1947 : vector<16xi32>
    %and3A_1949 = arith.andi %ge3A_1945, %lt3A_1948 : vector<16xi1>
    %add3A_1950 = arith.constant 48 : i32
    %add3A_1951 = vector.broadcast %add3A_1950 : i32 to vector<16xi32>
    %add3A_1952 = arith.addi %iota3A, %add3A_1951 : vector<16xi32>
    tpu.vector_store_idx %arg7[%sub3A_1942, %add3A_1952], %broadcast_in_dim3A_3 masked %and3A_1949 : memref<256x128xf32, #tpu.memory_space<vmem>>[vector<16xi32>, vector<16xi32>], vector<16xf32>, vector<16xi1>
    %get3A_1953 = arith.constant 320 : index
    %get3A_1954 = tpu.vector_load %arg6[%get3A_1953] {strides = array<i32>} : memref<512xi32, #tpu.memory_space<vmem>>, vector<16xi32>,
    %sub3A_1955 = arith.constant 0 : i32
    %sub3A_1956 = vector.broadcast %sub3A_1955 : i32 to vector<16xi32>
    %sub3A_1957 = arith.subi %get3A_1954, %sub3A_1956 : vector<16xi32>
    %ge3A_1958 = arith.constant 0 : i32
    %ge3A_1959 = vector.broadcast %ge3A_1958 : i32 to vector<16xi32>
    %ge3A_1960 = arith.cmpi sge, %get3A_1954, %ge3A_1959 : vector<16xi32>
    %lt3A_1961 = arith.constant 256 : i32
    %lt3A_1962 = vector.broadcast %lt3A_1961 : i32 to vector<16xi32>
    %lt3A_1963 = arith.cmpi slt, %get3A_1954, %lt3A_1962 : vector<16xi32>
    %and3A_1964 = arith.andi %ge3A_1960, %lt3A_1963 : vector<16xi1>
    %add3A_1965 = arith.constant 64 : i32
    %add3A_1966 = vector.broadcast %add3A_1965 : i32 to vector<16xi32>
    %add3A_1967 = arith.addi %iota3A, %add3A_1966 : vector<16xi32>
    tpu.vector_store_idx %arg7[%sub3A_1957, %add3A_1967], %broadcast_in_dim3A_3 masked %and3A_1964 : memref<256x128xf32, #tpu.memory_space<vmem>>[vector<16xi32>, vector<16xi32>], vector<16xf32>, vector<16xi1>
    %get3A_1968 = arith.constant 336 : index
    %get3A_1969 = tpu.vector_load %arg6[%get3A_1968] {strides = array<i32>} : memref<512xi32, #tpu.memory_space<vmem>>, vector<16xi32>,
    %sub3A_1970 = arith.constant 0 : i32
    %sub3A_1971 = vector.broadcast %sub3A_1970 : i32 to vector<16xi32>
    %sub3A_1972 = arith.subi %get3A_1969, %sub3A_1971 : vector<16xi32>
    %ge3A_1973 = arith.constant 0 : i32
    %ge3A_1974 = vector.broadcast %ge3A_1973 : i32 to vector<16xi32>
    %ge3A_1975 = arith.cmpi sge, %get3A_1969, %ge3A_1974 : vector<16xi32>
    %lt3A_1976 = arith.constant 256 : i32
    %lt3A_1977 = vector.broadcast %lt3A_1976 : i32 to vector<16xi32>
    %lt3A_1978 = arith.cmpi slt, %get3A_1969, %lt3A_1977 : vector<16xi32>
    %and3A_1979 = arith.andi %ge3A_1975, %lt3A_1978 : vector<16xi1>
    %add3A_1980 = arith.constant 80 : i32
    %add3A_1981 = vector.broadcast %add3A_1980 : i32 to vector<16xi32>
    %add3A_1982 = arith.addi %iota3A, %add3A_1981 : vector<16xi32>
    tpu.vector_store_idx %arg7[%sub3A_1972, %add3A_1982], %broadcast_in_dim3A_3 masked %and3A_1979 : memref<256x128xf32, #tpu.memory_space<vmem>>[vector<16xi32>, vector<16xi32>], vector<16xf32>, vector<16xi1>
    %get3A_1983 = arith.constant 352 : index
    %get3A_1984 = tpu.vector_load %arg6[%get3A_1983] {strides = array<i32>} : memref<512xi32, #tpu.memory_space<vmem>>, vector<16xi32>,
    %sub3A_1985 = arith.constant 0 : i32
    %sub3A_1986 = vector.broadcast %sub3A_1985 : i32 to vector<16xi32>
    %sub3A_1987 = arith.subi %get3A_1984, %sub3A_1986 : vector<16xi32>
    %ge3A_1988 = arith.constant 0 : i32
    %ge3A_1989 = vector.broadcast %ge3A_1988 : i32 to vector<16xi32>
    %ge3A_1990 = arith.cmpi sge, %get3A_1984, %ge3A_1989 : vector<16xi32>
    %lt3A_1991 = arith.constant 256 : i32
    %lt3A_1992 = vector.broadcast %lt3A_1991 : i32 to vector<16xi32>
    %lt3A_1993 = arith.cmpi slt, %get3A_1984, %lt3A_1992 : vector<16xi32>
    %and3A_1994 = arith.andi %ge3A_1990, %lt3A_1993 : vector<16xi1>
    %add3A_1995 = arith.constant 96 : i32
    %add3A_1996 = vector.broadcast %add3A_1995 : i32 to vector<16xi32>
    %add3A_1997 = arith.addi %iota3A, %add3A_1996 : vector<16xi32>
    tpu.vector_store_idx %arg7[%sub3A_1987, %add3A_1997], %broadcast_in_dim3A_3 masked %and3A_1994 : memref<256x128xf32, #tpu.memory_space<vmem>>[vector<16xi32>, vector<16xi32>], vector<16xf32>, vector<16xi1>
    %get3A_1998 = arith.constant 368 : index
    %get3A_1999 = tpu.vector_load %arg6[%get3A_1998] {strides = array<i32>} : memref<512xi32, #tpu.memory_space<vmem>>, vector<16xi32>,
    %sub3A_2000 = arith.constant 0 : i32
    %sub3A_2001 = vector.broadcast %sub3A_2000 : i32 to vector<16xi32>
    %sub3A_2002 = arith.subi %get3A_1999, %sub3A_2001 : vector<16xi32>
    %ge3A_2003 = arith.constant 0 : i32
    %ge3A_2004 = vector.broadcast %ge3A_2003 : i32 to vector<16xi32>
    %ge3A_2005 = arith.cmpi sge, %get3A_1999, %ge3A_2004 : vector<16xi32>
    %lt3A_2006 = arith.constant 256 : i32
    %lt3A_2007 = vector.broadcast %lt3A_2006 : i32 to vector<16xi32>
    %lt3A_2008 = arith.cmpi slt, %get3A_1999, %lt3A_2007 : vector<16xi32>
    %and3A_2009 = arith.andi %ge3A_2005, %lt3A_2008 : vector<16xi1>
    %add3A_2010 = arith.constant 112 : i32
    %add3A_2011 = vector.broadcast %add3A_2010 : i32 to vector<16xi32>
    %add3A_2012 = arith.addi %iota3A, %add3A_2011 : vector<16xi32>
    tpu.vector_store_idx %arg7[%sub3A_2002, %add3A_2012], %broadcast_in_dim3A_3 masked %and3A_2009 : memref<256x128xf32, #tpu.memory_space<vmem>>[vector<16xi32>, vector<16xi32>], vector<16xf32>, vector<16xi1>
    %add3A_2013 = arith.constant 256 : i32
    %add3A_2014 = arith.addi %mul3A_2, %add3A_2013 : i32
    %dma_start3A_2015 = arith.constant 0 : i32
    %dma_start3A_2016 = tpu.memref_slice %arg5[%dma_start3A_2015, %add3A_2014] : memref<1000x16384xf32, #tpu.memory_space<hbm>> -> memref<256x128xf32, #tpu.memory_space<hbm>>
    %dma_start3A_2017 = arith.constant 0 : i32
    %dma_start3A_2018 = tpu.memref_slice %arg5[%dma_start3A_2017, %add3A_2014] : memref<1000x16384xf32, #tpu.memory_space<hbm>> -> memref<256x128xf32, #tpu.memory_space<hbm>>
    tpu.enqueue_dma source(%arg7 : memref<256x128xf32, #tpu.memory_space<vmem>>) target(%dma_start3A_2018 : memref<256x128xf32, #tpu.memory_space<hbm>>) target_semaphore(%arg9 : memref<!tpu.dma_semaphore, #tpu.memory_space<semaphore_mem>>)
    %dma_wait3A_2019 = arith.constant 0 : i32
    %dma_wait3A_2020 = arith.constant 0 : i32
    %dma_wait3A_2021 = tpu.memref_slice %arg8[%dma_wait3A_2019, %dma_wait3A_2020] : memref<248x128xf32, #tpu.memory_space<vmem>> -> memref<240x128xf32, #tpu.memory_space<vmem>>
    %dma_wait3A_2022 = arith.constant 760 : i32
    %dma_wait3A_2023 = tpu.memref_slice %arg5[%dma_wait3A_2022, %add3A_1758] : memref<1000x16384xf32, #tpu.memory_space<hbm>> -> memref<240x128xf32, #tpu.memory_space<hbm>>
    %dma_wait3A_2024 = arith.constant 760 : i32
    %dma_wait3A_2025 = tpu.memref_slice %arg5[%dma_wait3A_2024, %add3A_1758] : memref<1000x16384xf32, #tpu.memory_space<hbm>> -> memref<240x128xf32, #tpu.memory_space<hbm>>
    %dma_wait3A_2026 = arith.constant 0 : i32
    %dma_wait3A_2027 = arith.constant 0 : i32
    %dma_wait3A_2028 = tpu.memref_slice %arg8[%dma_wait3A_2026, %dma_wait3A_2027] : memref<248x128xf32, #tpu.memory_space<vmem>> -> memref<240x128xf32, #tpu.memory_space<vmem>>
    tpu.wait_dma2 semaphore(%arg10 : memref<!tpu.dma_semaphore, #tpu.memory_space<semaphore_mem>>) src(%dma_wait3A_2028 : memref<240x128xf32, #tpu.memory_space<vmem>>) dst(%dma_wait3A_2025 : memref<240x128xf32, #tpu.memory_space<hbm>>)
    %get3A_2029 = arith.constant 128 : index
    %get3A_2030 = tpu.vector_load %arg6[%get3A_2029] {strides = array<i32>} : memref<512xi32, #tpu.memory_space<vmem>>, vector<16xi32>,
    %sub3A_2031 = arith.constant 760 : i32
    %sub3A_2032 = vector.broadcast %sub3A_2031 : i32 to vector<16xi32>
    %sub3A_2033 = arith.subi %get3A_2030, %sub3A_2032 : vector<16xi32>
    %ge3A_2034 = arith.constant 760 : i32
    %ge3A_2035 = vector.broadcast %ge3A_2034 : i32 to vector<16xi32>
    %ge3A_2036 = arith.cmpi sge, %get3A_2030, %ge3A_2035 : vector<16xi32>
    %lt3A_2037 = arith.constant 1000 : i32
    %lt3A_2038 = vector.broadcast %lt3A_2037 : i32 to vector<16xi32>
    %lt3A_2039 = arith.cmpi slt, %get3A_2030, %lt3A_2038 : vector<16xi32>
    %and3A_2040 = arith.andi %ge3A_2036, %lt3A_2039 : vector<16xi1>
    %add3A_2041 = arith.constant 0 : i32
    %add3A_2042 = vector.broadcast %add3A_2041 : i32 to vector<16xi32>
    %add3A_2043 = arith.addi %iota3A, %add3A_2042 : vector<16xi32>
    tpu.vector_store_idx %arg8[%sub3A_2033, %add3A_2043], %broadcast_in_dim3A_5 masked %and3A_2040 : memref<248x128xf32, #tpu.memory_space<vmem>>[vector<16xi32>, vector<16xi32>], vector<16xf32>, vector<16xi1>
    %get3A_2044 = arith.constant 144 : index
    %get3A_2045 = tpu.vector_load %arg6[%get3A_2044] {strides = array<i32>} : memref<512xi32, #tpu.memory_space<vmem>>, vector<16xi32>,
    %sub3A_2046 = arith.constant 760 : i32
    %sub3A_2047 = vector.broadcast %sub3A_2046 : i32 to vector<16xi32>
    %sub3A_2048 = arith.subi %get3A_2045, %sub3A_2047 : vector<16xi32>
    %ge3A_2049 = arith.constant 760 : i32
    %ge3A_2050 = vector.broadcast %ge3A_2049 : i32 to vector<16xi32>
    %ge3A_2051 = arith.cmpi sge, %get3A_2045, %ge3A_2050 : vector<16xi32>
    %lt3A_2052 = arith.constant 1000 : i32
    %lt3A_2053 = vector.broadcast %lt3A_2052 : i32 to vector<16xi32>
    %lt3A_2054 = arith.cmpi slt, %get3A_2045, %lt3A_2053 : vector<16xi32>
    %and3A_2055 = arith.andi %ge3A_2051, %lt3A_2054 : vector<16xi1>
    %add3A_2056 = arith.constant 16 : i32
    %add3A_2057 = vector.broadcast %add3A_2056 : i32 to vector<16xi32>
    %add3A_2058 = arith.addi %iota3A, %add3A_2057 : vector<16xi32>
    tpu.vector_store_idx %arg8[%sub3A_2048, %add3A_2058], %broadcast_in_dim3A_5 masked %and3A_2055 : memref<248x128xf32, #tpu.memory_space<vmem>>[vector<16xi32>, vector<16xi32>], vector<16xf32>, vector<16xi1>
    %get3A_2059 = arith.constant 160 : index
    %get3A_2060 = tpu.vector_load %arg6[%get3A_2059] {strides = array<i32>} : memref<512xi32, #tpu.memory_space<vmem>>, vector<16xi32>,
    %sub3A_2061 = arith.constant 760 : i32
    %sub3A_2062 = vector.broadcast %sub3A_2061 : i32 to vector<16xi32>
    %sub3A_2063 = arith.subi %get3A_2060, %sub3A_2062 : vector<16xi32>
    %ge3A_2064 = arith.constant 760 : i32
    %ge3A_2065 = vector.broadcast %ge3A_2064 : i32 to vector<16xi32>
    %ge3A_2066 = arith.cmpi sge, %get3A_2060, %ge3A_2065 : vector<16xi32>
    %lt3A_2067 = arith.constant 1000 : i32
    %lt3A_2068 = vector.broadcast %lt3A_2067 : i32 to vector<16xi32>
    %lt3A_2069 = arith.cmpi slt, %get3A_2060, %lt3A_2068 : vector<16xi32>
    %and3A_2070 = arith.andi %ge3A_2066, %lt3A_2069 : vector<16xi1>
    %add3A_2071 = arith.constant 32 : i32
    %add3A_2072 = vector.broadcast %add3A_2071 : i32 to vector<16xi32>
    %add3A_2073 = arith.addi %iota3A, %add3A_2072 : vector<16xi32>
    tpu.vector_store_idx %arg8[%sub3A_2063, %add3A_2073], %broadcast_in_dim3A_5 masked %and3A_2070 : memref<248x128xf32, #tpu.memory_space<vmem>>[vector<16xi32>, vector<16xi32>], vector<16xf32>, vector<16xi1>
    %get3A_2074 = arith.constant 176 : index
    %get3A_2075 = tpu.vector_load %arg6[%get3A_2074] {strides = array<i32>} : memref<512xi32, #tpu.memory_space<vmem>>, vector<16xi32>,
    %sub3A_2076 = arith.constant 760 : i32
    %sub3A_2077 = vector.broadcast %sub3A_2076 : i32 to vector<16xi32>
    %sub3A_2078 = arith.subi %get3A_2075, %sub3A_2077 : vector<16xi32>
    %ge3A_2079 = arith.constant 760 : i32
    %ge3A_2080 = vector.broadcast %ge3A_2079 : i32 to vector<16xi32>
    %ge3A_2081 = arith.cmpi sge, %get3A_2075, %ge3A_2080 : vector<16xi32>
    %lt3A_2082 = arith.constant 1000 : i32
    %lt3A_2083 = vector.broadcast %lt3A_2082 : i32 to vector<16xi32>
    %lt3A_2084 = arith.cmpi slt, %get3A_2075, %lt3A_2083 : vector<16xi32>
    %and3A_2085 = arith.andi %ge3A_2081, %lt3A_2084 : vector<16xi1>
    %add3A_2086 = arith.constant 48 : i32
    %add3A_2087 = vector.broadcast %add3A_2086 : i32 to vector<16xi32>
    %add3A_2088 = arith.addi %iota3A, %add3A_2087 : vector<16xi32>
    tpu.vector_store_idx %arg8[%sub3A_2078, %add3A_2088], %broadcast_in_dim3A_5 masked %and3A_2085 : memref<248x128xf32, #tpu.memory_space<vmem>>[vector<16xi32>, vector<16xi32>], vector<16xf32>, vector<16xi1>
    %get3A_2089 = arith.constant 192 : index
    %get3A_2090 = tpu.vector_load %arg6[%get3A_2089] {strides = array<i32>} : memref<512xi32, #tpu.memory_space<vmem>>, vector<16xi32>,
    %sub3A_2091 = arith.constant 760 : i32
    %sub3A_2092 = vector.broadcast %sub3A_2091 : i32 to vector<16xi32>
    %sub3A_2093 = arith.subi %get3A_2090, %sub3A_2092 : vector<16xi32>
    %ge3A_2094 = arith.constant 760 : i32
    %ge3A_2095 = vector.broadcast %ge3A_2094 : i32 to vector<16xi32>
    %ge3A_2096 = arith.cmpi sge, %get3A_2090, %ge3A_2095 : vector<16xi32>
    %lt3A_2097 = arith.constant 1000 : i32
    %lt3A_2098 = vector.broadcast %lt3A_2097 : i32 to vector<16xi32>
    %lt3A_2099 = arith.cmpi slt, %get3A_2090, %lt3A_2098 : vector<16xi32>
    %and3A_2100 = arith.andi %ge3A_2096, %lt3A_2099 : vector<16xi1>
    %add3A_2101 = arith.constant 64 : i32
    %add3A_2102 = vector.broadcast %add3A_2101 : i32 to vector<16xi32>
    %add3A_2103 = arith.addi %iota3A, %add3A_2102 : vector<16xi32>
    tpu.vector_store_idx %arg8[%sub3A_2093, %add3A_2103], %broadcast_in_dim3A_5 masked %and3A_2100 : memref<248x128xf32, #tpu.memory_space<vmem>>[vector<16xi32>, vector<16xi32>], vector<16xf32>, vector<16xi1>
    %get3A_2104 = arith.constant 208 : index
    %get3A_2105 = tpu.vector_load %arg6[%get3A_2104] {strides = array<i32>} : memref<512xi32, #tpu.memory_space<vmem>>, vector<16xi32>,
    %sub3A_2106 = arith.constant 760 : i32
    %sub3A_2107 = vector.broadcast %sub3A_2106 : i32 to vector<16xi32>
    %sub3A_2108 = arith.subi %get3A_2105, %sub3A_2107 : vector<16xi32>
    %ge3A_2109 = arith.constant 760 : i32
    %ge3A_2110 = vector.broadcast %ge3A_2109 : i32 to vector<16xi32>
    %ge3A_2111 = arith.cmpi sge, %get3A_2105, %ge3A_2110 : vector<16xi32>
    %lt3A_2112 = arith.constant 1000 : i32
    %lt3A_2113 = vector.broadcast %lt3A_2112 : i32 to vector<16xi32>
    %lt3A_2114 = arith.cmpi slt, %get3A_2105, %lt3A_2113 : vector<16xi32>
    %and3A_2115 = arith.andi %ge3A_2111, %lt3A_2114 : vector<16xi1>
    %add3A_2116 = arith.constant 80 : i32
    %add3A_2117 = vector.broadcast %add3A_2116 : i32 to vector<16xi32>
    %add3A_2118 = arith.addi %iota3A, %add3A_2117 : vector<16xi32>
    tpu.vector_store_idx %arg8[%sub3A_2108, %add3A_2118], %broadcast_in_dim3A_5 masked %and3A_2115 : memref<248x128xf32, #tpu.memory_space<vmem>>[vector<16xi32>, vector<16xi32>], vector<16xf32>, vector<16xi1>
    %get3A_2119 = arith.constant 224 : index
    %get3A_2120 = tpu.vector_load %arg6[%get3A_2119] {strides = array<i32>} : memref<512xi32, #tpu.memory_space<vmem>>, vector<16xi32>,
    %sub3A_2121 = arith.constant 760 : i32
    %sub3A_2122 = vector.broadcast %sub3A_2121 : i32 to vector<16xi32>
    %sub3A_2123 = arith.subi %get3A_2120, %sub3A_2122 : vector<16xi32>
    %ge3A_2124 = arith.constant 760 : i32
    %ge3A_2125 = vector.broadcast %ge3A_2124 : i32 to vector<16xi32>
    %ge3A_2126 = arith.cmpi sge, %get3A_2120, %ge3A_2125 : vector<16xi32>
    %lt3A_2127 = arith.constant 1000 : i32
    %lt3A_2128 = vector.broadcast %lt3A_2127 : i32 to vector<16xi32>
    %lt3A_2129 = arith.cmpi slt, %get3A_2120, %lt3A_2128 : vector<16xi32>
    %and3A_2130 = arith.andi %ge3A_2126, %lt3A_2129 : vector<16xi1>
    %add3A_2131 = arith.constant 96 : i32
    %add3A_2132 = vector.broadcast %add3A_2131 : i32 to vector<16xi32>
    %add3A_2133 = arith.addi %iota3A, %add3A_2132 : vector<16xi32>
    tpu.vector_store_idx %arg8[%sub3A_2123, %add3A_2133], %broadcast_in_dim3A_5 masked %and3A_2130 : memref<248x128xf32, #tpu.memory_space<vmem>>[vector<16xi32>, vector<16xi32>], vector<16xf32>, vector<16xi1>
    %get3A_2134 = arith.constant 240 : index
    %get3A_2135 = tpu.vector_load %arg6[%get3A_2134] {strides = array<i32>} : memref<512xi32, #tpu.memory_space<vmem>>, vector<16xi32>,
    %sub3A_2136 = arith.constant 760 : i32
    %sub3A_2137 = vector.broadcast %sub3A_2136 : i32 to vector<16xi32>
    %sub3A_2138 = arith.subi %get3A_2135, %sub3A_2137 : vector<16xi32>
    %ge3A_2139 = arith.constant 760 : i32
    %ge3A_2140 = vector.broadcast %ge3A_2139 : i32 to vector<16xi32>
    %ge3A_2141 = arith.cmpi sge, %get3A_2135, %ge3A_2140 : vector<16xi32>
    %lt3A_2142 = arith.constant 1000 : i32
    %lt3A_2143 = vector.broadcast %lt3A_2142 : i32 to vector<16xi32>
    %lt3A_2144 = arith.cmpi slt, %get3A_2135, %lt3A_2143 : vector<16xi32>
    %and3A_2145 = arith.andi %ge3A_2141, %lt3A_2144 : vector<16xi1>
    %add3A_2146 = arith.constant 112 : i32
    %add3A_2147 = vector.broadcast %add3A_2146 : i32 to vector<16xi32>
    %add3A_2148 = arith.addi %iota3A, %add3A_2147 : vector<16xi32>
    tpu.vector_store_idx %arg8[%sub3A_2138, %add3A_2148], %broadcast_in_dim3A_5 masked %and3A_2145 : memref<248x128xf32, #tpu.memory_space<vmem>>[vector<16xi32>, vector<16xi32>], vector<16xf32>, vector<16xi1>
    %get3A_2149 = arith.constant 256 : index
    %get3A_2150 = tpu.vector_load %arg6[%get3A_2149] {strides = array<i32>} : memref<512xi32, #tpu.memory_space<vmem>>, vector<16xi32>,
    %sub3A_2151 = arith.constant 256 : i32
    %sub3A_2152 = vector.broadcast %sub3A_2151 : i32 to vector<16xi32>
    %sub3A_2153 = arith.subi %get3A_2150, %sub3A_2152 : vector<16xi32>
    %ge3A_2154 = arith.constant 256 : i32
    %ge3A_2155 = vector.broadcast %ge3A_2154 : i32 to vector<16xi32>
    %ge3A_2156 = arith.cmpi sge, %get3A_2150, %ge3A_2155 : vector<16xi32>
    %lt3A_2157 = arith.constant 504 : i32
    %lt3A_2158 = vector.broadcast %lt3A_2157 : i32 to vector<16xi32>
    %lt3A_2159 = arith.cmpi slt, %get3A_2150, %lt3A_2158 : vector<16xi32>
    %and3A_2160 = arith.andi %ge3A_2156, %lt3A_2159 : vector<16xi1>
    %add3A_2161 = arith.constant 0 : i32
    %add3A_2162 = vector.broadcast %add3A_2161 : i32 to vector<16xi32>
    %add3A_2163 = arith.addi %iota3A, %add3A_2162 : vector<16xi32>
    tpu.vector_store_idx %arg8[%sub3A_2153, %add3A_2163], %broadcast_in_dim3A_3 masked %and3A_2160 : memref<248x128xf32, #tpu.memory_space<vmem>>[vector<16xi32>, vector<16xi32>], vector<16xf32>, vector<16xi1>
    %get3A_2164 = arith.constant 272 : index
    %get3A_2165 = tpu.vector_load %arg6[%get3A_2164] {strides = array<i32>} : memref<512xi32, #tpu.memory_space<vmem>>, vector<16xi32>,
    %sub3A_2166 = arith.constant 256 : i32
    %sub3A_2167 = vector.broadcast %sub3A_2166 : i32 to vector<16xi32>
    %sub3A_2168 = arith.subi %get3A_2165, %sub3A_2167 : vector<16xi32>
    %ge3A_2169 = arith.constant 256 : i32
    %ge3A_2170 = vector.broadcast %ge3A_2169 : i32 to vector<16xi32>
    %ge3A_2171 = arith.cmpi sge, %get3A_2165, %ge3A_2170 : vector<16xi32>
    %lt3A_2172 = arith.constant 504 : i32
    %lt3A_2173 = vector.broadcast %lt3A_2172 : i32 to vector<16xi32>
    %lt3A_2174 = arith.cmpi slt, %get3A_2165, %lt3A_2173 : vector<16xi32>
    %and3A_2175 = arith.andi %ge3A_2171, %lt3A_2174 : vector<16xi1>
    %add3A_2176 = arith.constant 16 : i32
    %add3A_2177 = vector.broadcast %add3A_2176 : i32 to vector<16xi32>
    %add3A_2178 = arith.addi %iota3A, %add3A_2177 : vector<16xi32>
    tpu.vector_store_idx %arg8[%sub3A_2168, %add3A_2178], %broadcast_in_dim3A_3 masked %and3A_2175 : memref<248x128xf32, #tpu.memory_space<vmem>>[vector<16xi32>, vector<16xi32>], vector<16xf32>, vector<16xi1>
    %get3A_2179 = arith.constant 288 : index
    %get3A_2180 = tpu.vector_load %arg6[%get3A_2179] {strides = array<i32>} : memref<512xi32, #tpu.memory_space<vmem>>, vector<16xi32>,
    %sub3A_2181 = arith.constant 256 : i32
    %sub3A_2182 = vector.broadcast %sub3A_2181 : i32 to vector<16xi32>
    %sub3A_2183 = arith.subi %get3A_2180, %sub3A_2182 : vector<16xi32>
    %ge3A_2184 = arith.constant 256 : i32
    %ge3A_2185 = vector.broadcast %ge3A_2184 : i32 to vector<16xi32>
    %ge3A_2186 = arith.cmpi sge, %get3A_2180, %ge3A_2185 : vector<16xi32>
    %lt3A_2187 = arith.constant 504 : i32
    %lt3A_2188 = vector.broadcast %lt3A_2187 : i32 to vector<16xi32>
    %lt3A_2189 = arith.cmpi slt, %get3A_2180, %lt3A_2188 : vector<16xi32>
    %and3A_2190 = arith.andi %ge3A_2186, %lt3A_2189 : vector<16xi1>
    %add3A_2191 = arith.constant 32 : i32
    %add3A_2192 = vector.broadcast %add3A_2191 : i32 to vector<16xi32>
    %add3A_2193 = arith.addi %iota3A, %add3A_2192 : vector<16xi32>
    tpu.vector_store_idx %arg8[%sub3A_2183, %add3A_2193], %broadcast_in_dim3A_3 masked %and3A_2190 : memref<248x128xf32, #tpu.memory_space<vmem>>[vector<16xi32>, vector<16xi32>], vector<16xf32>, vector<16xi1>
    %get3A_2194 = arith.constant 304 : index
    %get3A_2195 = tpu.vector_load %arg6[%get3A_2194] {strides = array<i32>} : memref<512xi32, #tpu.memory_space<vmem>>, vector<16xi32>,
    %sub3A_2196 = arith.constant 256 : i32
    %sub3A_2197 = vector.broadcast %sub3A_2196 : i32 to vector<16xi32>
    %sub3A_2198 = arith.subi %get3A_2195, %sub3A_2197 : vector<16xi32>
    %ge3A_2199 = arith.constant 256 : i32
    %ge3A_2200 = vector.broadcast %ge3A_2199 : i32 to vector<16xi32>
    %ge3A_2201 = arith.cmpi sge, %get3A_2195, %ge3A_2200 : vector<16xi32>
    %lt3A_2202 = arith.constant 504 : i32
    %lt3A_2203 = vector.broadcast %lt3A_2202 : i32 to vector<16xi32>
    %lt3A_2204 = arith.cmpi slt, %get3A_2195, %lt3A_2203 : vector<16xi32>
    %and3A_2205 = arith.andi %ge3A_2201, %lt3A_2204 : vector<16xi1>
    %add3A_2206 = arith.constant 48 : i32
    %add3A_2207 = vector.broadcast %add3A_2206 : i32 to vector<16xi32>
    %add3A_2208 = arith.addi %iota3A, %add3A_2207 : vector<16xi32>
    tpu.vector_store_idx %arg8[%sub3A_2198, %add3A_2208], %broadcast_in_dim3A_3 masked %and3A_2205 : memref<248x128xf32, #tpu.memory_space<vmem>>[vector<16xi32>, vector<16xi32>], vector<16xf32>, vector<16xi1>
    %get3A_2209 = arith.constant 320 : index
    %get3A_2210 = tpu.vector_load %arg6[%get3A_2209] {strides = array<i32>} : memref<512xi32, #tpu.memory_space<vmem>>, vector<16xi32>,
    %sub3A_2211 = arith.constant 256 : i32
    %sub3A_2212 = vector.broadcast %sub3A_2211 : i32 to vector<16xi32>
    %sub3A_2213 = arith.subi %get3A_2210, %sub3A_2212 : vector<16xi32>
    %ge3A_2214 = arith.constant 256 : i32
    %ge3A_2215 = vector.broadcast %ge3A_2214 : i32 to vector<16xi32>
    %ge3A_2216 = arith.cmpi sge, %get3A_2210, %ge3A_2215 : vector<16xi32>
    %lt3A_2217 = arith.constant 504 : i32
    %lt3A_2218 = vector.broadcast %lt3A_2217 : i32 to vector<16xi32>
    %lt3A_2219 = arith.cmpi slt, %get3A_2210, %lt3A_2218 : vector<16xi32>
    %and3A_2220 = arith.andi %ge3A_2216, %lt3A_2219 : vector<16xi1>
    %add3A_2221 = arith.constant 64 : i32
    %add3A_2222 = vector.broadcast %add3A_2221 : i32 to vector<16xi32>
    %add3A_2223 = arith.addi %iota3A, %add3A_2222 : vector<16xi32>
    tpu.vector_store_idx %arg8[%sub3A_2213, %add3A_2223], %broadcast_in_dim3A_3 masked %and3A_2220 : memref<248x128xf32, #tpu.memory_space<vmem>>[vector<16xi32>, vector<16xi32>], vector<16xf32>, vector<16xi1>
    %get3A_2224 = arith.constant 336 : index
    %get3A_2225 = tpu.vector_load %arg6[%get3A_2224] {strides = array<i32>} : memref<512xi32, #tpu.memory_space<vmem>>, vector<16xi32>,
    %sub3A_2226 = arith.constant 256 : i32
    %sub3A_2227 = vector.broadcast %sub3A_2226 : i32 to vector<16xi32>
    %sub3A_2228 = arith.subi %get3A_2225, %sub3A_2227 : vector<16xi32>
    %ge3A_2229 = arith.constant 256 : i32
    %ge3A_2230 = vector.broadcast %ge3A_2229 : i32 to vector<16xi32>
    %ge3A_2231 = arith.cmpi sge, %get3A_2225, %ge3A_2230 : vector<16xi32>
    %lt3A_2232 = arith.constant 504 : i32
    %lt3A_2233 = vector.broadcast %lt3A_2232 : i32 to vector<16xi32>
    %lt3A_2234 = arith.cmpi slt, %get3A_2225, %lt3A_2233 : vector<16xi32>
    %and3A_2235 = arith.andi %ge3A_2231, %lt3A_2234 : vector<16xi1>
    %add3A_2236 = arith.constant 80 : i32
    %add3A_2237 = vector.broadcast %add3A_2236 : i32 to vector<16xi32>
    %add3A_2238 = arith.addi %iota3A, %add3A_2237 : vector<16xi32>
    tpu.vector_store_idx %arg8[%sub3A_2228, %add3A_2238], %broadcast_in_dim3A_3 masked %and3A_2235 : memref<248x128xf32, #tpu.memory_space<vmem>>[vector<16xi32>, vector<16xi32>], vector<16xf32>, vector<16xi1>
    %get3A_2239 = arith.constant 352 : index
    %get3A_2240 = tpu.vector_load %arg6[%get3A_2239] {strides = array<i32>} : memref<512xi32, #tpu.memory_space<vmem>>, vector<16xi32>,
    %sub3A_2241 = arith.constant 256 : i32
    %sub3A_2242 = vector.broadcast %sub3A_2241 : i32 to vector<16xi32>
    %sub3A_2243 = arith.subi %get3A_2240, %sub3A_2242 : vector<16xi32>
    %ge3A_2244 = arith.constant 256 : i32
    %ge3A_2245 = vector.broadcast %ge3A_2244 : i32 to vector<16xi32>
    %ge3A_2246 = arith.cmpi sge, %get3A_2240, %ge3A_2245 : vector<16xi32>
    %lt3A_2247 = arith.constant 504 : i32
    %lt3A_2248 = vector.broadcast %lt3A_2247 : i32 to vector<16xi32>
    %lt3A_2249 = arith.cmpi slt, %get3A_2240, %lt3A_2248 : vector<16xi32>
    %and3A_2250 = arith.andi %ge3A_2246, %lt3A_2249 : vector<16xi1>
    %add3A_2251 = arith.constant 96 : i32
    %add3A_2252 = vector.broadcast %add3A_2251 : i32 to vector<16xi32>
    %add3A_2253 = arith.addi %iota3A, %add3A_2252 : vector<16xi32>
    tpu.vector_store_idx %arg8[%sub3A_2243, %add3A_2253], %broadcast_in_dim3A_3 masked %and3A_2250 : memref<248x128xf32, #tpu.memory_space<vmem>>[vector<16xi32>, vector<16xi32>], vector<16xf32>, vector<16xi1>
    %get3A_2254 = arith.constant 368 : index
    %get3A_2255 = tpu.vector_load %arg6[%get3A_2254] {strides = array<i32>} : memref<512xi32, #tpu.memory_space<vmem>>, vector<16xi32>,
    %sub3A_2256 = arith.constant 256 : i32
    %sub3A_2257 = vector.broadcast %sub3A_2256 : i32 to vector<16xi32>
    %sub3A_2258 = arith.subi %get3A_2255, %sub3A_2257 : vector<16xi32>
    %ge3A_2259 = arith.constant 256 : i32
    %ge3A_2260 = vector.broadcast %ge3A_2259 : i32 to vector<16xi32>
    %ge3A_2261 = arith.cmpi sge, %get3A_2255, %ge3A_2260 : vector<16xi32>
    %lt3A_2262 = arith.constant 504 : i32
    %lt3A_2263 = vector.broadcast %lt3A_2262 : i32 to vector<16xi32>
    %lt3A_2264 = arith.cmpi slt, %get3A_2255, %lt3A_2263 : vector<16xi32>
    %and3A_2265 = arith.andi %ge3A_2261, %lt3A_2264 : vector<16xi1>
    %add3A_2266 = arith.constant 112 : i32
    %add3A_2267 = vector.broadcast %add3A_2266 : i32 to vector<16xi32>
    %add3A_2268 = arith.addi %iota3A, %add3A_2267 : vector<16xi32>
    tpu.vector_store_idx %arg8[%sub3A_2258, %add3A_2268], %broadcast_in_dim3A_3 masked %and3A_2265 : memref<248x128xf32, #tpu.memory_space<vmem>>[vector<16xi32>, vector<16xi32>], vector<16xf32>, vector<16xi1>
    %add3A_2269 = arith.constant 256 : i32
    %add3A_2270 = arith.addi %mul3A_2, %add3A_2269 : i32
    %dma_start3A_2271 = arith.constant 256 : i32
    %dma_start3A_2272 = tpu.memref_slice %arg5[%dma_start3A_2271, %add3A_2270] : memref<1000x16384xf32, #tpu.memory_space<hbm>> -> memref<248x128xf32, #tpu.memory_space<hbm>>
    %dma_start3A_2273 = arith.constant 256 : i32
    %dma_start3A_2274 = tpu.memref_slice %arg5[%dma_start3A_2273, %add3A_2270] : memref<1000x16384xf32, #tpu.memory_space<hbm>> -> memref<248x128xf32, #tpu.memory_space<hbm>>
    tpu.enqueue_dma source(%arg8 : memref<248x128xf32, #tpu.memory_space<vmem>>) target(%dma_start3A_2274 : memref<248x128xf32, #tpu.memory_space<hbm>>) target_semaphore(%arg10 : memref<!tpu.dma_semaphore, #tpu.memory_space<semaphore_mem>>)
    %dma_wait3A_2275 = arith.constant 0 : i32
    %dma_wait3A_2276 = tpu.memref_slice %arg5[%dma_wait3A_2275, %add3A_2014] : memref<1000x16384xf32, #tpu.memory_space<hbm>> -> memref<256x128xf32, #tpu.memory_space<hbm>>
    %dma_wait3A_2277 = arith.constant 0 : i32
    %dma_wait3A_2278 = tpu.memref_slice %arg5[%dma_wait3A_2277, %add3A_2014] : memref<1000x16384xf32, #tpu.memory_space<hbm>> -> memref<256x128xf32, #tpu.memory_space<hbm>>
    tpu.wait_dma2 semaphore(%arg9 : memref<!tpu.dma_semaphore, #tpu.memory_space<semaphore_mem>>) src(%arg7 : memref<256x128xf32, #tpu.memory_space<vmem>>) dst(%dma_wait3A_2278 : memref<256x128xf32, #tpu.memory_space<hbm>>)
    %get3A_2279 = arith.constant 256 : index
    %get3A_2280 = tpu.vector_load %arg6[%get3A_2279] {strides = array<i32>} : memref<512xi32, #tpu.memory_space<vmem>>, vector<16xi32>,
    %sub3A_2281 = arith.constant 0 : i32
    %sub3A_2282 = vector.broadcast %sub3A_2281 : i32 to vector<16xi32>
    %sub3A_2283 = arith.subi %get3A_2280, %sub3A_2282 : vector<16xi32>
    %ge3A_2284 = arith.constant 0 : i32
    %ge3A_2285 = vector.broadcast %ge3A_2284 : i32 to vector<16xi32>
    %ge3A_2286 = arith.cmpi sge, %get3A_2280, %ge3A_2285 : vector<16xi32>
    %lt3A_2287 = arith.constant 256 : i32
    %lt3A_2288 = vector.broadcast %lt3A_2287 : i32 to vector<16xi32>
    %lt3A_2289 = arith.cmpi slt, %get3A_2280, %lt3A_2288 : vector<16xi32>
    %and3A_2290 = arith.andi %ge3A_2286, %lt3A_2289 : vector<16xi1>
    %add3A_2291 = arith.constant 0 : i32
    %add3A_2292 = vector.broadcast %add3A_2291 : i32 to vector<16xi32>
    %add3A_2293 = arith.addi %iota3A, %add3A_2292 : vector<16xi32>
    tpu.vector_store_idx %arg7[%sub3A_2283, %add3A_2293], %broadcast_in_dim3A_5 masked %and3A_2290 : memref<256x128xf32, #tpu.memory_space<vmem>>[vector<16xi32>, vector<16xi32>], vector<16xf32>, vector<16xi1>
    %get3A_2294 = arith.constant 272 : index
    %get3A_2295 = tpu.vector_load %arg6[%get3A_2294] {strides = array<i32>} : memref<512xi32, #tpu.memory_space<vmem>>, vector<16xi32>,
    %sub3A_2296 = arith.constant 0 : i32
    %sub3A_2297 = vector.broadcast %sub3A_2296 : i32 to vector<16xi32>
    %sub3A_2298 = arith.subi %get3A_2295, %sub3A_2297 : vector<16xi32>
    %ge3A_2299 = arith.constant 0 : i32
    %ge3A_2300 = vector.broadcast %ge3A_2299 : i32 to vector<16xi32>
    %ge3A_2301 = arith.cmpi sge, %get3A_2295, %ge3A_2300 : vector<16xi32>
    %lt3A_2302 = arith.constant 256 : i32
    %lt3A_2303 = vector.broadcast %lt3A_2302 : i32 to vector<16xi32>
    %lt3A_2304 = arith.cmpi slt, %get3A_2295, %lt3A_2303 : vector<16xi32>
    %and3A_2305 = arith.andi %ge3A_2301, %lt3A_2304 : vector<16xi1>
    %add3A_2306 = arith.constant 16 : i32
    %add3A_2307 = vector.broadcast %add3A_2306 : i32 to vector<16xi32>
    %add3A_2308 = arith.addi %iota3A, %add3A_2307 : vector<16xi32>
    tpu.vector_store_idx %arg7[%sub3A_2298, %add3A_2308], %broadcast_in_dim3A_5 masked %and3A_2305 : memref<256x128xf32, #tpu.memory_space<vmem>>[vector<16xi32>, vector<16xi32>], vector<16xf32>, vector<16xi1>
    %get3A_2309 = arith.constant 288 : index
    %get3A_2310 = tpu.vector_load %arg6[%get3A_2309] {strides = array<i32>} : memref<512xi32, #tpu.memory_space<vmem>>, vector<16xi32>,
    %sub3A_2311 = arith.constant 0 : i32
    %sub3A_2312 = vector.broadcast %sub3A_2311 : i32 to vector<16xi32>
    %sub3A_2313 = arith.subi %get3A_2310, %sub3A_2312 : vector<16xi32>
    %ge3A_2314 = arith.constant 0 : i32
    %ge3A_2315 = vector.broadcast %ge3A_2314 : i32 to vector<16xi32>
    %ge3A_2316 = arith.cmpi sge, %get3A_2310, %ge3A_2315 : vector<16xi32>
    %lt3A_2317 = arith.constant 256 : i32
    %lt3A_2318 = vector.broadcast %lt3A_2317 : i32 to vector<16xi32>
    %lt3A_2319 = arith.cmpi slt, %get3A_2310, %lt3A_2318 : vector<16xi32>
    %and3A_2320 = arith.andi %ge3A_2316, %lt3A_2319 : vector<16xi1>
    %add3A_2321 = arith.constant 32 : i32
    %add3A_2322 = vector.broadcast %add3A_2321 : i32 to vector<16xi32>
    %add3A_2323 = arith.addi %iota3A, %add3A_2322 : vector<16xi32>
    tpu.vector_store_idx %arg7[%sub3A_2313, %add3A_2323], %broadcast_in_dim3A_5 masked %and3A_2320 : memref<256x128xf32, #tpu.memory_space<vmem>>[vector<16xi32>, vector<16xi32>], vector<16xf32>, vector<16xi1>
    %get3A_2324 = arith.constant 304 : index
    %get3A_2325 = tpu.vector_load %arg6[%get3A_2324] {strides = array<i32>} : memref<512xi32, #tpu.memory_space<vmem>>, vector<16xi32>,
    %sub3A_2326 = arith.constant 0 : i32
    %sub3A_2327 = vector.broadcast %sub3A_2326 : i32 to vector<16xi32>
    %sub3A_2328 = arith.subi %get3A_2325, %sub3A_2327 : vector<16xi32>
    %ge3A_2329 = arith.constant 0 : i32
    %ge3A_2330 = vector.broadcast %ge3A_2329 : i32 to vector<16xi32>
    %ge3A_2331 = arith.cmpi sge, %get3A_2325, %ge3A_2330 : vector<16xi32>
    %lt3A_2332 = arith.constant 256 : i32
    %lt3A_2333 = vector.broadcast %lt3A_2332 : i32 to vector<16xi32>
    %lt3A_2334 = arith.cmpi slt, %get3A_2325, %lt3A_2333 : vector<16xi32>
    %and3A_2335 = arith.andi %ge3A_2331, %lt3A_2334 : vector<16xi1>
    %add3A_2336 = arith.constant 48 : i32
    %add3A_2337 = vector.broadcast %add3A_2336 : i32 to vector<16xi32>
    %add3A_2338 = arith.addi %iota3A, %add3A_2337 : vector<16xi32>
    tpu.vector_store_idx %arg7[%sub3A_2328, %add3A_2338], %broadcast_in_dim3A_5 masked %and3A_2335 : memref<256x128xf32, #tpu.memory_space<vmem>>[vector<16xi32>, vector<16xi32>], vector<16xf32>, vector<16xi1>
    %get3A_2339 = arith.constant 320 : index
    %get3A_2340 = tpu.vector_load %arg6[%get3A_2339] {strides = array<i32>} : memref<512xi32, #tpu.memory_space<vmem>>, vector<16xi32>,
    %sub3A_2341 = arith.constant 0 : i32
    %sub3A_2342 = vector.broadcast %sub3A_2341 : i32 to vector<16xi32>
    %sub3A_2343 = arith.subi %get3A_2340, %sub3A_2342 : vector<16xi32>
    %ge3A_2344 = arith.constant 0 : i32
    %ge3A_2345 = vector.broadcast %ge3A_2344 : i32 to vector<16xi32>
    %ge3A_2346 = arith.cmpi sge, %get3A_2340, %ge3A_2345 : vector<16xi32>
    %lt3A_2347 = arith.constant 256 : i32
    %lt3A_2348 = vector.broadcast %lt3A_2347 : i32 to vector<16xi32>
    %lt3A_2349 = arith.cmpi slt, %get3A_2340, %lt3A_2348 : vector<16xi32>
    %and3A_2350 = arith.andi %ge3A_2346, %lt3A_2349 : vector<16xi1>
    %add3A_2351 = arith.constant 64 : i32
    %add3A_2352 = vector.broadcast %add3A_2351 : i32 to vector<16xi32>
    %add3A_2353 = arith.addi %iota3A, %add3A_2352 : vector<16xi32>
    tpu.vector_store_idx %arg7[%sub3A_2343, %add3A_2353], %broadcast_in_dim3A_5 masked %and3A_2350 : memref<256x128xf32, #tpu.memory_space<vmem>>[vector<16xi32>, vector<16xi32>], vector<16xf32>, vector<16xi1>
    %get3A_2354 = arith.constant 336 : index
    %get3A_2355 = tpu.vector_load %arg6[%get3A_2354] {strides = array<i32>} : memref<512xi32, #tpu.memory_space<vmem>>, vector<16xi32>,
    %sub3A_2356 = arith.constant 0 : i32
    %sub3A_2357 = vector.broadcast %sub3A_2356 : i32 to vector<16xi32>
    %sub3A_2358 = arith.subi %get3A_2355, %sub3A_2357 : vector<16xi32>
    %ge3A_2359 = arith.constant 0 : i32
    %ge3A_2360 = vector.broadcast %ge3A_2359 : i32 to vector<16xi32>
    %ge3A_2361 = arith.cmpi sge, %get3A_2355, %ge3A_2360 : vector<16xi32>
    %lt3A_2362 = arith.constant 256 : i32
    %lt3A_2363 = vector.broadcast %lt3A_2362 : i32 to vector<16xi32>
    %lt3A_2364 = arith.cmpi slt, %get3A_2355, %lt3A_2363 : vector<16xi32>
    %and3A_2365 = arith.andi %ge3A_2361, %lt3A_2364 : vector<16xi1>
    %add3A_2366 = arith.constant 80 : i32
    %add3A_2367 = vector.broadcast %add3A_2366 : i32 to vector<16xi32>
    %add3A_2368 = arith.addi %iota3A, %add3A_2367 : vector<16xi32>
    tpu.vector_store_idx %arg7[%sub3A_2358, %add3A_2368], %broadcast_in_dim3A_5 masked %and3A_2365 : memref<256x128xf32, #tpu.memory_space<vmem>>[vector<16xi32>, vector<16xi32>], vector<16xf32>, vector<16xi1>
    %get3A_2369 = arith.constant 352 : index
    %get3A_2370 = tpu.vector_load %arg6[%get3A_2369] {strides = array<i32>} : memref<512xi32, #tpu.memory_space<vmem>>, vector<16xi32>,
    %sub3A_2371 = arith.constant 0 : i32
    %sub3A_2372 = vector.broadcast %sub3A_2371 : i32 to vector<16xi32>
    %sub3A_2373 = arith.subi %get3A_2370, %sub3A_2372 : vector<16xi32>
    %ge3A_2374 = arith.constant 0 : i32
    %ge3A_2375 = vector.broadcast %ge3A_2374 : i32 to vector<16xi32>
    %ge3A_2376 = arith.cmpi sge, %get3A_2370, %ge3A_2375 : vector<16xi32>
    %lt3A_2377 = arith.constant 256 : i32
    %lt3A_2378 = vector.broadcast %lt3A_2377 : i32 to vector<16xi32>
    %lt3A_2379 = arith.cmpi slt, %get3A_2370, %lt3A_2378 : vector<16xi32>
    %and3A_2380 = arith.andi %ge3A_2376, %lt3A_2379 : vector<16xi1>
    %add3A_2381 = arith.constant 96 : i32
    %add3A_2382 = vector.broadcast %add3A_2381 : i32 to vector<16xi32>
    %add3A_2383 = arith.addi %iota3A, %add3A_2382 : vector<16xi32>
    tpu.vector_store_idx %arg7[%sub3A_2373, %add3A_2383], %broadcast_in_dim3A_5 masked %and3A_2380 : memref<256x128xf32, #tpu.memory_space<vmem>>[vector<16xi32>, vector<16xi32>], vector<16xf32>, vector<16xi1>
    %get3A_2384 = arith.constant 368 : index
    %get3A_2385 = tpu.vector_load %arg6[%get3A_2384] {strides = array<i32>} : memref<512xi32, #tpu.memory_space<vmem>>, vector<16xi32>,
    %sub3A_2386 = arith.constant 0 : i32
    %sub3A_2387 = vector.broadcast %sub3A_2386 : i32 to vector<16xi32>
    %sub3A_2388 = arith.subi %get3A_2385, %sub3A_2387 : vector<16xi32>
    %ge3A_2389 = arith.constant 0 : i32
    %ge3A_2390 = vector.broadcast %ge3A_2389 : i32 to vector<16xi32>
    %ge3A_2391 = arith.cmpi sge, %get3A_2385, %ge3A_2390 : vector<16xi32>
    %lt3A_2392 = arith.constant 256 : i32
    %lt3A_2393 = vector.broadcast %lt3A_2392 : i32 to vector<16xi32>
    %lt3A_2394 = arith.cmpi slt, %get3A_2385, %lt3A_2393 : vector<16xi32>
    %and3A_2395 = arith.andi %ge3A_2391, %lt3A_2394 : vector<16xi1>
    %add3A_2396 = arith.constant 112 : i32
    %add3A_2397 = vector.broadcast %add3A_2396 : i32 to vector<16xi32>
    %add3A_2398 = arith.addi %iota3A, %add3A_2397 : vector<16xi32>
    tpu.vector_store_idx %arg7[%sub3A_2388, %add3A_2398], %broadcast_in_dim3A_5 masked %and3A_2395 : memref<256x128xf32, #tpu.memory_space<vmem>>[vector<16xi32>, vector<16xi32>], vector<16xf32>, vector<16xi1>
    %get3A_2399 = arith.constant 256 : index
    %get3A_2400 = tpu.vector_load %arg6[%get3A_2399] {strides = array<i32>} : memref<512xi32, #tpu.memory_space<vmem>>, vector<16xi32>,
    %sub3A_2401 = arith.constant 504 : i32
    %sub3A_2402 = vector.broadcast %sub3A_2401 : i32 to vector<16xi32>
    %sub3A_2403 = arith.subi %get3A_2400, %sub3A_2402 : vector<16xi32>
    %ge3A_2404 = arith.constant 504 : i32
    %ge3A_2405 = vector.broadcast %ge3A_2404 : i32 to vector<16xi32>
    %ge3A_2406 = arith.cmpi sge, %get3A_2400, %ge3A_2405 : vector<16xi32>
    %lt3A_2407 = arith.constant 760 : i32
    %lt3A_2408 = vector.broadcast %lt3A_2407 : i32 to vector<16xi32>
    %lt3A_2409 = arith.cmpi slt, %get3A_2400, %lt3A_2408 : vector<16xi32>
    %and3A_2410 = arith.andi %ge3A_2406, %lt3A_2409 : vector<16xi1>
    %add3A_2411 = arith.constant 0 : i32
    %add3A_2412 = vector.broadcast %add3A_2411 : i32 to vector<16xi32>
    %add3A_2413 = arith.addi %iota3A, %add3A_2412 : vector<16xi32>
    tpu.vector_store_idx %arg7[%sub3A_2403, %add3A_2413], %broadcast_in_dim3A_3 masked %and3A_2410 : memref<256x128xf32, #tpu.memory_space<vmem>>[vector<16xi32>, vector<16xi32>], vector<16xf32>, vector<16xi1>
    %get3A_2414 = arith.constant 272 : index
    %get3A_2415 = tpu.vector_load %arg6[%get3A_2414] {strides = array<i32>} : memref<512xi32, #tpu.memory_space<vmem>>, vector<16xi32>,
    %sub3A_2416 = arith.constant 504 : i32
    %sub3A_2417 = vector.broadcast %sub3A_2416 : i32 to vector<16xi32>
    %sub3A_2418 = arith.subi %get3A_2415, %sub3A_2417 : vector<16xi32>
    %ge3A_2419 = arith.constant 504 : i32
    %ge3A_2420 = vector.broadcast %ge3A_2419 : i32 to vector<16xi32>
    %ge3A_2421 = arith.cmpi sge, %get3A_2415, %ge3A_2420 : vector<16xi32>
    %lt3A_2422 = arith.constant 760 : i32
    %lt3A_2423 = vector.broadcast %lt3A_2422 : i32 to vector<16xi32>
    %lt3A_2424 = arith.cmpi slt, %get3A_2415, %lt3A_2423 : vector<16xi32>
    %and3A_2425 = arith.andi %ge3A_2421, %lt3A_2424 : vector<16xi1>
    %add3A_2426 = arith.constant 16 : i32
    %add3A_2427 = vector.broadcast %add3A_2426 : i32 to vector<16xi32>
    %add3A_2428 = arith.addi %iota3A, %add3A_2427 : vector<16xi32>
    tpu.vector_store_idx %arg7[%sub3A_2418, %add3A_2428], %broadcast_in_dim3A_3 masked %and3A_2425 : memref<256x128xf32, #tpu.memory_space<vmem>>[vector<16xi32>, vector<16xi32>], vector<16xf32>, vector<16xi1>
    %get3A_2429 = arith.constant 288 : index
    %get3A_2430 = tpu.vector_load %arg6[%get3A_2429] {strides = array<i32>} : memref<512xi32, #tpu.memory_space<vmem>>, vector<16xi32>,
    %sub3A_2431 = arith.constant 504 : i32
    %sub3A_2432 = vector.broadcast %sub3A_2431 : i32 to vector<16xi32>
    %sub3A_2433 = arith.subi %get3A_2430, %sub3A_2432 : vector<16xi32>
    %ge3A_2434 = arith.constant 504 : i32
    %ge3A_2435 = vector.broadcast %ge3A_2434 : i32 to vector<16xi32>
    %ge3A_2436 = arith.cmpi sge, %get3A_2430, %ge3A_2435 : vector<16xi32>
    %lt3A_2437 = arith.constant 760 : i32
    %lt3A_2438 = vector.broadcast %lt3A_2437 : i32 to vector<16xi32>
    %lt3A_2439 = arith.cmpi slt, %get3A_2430, %lt3A_2438 : vector<16xi32>
    %and3A_2440 = arith.andi %ge3A_2436, %lt3A_2439 : vector<16xi1>
    %add3A_2441 = arith.constant 32 : i32
    %add3A_2442 = vector.broadcast %add3A_2441 : i32 to vector<16xi32>
    %add3A_2443 = arith.addi %iota3A, %add3A_2442 : vector<16xi32>
    tpu.vector_store_idx %arg7[%sub3A_2433, %add3A_2443], %broadcast_in_dim3A_3 masked %and3A_2440 : memref<256x128xf32, #tpu.memory_space<vmem>>[vector<16xi32>, vector<16xi32>], vector<16xf32>, vector<16xi1>
    %get3A_2444 = arith.constant 304 : index
    %get3A_2445 = tpu.vector_load %arg6[%get3A_2444] {strides = array<i32>} : memref<512xi32, #tpu.memory_space<vmem>>, vector<16xi32>,
    %sub3A_2446 = arith.constant 504 : i32
    %sub3A_2447 = vector.broadcast %sub3A_2446 : i32 to vector<16xi32>
    %sub3A_2448 = arith.subi %get3A_2445, %sub3A_2447 : vector<16xi32>
    %ge3A_2449 = arith.constant 504 : i32
    %ge3A_2450 = vector.broadcast %ge3A_2449 : i32 to vector<16xi32>
    %ge3A_2451 = arith.cmpi sge, %get3A_2445, %ge3A_2450 : vector<16xi32>
    %lt3A_2452 = arith.constant 760 : i32
    %lt3A_2453 = vector.broadcast %lt3A_2452 : i32 to vector<16xi32>
    %lt3A_2454 = arith.cmpi slt, %get3A_2445, %lt3A_2453 : vector<16xi32>
    %and3A_2455 = arith.andi %ge3A_2451, %lt3A_2454 : vector<16xi1>
    %add3A_2456 = arith.constant 48 : i32
    %add3A_2457 = vector.broadcast %add3A_2456 : i32 to vector<16xi32>
    %add3A_2458 = arith.addi %iota3A, %add3A_2457 : vector<16xi32>
    tpu.vector_store_idx %arg7[%sub3A_2448, %add3A_2458], %broadcast_in_dim3A_3 masked %and3A_2455 : memref<256x128xf32, #tpu.memory_space<vmem>>[vector<16xi32>, vector<16xi32>], vector<16xf32>, vector<16xi1>
    %get3A_2459 = arith.constant 320 : index
    %get3A_2460 = tpu.vector_load %arg6[%get3A_2459] {strides = array<i32>} : memref<512xi32, #tpu.memory_space<vmem>>, vector<16xi32>,
    %sub3A_2461 = arith.constant 504 : i32
    %sub3A_2462 = vector.broadcast %sub3A_2461 : i32 to vector<16xi32>
    %sub3A_2463 = arith.subi %get3A_2460, %sub3A_2462 : vector<16xi32>
    %ge3A_2464 = arith.constant 504 : i32
    %ge3A_2465 = vector.broadcast %ge3A_2464 : i32 to vector<16xi32>
    %ge3A_2466 = arith.cmpi sge, %get3A_2460, %ge3A_2465 : vector<16xi32>
    %lt3A_2467 = arith.constant 760 : i32
    %lt3A_2468 = vector.broadcast %lt3A_2467 : i32 to vector<16xi32>
    %lt3A_2469 = arith.cmpi slt, %get3A_2460, %lt3A_2468 : vector<16xi32>
    %and3A_2470 = arith.andi %ge3A_2466, %lt3A_2469 : vector<16xi1>
    %add3A_2471 = arith.constant 64 : i32
    %add3A_2472 = vector.broadcast %add3A_2471 : i32 to vector<16xi32>
    %add3A_2473 = arith.addi %iota3A, %add3A_2472 : vector<16xi32>
    tpu.vector_store_idx %arg7[%sub3A_2463, %add3A_2473], %broadcast_in_dim3A_3 masked %and3A_2470 : memref<256x128xf32, #tpu.memory_space<vmem>>[vector<16xi32>, vector<16xi32>], vector<16xf32>, vector<16xi1>
    %get3A_2474 = arith.constant 336 : index
    %get3A_2475 = tpu.vector_load %arg6[%get3A_2474] {strides = array<i32>} : memref<512xi32, #tpu.memory_space<vmem>>, vector<16xi32>,
    %sub3A_2476 = arith.constant 504 : i32
    %sub3A_2477 = vector.broadcast %sub3A_2476 : i32 to vector<16xi32>
    %sub3A_2478 = arith.subi %get3A_2475, %sub3A_2477 : vector<16xi32>
    %ge3A_2479 = arith.constant 504 : i32
    %ge3A_2480 = vector.broadcast %ge3A_2479 : i32 to vector<16xi32>
    %ge3A_2481 = arith.cmpi sge, %get3A_2475, %ge3A_2480 : vector<16xi32>
    %lt3A_2482 = arith.constant 760 : i32
    %lt3A_2483 = vector.broadcast %lt3A_2482 : i32 to vector<16xi32>
    %lt3A_2484 = arith.cmpi slt, %get3A_2475, %lt3A_2483 : vector<16xi32>
    %and3A_2485 = arith.andi %ge3A_2481, %lt3A_2484 : vector<16xi1>
    %add3A_2486 = arith.constant 80 : i32
    %add3A_2487 = vector.broadcast %add3A_2486 : i32 to vector<16xi32>
    %add3A_2488 = arith.addi %iota3A, %add3A_2487 : vector<16xi32>
    tpu.vector_store_idx %arg7[%sub3A_2478, %add3A_2488], %broadcast_in_dim3A_3 masked %and3A_2485 : memref<256x128xf32, #tpu.memory_space<vmem>>[vector<16xi32>, vector<16xi32>], vector<16xf32>, vector<16xi1>
    %get3A_2489 = arith.constant 352 : index
    %get3A_2490 = tpu.vector_load %arg6[%get3A_2489] {strides = array<i32>} : memref<512xi32, #tpu.memory_space<vmem>>, vector<16xi32>,
    %sub3A_2491 = arith.constant 504 : i32
    %sub3A_2492 = vector.broadcast %sub3A_2491 : i32 to vector<16xi32>
    %sub3A_2493 = arith.subi %get3A_2490, %sub3A_2492 : vector<16xi32>
    %ge3A_2494 = arith.constant 504 : i32
    %ge3A_2495 = vector.broadcast %ge3A_2494 : i32 to vector<16xi32>
    %ge3A_2496 = arith.cmpi sge, %get3A_2490, %ge3A_2495 : vector<16xi32>
    %lt3A_2497 = arith.constant 760 : i32
    %lt3A_2498 = vector.broadcast %lt3A_2497 : i32 to vector<16xi32>
    %lt3A_2499 = arith.cmpi slt, %get3A_2490, %lt3A_2498 : vector<16xi32>
    %and3A_2500 = arith.andi %ge3A_2496, %lt3A_2499 : vector<16xi1>
    %add3A_2501 = arith.constant 96 : i32
    %add3A_2502 = vector.broadcast %add3A_2501 : i32 to vector<16xi32>
    %add3A_2503 = arith.addi %iota3A, %add3A_2502 : vector<16xi32>
    tpu.vector_store_idx %arg7[%sub3A_2493, %add3A_2503], %broadcast_in_dim3A_3 masked %and3A_2500 : memref<256x128xf32, #tpu.memory_space<vmem>>[vector<16xi32>, vector<16xi32>], vector<16xf32>, vector<16xi1>
    %get3A_2504 = arith.constant 368 : index
    %get3A_2505 = tpu.vector_load %arg6[%get3A_2504] {strides = array<i32>} : memref<512xi32, #tpu.memory_space<vmem>>, vector<16xi32>,
    %sub3A_2506 = arith.constant 504 : i32
    %sub3A_2507 = vector.broadcast %sub3A_2506 : i32 to vector<16xi32>
    %sub3A_2508 = arith.subi %get3A_2505, %sub3A_2507 : vector<16xi32>
    %ge3A_2509 = arith.constant 504 : i32
    %ge3A_2510 = vector.broadcast %ge3A_2509 : i32 to vector<16xi32>
    %ge3A_2511 = arith.cmpi sge, %get3A_2505, %ge3A_2510 : vector<16xi32>
    %lt3A_2512 = arith.constant 760 : i32
    %lt3A_2513 = vector.broadcast %lt3A_2512 : i32 to vector<16xi32>
    %lt3A_2514 = arith.cmpi slt, %get3A_2505, %lt3A_2513 : vector<16xi32>
    %and3A_2515 = arith.andi %ge3A_2511, %lt3A_2514 : vector<16xi1>
    %add3A_2516 = arith.constant 112 : i32
    %add3A_2517 = vector.broadcast %add3A_2516 : i32 to vector<16xi32>
    %add3A_2518 = arith.addi %iota3A, %add3A_2517 : vector<16xi32>
    tpu.vector_store_idx %arg7[%sub3A_2508, %add3A_2518], %broadcast_in_dim3A_3 masked %and3A_2515 : memref<256x128xf32, #tpu.memory_space<vmem>>[vector<16xi32>, vector<16xi32>], vector<16xf32>, vector<16xi1>
    %add3A_2519 = arith.constant 256 : i32
    %add3A_2520 = arith.addi %mul3A_2, %add3A_2519 : i32
    %dma_start3A_2521 = arith.constant 504 : i32
    %dma_start3A_2522 = tpu.memref_slice %arg5[%dma_start3A_2521, %add3A_2520] : memref<1000x16384xf32, #tpu.memory_space<hbm>> -> memref<256x128xf32, #tpu.memory_space<hbm>>
    %dma_start3A_2523 = arith.constant 504 : i32
    %dma_start3A_2524 = tpu.memref_slice %arg5[%dma_start3A_2523, %add3A_2520] : memref<1000x16384xf32, #tpu.memory_space<hbm>> -> memref<256x128xf32, #tpu.memory_space<hbm>>
    tpu.enqueue_dma source(%arg7 : memref<256x128xf32, #tpu.memory_space<vmem>>) target(%dma_start3A_2524 : memref<256x128xf32, #tpu.memory_space<hbm>>) target_semaphore(%arg9 : memref<!tpu.dma_semaphore, #tpu.memory_space<semaphore_mem>>)
    %dma_wait3A_2525 = arith.constant 256 : i32
    %dma_wait3A_2526 = tpu.memref_slice %arg5[%dma_wait3A_2525, %add3A_2270] : memref<1000x16384xf32, #tpu.memory_space<hbm>> -> memref<248x128xf32, #tpu.memory_space<hbm>>
    %dma_wait3A_2527 = arith.constant 256 : i32
    %dma_wait3A_2528 = tpu.memref_slice %arg5[%dma_wait3A_2527, %add3A_2270] : memref<1000x16384xf32, #tpu.memory_space<hbm>> -> memref<248x128xf32, #tpu.memory_space<hbm>>
    tpu.wait_dma2 semaphore(%arg10 : memref<!tpu.dma_semaphore, #tpu.memory_space<semaphore_mem>>) src(%arg8 : memref<248x128xf32, #tpu.memory_space<vmem>>) dst(%dma_wait3A_2528 : memref<248x128xf32, #tpu.memory_space<hbm>>)
    %get3A_2529 = arith.constant 256 : index
    %get3A_2530 = tpu.vector_load %arg6[%get3A_2529] {strides = array<i32>} : memref<512xi32, #tpu.memory_space<vmem>>, vector<16xi32>,
    %sub3A_2531 = arith.constant 256 : i32
    %sub3A_2532 = vector.broadcast %sub3A_2531 : i32 to vector<16xi32>
    %sub3A_2533 = arith.subi %get3A_2530, %sub3A_2532 : vector<16xi32>
    %ge3A_2534 = arith.constant 256 : i32
    %ge3A_2535 = vector.broadcast %ge3A_2534 : i32 to vector<16xi32>
    %ge3A_2536 = arith.cmpi sge, %get3A_2530, %ge3A_2535 : vector<16xi32>
    %lt3A_2537 = arith.constant 504 : i32
    %lt3A_2538 = vector.broadcast %lt3A_2537 : i32 to vector<16xi32>
    %lt3A_2539 = arith.cmpi slt, %get3A_2530, %lt3A_2538 : vector<16xi32>
    %and3A_2540 = arith.andi %ge3A_2536, %lt3A_2539 : vector<16xi1>
    %add3A_2541 = arith.constant 0 : i32
    %add3A_2542 = vector.broadcast %add3A_2541 : i32 to vector<16xi32>
    %add3A_2543 = arith.addi %iota3A, %add3A_2542 : vector<16xi32>
    tpu.vector_store_idx %arg8[%sub3A_2533, %add3A_2543], %broadcast_in_dim3A_5 masked %and3A_2540 : memref<248x128xf32, #tpu.memory_space<vmem>>[vector<16xi32>, vector<16xi32>], vector<16xf32>, vector<16xi1>
    %get3A_2544 = arith.constant 272 : index
    %get3A_2545 = tpu.vector_load %arg6[%get3A_2544] {strides = array<i32>} : memref<512xi32, #tpu.memory_space<vmem>>, vector<16xi32>,
    %sub3A_2546 = arith.constant 256 : i32
    %sub3A_2547 = vector.broadcast %sub3A_2546 : i32 to vector<16xi32>
    %sub3A_2548 = arith.subi %get3A_2545, %sub3A_2547 : vector<16xi32>
    %ge3A_2549 = arith.constant 256 : i32
    %ge3A_2550 = vector.broadcast %ge3A_2549 : i32 to vector<16xi32>
    %ge3A_2551 = arith.cmpi sge, %get3A_2545, %ge3A_2550 : vector<16xi32>
    %lt3A_2552 = arith.constant 504 : i32
    %lt3A_2553 = vector.broadcast %lt3A_2552 : i32 to vector<16xi32>
    %lt3A_2554 = arith.cmpi slt, %get3A_2545, %lt3A_2553 : vector<16xi32>
    %and3A_2555 = arith.andi %ge3A_2551, %lt3A_2554 : vector<16xi1>
    %add3A_2556 = arith.constant 16 : i32
    %add3A_2557 = vector.broadcast %add3A_2556 : i32 to vector<16xi32>
    %add3A_2558 = arith.addi %iota3A, %add3A_2557 : vector<16xi32>
    tpu.vector_store_idx %arg8[%sub3A_2548, %add3A_2558], %broadcast_in_dim3A_5 masked %and3A_2555 : memref<248x128xf32, #tpu.memory_space<vmem>>[vector<16xi32>, vector<16xi32>], vector<16xf32>, vector<16xi1>
    %get3A_2559 = arith.constant 288 : index
    %get3A_2560 = tpu.vector_load %arg6[%get3A_2559] {strides = array<i32>} : memref<512xi32, #tpu.memory_space<vmem>>, vector<16xi32>,
    %sub3A_2561 = arith.constant 256 : i32
    %sub3A_2562 = vector.broadcast %sub3A_2561 : i32 to vector<16xi32>
    %sub3A_2563 = arith.subi %get3A_2560, %sub3A_2562 : vector<16xi32>
    %ge3A_2564 = arith.constant 256 : i32
    %ge3A_2565 = vector.broadcast %ge3A_2564 : i32 to vector<16xi32>
    %ge3A_2566 = arith.cmpi sge, %get3A_2560, %ge3A_2565 : vector<16xi32>
    %lt3A_2567 = arith.constant 504 : i32
    %lt3A_2568 = vector.broadcast %lt3A_2567 : i32 to vector<16xi32>
    %lt3A_2569 = arith.cmpi slt, %get3A_2560, %lt3A_2568 : vector<16xi32>
    %and3A_2570 = arith.andi %ge3A_2566, %lt3A_2569 : vector<16xi1>
    %add3A_2571 = arith.constant 32 : i32
    %add3A_2572 = vector.broadcast %add3A_2571 : i32 to vector<16xi32>
    %add3A_2573 = arith.addi %iota3A, %add3A_2572 : vector<16xi32>
    tpu.vector_store_idx %arg8[%sub3A_2563, %add3A_2573], %broadcast_in_dim3A_5 masked %and3A_2570 : memref<248x128xf32, #tpu.memory_space<vmem>>[vector<16xi32>, vector<16xi32>], vector<16xf32>, vector<16xi1>
    %get3A_2574 = arith.constant 304 : index
    %get3A_2575 = tpu.vector_load %arg6[%get3A_2574] {strides = array<i32>} : memref<512xi32, #tpu.memory_space<vmem>>, vector<16xi32>,
    %sub3A_2576 = arith.constant 256 : i32
    %sub3A_2577 = vector.broadcast %sub3A_2576 : i32 to vector<16xi32>
    %sub3A_2578 = arith.subi %get3A_2575, %sub3A_2577 : vector<16xi32>
    %ge3A_2579 = arith.constant 256 : i32
    %ge3A_2580 = vector.broadcast %ge3A_2579 : i32 to vector<16xi32>
    %ge3A_2581 = arith.cmpi sge, %get3A_2575, %ge3A_2580 : vector<16xi32>
    %lt3A_2582 = arith.constant 504 : i32
    %lt3A_2583 = vector.broadcast %lt3A_2582 : i32 to vector<16xi32>
    %lt3A_2584 = arith.cmpi slt, %get3A_2575, %lt3A_2583 : vector<16xi32>
    %and3A_2585 = arith.andi %ge3A_2581, %lt3A_2584 : vector<16xi1>
    %add3A_2586 = arith.constant 48 : i32
    %add3A_2587 = vector.broadcast %add3A_2586 : i32 to vector<16xi32>
    %add3A_2588 = arith.addi %iota3A, %add3A_2587 : vector<16xi32>
    tpu.vector_store_idx %arg8[%sub3A_2578, %add3A_2588], %broadcast_in_dim3A_5 masked %and3A_2585 : memref<248x128xf32, #tpu.memory_space<vmem>>[vector<16xi32>, vector<16xi32>], vector<16xf32>, vector<16xi1>
    %get3A_2589 = arith.constant 320 : index
    %get3A_2590 = tpu.vector_load %arg6[%get3A_2589] {strides = array<i32>} : memref<512xi32, #tpu.memory_space<vmem>>, vector<16xi32>,
    %sub3A_2591 = arith.constant 256 : i32
    %sub3A_2592 = vector.broadcast %sub3A_2591 : i32 to vector<16xi32>
    %sub3A_2593 = arith.subi %get3A_2590, %sub3A_2592 : vector<16xi32>
    %ge3A_2594 = arith.constant 256 : i32
    %ge3A_2595 = vector.broadcast %ge3A_2594 : i32 to vector<16xi32>
    %ge3A_2596 = arith.cmpi sge, %get3A_2590, %ge3A_2595 : vector<16xi32>
    %lt3A_2597 = arith.constant 504 : i32
    %lt3A_2598 = vector.broadcast %lt3A_2597 : i32 to vector<16xi32>
    %lt3A_2599 = arith.cmpi slt, %get3A_2590, %lt3A_2598 : vector<16xi32>
    %and3A_2600 = arith.andi %ge3A_2596, %lt3A_2599 : vector<16xi1>
    %add3A_2601 = arith.constant 64 : i32
    %add3A_2602 = vector.broadcast %add3A_2601 : i32 to vector<16xi32>
    %add3A_2603 = arith.addi %iota3A, %add3A_2602 : vector<16xi32>
    tpu.vector_store_idx %arg8[%sub3A_2593, %add3A_2603], %broadcast_in_dim3A_5 masked %and3A_2600 : memref<248x128xf32, #tpu.memory_space<vmem>>[vector<16xi32>, vector<16xi32>], vector<16xf32>, vector<16xi1>
    %get3A_2604 = arith.constant 336 : index
    %get3A_2605 = tpu.vector_load %arg6[%get3A_2604] {strides = array<i32>} : memref<512xi32, #tpu.memory_space<vmem>>, vector<16xi32>,
    %sub3A_2606 = arith.constant 256 : i32
    %sub3A_2607 = vector.broadcast %sub3A_2606 : i32 to vector<16xi32>
    %sub3A_2608 = arith.subi %get3A_2605, %sub3A_2607 : vector<16xi32>
    %ge3A_2609 = arith.constant 256 : i32
    %ge3A_2610 = vector.broadcast %ge3A_2609 : i32 to vector<16xi32>
    %ge3A_2611 = arith.cmpi sge, %get3A_2605, %ge3A_2610 : vector<16xi32>
    %lt3A_2612 = arith.constant 504 : i32
    %lt3A_2613 = vector.broadcast %lt3A_2612 : i32 to vector<16xi32>
    %lt3A_2614 = arith.cmpi slt, %get3A_2605, %lt3A_2613 : vector<16xi32>
    %and3A_2615 = arith.andi %ge3A_2611, %lt3A_2614 : vector<16xi1>
    %add3A_2616 = arith.constant 80 : i32
    %add3A_2617 = vector.broadcast %add3A_2616 : i32 to vector<16xi32>
    %add3A_2618 = arith.addi %iota3A, %add3A_2617 : vector<16xi32>
    tpu.vector_store_idx %arg8[%sub3A_2608, %add3A_2618], %broadcast_in_dim3A_5 masked %and3A_2615 : memref<248x128xf32, #tpu.memory_space<vmem>>[vector<16xi32>, vector<16xi32>], vector<16xf32>, vector<16xi1>
    %get3A_2619 = arith.constant 352 : index
    %get3A_2620 = tpu.vector_load %arg6[%get3A_2619] {strides = array<i32>} : memref<512xi32, #tpu.memory_space<vmem>>, vector<16xi32>,
    %sub3A_2621 = arith.constant 256 : i32
    %sub3A_2622 = vector.broadcast %sub3A_2621 : i32 to vector<16xi32>
    %sub3A_2623 = arith.subi %get3A_2620, %sub3A_2622 : vector<16xi32>
    %ge3A_2624 = arith.constant 256 : i32
    %ge3A_2625 = vector.broadcast %ge3A_2624 : i32 to vector<16xi32>
    %ge3A_2626 = arith.cmpi sge, %get3A_2620, %ge3A_2625 : vector<16xi32>
    %lt3A_2627 = arith.constant 504 : i32
    %lt3A_2628 = vector.broadcast %lt3A_2627 : i32 to vector<16xi32>
    %lt3A_2629 = arith.cmpi slt, %get3A_2620, %lt3A_2628 : vector<16xi32>
    %and3A_2630 = arith.andi %ge3A_2626, %lt3A_2629 : vector<16xi1>
    %add3A_2631 = arith.constant 96 : i32
    %add3A_2632 = vector.broadcast %add3A_2631 : i32 to vector<16xi32>
    %add3A_2633 = arith.addi %iota3A, %add3A_2632 : vector<16xi32>
    tpu.vector_store_idx %arg8[%sub3A_2623, %add3A_2633], %broadcast_in_dim3A_5 masked %and3A_2630 : memref<248x128xf32, #tpu.memory_space<vmem>>[vector<16xi32>, vector<16xi32>], vector<16xf32>, vector<16xi1>
    %get3A_2634 = arith.constant 368 : index
    %get3A_2635 = tpu.vector_load %arg6[%get3A_2634] {strides = array<i32>} : memref<512xi32, #tpu.memory_space<vmem>>, vector<16xi32>,
    %sub3A_2636 = arith.constant 256 : i32
    %sub3A_2637 = vector.broadcast %sub3A_2636 : i32 to vector<16xi32>
    %sub3A_2638 = arith.subi %get3A_2635, %sub3A_2637 : vector<16xi32>
    %ge3A_2639 = arith.constant 256 : i32
    %ge3A_2640 = vector.broadcast %ge3A_2639 : i32 to vector<16xi32>
    %ge3A_2641 = arith.cmpi sge, %get3A_2635, %ge3A_2640 : vector<16xi32>
    %lt3A_2642 = arith.constant 504 : i32
    %lt3A_2643 = vector.broadcast %lt3A_2642 : i32 to vector<16xi32>
    %lt3A_2644 = arith.cmpi slt, %get3A_2635, %lt3A_2643 : vector<16xi32>
    %and3A_2645 = arith.andi %ge3A_2641, %lt3A_2644 : vector<16xi1>
    %add3A_2646 = arith.constant 112 : i32
    %add3A_2647 = vector.broadcast %add3A_2646 : i32 to vector<16xi32>
    %add3A_2648 = arith.addi %iota3A, %add3A_2647 : vector<16xi32>
    tpu.vector_store_idx %arg8[%sub3A_2638, %add3A_2648], %broadcast_in_dim3A_5 masked %and3A_2645 : memref<248x128xf32, #tpu.memory_space<vmem>>[vector<16xi32>, vector<16xi32>], vector<16xf32>, vector<16xi1>
    %get3A_2649 = arith.constant 256 : index
    %get3A_2650 = tpu.vector_load %arg6[%get3A_2649] {strides = array<i32>} : memref<512xi32, #tpu.memory_space<vmem>>, vector<16xi32>,
    %sub3A_2651 = arith.constant 760 : i32
    %sub3A_2652 = vector.broadcast %sub3A_2651 : i32 to vector<16xi32>
    %sub3A_2653 = arith.subi %get3A_2650, %sub3A_2652 : vector<16xi32>
    %ge3A_2654 = arith.constant 760 : i32
    %ge3A_2655 = vector.broadcast %ge3A_2654 : i32 to vector<16xi32>
    %ge3A_2656 = arith.cmpi sge, %get3A_2650, %ge3A_2655 : vector<16xi32>
    %lt3A_2657 = arith.constant 1000 : i32
    %lt3A_2658 = vector.broadcast %lt3A_2657 : i32 to vector<16xi32>
    %lt3A_2659 = arith.cmpi slt, %get3A_2650, %lt3A_2658 : vector<16xi32>
    %and3A_2660 = arith.andi %ge3A_2656, %lt3A_2659 : vector<16xi1>
    %add3A_2661 = arith.constant 0 : i32
    %add3A_2662 = vector.broadcast %add3A_2661 : i32 to vector<16xi32>
    %add3A_2663 = arith.addi %iota3A, %add3A_2662 : vector<16xi32>
    tpu.vector_store_idx %arg8[%sub3A_2653, %add3A_2663], %broadcast_in_dim3A_3 masked %and3A_2660 : memref<248x128xf32, #tpu.memory_space<vmem>>[vector<16xi32>, vector<16xi32>], vector<16xf32>, vector<16xi1>
    %get3A_2664 = arith.constant 272 : index
    %get3A_2665 = tpu.vector_load %arg6[%get3A_2664] {strides = array<i32>} : memref<512xi32, #tpu.memory_space<vmem>>, vector<16xi32>,
    %sub3A_2666 = arith.constant 760 : i32
    %sub3A_2667 = vector.broadcast %sub3A_2666 : i32 to vector<16xi32>
    %sub3A_2668 = arith.subi %get3A_2665, %sub3A_2667 : vector<16xi32>
    %ge3A_2669 = arith.constant 760 : i32
    %ge3A_2670 = vector.broadcast %ge3A_2669 : i32 to vector<16xi32>
    %ge3A_2671 = arith.cmpi sge, %get3A_2665, %ge3A_2670 : vector<16xi32>
    %lt3A_2672 = arith.constant 1000 : i32
    %lt3A_2673 = vector.broadcast %lt3A_2672 : i32 to vector<16xi32>
    %lt3A_2674 = arith.cmpi slt, %get3A_2665, %lt3A_2673 : vector<16xi32>
    %and3A_2675 = arith.andi %ge3A_2671, %lt3A_2674 : vector<16xi1>
    %add3A_2676 = arith.constant 16 : i32
    %add3A_2677 = vector.broadcast %add3A_2676 : i32 to vector<16xi32>
    %add3A_2678 = arith.addi %iota3A, %add3A_2677 : vector<16xi32>
    tpu.vector_store_idx %arg8[%sub3A_2668, %add3A_2678], %broadcast_in_dim3A_3 masked %and3A_2675 : memref<248x128xf32, #tpu.memory_space<vmem>>[vector<16xi32>, vector<16xi32>], vector<16xf32>, vector<16xi1>
    %get3A_2679 = arith.constant 288 : index
    %get3A_2680 = tpu.vector_load %arg6[%get3A_2679] {strides = array<i32>} : memref<512xi32, #tpu.memory_space<vmem>>, vector<16xi32>,
    %sub3A_2681 = arith.constant 760 : i32
    %sub3A_2682 = vector.broadcast %sub3A_2681 : i32 to vector<16xi32>
    %sub3A_2683 = arith.subi %get3A_2680, %sub3A_2682 : vector<16xi32>
    %ge3A_2684 = arith.constant 760 : i32
    %ge3A_2685 = vector.broadcast %ge3A_2684 : i32 to vector<16xi32>
    %ge3A_2686 = arith.cmpi sge, %get3A_2680, %ge3A_2685 : vector<16xi32>
    %lt3A_2687 = arith.constant 1000 : i32
    %lt3A_2688 = vector.broadcast %lt3A_2687 : i32 to vector<16xi32>
    %lt3A_2689 = arith.cmpi slt, %get3A_2680, %lt3A_2688 : vector<16xi32>
    %and3A_2690 = arith.andi %ge3A_2686, %lt3A_2689 : vector<16xi1>
    %add3A_2691 = arith.constant 32 : i32
    %add3A_2692 = vector.broadcast %add3A_2691 : i32 to vector<16xi32>
    %add3A_2693 = arith.addi %iota3A, %add3A_2692 : vector<16xi32>
    tpu.vector_store_idx %arg8[%sub3A_2683, %add3A_2693], %broadcast_in_dim3A_3 masked %and3A_2690 : memref<248x128xf32, #tpu.memory_space<vmem>>[vector<16xi32>, vector<16xi32>], vector<16xf32>, vector<16xi1>
    %get3A_2694 = arith.constant 304 : index
    %get3A_2695 = tpu.vector_load %arg6[%get3A_2694] {strides = array<i32>} : memref<512xi32, #tpu.memory_space<vmem>>, vector<16xi32>,
    %sub3A_2696 = arith.constant 760 : i32
    %sub3A_2697 = vector.broadcast %sub3A_2696 : i32 to vector<16xi32>
    %sub3A_2698 = arith.subi %get3A_2695, %sub3A_2697 : vector<16xi32>
    %ge3A_2699 = arith.constant 760 : i32
    %ge3A_2700 = vector.broadcast %ge3A_2699 : i32 to vector<16xi32>
    %ge3A_2701 = arith.cmpi sge, %get3A_2695, %ge3A_2700 : vector<16xi32>
    %lt3A_2702 = arith.constant 1000 : i32
    %lt3A_2703 = vector.broadcast %lt3A_2702 : i32 to vector<16xi32>
    %lt3A_2704 = arith.cmpi slt, %get3A_2695, %lt3A_2703 : vector<16xi32>
    %and3A_2705 = arith.andi %ge3A_2701, %lt3A_2704 : vector<16xi1>
    %add3A_2706 = arith.constant 48 : i32
    %add3A_2707 = vector.broadcast %add3A_2706 : i32 to vector<16xi32>
    %add3A_2708 = arith.addi %iota3A, %add3A_2707 : vector<16xi32>
    tpu.vector_store_idx %arg8[%sub3A_2698, %add3A_2708], %broadcast_in_dim3A_3 masked %and3A_2705 : memref<248x128xf32, #tpu.memory_space<vmem>>[vector<16xi32>, vector<16xi32>], vector<16xf32>, vector<16xi1>
    %get3A_2709 = arith.constant 320 : index
    %get3A_2710 = tpu.vector_load %arg6[%get3A_2709] {strides = array<i32>} : memref<512xi32, #tpu.memory_space<vmem>>, vector<16xi32>,
    %sub3A_2711 = arith.constant 760 : i32
    %sub3A_2712 = vector.broadcast %sub3A_2711 : i32 to vector<16xi32>
    %sub3A_2713 = arith.subi %get3A_2710, %sub3A_2712 : vector<16xi32>
    %ge3A_2714 = arith.constant 760 : i32
    %ge3A_2715 = vector.broadcast %ge3A_2714 : i32 to vector<16xi32>
    %ge3A_2716 = arith.cmpi sge, %get3A_2710, %ge3A_2715 : vector<16xi32>
    %lt3A_2717 = arith.constant 1000 : i32
    %lt3A_2718 = vector.broadcast %lt3A_2717 : i32 to vector<16xi32>
    %lt3A_2719 = arith.cmpi slt, %get3A_2710, %lt3A_2718 : vector<16xi32>
    %and3A_2720 = arith.andi %ge3A_2716, %lt3A_2719 : vector<16xi1>
    %add3A_2721 = arith.constant 64 : i32
    %add3A_2722 = vector.broadcast %add3A_2721 : i32 to vector<16xi32>
    %add3A_2723 = arith.addi %iota3A, %add3A_2722 : vector<16xi32>
    tpu.vector_store_idx %arg8[%sub3A_2713, %add3A_2723], %broadcast_in_dim3A_3 masked %and3A_2720 : memref<248x128xf32, #tpu.memory_space<vmem>>[vector<16xi32>, vector<16xi32>], vector<16xf32>, vector<16xi1>
    %get3A_2724 = arith.constant 336 : index
    %get3A_2725 = tpu.vector_load %arg6[%get3A_2724] {strides = array<i32>} : memref<512xi32, #tpu.memory_space<vmem>>, vector<16xi32>,
    %sub3A_2726 = arith.constant 760 : i32
    %sub3A_2727 = vector.broadcast %sub3A_2726 : i32 to vector<16xi32>
    %sub3A_2728 = arith.subi %get3A_2725, %sub3A_2727 : vector<16xi32>
    %ge3A_2729 = arith.constant 760 : i32
    %ge3A_2730 = vector.broadcast %ge3A_2729 : i32 to vector<16xi32>
    %ge3A_2731 = arith.cmpi sge, %get3A_2725, %ge3A_2730 : vector<16xi32>
    %lt3A_2732 = arith.constant 1000 : i32
    %lt3A_2733 = vector.broadcast %lt3A_2732 : i32 to vector<16xi32>
    %lt3A_2734 = arith.cmpi slt, %get3A_2725, %lt3A_2733 : vector<16xi32>
    %and3A_2735 = arith.andi %ge3A_2731, %lt3A_2734 : vector<16xi1>
    %add3A_2736 = arith.constant 80 : i32
    %add3A_2737 = vector.broadcast %add3A_2736 : i32 to vector<16xi32>
    %add3A_2738 = arith.addi %iota3A, %add3A_2737 : vector<16xi32>
    tpu.vector_store_idx %arg8[%sub3A_2728, %add3A_2738], %broadcast_in_dim3A_3 masked %and3A_2735 : memref<248x128xf32, #tpu.memory_space<vmem>>[vector<16xi32>, vector<16xi32>], vector<16xf32>, vector<16xi1>
    %get3A_2739 = arith.constant 352 : index
    %get3A_2740 = tpu.vector_load %arg6[%get3A_2739] {strides = array<i32>} : memref<512xi32, #tpu.memory_space<vmem>>, vector<16xi32>,
    %sub3A_2741 = arith.constant 760 : i32
    %sub3A_2742 = vector.broadcast %sub3A_2741 : i32 to vector<16xi32>
    %sub3A_2743 = arith.subi %get3A_2740, %sub3A_2742 : vector<16xi32>
    %ge3A_2744 = arith.constant 760 : i32
    %ge3A_2745 = vector.broadcast %ge3A_2744 : i32 to vector<16xi32>
    %ge3A_2746 = arith.cmpi sge, %get3A_2740, %ge3A_2745 : vector<16xi32>
    %lt3A_2747 = arith.constant 1000 : i32
    %lt3A_2748 = vector.broadcast %lt3A_2747 : i32 to vector<16xi32>
    %lt3A_2749 = arith.cmpi slt, %get3A_2740, %lt3A_2748 : vector<16xi32>
    %and3A_2750 = arith.andi %ge3A_2746, %lt3A_2749 : vector<16xi1>
    %add3A_2751 = arith.constant 96 : i32
    %add3A_2752 = vector.broadcast %add3A_2751 : i32 to vector<16xi32>
    %add3A_2753 = arith.addi %iota3A, %add3A_2752 : vector<16xi32>
    tpu.vector_store_idx %arg8[%sub3A_2743, %add3A_2753], %broadcast_in_dim3A_3 masked %and3A_2750 : memref<248x128xf32, #tpu.memory_space<vmem>>[vector<16xi32>, vector<16xi32>], vector<16xf32>, vector<16xi1>
    %get3A_2754 = arith.constant 368 : index
    %get3A_2755 = tpu.vector_load %arg6[%get3A_2754] {strides = array<i32>} : memref<512xi32, #tpu.memory_space<vmem>>, vector<16xi32>,
    %sub3A_2756 = arith.constant 760 : i32
    %sub3A_2757 = vector.broadcast %sub3A_2756 : i32 to vector<16xi32>
    %sub3A_2758 = arith.subi %get3A_2755, %sub3A_2757 : vector<16xi32>
    %ge3A_2759 = arith.constant 760 : i32
    %ge3A_2760 = vector.broadcast %ge3A_2759 : i32 to vector<16xi32>
    %ge3A_2761 = arith.cmpi sge, %get3A_2755, %ge3A_2760 : vector<16xi32>
    %lt3A_2762 = arith.constant 1000 : i32
    %lt3A_2763 = vector.broadcast %lt3A_2762 : i32 to vector<16xi32>
    %lt3A_2764 = arith.cmpi slt, %get3A_2755, %lt3A_2763 : vector<16xi32>
    %and3A_2765 = arith.andi %ge3A_2761, %lt3A_2764 : vector<16xi1>
    %add3A_2766 = arith.constant 112 : i32
    %add3A_2767 = vector.broadcast %add3A_2766 : i32 to vector<16xi32>
    %add3A_2768 = arith.addi %iota3A, %add3A_2767 : vector<16xi32>
    tpu.vector_store_idx %arg8[%sub3A_2758, %add3A_2768], %broadcast_in_dim3A_3 masked %and3A_2765 : memref<248x128xf32, #tpu.memory_space<vmem>>[vector<16xi32>, vector<16xi32>], vector<16xf32>, vector<16xi1>
    %add3A_2769 = arith.constant 256 : i32
    %add3A_2770 = arith.addi %mul3A_2, %add3A_2769 : i32
    %dma_start3A_2771 = arith.constant 0 : i32
    %dma_start3A_2772 = arith.constant 0 : i32
    %dma_start3A_2773 = tpu.memref_slice %arg8[%dma_start3A_2771, %dma_start3A_2772] : memref<248x128xf32, #tpu.memory_space<vmem>> -> memref<240x128xf32, #tpu.memory_space<vmem>>
    %dma_start3A_2774 = arith.constant 760 : i32
    %dma_start3A_2775 = tpu.memref_slice %arg5[%dma_start3A_2774, %add3A_2770] : memref<1000x16384xf32, #tpu.memory_space<hbm>> -> memref<240x128xf32, #tpu.memory_space<hbm>>
    %dma_start3A_2776 = arith.constant 760 : i32
    %dma_start3A_2777 = tpu.memref_slice %arg5[%dma_start3A_2776, %add3A_2770] : memref<1000x16384xf32, #tpu.memory_space<hbm>> -> memref<240x128xf32, #tpu.memory_space<hbm>>
    %dma_start3A_2778 = arith.constant 0 : i32
    %dma_start3A_2779 = arith.constant 0 : i32
    %dma_start3A_2780 = tpu.memref_slice %arg8[%dma_start3A_2778, %dma_start3A_2779] : memref<248x128xf32, #tpu.memory_space<vmem>> -> memref<240x128xf32, #tpu.memory_space<vmem>>
    tpu.enqueue_dma source(%dma_start3A_2780 : memref<240x128xf32, #tpu.memory_space<vmem>>) target(%dma_start3A_2777 : memref<240x128xf32, #tpu.memory_space<hbm>>) target_semaphore(%arg10 : memref<!tpu.dma_semaphore, #tpu.memory_space<semaphore_mem>>)
    %dma_wait3A_2781 = arith.constant 504 : i32
    %dma_wait3A_2782 = tpu.memref_slice %arg5[%dma_wait3A_2781, %add3A_2520] : memref<1000x16384xf32, #tpu.memory_space<hbm>> -> memref<256x128xf32, #tpu.memory_space<hbm>>
    %dma_wait3A_2783 = arith.constant 504 : i32
    %dma_wait3A_2784 = tpu.memref_slice %arg5[%dma_wait3A_2783, %add3A_2520] : memref<1000x16384xf32, #tpu.memory_space<hbm>> -> memref<256x128xf32, #tpu.memory_space<hbm>>
    tpu.wait_dma2 semaphore(%arg9 : memref<!tpu.dma_semaphore, #tpu.memory_space<semaphore_mem>>) src(%arg7 : memref<256x128xf32, #tpu.memory_space<vmem>>) dst(%dma_wait3A_2784 : memref<256x128xf32, #tpu.memory_space<hbm>>)
    %get3A_2785 = arith.constant 256 : index
    %get3A_2786 = tpu.vector_load %arg6[%get3A_2785] {strides = array<i32>} : memref<512xi32, #tpu.memory_space<vmem>>, vector<16xi32>,
    %sub3A_2787 = arith.constant 504 : i32
    %sub3A_2788 = vector.broadcast %sub3A_2787 : i32 to vector<16xi32>
    %sub3A_2789 = arith.subi %get3A_2786, %sub3A_2788 : vector<16xi32>
    %ge3A_2790 = arith.constant 504 : i32
    %ge3A_2791 = vector.broadcast %ge3A_2790 : i32 to vector<16xi32>
    %ge3A_2792 = arith.cmpi sge, %get3A_2786, %ge3A_2791 : vector<16xi32>
    %lt3A_2793 = arith.constant 760 : i32
    %lt3A_2794 = vector.broadcast %lt3A_2793 : i32 to vector<16xi32>
    %lt3A_2795 = arith.cmpi slt, %get3A_2786, %lt3A_2794 : vector<16xi32>
    %and3A_2796 = arith.andi %ge3A_2792, %lt3A_2795 : vector<16xi1>
    %add3A_2797 = arith.constant 0 : i32
    %add3A_2798 = vector.broadcast %add3A_2797 : i32 to vector<16xi32>
    %add3A_2799 = arith.addi %iota3A, %add3A_2798 : vector<16xi32>
    tpu.vector_store_idx %arg7[%sub3A_2789, %add3A_2799], %broadcast_in_dim3A_5 masked %and3A_2796 : memref<256x128xf32, #tpu.memory_space<vmem>>[vector<16xi32>, vector<16xi32>], vector<16xf32>, vector<16xi1>
    %get3A_2800 = arith.constant 272 : index
    %get3A_2801 = tpu.vector_load %arg6[%get3A_2800] {strides = array<i32>} : memref<512xi32, #tpu.memory_space<vmem>>, vector<16xi32>,
    %sub3A_2802 = arith.constant 504 : i32
    %sub3A_2803 = vector.broadcast %sub3A_2802 : i32 to vector<16xi32>
    %sub3A_2804 = arith.subi %get3A_2801, %sub3A_2803 : vector<16xi32>
    %ge3A_2805 = arith.constant 504 : i32
    %ge3A_2806 = vector.broadcast %ge3A_2805 : i32 to vector<16xi32>
    %ge3A_2807 = arith.cmpi sge, %get3A_2801, %ge3A_2806 : vector<16xi32>
    %lt3A_2808 = arith.constant 760 : i32
    %lt3A_2809 = vector.broadcast %lt3A_2808 : i32 to vector<16xi32>
    %lt3A_2810 = arith.cmpi slt, %get3A_2801, %lt3A_2809 : vector<16xi32>
    %and3A_2811 = arith.andi %ge3A_2807, %lt3A_2810 : vector<16xi1>
    %add3A_2812 = arith.constant 16 : i32
    %add3A_2813 = vector.broadcast %add3A_2812 : i32 to vector<16xi32>
    %add3A_2814 = arith.addi %iota3A, %add3A_2813 : vector<16xi32>
    tpu.vector_store_idx %arg7[%sub3A_2804, %add3A_2814], %broadcast_in_dim3A_5 masked %and3A_2811 : memref<256x128xf32, #tpu.memory_space<vmem>>[vector<16xi32>, vector<16xi32>], vector<16xf32>, vector<16xi1>
    %get3A_2815 = arith.constant 288 : index
    %get3A_2816 = tpu.vector_load %arg6[%get3A_2815] {strides = array<i32>} : memref<512xi32, #tpu.memory_space<vmem>>, vector<16xi32>,
    %sub3A_2817 = arith.constant 504 : i32
    %sub3A_2818 = vector.broadcast %sub3A_2817 : i32 to vector<16xi32>
    %sub3A_2819 = arith.subi %get3A_2816, %sub3A_2818 : vector<16xi32>
    %ge3A_2820 = arith.constant 504 : i32
    %ge3A_2821 = vector.broadcast %ge3A_2820 : i32 to vector<16xi32>
    %ge3A_2822 = arith.cmpi sge, %get3A_2816, %ge3A_2821 : vector<16xi32>
    %lt3A_2823 = arith.constant 760 : i32
    %lt3A_2824 = vector.broadcast %lt3A_2823 : i32 to vector<16xi32>
    %lt3A_2825 = arith.cmpi slt, %get3A_2816, %lt3A_2824 : vector<16xi32>
    %and3A_2826 = arith.andi %ge3A_2822, %lt3A_2825 : vector<16xi1>
    %add3A_2827 = arith.constant 32 : i32
    %add3A_2828 = vector.broadcast %add3A_2827 : i32 to vector<16xi32>
    %add3A_2829 = arith.addi %iota3A, %add3A_2828 : vector<16xi32>
    tpu.vector_store_idx %arg7[%sub3A_2819, %add3A_2829], %broadcast_in_dim3A_5 masked %and3A_2826 : memref<256x128xf32, #tpu.memory_space<vmem>>[vector<16xi32>, vector<16xi32>], vector<16xf32>, vector<16xi1>
    %get3A_2830 = arith.constant 304 : index
    %get3A_2831 = tpu.vector_load %arg6[%get3A_2830] {strides = array<i32>} : memref<512xi32, #tpu.memory_space<vmem>>, vector<16xi32>,
    %sub3A_2832 = arith.constant 504 : i32
    %sub3A_2833 = vector.broadcast %sub3A_2832 : i32 to vector<16xi32>
    %sub3A_2834 = arith.subi %get3A_2831, %sub3A_2833 : vector<16xi32>
    %ge3A_2835 = arith.constant 504 : i32
    %ge3A_2836 = vector.broadcast %ge3A_2835 : i32 to vector<16xi32>
    %ge3A_2837 = arith.cmpi sge, %get3A_2831, %ge3A_2836 : vector<16xi32>
    %lt3A_2838 = arith.constant 760 : i32
    %lt3A_2839 = vector.broadcast %lt3A_2838 : i32 to vector<16xi32>
    %lt3A_2840 = arith.cmpi slt, %get3A_2831, %lt3A_2839 : vector<16xi32>
    %and3A_2841 = arith.andi %ge3A_2837, %lt3A_2840 : vector<16xi1>
    %add3A_2842 = arith.constant 48 : i32
    %add3A_2843 = vector.broadcast %add3A_2842 : i32 to vector<16xi32>
    %add3A_2844 = arith.addi %iota3A, %add3A_2843 : vector<16xi32>
    tpu.vector_store_idx %arg7[%sub3A_2834, %add3A_2844], %broadcast_in_dim3A_5 masked %and3A_2841 : memref<256x128xf32, #tpu.memory_space<vmem>>[vector<16xi32>, vector<16xi32>], vector<16xf32>, vector<16xi1>
    %get3A_2845 = arith.constant 320 : index
    %get3A_2846 = tpu.vector_load %arg6[%get3A_2845] {strides = array<i32>} : memref<512xi32, #tpu.memory_space<vmem>>, vector<16xi32>,
    %sub3A_2847 = arith.constant 504 : i32
    %sub3A_2848 = vector.broadcast %sub3A_2847 : i32 to vector<16xi32>
    %sub3A_2849 = arith.subi %get3A_2846, %sub3A_2848 : vector<16xi32>
    %ge3A_2850 = arith.constant 504 : i32
    %ge3A_2851 = vector.broadcast %ge3A_2850 : i32 to vector<16xi32>
    %ge3A_2852 = arith.cmpi sge, %get3A_2846, %ge3A_2851 : vector<16xi32>
    %lt3A_2853 = arith.constant 760 : i32
    %lt3A_2854 = vector.broadcast %lt3A_2853 : i32 to vector<16xi32>
    %lt3A_2855 = arith.cmpi slt, %get3A_2846, %lt3A_2854 : vector<16xi32>
    %and3A_2856 = arith.andi %ge3A_2852, %lt3A_2855 : vector<16xi1>
    %add3A_2857 = arith.constant 64 : i32
    %add3A_2858 = vector.broadcast %add3A_2857 : i32 to vector<16xi32>
    %add3A_2859 = arith.addi %iota3A, %add3A_2858 : vector<16xi32>
    tpu.vector_store_idx %arg7[%sub3A_2849, %add3A_2859], %broadcast_in_dim3A_5 masked %and3A_2856 : memref<256x128xf32, #tpu.memory_space<vmem>>[vector<16xi32>, vector<16xi32>], vector<16xf32>, vector<16xi1>
    %get3A_2860 = arith.constant 336 : index
    %get3A_2861 = tpu.vector_load %arg6[%get3A_2860] {strides = array<i32>} : memref<512xi32, #tpu.memory_space<vmem>>, vector<16xi32>,
    %sub3A_2862 = arith.constant 504 : i32
    %sub3A_2863 = vector.broadcast %sub3A_2862 : i32 to vector<16xi32>
    %sub3A_2864 = arith.subi %get3A_2861, %sub3A_2863 : vector<16xi32>
    %ge3A_2865 = arith.constant 504 : i32
    %ge3A_2866 = vector.broadcast %ge3A_2865 : i32 to vector<16xi32>
    %ge3A_2867 = arith.cmpi sge, %get3A_2861, %ge3A_2866 : vector<16xi32>
    %lt3A_2868 = arith.constant 760 : i32
    %lt3A_2869 = vector.broadcast %lt3A_2868 : i32 to vector<16xi32>
    %lt3A_2870 = arith.cmpi slt, %get3A_2861, %lt3A_2869 : vector<16xi32>
    %and3A_2871 = arith.andi %ge3A_2867, %lt3A_2870 : vector<16xi1>
    %add3A_2872 = arith.constant 80 : i32
    %add3A_2873 = vector.broadcast %add3A_2872 : i32 to vector<16xi32>
    %add3A_2874 = arith.addi %iota3A, %add3A_2873 : vector<16xi32>
    tpu.vector_store_idx %arg7[%sub3A_2864, %add3A_2874], %broadcast_in_dim3A_5 masked %and3A_2871 : memref<256x128xf32, #tpu.memory_space<vmem>>[vector<16xi32>, vector<16xi32>], vector<16xf32>, vector<16xi1>
    %get3A_2875 = arith.constant 352 : index
    %get3A_2876 = tpu.vector_load %arg6[%get3A_2875] {strides = array<i32>} : memref<512xi32, #tpu.memory_space<vmem>>, vector<16xi32>,
    %sub3A_2877 = arith.constant 504 : i32
    %sub3A_2878 = vector.broadcast %sub3A_2877 : i32 to vector<16xi32>
    %sub3A_2879 = arith.subi %get3A_2876, %sub3A_2878 : vector<16xi32>
    %ge3A_2880 = arith.constant 504 : i32
    %ge3A_2881 = vector.broadcast %ge3A_2880 : i32 to vector<16xi32>
    %ge3A_2882 = arith.cmpi sge, %get3A_2876, %ge3A_2881 : vector<16xi32>
    %lt3A_2883 = arith.constant 760 : i32
    %lt3A_2884 = vector.broadcast %lt3A_2883 : i32 to vector<16xi32>
    %lt3A_2885 = arith.cmpi slt, %get3A_2876, %lt3A_2884 : vector<16xi32>
    %and3A_2886 = arith.andi %ge3A_2882, %lt3A_2885 : vector<16xi1>
    %add3A_2887 = arith.constant 96 : i32
    %add3A_2888 = vector.broadcast %add3A_2887 : i32 to vector<16xi32>
    %add3A_2889 = arith.addi %iota3A, %add3A_2888 : vector<16xi32>
    tpu.vector_store_idx %arg7[%sub3A_2879, %add3A_2889], %broadcast_in_dim3A_5 masked %and3A_2886 : memref<256x128xf32, #tpu.memory_space<vmem>>[vector<16xi32>, vector<16xi32>], vector<16xf32>, vector<16xi1>
    %get3A_2890 = arith.constant 368 : index
    %get3A_2891 = tpu.vector_load %arg6[%get3A_2890] {strides = array<i32>} : memref<512xi32, #tpu.memory_space<vmem>>, vector<16xi32>,
    %sub3A_2892 = arith.constant 504 : i32
    %sub3A_2893 = vector.broadcast %sub3A_2892 : i32 to vector<16xi32>
    %sub3A_2894 = arith.subi %get3A_2891, %sub3A_2893 : vector<16xi32>
    %ge3A_2895 = arith.constant 504 : i32
    %ge3A_2896 = vector.broadcast %ge3A_2895 : i32 to vector<16xi32>
    %ge3A_2897 = arith.cmpi sge, %get3A_2891, %ge3A_2896 : vector<16xi32>
    %lt3A_2898 = arith.constant 760 : i32
    %lt3A_2899 = vector.broadcast %lt3A_2898 : i32 to vector<16xi32>
    %lt3A_2900 = arith.cmpi slt, %get3A_2891, %lt3A_2899 : vector<16xi32>
    %and3A_2901 = arith.andi %ge3A_2897, %lt3A_2900 : vector<16xi1>
    %add3A_2902 = arith.constant 112 : i32
    %add3A_2903 = vector.broadcast %add3A_2902 : i32 to vector<16xi32>
    %add3A_2904 = arith.addi %iota3A, %add3A_2903 : vector<16xi32>
    tpu.vector_store_idx %arg7[%sub3A_2894, %add3A_2904], %broadcast_in_dim3A_5 masked %and3A_2901 : memref<256x128xf32, #tpu.memory_space<vmem>>[vector<16xi32>, vector<16xi32>], vector<16xf32>, vector<16xi1>
    %get3A_2905 = arith.constant 384 : index
    %get3A_2906 = tpu.vector_load %arg6[%get3A_2905] {strides = array<i32>} : memref<512xi32, #tpu.memory_space<vmem>>, vector<16xi32>,
    %sub3A_2907 = arith.constant 0 : i32
    %sub3A_2908 = vector.broadcast %sub3A_2907 : i32 to vector<16xi32>
    %sub3A_2909 = arith.subi %get3A_2906, %sub3A_2908 : vector<16xi32>
    %ge3A_2910 = arith.constant 0 : i32
    %ge3A_2911 = vector.broadcast %ge3A_2910 : i32 to vector<16xi32>
    %ge3A_2912 = arith.cmpi sge, %get3A_2906, %ge3A_2911 : vector<16xi32>
    %lt3A_2913 = arith.constant 256 : i32
    %lt3A_2914 = vector.broadcast %lt3A_2913 : i32 to vector<16xi32>
    %lt3A_2915 = arith.cmpi slt, %get3A_2906, %lt3A_2914 : vector<16xi32>
    %and3A_2916 = arith.andi %ge3A_2912, %lt3A_2915 : vector<16xi1>
    %add3A_2917 = arith.constant 0 : i32
    %add3A_2918 = vector.broadcast %add3A_2917 : i32 to vector<16xi32>
    %add3A_2919 = arith.addi %iota3A, %add3A_2918 : vector<16xi32>
    tpu.vector_store_idx %arg7[%sub3A_2909, %add3A_2919], %broadcast_in_dim3A_3 masked %and3A_2916 : memref<256x128xf32, #tpu.memory_space<vmem>>[vector<16xi32>, vector<16xi32>], vector<16xf32>, vector<16xi1>
    %get3A_2920 = arith.constant 400 : index
    %get3A_2921 = tpu.vector_load %arg6[%get3A_2920] {strides = array<i32>} : memref<512xi32, #tpu.memory_space<vmem>>, vector<16xi32>,
    %sub3A_2922 = arith.constant 0 : i32
    %sub3A_2923 = vector.broadcast %sub3A_2922 : i32 to vector<16xi32>
    %sub3A_2924 = arith.subi %get3A_2921, %sub3A_2923 : vector<16xi32>
    %ge3A_2925 = arith.constant 0 : i32
    %ge3A_2926 = vector.broadcast %ge3A_2925 : i32 to vector<16xi32>
    %ge3A_2927 = arith.cmpi sge, %get3A_2921, %ge3A_2926 : vector<16xi32>
    %lt3A_2928 = arith.constant 256 : i32
    %lt3A_2929 = vector.broadcast %lt3A_2928 : i32 to vector<16xi32>
    %lt3A_2930 = arith.cmpi slt, %get3A_2921, %lt3A_2929 : vector<16xi32>
    %and3A_2931 = arith.andi %ge3A_2927, %lt3A_2930 : vector<16xi1>
    %add3A_2932 = arith.constant 16 : i32
    %add3A_2933 = vector.broadcast %add3A_2932 : i32 to vector<16xi32>
    %add3A_2934 = arith.addi %iota3A, %add3A_2933 : vector<16xi32>
    tpu.vector_store_idx %arg7[%sub3A_2924, %add3A_2934], %broadcast_in_dim3A_3 masked %and3A_2931 : memref<256x128xf32, #tpu.memory_space<vmem>>[vector<16xi32>, vector<16xi32>], vector<16xf32>, vector<16xi1>
    %get3A_2935 = arith.constant 416 : index
    %get3A_2936 = tpu.vector_load %arg6[%get3A_2935] {strides = array<i32>} : memref<512xi32, #tpu.memory_space<vmem>>, vector<16xi32>,
    %sub3A_2937 = arith.constant 0 : i32
    %sub3A_2938 = vector.broadcast %sub3A_2937 : i32 to vector<16xi32>
    %sub3A_2939 = arith.subi %get3A_2936, %sub3A_2938 : vector<16xi32>
    %ge3A_2940 = arith.constant 0 : i32
    %ge3A_2941 = vector.broadcast %ge3A_2940 : i32 to vector<16xi32>
    %ge3A_2942 = arith.cmpi sge, %get3A_2936, %ge3A_2941 : vector<16xi32>
    %lt3A_2943 = arith.constant 256 : i32
    %lt3A_2944 = vector.broadcast %lt3A_2943 : i32 to vector<16xi32>
    %lt3A_2945 = arith.cmpi slt, %get3A_2936, %lt3A_2944 : vector<16xi32>
    %and3A_2946 = arith.andi %ge3A_2942, %lt3A_2945 : vector<16xi1>
    %add3A_2947 = arith.constant 32 : i32
    %add3A_2948 = vector.broadcast %add3A_2947 : i32 to vector<16xi32>
    %add3A_2949 = arith.addi %iota3A, %add3A_2948 : vector<16xi32>
    tpu.vector_store_idx %arg7[%sub3A_2939, %add3A_2949], %broadcast_in_dim3A_3 masked %and3A_2946 : memref<256x128xf32, #tpu.memory_space<vmem>>[vector<16xi32>, vector<16xi32>], vector<16xf32>, vector<16xi1>
    %get3A_2950 = arith.constant 432 : index
    %get3A_2951 = tpu.vector_load %arg6[%get3A_2950] {strides = array<i32>} : memref<512xi32, #tpu.memory_space<vmem>>, vector<16xi32>,
    %sub3A_2952 = arith.constant 0 : i32
    %sub3A_2953 = vector.broadcast %sub3A_2952 : i32 to vector<16xi32>
    %sub3A_2954 = arith.subi %get3A_2951, %sub3A_2953 : vector<16xi32>
    %ge3A_2955 = arith.constant 0 : i32
    %ge3A_2956 = vector.broadcast %ge3A_2955 : i32 to vector<16xi32>
    %ge3A_2957 = arith.cmpi sge, %get3A_2951, %ge3A_2956 : vector<16xi32>
    %lt3A_2958 = arith.constant 256 : i32
    %lt3A_2959 = vector.broadcast %lt3A_2958 : i32 to vector<16xi32>
    %lt3A_2960 = arith.cmpi slt, %get3A_2951, %lt3A_2959 : vector<16xi32>
    %and3A_2961 = arith.andi %ge3A_2957, %lt3A_2960 : vector<16xi1>
    %add3A_2962 = arith.constant 48 : i32
    %add3A_2963 = vector.broadcast %add3A_2962 : i32 to vector<16xi32>
    %add3A_2964 = arith.addi %iota3A, %add3A_2963 : vector<16xi32>
    tpu.vector_store_idx %arg7[%sub3A_2954, %add3A_2964], %broadcast_in_dim3A_3 masked %and3A_2961 : memref<256x128xf32, #tpu.memory_space<vmem>>[vector<16xi32>, vector<16xi32>], vector<16xf32>, vector<16xi1>
    %get3A_2965 = arith.constant 448 : index
    %get3A_2966 = tpu.vector_load %arg6[%get3A_2965] {strides = array<i32>} : memref<512xi32, #tpu.memory_space<vmem>>, vector<16xi32>,
    %sub3A_2967 = arith.constant 0 : i32
    %sub3A_2968 = vector.broadcast %sub3A_2967 : i32 to vector<16xi32>
    %sub3A_2969 = arith.subi %get3A_2966, %sub3A_2968 : vector<16xi32>
    %ge3A_2970 = arith.constant 0 : i32
    %ge3A_2971 = vector.broadcast %ge3A_2970 : i32 to vector<16xi32>
    %ge3A_2972 = arith.cmpi sge, %get3A_2966, %ge3A_2971 : vector<16xi32>
    %lt3A_2973 = arith.constant 256 : i32
    %lt3A_2974 = vector.broadcast %lt3A_2973 : i32 to vector<16xi32>
    %lt3A_2975 = arith.cmpi slt, %get3A_2966, %lt3A_2974 : vector<16xi32>
    %and3A_2976 = arith.andi %ge3A_2972, %lt3A_2975 : vector<16xi1>
    %add3A_2977 = arith.constant 64 : i32
    %add3A_2978 = vector.broadcast %add3A_2977 : i32 to vector<16xi32>
    %add3A_2979 = arith.addi %iota3A, %add3A_2978 : vector<16xi32>
    tpu.vector_store_idx %arg7[%sub3A_2969, %add3A_2979], %broadcast_in_dim3A_3 masked %and3A_2976 : memref<256x128xf32, #tpu.memory_space<vmem>>[vector<16xi32>, vector<16xi32>], vector<16xf32>, vector<16xi1>
    %get3A_2980 = arith.constant 464 : index
    %get3A_2981 = tpu.vector_load %arg6[%get3A_2980] {strides = array<i32>} : memref<512xi32, #tpu.memory_space<vmem>>, vector<16xi32>,
    %sub3A_2982 = arith.constant 0 : i32
    %sub3A_2983 = vector.broadcast %sub3A_2982 : i32 to vector<16xi32>
    %sub3A_2984 = arith.subi %get3A_2981, %sub3A_2983 : vector<16xi32>
    %ge3A_2985 = arith.constant 0 : i32
    %ge3A_2986 = vector.broadcast %ge3A_2985 : i32 to vector<16xi32>
    %ge3A_2987 = arith.cmpi sge, %get3A_2981, %ge3A_2986 : vector<16xi32>
    %lt3A_2988 = arith.constant 256 : i32
    %lt3A_2989 = vector.broadcast %lt3A_2988 : i32 to vector<16xi32>
    %lt3A_2990 = arith.cmpi slt, %get3A_2981, %lt3A_2989 : vector<16xi32>
    %and3A_2991 = arith.andi %ge3A_2987, %lt3A_2990 : vector<16xi1>
    %add3A_2992 = arith.constant 80 : i32
    %add3A_2993 = vector.broadcast %add3A_2992 : i32 to vector<16xi32>
    %add3A_2994 = arith.addi %iota3A, %add3A_2993 : vector<16xi32>
    tpu.vector_store_idx %arg7[%sub3A_2984, %add3A_2994], %broadcast_in_dim3A_3 masked %and3A_2991 : memref<256x128xf32, #tpu.memory_space<vmem>>[vector<16xi32>, vector<16xi32>], vector<16xf32>, vector<16xi1>
    %get3A_2995 = arith.constant 480 : index
    %get3A_2996 = tpu.vector_load %arg6[%get3A_2995] {strides = array<i32>} : memref<512xi32, #tpu.memory_space<vmem>>, vector<16xi32>,
    %sub3A_2997 = arith.constant 0 : i32
    %sub3A_2998 = vector.broadcast %sub3A_2997 : i32 to vector<16xi32>
    %sub3A_2999 = arith.subi %get3A_2996, %sub3A_2998 : vector<16xi32>
    %ge3A_3000 = arith.constant 0 : i32
    %ge3A_3001 = vector.broadcast %ge3A_3000 : i32 to vector<16xi32>
    %ge3A_3002 = arith.cmpi sge, %get3A_2996, %ge3A_3001 : vector<16xi32>
    %lt3A_3003 = arith.constant 256 : i32
    %lt3A_3004 = vector.broadcast %lt3A_3003 : i32 to vector<16xi32>
    %lt3A_3005 = arith.cmpi slt, %get3A_2996, %lt3A_3004 : vector<16xi32>
    %and3A_3006 = arith.andi %ge3A_3002, %lt3A_3005 : vector<16xi1>
    %add3A_3007 = arith.constant 96 : i32
    %add3A_3008 = vector.broadcast %add3A_3007 : i32 to vector<16xi32>
    %add3A_3009 = arith.addi %iota3A, %add3A_3008 : vector<16xi32>
    tpu.vector_store_idx %arg7[%sub3A_2999, %add3A_3009], %broadcast_in_dim3A_3 masked %and3A_3006 : memref<256x128xf32, #tpu.memory_space<vmem>>[vector<16xi32>, vector<16xi32>], vector<16xf32>, vector<16xi1>
    %get3A_3010 = arith.constant 496 : index
    %get3A_3011 = tpu.vector_load %arg6[%get3A_3010] {strides = array<i32>} : memref<512xi32, #tpu.memory_space<vmem>>, vector<16xi32>,
    %sub3A_3012 = arith.constant 0 : i32
    %sub3A_3013 = vector.broadcast %sub3A_3012 : i32 to vector<16xi32>
    %sub3A_3014 = arith.subi %get3A_3011, %sub3A_3013 : vector<16xi32>
    %ge3A_3015 = arith.constant 0 : i32
    %ge3A_3016 = vector.broadcast %ge3A_3015 : i32 to vector<16xi32>
    %ge3A_3017 = arith.cmpi sge, %get3A_3011, %ge3A_3016 : vector<16xi32>
    %lt3A_3018 = arith.constant 256 : i32
    %lt3A_3019 = vector.broadcast %lt3A_3018 : i32 to vector<16xi32>
    %lt3A_3020 = arith.cmpi slt, %get3A_3011, %lt3A_3019 : vector<16xi32>
    %and3A_3021 = arith.andi %ge3A_3017, %lt3A_3020 : vector<16xi1>
    %add3A_3022 = arith.constant 112 : i32
    %add3A_3023 = vector.broadcast %add3A_3022 : i32 to vector<16xi32>
    %add3A_3024 = arith.addi %iota3A, %add3A_3023 : vector<16xi32>
    tpu.vector_store_idx %arg7[%sub3A_3014, %add3A_3024], %broadcast_in_dim3A_3 masked %and3A_3021 : memref<256x128xf32, #tpu.memory_space<vmem>>[vector<16xi32>, vector<16xi32>], vector<16xf32>, vector<16xi1>
    %add3A_3025 = arith.constant 384 : i32
    %add3A_3026 = arith.addi %mul3A_2, %add3A_3025 : i32
    %dma_start3A_3027 = arith.constant 0 : i32
    %dma_start3A_3028 = tpu.memref_slice %arg5[%dma_start3A_3027, %add3A_3026] : memref<1000x16384xf32, #tpu.memory_space<hbm>> -> memref<256x128xf32, #tpu.memory_space<hbm>>
    %dma_start3A_3029 = arith.constant 0 : i32
    %dma_start3A_3030 = tpu.memref_slice %arg5[%dma_start3A_3029, %add3A_3026] : memref<1000x16384xf32, #tpu.memory_space<hbm>> -> memref<256x128xf32, #tpu.memory_space<hbm>>
    tpu.enqueue_dma source(%arg7 : memref<256x128xf32, #tpu.memory_space<vmem>>) target(%dma_start3A_3030 : memref<256x128xf32, #tpu.memory_space<hbm>>) target_semaphore(%arg9 : memref<!tpu.dma_semaphore, #tpu.memory_space<semaphore_mem>>)
    %dma_wait3A_3031 = arith.constant 0 : i32
    %dma_wait3A_3032 = arith.constant 0 : i32
    %dma_wait3A_3033 = tpu.memref_slice %arg8[%dma_wait3A_3031, %dma_wait3A_3032] : memref<248x128xf32, #tpu.memory_space<vmem>> -> memref<240x128xf32, #tpu.memory_space<vmem>>
    %dma_wait3A_3034 = arith.constant 760 : i32
    %dma_wait3A_3035 = tpu.memref_slice %arg5[%dma_wait3A_3034, %add3A_2770] : memref<1000x16384xf32, #tpu.memory_space<hbm>> -> memref<240x128xf32, #tpu.memory_space<hbm>>
    %dma_wait3A_3036 = arith.constant 760 : i32
    %dma_wait3A_3037 = tpu.memref_slice %arg5[%dma_wait3A_3036, %add3A_2770] : memref<1000x16384xf32, #tpu.memory_space<hbm>> -> memref<240x128xf32, #tpu.memory_space<hbm>>
    %dma_wait3A_3038 = arith.constant 0 : i32
    %dma_wait3A_3039 = arith.constant 0 : i32
    %dma_wait3A_3040 = tpu.memref_slice %arg8[%dma_wait3A_3038, %dma_wait3A_3039] : memref<248x128xf32, #tpu.memory_space<vmem>> -> memref<240x128xf32, #tpu.memory_space<vmem>>
    tpu.wait_dma2 semaphore(%arg10 : memref<!tpu.dma_semaphore, #tpu.memory_space<semaphore_mem>>) src(%dma_wait3A_3040 : memref<240x128xf32, #tpu.memory_space<vmem>>) dst(%dma_wait3A_3037 : memref<240x128xf32, #tpu.memory_space<hbm>>)
    %get3A_3041 = arith.constant 256 : index
    %get3A_3042 = tpu.vector_load %arg6[%get3A_3041] {strides = array<i32>} : memref<512xi32, #tpu.memory_space<vmem>>, vector<16xi32>,
    %sub3A_3043 = arith.constant 760 : i32
    %sub3A_3044 = vector.broadcast %sub3A_3043 : i32 to vector<16xi32>
    %sub3A_3045 = arith.subi %get3A_3042, %sub3A_3044 : vector<16xi32>
    %ge3A_3046 = arith.constant 760 : i32
    %ge3A_3047 = vector.broadcast %ge3A_3046 : i32 to vector<16xi32>
    %ge3A_3048 = arith.cmpi sge, %get3A_3042, %ge3A_3047 : vector<16xi32>
    %lt3A_3049 = arith.constant 1000 : i32
    %lt3A_3050 = vector.broadcast %lt3A_3049 : i32 to vector<16xi32>
    %lt3A_3051 = arith.cmpi slt, %get3A_3042, %lt3A_3050 : vector<16xi32>
    %and3A_3052 = arith.andi %ge3A_3048, %lt3A_3051 : vector<16xi1>
    %add3A_3053 = arith.constant 0 : i32
    %add3A_3054 = vector.broadcast %add3A_3053 : i32 to vector<16xi32>
    %add3A_3055 = arith.addi %iota3A, %add3A_3054 : vector<16xi32>
    tpu.vector_store_idx %arg8[%sub3A_3045, %add3A_3055], %broadcast_in_dim3A_5 masked %and3A_3052 : memref<248x128xf32, #tpu.memory_space<vmem>>[vector<16xi32>, vector<16xi32>], vector<16xf32>, vector<16xi1>
    %get3A_3056 = arith.constant 272 : index
    %get3A_3057 = tpu.vector_load %arg6[%get3A_3056] {strides = array<i32>} : memref<512xi32, #tpu.memory_space<vmem>>, vector<16xi32>,
    %sub3A_3058 = arith.constant 760 : i32
    %sub3A_3059 = vector.broadcast %sub3A_3058 : i32 to vector<16xi32>
    %sub3A_3060 = arith.subi %get3A_3057, %sub3A_3059 : vector<16xi32>
    %ge3A_3061 = arith.constant 760 : i32
    %ge3A_3062 = vector.broadcast %ge3A_3061 : i32 to vector<16xi32>
    %ge3A_3063 = arith.cmpi sge, %get3A_3057, %ge3A_3062 : vector<16xi32>
    %lt3A_3064 = arith.constant 1000 : i32
    %lt3A_3065 = vector.broadcast %lt3A_3064 : i32 to vector<16xi32>
    %lt3A_3066 = arith.cmpi slt, %get3A_3057, %lt3A_3065 : vector<16xi32>
    %and3A_3067 = arith.andi %ge3A_3063, %lt3A_3066 : vector<16xi1>
    %add3A_3068 = arith.constant 16 : i32
    %add3A_3069 = vector.broadcast %add3A_3068 : i32 to vector<16xi32>
    %add3A_3070 = arith.addi %iota3A, %add3A_3069 : vector<16xi32>
    tpu.vector_store_idx %arg8[%sub3A_3060, %add3A_3070], %broadcast_in_dim3A_5 masked %and3A_3067 : memref<248x128xf32, #tpu.memory_space<vmem>>[vector<16xi32>, vector<16xi32>], vector<16xf32>, vector<16xi1>
    %get3A_3071 = arith.constant 288 : index
    %get3A_3072 = tpu.vector_load %arg6[%get3A_3071] {strides = array<i32>} : memref<512xi32, #tpu.memory_space<vmem>>, vector<16xi32>,
    %sub3A_3073 = arith.constant 760 : i32
    %sub3A_3074 = vector.broadcast %sub3A_3073 : i32 to vector<16xi32>
    %sub3A_3075 = arith.subi %get3A_3072, %sub3A_3074 : vector<16xi32>
    %ge3A_3076 = arith.constant 760 : i32
    %ge3A_3077 = vector.broadcast %ge3A_3076 : i32 to vector<16xi32>
    %ge3A_3078 = arith.cmpi sge, %get3A_3072, %ge3A_3077 : vector<16xi32>
    %lt3A_3079 = arith.constant 1000 : i32
    %lt3A_3080 = vector.broadcast %lt3A_3079 : i32 to vector<16xi32>
    %lt3A_3081 = arith.cmpi slt, %get3A_3072, %lt3A_3080 : vector<16xi32>
    %and3A_3082 = arith.andi %ge3A_3078, %lt3A_3081 : vector<16xi1>
    %add3A_3083 = arith.constant 32 : i32
    %add3A_3084 = vector.broadcast %add3A_3083 : i32 to vector<16xi32>
    %add3A_3085 = arith.addi %iota3A, %add3A_3084 : vector<16xi32>
    tpu.vector_store_idx %arg8[%sub3A_3075, %add3A_3085], %broadcast_in_dim3A_5 masked %and3A_3082 : memref<248x128xf32, #tpu.memory_space<vmem>>[vector<16xi32>, vector<16xi32>], vector<16xf32>, vector<16xi1>
    %get3A_3086 = arith.constant 304 : index
    %get3A_3087 = tpu.vector_load %arg6[%get3A_3086] {strides = array<i32>} : memref<512xi32, #tpu.memory_space<vmem>>, vector<16xi32>,
    %sub3A_3088 = arith.constant 760 : i32
    %sub3A_3089 = vector.broadcast %sub3A_3088 : i32 to vector<16xi32>
    %sub3A_3090 = arith.subi %get3A_3087, %sub3A_3089 : vector<16xi32>
    %ge3A_3091 = arith.constant 760 : i32
    %ge3A_3092 = vector.broadcast %ge3A_3091 : i32 to vector<16xi32>
    %ge3A_3093 = arith.cmpi sge, %get3A_3087, %ge3A_3092 : vector<16xi32>
    %lt3A_3094 = arith.constant 1000 : i32
    %lt3A_3095 = vector.broadcast %lt3A_3094 : i32 to vector<16xi32>
    %lt3A_3096 = arith.cmpi slt, %get3A_3087, %lt3A_3095 : vector<16xi32>
    %and3A_3097 = arith.andi %ge3A_3093, %lt3A_3096 : vector<16xi1>
    %add3A_3098 = arith.constant 48 : i32
    %add3A_3099 = vector.broadcast %add3A_3098 : i32 to vector<16xi32>
    %add3A_3100 = arith.addi %iota3A, %add3A_3099 : vector<16xi32>
    tpu.vector_store_idx %arg8[%sub3A_3090, %add3A_3100], %broadcast_in_dim3A_5 masked %and3A_3097 : memref<248x128xf32, #tpu.memory_space<vmem>>[vector<16xi32>, vector<16xi32>], vector<16xf32>, vector<16xi1>
    %get3A_3101 = arith.constant 320 : index
    %get3A_3102 = tpu.vector_load %arg6[%get3A_3101] {strides = array<i32>} : memref<512xi32, #tpu.memory_space<vmem>>, vector<16xi32>,
    %sub3A_3103 = arith.constant 760 : i32
    %sub3A_3104 = vector.broadcast %sub3A_3103 : i32 to vector<16xi32>
    %sub3A_3105 = arith.subi %get3A_3102, %sub3A_3104 : vector<16xi32>
    %ge3A_3106 = arith.constant 760 : i32
    %ge3A_3107 = vector.broadcast %ge3A_3106 : i32 to vector<16xi32>
    %ge3A_3108 = arith.cmpi sge, %get3A_3102, %ge3A_3107 : vector<16xi32>
    %lt3A_3109 = arith.constant 1000 : i32
    %lt3A_3110 = vector.broadcast %lt3A_3109 : i32 to vector<16xi32>
    %lt3A_3111 = arith.cmpi slt, %get3A_3102, %lt3A_3110 : vector<16xi32>
    %and3A_3112 = arith.andi %ge3A_3108, %lt3A_3111 : vector<16xi1>
    %add3A_3113 = arith.constant 64 : i32
    %add3A_3114 = vector.broadcast %add3A_3113 : i32 to vector<16xi32>
    %add3A_3115 = arith.addi %iota3A, %add3A_3114 : vector<16xi32>
    tpu.vector_store_idx %arg8[%sub3A_3105, %add3A_3115], %broadcast_in_dim3A_5 masked %and3A_3112 : memref<248x128xf32, #tpu.memory_space<vmem>>[vector<16xi32>, vector<16xi32>], vector<16xf32>, vector<16xi1>
    %get3A_3116 = arith.constant 336 : index
    %get3A_3117 = tpu.vector_load %arg6[%get3A_3116] {strides = array<i32>} : memref<512xi32, #tpu.memory_space<vmem>>, vector<16xi32>,
    %sub3A_3118 = arith.constant 760 : i32
    %sub3A_3119 = vector.broadcast %sub3A_3118 : i32 to vector<16xi32>
    %sub3A_3120 = arith.subi %get3A_3117, %sub3A_3119 : vector<16xi32>
    %ge3A_3121 = arith.constant 760 : i32
    %ge3A_3122 = vector.broadcast %ge3A_3121 : i32 to vector<16xi32>
    %ge3A_3123 = arith.cmpi sge, %get3A_3117, %ge3A_3122 : vector<16xi32>
    %lt3A_3124 = arith.constant 1000 : i32
    %lt3A_3125 = vector.broadcast %lt3A_3124 : i32 to vector<16xi32>
    %lt3A_3126 = arith.cmpi slt, %get3A_3117, %lt3A_3125 : vector<16xi32>
    %and3A_3127 = arith.andi %ge3A_3123, %lt3A_3126 : vector<16xi1>
    %add3A_3128 = arith.constant 80 : i32
    %add3A_3129 = vector.broadcast %add3A_3128 : i32 to vector<16xi32>
    %add3A_3130 = arith.addi %iota3A, %add3A_3129 : vector<16xi32>
    tpu.vector_store_idx %arg8[%sub3A_3120, %add3A_3130], %broadcast_in_dim3A_5 masked %and3A_3127 : memref<248x128xf32, #tpu.memory_space<vmem>>[vector<16xi32>, vector<16xi32>], vector<16xf32>, vector<16xi1>
    %get3A_3131 = arith.constant 352 : index
    %get3A_3132 = tpu.vector_load %arg6[%get3A_3131] {strides = array<i32>} : memref<512xi32, #tpu.memory_space<vmem>>, vector<16xi32>,
    %sub3A_3133 = arith.constant 760 : i32
    %sub3A_3134 = vector.broadcast %sub3A_3133 : i32 to vector<16xi32>
    %sub3A_3135 = arith.subi %get3A_3132, %sub3A_3134 : vector<16xi32>
    %ge3A_3136 = arith.constant 760 : i32
    %ge3A_3137 = vector.broadcast %ge3A_3136 : i32 to vector<16xi32>
    %ge3A_3138 = arith.cmpi sge, %get3A_3132, %ge3A_3137 : vector<16xi32>
    %lt3A_3139 = arith.constant 1000 : i32
    %lt3A_3140 = vector.broadcast %lt3A_3139 : i32 to vector<16xi32>
    %lt3A_3141 = arith.cmpi slt, %get3A_3132, %lt3A_3140 : vector<16xi32>
    %and3A_3142 = arith.andi %ge3A_3138, %lt3A_3141 : vector<16xi1>
    %add3A_3143 = arith.constant 96 : i32
    %add3A_3144 = vector.broadcast %add3A_3143 : i32 to vector<16xi32>
    %add3A_3145 = arith.addi %iota3A, %add3A_3144 : vector<16xi32>
    tpu.vector_store_idx %arg8[%sub3A_3135, %add3A_3145], %broadcast_in_dim3A_5 masked %and3A_3142 : memref<248x128xf32, #tpu.memory_space<vmem>>[vector<16xi32>, vector<16xi32>], vector<16xf32>, vector<16xi1>
    %get3A_3146 = arith.constant 368 : index
    %get3A_3147 = tpu.vector_load %arg6[%get3A_3146] {strides = array<i32>} : memref<512xi32, #tpu.memory_space<vmem>>, vector<16xi32>,
    %sub3A_3148 = arith.constant 760 : i32
    %sub3A_3149 = vector.broadcast %sub3A_3148 : i32 to vector<16xi32>
    %sub3A_3150 = arith.subi %get3A_3147, %sub3A_3149 : vector<16xi32>
    %ge3A_3151 = arith.constant 760 : i32
    %ge3A_3152 = vector.broadcast %ge3A_3151 : i32 to vector<16xi32>
    %ge3A_3153 = arith.cmpi sge, %get3A_3147, %ge3A_3152 : vector<16xi32>
    %lt3A_3154 = arith.constant 1000 : i32
    %lt3A_3155 = vector.broadcast %lt3A_3154 : i32 to vector<16xi32>
    %lt3A_3156 = arith.cmpi slt, %get3A_3147, %lt3A_3155 : vector<16xi32>
    %and3A_3157 = arith.andi %ge3A_3153, %lt3A_3156 : vector<16xi1>
    %add3A_3158 = arith.constant 112 : i32
    %add3A_3159 = vector.broadcast %add3A_3158 : i32 to vector<16xi32>
    %add3A_3160 = arith.addi %iota3A, %add3A_3159 : vector<16xi32>
    tpu.vector_store_idx %arg8[%sub3A_3150, %add3A_3160], %broadcast_in_dim3A_5 masked %and3A_3157 : memref<248x128xf32, #tpu.memory_space<vmem>>[vector<16xi32>, vector<16xi32>], vector<16xf32>, vector<16xi1>
    %get3A_3161 = arith.constant 384 : index
    %get3A_3162 = tpu.vector_load %arg6[%get3A_3161] {strides = array<i32>} : memref<512xi32, #tpu.memory_space<vmem>>, vector<16xi32>,
    %sub3A_3163 = arith.constant 256 : i32
    %sub3A_3164 = vector.broadcast %sub3A_3163 : i32 to vector<16xi32>
    %sub3A_3165 = arith.subi %get3A_3162, %sub3A_3164 : vector<16xi32>
    %ge3A_3166 = arith.constant 256 : i32
    %ge3A_3167 = vector.broadcast %ge3A_3166 : i32 to vector<16xi32>
    %ge3A_3168 = arith.cmpi sge, %get3A_3162, %ge3A_3167 : vector<16xi32>
    %lt3A_3169 = arith.constant 504 : i32
    %lt3A_3170 = vector.broadcast %lt3A_3169 : i32 to vector<16xi32>
    %lt3A_3171 = arith.cmpi slt, %get3A_3162, %lt3A_3170 : vector<16xi32>
    %and3A_3172 = arith.andi %ge3A_3168, %lt3A_3171 : vector<16xi1>
    %add3A_3173 = arith.constant 0 : i32
    %add3A_3174 = vector.broadcast %add3A_3173 : i32 to vector<16xi32>
    %add3A_3175 = arith.addi %iota3A, %add3A_3174 : vector<16xi32>
    tpu.vector_store_idx %arg8[%sub3A_3165, %add3A_3175], %broadcast_in_dim3A_3 masked %and3A_3172 : memref<248x128xf32, #tpu.memory_space<vmem>>[vector<16xi32>, vector<16xi32>], vector<16xf32>, vector<16xi1>
    %get3A_3176 = arith.constant 400 : index
    %get3A_3177 = tpu.vector_load %arg6[%get3A_3176] {strides = array<i32>} : memref<512xi32, #tpu.memory_space<vmem>>, vector<16xi32>,
    %sub3A_3178 = arith.constant 256 : i32
    %sub3A_3179 = vector.broadcast %sub3A_3178 : i32 to vector<16xi32>
    %sub3A_3180 = arith.subi %get3A_3177, %sub3A_3179 : vector<16xi32>
    %ge3A_3181 = arith.constant 256 : i32
    %ge3A_3182 = vector.broadcast %ge3A_3181 : i32 to vector<16xi32>
    %ge3A_3183 = arith.cmpi sge, %get3A_3177, %ge3A_3182 : vector<16xi32>
    %lt3A_3184 = arith.constant 504 : i32
    %lt3A_3185 = vector.broadcast %lt3A_3184 : i32 to vector<16xi32>
    %lt3A_3186 = arith.cmpi slt, %get3A_3177, %lt3A_3185 : vector<16xi32>
    %and3A_3187 = arith.andi %ge3A_3183, %lt3A_3186 : vector<16xi1>
    %add3A_3188 = arith.constant 16 : i32
    %add3A_3189 = vector.broadcast %add3A_3188 : i32 to vector<16xi32>
    %add3A_3190 = arith.addi %iota3A, %add3A_3189 : vector<16xi32>
    tpu.vector_store_idx %arg8[%sub3A_3180, %add3A_3190], %broadcast_in_dim3A_3 masked %and3A_3187 : memref<248x128xf32, #tpu.memory_space<vmem>>[vector<16xi32>, vector<16xi32>], vector<16xf32>, vector<16xi1>
    %get3A_3191 = arith.constant 416 : index
    %get3A_3192 = tpu.vector_load %arg6[%get3A_3191] {strides = array<i32>} : memref<512xi32, #tpu.memory_space<vmem>>, vector<16xi32>,
    %sub3A_3193 = arith.constant 256 : i32
    %sub3A_3194 = vector.broadcast %sub3A_3193 : i32 to vector<16xi32>
    %sub3A_3195 = arith.subi %get3A_3192, %sub3A_3194 : vector<16xi32>
    %ge3A_3196 = arith.constant 256 : i32
    %ge3A_3197 = vector.broadcast %ge3A_3196 : i32 to vector<16xi32>
    %ge3A_3198 = arith.cmpi sge, %get3A_3192, %ge3A_3197 : vector<16xi32>
    %lt3A_3199 = arith.constant 504 : i32
    %lt3A_3200 = vector.broadcast %lt3A_3199 : i32 to vector<16xi32>
    %lt3A_3201 = arith.cmpi slt, %get3A_3192, %lt3A_3200 : vector<16xi32>
    %and3A_3202 = arith.andi %ge3A_3198, %lt3A_3201 : vector<16xi1>
    %add3A_3203 = arith.constant 32 : i32
    %add3A_3204 = vector.broadcast %add3A_3203 : i32 to vector<16xi32>
    %add3A_3205 = arith.addi %iota3A, %add3A_3204 : vector<16xi32>
    tpu.vector_store_idx %arg8[%sub3A_3195, %add3A_3205], %broadcast_in_dim3A_3 masked %and3A_3202 : memref<248x128xf32, #tpu.memory_space<vmem>>[vector<16xi32>, vector<16xi32>], vector<16xf32>, vector<16xi1>
    %get3A_3206 = arith.constant 432 : index
    %get3A_3207 = tpu.vector_load %arg6[%get3A_3206] {strides = array<i32>} : memref<512xi32, #tpu.memory_space<vmem>>, vector<16xi32>,
    %sub3A_3208 = arith.constant 256 : i32
    %sub3A_3209 = vector.broadcast %sub3A_3208 : i32 to vector<16xi32>
    %sub3A_3210 = arith.subi %get3A_3207, %sub3A_3209 : vector<16xi32>
    %ge3A_3211 = arith.constant 256 : i32
    %ge3A_3212 = vector.broadcast %ge3A_3211 : i32 to vector<16xi32>
    %ge3A_3213 = arith.cmpi sge, %get3A_3207, %ge3A_3212 : vector<16xi32>
    %lt3A_3214 = arith.constant 504 : i32
    %lt3A_3215 = vector.broadcast %lt3A_3214 : i32 to vector<16xi32>
    %lt3A_3216 = arith.cmpi slt, %get3A_3207, %lt3A_3215 : vector<16xi32>
    %and3A_3217 = arith.andi %ge3A_3213, %lt3A_3216 : vector<16xi1>
    %add3A_3218 = arith.constant 48 : i32
    %add3A_3219 = vector.broadcast %add3A_3218 : i32 to vector<16xi32>
    %add3A_3220 = arith.addi %iota3A, %add3A_3219 : vector<16xi32>
    tpu.vector_store_idx %arg8[%sub3A_3210, %add3A_3220], %broadcast_in_dim3A_3 masked %and3A_3217 : memref<248x128xf32, #tpu.memory_space<vmem>>[vector<16xi32>, vector<16xi32>], vector<16xf32>, vector<16xi1>
    %get3A_3221 = arith.constant 448 : index
    %get3A_3222 = tpu.vector_load %arg6[%get3A_3221] {strides = array<i32>} : memref<512xi32, #tpu.memory_space<vmem>>, vector<16xi32>,
    %sub3A_3223 = arith.constant 256 : i32
    %sub3A_3224 = vector.broadcast %sub3A_3223 : i32 to vector<16xi32>
    %sub3A_3225 = arith.subi %get3A_3222, %sub3A_3224 : vector<16xi32>
    %ge3A_3226 = arith.constant 256 : i32
    %ge3A_3227 = vector.broadcast %ge3A_3226 : i32 to vector<16xi32>
    %ge3A_3228 = arith.cmpi sge, %get3A_3222, %ge3A_3227 : vector<16xi32>
    %lt3A_3229 = arith.constant 504 : i32
    %lt3A_3230 = vector.broadcast %lt3A_3229 : i32 to vector<16xi32>
    %lt3A_3231 = arith.cmpi slt, %get3A_3222, %lt3A_3230 : vector<16xi32>
    %and3A_3232 = arith.andi %ge3A_3228, %lt3A_3231 : vector<16xi1>
    %add3A_3233 = arith.constant 64 : i32
    %add3A_3234 = vector.broadcast %add3A_3233 : i32 to vector<16xi32>
    %add3A_3235 = arith.addi %iota3A, %add3A_3234 : vector<16xi32>
    tpu.vector_store_idx %arg8[%sub3A_3225, %add3A_3235], %broadcast_in_dim3A_3 masked %and3A_3232 : memref<248x128xf32, #tpu.memory_space<vmem>>[vector<16xi32>, vector<16xi32>], vector<16xf32>, vector<16xi1>
    %get3A_3236 = arith.constant 464 : index
    %get3A_3237 = tpu.vector_load %arg6[%get3A_3236] {strides = array<i32>} : memref<512xi32, #tpu.memory_space<vmem>>, vector<16xi32>,
    %sub3A_3238 = arith.constant 256 : i32
    %sub3A_3239 = vector.broadcast %sub3A_3238 : i32 to vector<16xi32>
    %sub3A_3240 = arith.subi %get3A_3237, %sub3A_3239 : vector<16xi32>
    %ge3A_3241 = arith.constant 256 : i32
    %ge3A_3242 = vector.broadcast %ge3A_3241 : i32 to vector<16xi32>
    %ge3A_3243 = arith.cmpi sge, %get3A_3237, %ge3A_3242 : vector<16xi32>
    %lt3A_3244 = arith.constant 504 : i32
    %lt3A_3245 = vector.broadcast %lt3A_3244 : i32 to vector<16xi32>
    %lt3A_3246 = arith.cmpi slt, %get3A_3237, %lt3A_3245 : vector<16xi32>
    %and3A_3247 = arith.andi %ge3A_3243, %lt3A_3246 : vector<16xi1>
    %add3A_3248 = arith.constant 80 : i32
    %add3A_3249 = vector.broadcast %add3A_3248 : i32 to vector<16xi32>
    %add3A_3250 = arith.addi %iota3A, %add3A_3249 : vector<16xi32>
    tpu.vector_store_idx %arg8[%sub3A_3240, %add3A_3250], %broadcast_in_dim3A_3 masked %and3A_3247 : memref<248x128xf32, #tpu.memory_space<vmem>>[vector<16xi32>, vector<16xi32>], vector<16xf32>, vector<16xi1>
    %get3A_3251 = arith.constant 480 : index
    %get3A_3252 = tpu.vector_load %arg6[%get3A_3251] {strides = array<i32>} : memref<512xi32, #tpu.memory_space<vmem>>, vector<16xi32>,
    %sub3A_3253 = arith.constant 256 : i32
    %sub3A_3254 = vector.broadcast %sub3A_3253 : i32 to vector<16xi32>
    %sub3A_3255 = arith.subi %get3A_3252, %sub3A_3254 : vector<16xi32>
    %ge3A_3256 = arith.constant 256 : i32
    %ge3A_3257 = vector.broadcast %ge3A_3256 : i32 to vector<16xi32>
    %ge3A_3258 = arith.cmpi sge, %get3A_3252, %ge3A_3257 : vector<16xi32>
    %lt3A_3259 = arith.constant 504 : i32
    %lt3A_3260 = vector.broadcast %lt3A_3259 : i32 to vector<16xi32>
    %lt3A_3261 = arith.cmpi slt, %get3A_3252, %lt3A_3260 : vector<16xi32>
    %and3A_3262 = arith.andi %ge3A_3258, %lt3A_3261 : vector<16xi1>
    %add3A_3263 = arith.constant 96 : i32
    %add3A_3264 = vector.broadcast %add3A_3263 : i32 to vector<16xi32>
    %add3A_3265 = arith.addi %iota3A, %add3A_3264 : vector<16xi32>
    tpu.vector_store_idx %arg8[%sub3A_3255, %add3A_3265], %broadcast_in_dim3A_3 masked %and3A_3262 : memref<248x128xf32, #tpu.memory_space<vmem>>[vector<16xi32>, vector<16xi32>], vector<16xf32>, vector<16xi1>
    %get3A_3266 = arith.constant 496 : index
    %get3A_3267 = tpu.vector_load %arg6[%get3A_3266] {strides = array<i32>} : memref<512xi32, #tpu.memory_space<vmem>>, vector<16xi32>,
    %sub3A_3268 = arith.constant 256 : i32
    %sub3A_3269 = vector.broadcast %sub3A_3268 : i32 to vector<16xi32>
    %sub3A_3270 = arith.subi %get3A_3267, %sub3A_3269 : vector<16xi32>
    %ge3A_3271 = arith.constant 256 : i32
    %ge3A_3272 = vector.broadcast %ge3A_3271 : i32 to vector<16xi32>
    %ge3A_3273 = arith.cmpi sge, %get3A_3267, %ge3A_3272 : vector<16xi32>
    %lt3A_3274 = arith.constant 504 : i32
    %lt3A_3275 = vector.broadcast %lt3A_3274 : i32 to vector<16xi32>
    %lt3A_3276 = arith.cmpi slt, %get3A_3267, %lt3A_3275 : vector<16xi32>
    %and3A_3277 = arith.andi %ge3A_3273, %lt3A_3276 : vector<16xi1>
    %add3A_3278 = arith.constant 112 : i32
    %add3A_3279 = vector.broadcast %add3A_3278 : i32 to vector<16xi32>
    %add3A_3280 = arith.addi %iota3A, %add3A_3279 : vector<16xi32>
    tpu.vector_store_idx %arg8[%sub3A_3270, %add3A_3280], %broadcast_in_dim3A_3 masked %and3A_3277 : memref<248x128xf32, #tpu.memory_space<vmem>>[vector<16xi32>, vector<16xi32>], vector<16xf32>, vector<16xi1>
    %add3A_3281 = arith.constant 384 : i32
    %add3A_3282 = arith.addi %mul3A_2, %add3A_3281 : i32
    %dma_start3A_3283 = arith.constant 256 : i32
    %dma_start3A_3284 = tpu.memref_slice %arg5[%dma_start3A_3283, %add3A_3282] : memref<1000x16384xf32, #tpu.memory_space<hbm>> -> memref<248x128xf32, #tpu.memory_space<hbm>>
    %dma_start3A_3285 = arith.constant 256 : i32
    %dma_start3A_3286 = tpu.memref_slice %arg5[%dma_start3A_3285, %add3A_3282] : memref<1000x16384xf32, #tpu.memory_space<hbm>> -> memref<248x128xf32, #tpu.memory_space<hbm>>
    tpu.enqueue_dma source(%arg8 : memref<248x128xf32, #tpu.memory_space<vmem>>) target(%dma_start3A_3286 : memref<248x128xf32, #tpu.memory_space<hbm>>) target_semaphore(%arg10 : memref<!tpu.dma_semaphore, #tpu.memory_space<semaphore_mem>>)
    %dma_wait3A_3287 = arith.constant 0 : i32
    %dma_wait3A_3288 = tpu.memref_slice %arg5[%dma_wait3A_3287, %add3A_3026] : memref<1000x16384xf32, #tpu.memory_space<hbm>> -> memref<256x128xf32, #tpu.memory_space<hbm>>
    %dma_wait3A_3289 = arith.constant 0 : i32
    %dma_wait3A_3290 = tpu.memref_slice %arg5[%dma_wait3A_3289, %add3A_3026] : memref<1000x16384xf32, #tpu.memory_space<hbm>> -> memref<256x128xf32, #tpu.memory_space<hbm>>
    tpu.wait_dma2 semaphore(%arg9 : memref<!tpu.dma_semaphore, #tpu.memory_space<semaphore_mem>>) src(%arg7 : memref<256x128xf32, #tpu.memory_space<vmem>>) dst(%dma_wait3A_3290 : memref<256x128xf32, #tpu.memory_space<hbm>>)
    %get3A_3291 = arith.constant 384 : index
    %get3A_3292 = tpu.vector_load %arg6[%get3A_3291] {strides = array<i32>} : memref<512xi32, #tpu.memory_space<vmem>>, vector<16xi32>,
    %sub3A_3293 = arith.constant 0 : i32
    %sub3A_3294 = vector.broadcast %sub3A_3293 : i32 to vector<16xi32>
    %sub3A_3295 = arith.subi %get3A_3292, %sub3A_3294 : vector<16xi32>
    %ge3A_3296 = arith.constant 0 : i32
    %ge3A_3297 = vector.broadcast %ge3A_3296 : i32 to vector<16xi32>
    %ge3A_3298 = arith.cmpi sge, %get3A_3292, %ge3A_3297 : vector<16xi32>
    %lt3A_3299 = arith.constant 256 : i32
    %lt3A_3300 = vector.broadcast %lt3A_3299 : i32 to vector<16xi32>
    %lt3A_3301 = arith.cmpi slt, %get3A_3292, %lt3A_3300 : vector<16xi32>
    %and3A_3302 = arith.andi %ge3A_3298, %lt3A_3301 : vector<16xi1>
    %add3A_3303 = arith.constant 0 : i32
    %add3A_3304 = vector.broadcast %add3A_3303 : i32 to vector<16xi32>
    %add3A_3305 = arith.addi %iota3A, %add3A_3304 : vector<16xi32>
    tpu.vector_store_idx %arg7[%sub3A_3295, %add3A_3305], %broadcast_in_dim3A_5 masked %and3A_3302 : memref<256x128xf32, #tpu.memory_space<vmem>>[vector<16xi32>, vector<16xi32>], vector<16xf32>, vector<16xi1>
    %get3A_3306 = arith.constant 400 : index
    %get3A_3307 = tpu.vector_load %arg6[%get3A_3306] {strides = array<i32>} : memref<512xi32, #tpu.memory_space<vmem>>, vector<16xi32>,
    %sub3A_3308 = arith.constant 0 : i32
    %sub3A_3309 = vector.broadcast %sub3A_3308 : i32 to vector<16xi32>
    %sub3A_3310 = arith.subi %get3A_3307, %sub3A_3309 : vector<16xi32>
    %ge3A_3311 = arith.constant 0 : i32
    %ge3A_3312 = vector.broadcast %ge3A_3311 : i32 to vector<16xi32>
    %ge3A_3313 = arith.cmpi sge, %get3A_3307, %ge3A_3312 : vector<16xi32>
    %lt3A_3314 = arith.constant 256 : i32
    %lt3A_3315 = vector.broadcast %lt3A_3314 : i32 to vector<16xi32>
    %lt3A_3316 = arith.cmpi slt, %get3A_3307, %lt3A_3315 : vector<16xi32>
    %and3A_3317 = arith.andi %ge3A_3313, %lt3A_3316 : vector<16xi1>
    %add3A_3318 = arith.constant 16 : i32
    %add3A_3319 = vector.broadcast %add3A_3318 : i32 to vector<16xi32>
    %add3A_3320 = arith.addi %iota3A, %add3A_3319 : vector<16xi32>
    tpu.vector_store_idx %arg7[%sub3A_3310, %add3A_3320], %broadcast_in_dim3A_5 masked %and3A_3317 : memref<256x128xf32, #tpu.memory_space<vmem>>[vector<16xi32>, vector<16xi32>], vector<16xf32>, vector<16xi1>
    %get3A_3321 = arith.constant 416 : index
    %get3A_3322 = tpu.vector_load %arg6[%get3A_3321] {strides = array<i32>} : memref<512xi32, #tpu.memory_space<vmem>>, vector<16xi32>,
    %sub3A_3323 = arith.constant 0 : i32
    %sub3A_3324 = vector.broadcast %sub3A_3323 : i32 to vector<16xi32>
    %sub3A_3325 = arith.subi %get3A_3322, %sub3A_3324 : vector<16xi32>
    %ge3A_3326 = arith.constant 0 : i32
    %ge3A_3327 = vector.broadcast %ge3A_3326 : i32 to vector<16xi32>
    %ge3A_3328 = arith.cmpi sge, %get3A_3322, %ge3A_3327 : vector<16xi32>
    %lt3A_3329 = arith.constant 256 : i32
    %lt3A_3330 = vector.broadcast %lt3A_3329 : i32 to vector<16xi32>
    %lt3A_3331 = arith.cmpi slt, %get3A_3322, %lt3A_3330 : vector<16xi32>
    %and3A_3332 = arith.andi %ge3A_3328, %lt3A_3331 : vector<16xi1>
    %add3A_3333 = arith.constant 32 : i32
    %add3A_3334 = vector.broadcast %add3A_3333 : i32 to vector<16xi32>
    %add3A_3335 = arith.addi %iota3A, %add3A_3334 : vector<16xi32>
    tpu.vector_store_idx %arg7[%sub3A_3325, %add3A_3335], %broadcast_in_dim3A_5 masked %and3A_3332 : memref<256x128xf32, #tpu.memory_space<vmem>>[vector<16xi32>, vector<16xi32>], vector<16xf32>, vector<16xi1>
    %get3A_3336 = arith.constant 432 : index
    %get3A_3337 = tpu.vector_load %arg6[%get3A_3336] {strides = array<i32>} : memref<512xi32, #tpu.memory_space<vmem>>, vector<16xi32>,
    %sub3A_3338 = arith.constant 0 : i32
    %sub3A_3339 = vector.broadcast %sub3A_3338 : i32 to vector<16xi32>
    %sub3A_3340 = arith.subi %get3A_3337, %sub3A_3339 : vector<16xi32>
    %ge3A_3341 = arith.constant 0 : i32
    %ge3A_3342 = vector.broadcast %ge3A_3341 : i32 to vector<16xi32>
    %ge3A_3343 = arith.cmpi sge, %get3A_3337, %ge3A_3342 : vector<16xi32>
    %lt3A_3344 = arith.constant 256 : i32
    %lt3A_3345 = vector.broadcast %lt3A_3344 : i32 to vector<16xi32>
    %lt3A_3346 = arith.cmpi slt, %get3A_3337, %lt3A_3345 : vector<16xi32>
    %and3A_3347 = arith.andi %ge3A_3343, %lt3A_3346 : vector<16xi1>
    %add3A_3348 = arith.constant 48 : i32
    %add3A_3349 = vector.broadcast %add3A_3348 : i32 to vector<16xi32>
    %add3A_3350 = arith.addi %iota3A, %add3A_3349 : vector<16xi32>
    tpu.vector_store_idx %arg7[%sub3A_3340, %add3A_3350], %broadcast_in_dim3A_5 masked %and3A_3347 : memref<256x128xf32, #tpu.memory_space<vmem>>[vector<16xi32>, vector<16xi32>], vector<16xf32>, vector<16xi1>
    %get3A_3351 = arith.constant 448 : index
    %get3A_3352 = tpu.vector_load %arg6[%get3A_3351] {strides = array<i32>} : memref<512xi32, #tpu.memory_space<vmem>>, vector<16xi32>,
    %sub3A_3353 = arith.constant 0 : i32
    %sub3A_3354 = vector.broadcast %sub3A_3353 : i32 to vector<16xi32>
    %sub3A_3355 = arith.subi %get3A_3352, %sub3A_3354 : vector<16xi32>
    %ge3A_3356 = arith.constant 0 : i32
    %ge3A_3357 = vector.broadcast %ge3A_3356 : i32 to vector<16xi32>
    %ge3A_3358 = arith.cmpi sge, %get3A_3352, %ge3A_3357 : vector<16xi32>
    %lt3A_3359 = arith.constant 256 : i32
    %lt3A_3360 = vector.broadcast %lt3A_3359 : i32 to vector<16xi32>
    %lt3A_3361 = arith.cmpi slt, %get3A_3352, %lt3A_3360 : vector<16xi32>
    %and3A_3362 = arith.andi %ge3A_3358, %lt3A_3361 : vector<16xi1>
    %add3A_3363 = arith.constant 64 : i32
    %add3A_3364 = vector.broadcast %add3A_3363 : i32 to vector<16xi32>
    %add3A_3365 = arith.addi %iota3A, %add3A_3364 : vector<16xi32>
    tpu.vector_store_idx %arg7[%sub3A_3355, %add3A_3365], %broadcast_in_dim3A_5 masked %and3A_3362 : memref<256x128xf32, #tpu.memory_space<vmem>>[vector<16xi32>, vector<16xi32>], vector<16xf32>, vector<16xi1>
    %get3A_3366 = arith.constant 464 : index
    %get3A_3367 = tpu.vector_load %arg6[%get3A_3366] {strides = array<i32>} : memref<512xi32, #tpu.memory_space<vmem>>, vector<16xi32>,
    %sub3A_3368 = arith.constant 0 : i32
    %sub3A_3369 = vector.broadcast %sub3A_3368 : i32 to vector<16xi32>
    %sub3A_3370 = arith.subi %get3A_3367, %sub3A_3369 : vector<16xi32>
    %ge3A_3371 = arith.constant 0 : i32
    %ge3A_3372 = vector.broadcast %ge3A_3371 : i32 to vector<16xi32>
    %ge3A_3373 = arith.cmpi sge, %get3A_3367, %ge3A_3372 : vector<16xi32>
    %lt3A_3374 = arith.constant 256 : i32
    %lt3A_3375 = vector.broadcast %lt3A_3374 : i32 to vector<16xi32>
    %lt3A_3376 = arith.cmpi slt, %get3A_3367, %lt3A_3375 : vector<16xi32>
    %and3A_3377 = arith.andi %ge3A_3373, %lt3A_3376 : vector<16xi1>
    %add3A_3378 = arith.constant 80 : i32
    %add3A_3379 = vector.broadcast %add3A_3378 : i32 to vector<16xi32>
    %add3A_3380 = arith.addi %iota3A, %add3A_3379 : vector<16xi32>
    tpu.vector_store_idx %arg7[%sub3A_3370, %add3A_3380], %broadcast_in_dim3A_5 masked %and3A_3377 : memref<256x128xf32, #tpu.memory_space<vmem>>[vector<16xi32>, vector<16xi32>], vector<16xf32>, vector<16xi1>
    %get3A_3381 = arith.constant 480 : index
    %get3A_3382 = tpu.vector_load %arg6[%get3A_3381] {strides = array<i32>} : memref<512xi32, #tpu.memory_space<vmem>>, vector<16xi32>,
    %sub3A_3383 = arith.constant 0 : i32
    %sub3A_3384 = vector.broadcast %sub3A_3383 : i32 to vector<16xi32>
    %sub3A_3385 = arith.subi %get3A_3382, %sub3A_3384 : vector<16xi32>
    %ge3A_3386 = arith.constant 0 : i32
    %ge3A_3387 = vector.broadcast %ge3A_3386 : i32 to vector<16xi32>
    %ge3A_3388 = arith.cmpi sge, %get3A_3382, %ge3A_3387 : vector<16xi32>
    %lt3A_3389 = arith.constant 256 : i32
    %lt3A_3390 = vector.broadcast %lt3A_3389 : i32 to vector<16xi32>
    %lt3A_3391 = arith.cmpi slt, %get3A_3382, %lt3A_3390 : vector<16xi32>
    %and3A_3392 = arith.andi %ge3A_3388, %lt3A_3391 : vector<16xi1>
    %add3A_3393 = arith.constant 96 : i32
    %add3A_3394 = vector.broadcast %add3A_3393 : i32 to vector<16xi32>
    %add3A_3395 = arith.addi %iota3A, %add3A_3394 : vector<16xi32>
    tpu.vector_store_idx %arg7[%sub3A_3385, %add3A_3395], %broadcast_in_dim3A_5 masked %and3A_3392 : memref<256x128xf32, #tpu.memory_space<vmem>>[vector<16xi32>, vector<16xi32>], vector<16xf32>, vector<16xi1>
    %get3A_3396 = arith.constant 496 : index
    %get3A_3397 = tpu.vector_load %arg6[%get3A_3396] {strides = array<i32>} : memref<512xi32, #tpu.memory_space<vmem>>, vector<16xi32>,
    %sub3A_3398 = arith.constant 0 : i32
    %sub3A_3399 = vector.broadcast %sub3A_3398 : i32 to vector<16xi32>
    %sub3A_3400 = arith.subi %get3A_3397, %sub3A_3399 : vector<16xi32>
    %ge3A_3401 = arith.constant 0 : i32
    %ge3A_3402 = vector.broadcast %ge3A_3401 : i32 to vector<16xi32>
    %ge3A_3403 = arith.cmpi sge, %get3A_3397, %ge3A_3402 : vector<16xi32>
    %lt3A_3404 = arith.constant 256 : i32
    %lt3A_3405 = vector.broadcast %lt3A_3404 : i32 to vector<16xi32>
    %lt3A_3406 = arith.cmpi slt, %get3A_3397, %lt3A_3405 : vector<16xi32>
    %and3A_3407 = arith.andi %ge3A_3403, %lt3A_3406 : vector<16xi1>
    %add3A_3408 = arith.constant 112 : i32
    %add3A_3409 = vector.broadcast %add3A_3408 : i32 to vector<16xi32>
    %add3A_3410 = arith.addi %iota3A, %add3A_3409 : vector<16xi32>
    tpu.vector_store_idx %arg7[%sub3A_3400, %add3A_3410], %broadcast_in_dim3A_5 masked %and3A_3407 : memref<256x128xf32, #tpu.memory_space<vmem>>[vector<16xi32>, vector<16xi32>], vector<16xf32>, vector<16xi1>
    %get3A_3411 = arith.constant 384 : index
    %get3A_3412 = tpu.vector_load %arg6[%get3A_3411] {strides = array<i32>} : memref<512xi32, #tpu.memory_space<vmem>>, vector<16xi32>,
    %sub3A_3413 = arith.constant 504 : i32
    %sub3A_3414 = vector.broadcast %sub3A_3413 : i32 to vector<16xi32>
    %sub3A_3415 = arith.subi %get3A_3412, %sub3A_3414 : vector<16xi32>
    %ge3A_3416 = arith.constant 504 : i32
    %ge3A_3417 = vector.broadcast %ge3A_3416 : i32 to vector<16xi32>
    %ge3A_3418 = arith.cmpi sge, %get3A_3412, %ge3A_3417 : vector<16xi32>
    %lt3A_3419 = arith.constant 760 : i32
    %lt3A_3420 = vector.broadcast %lt3A_3419 : i32 to vector<16xi32>
    %lt3A_3421 = arith.cmpi slt, %get3A_3412, %lt3A_3420 : vector<16xi32>
    %and3A_3422 = arith.andi %ge3A_3418, %lt3A_3421 : vector<16xi1>
    %add3A_3423 = arith.constant 0 : i32
    %add3A_3424 = vector.broadcast %add3A_3423 : i32 to vector<16xi32>
    %add3A_3425 = arith.addi %iota3A, %add3A_3424 : vector<16xi32>
    tpu.vector_store_idx %arg7[%sub3A_3415, %add3A_3425], %broadcast_in_dim3A_3 masked %and3A_3422 : memref<256x128xf32, #tpu.memory_space<vmem>>[vector<16xi32>, vector<16xi32>], vector<16xf32>, vector<16xi1>
    %get3A_3426 = arith.constant 400 : index
    %get3A_3427 = tpu.vector_load %arg6[%get3A_3426] {strides = array<i32>} : memref<512xi32, #tpu.memory_space<vmem>>, vector<16xi32>,
    %sub3A_3428 = arith.constant 504 : i32
    %sub3A_3429 = vector.broadcast %sub3A_3428 : i32 to vector<16xi32>
    %sub3A_3430 = arith.subi %get3A_3427, %sub3A_3429 : vector<16xi32>
    %ge3A_3431 = arith.constant 504 : i32
    %ge3A_3432 = vector.broadcast %ge3A_3431 : i32 to vector<16xi32>
    %ge3A_3433 = arith.cmpi sge, %get3A_3427, %ge3A_3432 : vector<16xi32>
    %lt3A_3434 = arith.constant 760 : i32
    %lt3A_3435 = vector.broadcast %lt3A_3434 : i32 to vector<16xi32>
    %lt3A_3436 = arith.cmpi slt, %get3A_3427, %lt3A_3435 : vector<16xi32>
    %and3A_3437 = arith.andi %ge3A_3433, %lt3A_3436 : vector<16xi1>
    %add3A_3438 = arith.constant 16 : i32
    %add3A_3439 = vector.broadcast %add3A_3438 : i32 to vector<16xi32>
    %add3A_3440 = arith.addi %iota3A, %add3A_3439 : vector<16xi32>
    tpu.vector_store_idx %arg7[%sub3A_3430, %add3A_3440], %broadcast_in_dim3A_3 masked %and3A_3437 : memref<256x128xf32, #tpu.memory_space<vmem>>[vector<16xi32>, vector<16xi32>], vector<16xf32>, vector<16xi1>
    %get3A_3441 = arith.constant 416 : index
    %get3A_3442 = tpu.vector_load %arg6[%get3A_3441] {strides = array<i32>} : memref<512xi32, #tpu.memory_space<vmem>>, vector<16xi32>,
    %sub3A_3443 = arith.constant 504 : i32
    %sub3A_3444 = vector.broadcast %sub3A_3443 : i32 to vector<16xi32>
    %sub3A_3445 = arith.subi %get3A_3442, %sub3A_3444 : vector<16xi32>
    %ge3A_3446 = arith.constant 504 : i32
    %ge3A_3447 = vector.broadcast %ge3A_3446 : i32 to vector<16xi32>
    %ge3A_3448 = arith.cmpi sge, %get3A_3442, %ge3A_3447 : vector<16xi32>
    %lt3A_3449 = arith.constant 760 : i32
    %lt3A_3450 = vector.broadcast %lt3A_3449 : i32 to vector<16xi32>
    %lt3A_3451 = arith.cmpi slt, %get3A_3442, %lt3A_3450 : vector<16xi32>
    %and3A_3452 = arith.andi %ge3A_3448, %lt3A_3451 : vector<16xi1>
    %add3A_3453 = arith.constant 32 : i32
    %add3A_3454 = vector.broadcast %add3A_3453 : i32 to vector<16xi32>
    %add3A_3455 = arith.addi %iota3A, %add3A_3454 : vector<16xi32>
    tpu.vector_store_idx %arg7[%sub3A_3445, %add3A_3455], %broadcast_in_dim3A_3 masked %and3A_3452 : memref<256x128xf32, #tpu.memory_space<vmem>>[vector<16xi32>, vector<16xi32>], vector<16xf32>, vector<16xi1>
    %get3A_3456 = arith.constant 432 : index
    %get3A_3457 = tpu.vector_load %arg6[%get3A_3456] {strides = array<i32>} : memref<512xi32, #tpu.memory_space<vmem>>, vector<16xi32>,
    %sub3A_3458 = arith.constant 504 : i32
    %sub3A_3459 = vector.broadcast %sub3A_3458 : i32 to vector<16xi32>
    %sub3A_3460 = arith.subi %get3A_3457, %sub3A_3459 : vector<16xi32>
    %ge3A_3461 = arith.constant 504 : i32
    %ge3A_3462 = vector.broadcast %ge3A_3461 : i32 to vector<16xi32>
    %ge3A_3463 = arith.cmpi sge, %get3A_3457, %ge3A_3462 : vector<16xi32>
    %lt3A_3464 = arith.constant 760 : i32
    %lt3A_3465 = vector.broadcast %lt3A_3464 : i32 to vector<16xi32>
    %lt3A_3466 = arith.cmpi slt, %get3A_3457, %lt3A_3465 : vector<16xi32>
    %and3A_3467 = arith.andi %ge3A_3463, %lt3A_3466 : vector<16xi1>
    %add3A_3468 = arith.constant 48 : i32
    %add3A_3469 = vector.broadcast %add3A_3468 : i32 to vector<16xi32>
    %add3A_3470 = arith.addi %iota3A, %add3A_3469 : vector<16xi32>
    tpu.vector_store_idx %arg7[%sub3A_3460, %add3A_3470], %broadcast_in_dim3A_3 masked %and3A_3467 : memref<256x128xf32, #tpu.memory_space<vmem>>[vector<16xi32>, vector<16xi32>], vector<16xf32>, vector<16xi1>
    %get3A_3471 = arith.constant 448 : index
    %get3A_3472 = tpu.vector_load %arg6[%get3A_3471] {strides = array<i32>} : memref<512xi32, #tpu.memory_space<vmem>>, vector<16xi32>,
    %sub3A_3473 = arith.constant 504 : i32
    %sub3A_3474 = vector.broadcast %sub3A_3473 : i32 to vector<16xi32>
    %sub3A_3475 = arith.subi %get3A_3472, %sub3A_3474 : vector<16xi32>
    %ge3A_3476 = arith.constant 504 : i32
    %ge3A_3477 = vector.broadcast %ge3A_3476 : i32 to vector<16xi32>
    %ge3A_3478 = arith.cmpi sge, %get3A_3472, %ge3A_3477 : vector<16xi32>
    %lt3A_3479 = arith.constant 760 : i32
    %lt3A_3480 = vector.broadcast %lt3A_3479 : i32 to vector<16xi32>
    %lt3A_3481 = arith.cmpi slt, %get3A_3472, %lt3A_3480 : vector<16xi32>
    %and3A_3482 = arith.andi %ge3A_3478, %lt3A_3481 : vector<16xi1>
    %add3A_3483 = arith.constant 64 : i32
    %add3A_3484 = vector.broadcast %add3A_3483 : i32 to vector<16xi32>
    %add3A_3485 = arith.addi %iota3A, %add3A_3484 : vector<16xi32>
    tpu.vector_store_idx %arg7[%sub3A_3475, %add3A_3485], %broadcast_in_dim3A_3 masked %and3A_3482 : memref<256x128xf32, #tpu.memory_space<vmem>>[vector<16xi32>, vector<16xi32>], vector<16xf32>, vector<16xi1>
    %get3A_3486 = arith.constant 464 : index
    %get3A_3487 = tpu.vector_load %arg6[%get3A_3486] {strides = array<i32>} : memref<512xi32, #tpu.memory_space<vmem>>, vector<16xi32>,
    %sub3A_3488 = arith.constant 504 : i32
    %sub3A_3489 = vector.broadcast %sub3A_3488 : i32 to vector<16xi32>
    %sub3A_3490 = arith.subi %get3A_3487, %sub3A_3489 : vector<16xi32>
    %ge3A_3491 = arith.constant 504 : i32
    %ge3A_3492 = vector.broadcast %ge3A_3491 : i32 to vector<16xi32>
    %ge3A_3493 = arith.cmpi sge, %get3A_3487, %ge3A_3492 : vector<16xi32>
    %lt3A_3494 = arith.constant 760 : i32
    %lt3A_3495 = vector.broadcast %lt3A_3494 : i32 to vector<16xi32>
    %lt3A_3496 = arith.cmpi slt, %get3A_3487, %lt3A_3495 : vector<16xi32>
    %and3A_3497 = arith.andi %ge3A_3493, %lt3A_3496 : vector<16xi1>
    %add3A_3498 = arith.constant 80 : i32
    %add3A_3499 = vector.broadcast %add3A_3498 : i32 to vector<16xi32>
    %add3A_3500 = arith.addi %iota3A, %add3A_3499 : vector<16xi32>
    tpu.vector_store_idx %arg7[%sub3A_3490, %add3A_3500], %broadcast_in_dim3A_3 masked %and3A_3497 : memref<256x128xf32, #tpu.memory_space<vmem>>[vector<16xi32>, vector<16xi32>], vector<16xf32>, vector<16xi1>
    %get3A_3501 = arith.constant 480 : index
    %get3A_3502 = tpu.vector_load %arg6[%get3A_3501] {strides = array<i32>} : memref<512xi32, #tpu.memory_space<vmem>>, vector<16xi32>,
    %sub3A_3503 = arith.constant 504 : i32
    %sub3A_3504 = vector.broadcast %sub3A_3503 : i32 to vector<16xi32>
    %sub3A_3505 = arith.subi %get3A_3502, %sub3A_3504 : vector<16xi32>
    %ge3A_3506 = arith.constant 504 : i32
    %ge3A_3507 = vector.broadcast %ge3A_3506 : i32 to vector<16xi32>
    %ge3A_3508 = arith.cmpi sge, %get3A_3502, %ge3A_3507 : vector<16xi32>
    %lt3A_3509 = arith.constant 760 : i32
    %lt3A_3510 = vector.broadcast %lt3A_3509 : i32 to vector<16xi32>
    %lt3A_3511 = arith.cmpi slt, %get3A_3502, %lt3A_3510 : vector<16xi32>
    %and3A_3512 = arith.andi %ge3A_3508, %lt3A_3511 : vector<16xi1>
    %add3A_3513 = arith.constant 96 : i32
    %add3A_3514 = vector.broadcast %add3A_3513 : i32 to vector<16xi32>
    %add3A_3515 = arith.addi %iota3A, %add3A_3514 : vector<16xi32>
    tpu.vector_store_idx %arg7[%sub3A_3505, %add3A_3515], %broadcast_in_dim3A_3 masked %and3A_3512 : memref<256x128xf32, #tpu.memory_space<vmem>>[vector<16xi32>, vector<16xi32>], vector<16xf32>, vector<16xi1>
    %get3A_3516 = arith.constant 496 : index
    %get3A_3517 = tpu.vector_load %arg6[%get3A_3516] {strides = array<i32>} : memref<512xi32, #tpu.memory_space<vmem>>, vector<16xi32>,
    %sub3A_3518 = arith.constant 504 : i32
    %sub3A_3519 = vector.broadcast %sub3A_3518 : i32 to vector<16xi32>
    %sub3A_3520 = arith.subi %get3A_3517, %sub3A_3519 : vector<16xi32>
    %ge3A_3521 = arith.constant 504 : i32
    %ge3A_3522 = vector.broadcast %ge3A_3521 : i32 to vector<16xi32>
    %ge3A_3523 = arith.cmpi sge, %get3A_3517, %ge3A_3522 : vector<16xi32>
    %lt3A_3524 = arith.constant 760 : i32
    %lt3A_3525 = vector.broadcast %lt3A_3524 : i32 to vector<16xi32>
    %lt3A_3526 = arith.cmpi slt, %get3A_3517, %lt3A_3525 : vector<16xi32>
    %and3A_3527 = arith.andi %ge3A_3523, %lt3A_3526 : vector<16xi1>
    %add3A_3528 = arith.constant 112 : i32
    %add3A_3529 = vector.broadcast %add3A_3528 : i32 to vector<16xi32>
    %add3A_3530 = arith.addi %iota3A, %add3A_3529 : vector<16xi32>
    tpu.vector_store_idx %arg7[%sub3A_3520, %add3A_3530], %broadcast_in_dim3A_3 masked %and3A_3527 : memref<256x128xf32, #tpu.memory_space<vmem>>[vector<16xi32>, vector<16xi32>], vector<16xf32>, vector<16xi1>
    %add3A_3531 = arith.constant 384 : i32
    %add3A_3532 = arith.addi %mul3A_2, %add3A_3531 : i32
    %dma_start3A_3533 = arith.constant 504 : i32
    %dma_start3A_3534 = tpu.memref_slice %arg5[%dma_start3A_3533, %add3A_3532] : memref<1000x16384xf32, #tpu.memory_space<hbm>> -> memref<256x128xf32, #tpu.memory_space<hbm>>
    %dma_start3A_3535 = arith.constant 504 : i32
    %dma_start3A_3536 = tpu.memref_slice %arg5[%dma_start3A_3535, %add3A_3532] : memref<1000x16384xf32, #tpu.memory_space<hbm>> -> memref<256x128xf32, #tpu.memory_space<hbm>>
    tpu.enqueue_dma source(%arg7 : memref<256x128xf32, #tpu.memory_space<vmem>>) target(%dma_start3A_3536 : memref<256x128xf32, #tpu.memory_space<hbm>>) target_semaphore(%arg9 : memref<!tpu.dma_semaphore, #tpu.memory_space<semaphore_mem>>)
    %dma_wait3A_3537 = arith.constant 256 : i32
    %dma_wait3A_3538 = tpu.memref_slice %arg5[%dma_wait3A_3537, %add3A_3282] : memref<1000x16384xf32, #tpu.memory_space<hbm>> -> memref<248x128xf32, #tpu.memory_space<hbm>>
    %dma_wait3A_3539 = arith.constant 256 : i32
    %dma_wait3A_3540 = tpu.memref_slice %arg5[%dma_wait3A_3539, %add3A_3282] : memref<1000x16384xf32, #tpu.memory_space<hbm>> -> memref<248x128xf32, #tpu.memory_space<hbm>>
    tpu.wait_dma2 semaphore(%arg10 : memref<!tpu.dma_semaphore, #tpu.memory_space<semaphore_mem>>) src(%arg8 : memref<248x128xf32, #tpu.memory_space<vmem>>) dst(%dma_wait3A_3540 : memref<248x128xf32, #tpu.memory_space<hbm>>)
    %get3A_3541 = arith.constant 384 : index
    %get3A_3542 = tpu.vector_load %arg6[%get3A_3541] {strides = array<i32>} : memref<512xi32, #tpu.memory_space<vmem>>, vector<16xi32>,
    %sub3A_3543 = arith.constant 256 : i32
    %sub3A_3544 = vector.broadcast %sub3A_3543 : i32 to vector<16xi32>
    %sub3A_3545 = arith.subi %get3A_3542, %sub3A_3544 : vector<16xi32>
    %ge3A_3546 = arith.constant 256 : i32
    %ge3A_3547 = vector.broadcast %ge3A_3546 : i32 to vector<16xi32>
    %ge3A_3548 = arith.cmpi sge, %get3A_3542, %ge3A_3547 : vector<16xi32>
    %lt3A_3549 = arith.constant 504 : i32
    %lt3A_3550 = vector.broadcast %lt3A_3549 : i32 to vector<16xi32>
    %lt3A_3551 = arith.cmpi slt, %get3A_3542, %lt3A_3550 : vector<16xi32>
    %and3A_3552 = arith.andi %ge3A_3548, %lt3A_3551 : vector<16xi1>
    %add3A_3553 = arith.constant 0 : i32
    %add3A_3554 = vector.broadcast %add3A_3553 : i32 to vector<16xi32>
    %add3A_3555 = arith.addi %iota3A, %add3A_3554 : vector<16xi32>
    tpu.vector_store_idx %arg8[%sub3A_3545, %add3A_3555], %broadcast_in_dim3A_5 masked %and3A_3552 : memref<248x128xf32, #tpu.memory_space<vmem>>[vector<16xi32>, vector<16xi32>], vector<16xf32>, vector<16xi1>
    %get3A_3556 = arith.constant 400 : index
    %get3A_3557 = tpu.vector_load %arg6[%get3A_3556] {strides = array<i32>} : memref<512xi32, #tpu.memory_space<vmem>>, vector<16xi32>,
    %sub3A_3558 = arith.constant 256 : i32
    %sub3A_3559 = vector.broadcast %sub3A_3558 : i32 to vector<16xi32>
    %sub3A_3560 = arith.subi %get3A_3557, %sub3A_3559 : vector<16xi32>
    %ge3A_3561 = arith.constant 256 : i32
    %ge3A_3562 = vector.broadcast %ge3A_3561 : i32 to vector<16xi32>
    %ge3A_3563 = arith.cmpi sge, %get3A_3557, %ge3A_3562 : vector<16xi32>
    %lt3A_3564 = arith.constant 504 : i32
    %lt3A_3565 = vector.broadcast %lt3A_3564 : i32 to vector<16xi32>
    %lt3A_3566 = arith.cmpi slt, %get3A_3557, %lt3A_3565 : vector<16xi32>
    %and3A_3567 = arith.andi %ge3A_3563, %lt3A_3566 : vector<16xi1>
    %add3A_3568 = arith.constant 16 : i32
    %add3A_3569 = vector.broadcast %add3A_3568 : i32 to vector<16xi32>
    %add3A_3570 = arith.addi %iota3A, %add3A_3569 : vector<16xi32>
    tpu.vector_store_idx %arg8[%sub3A_3560, %add3A_3570], %broadcast_in_dim3A_5 masked %and3A_3567 : memref<248x128xf32, #tpu.memory_space<vmem>>[vector<16xi32>, vector<16xi32>], vector<16xf32>, vector<16xi1>
    %get3A_3571 = arith.constant 416 : index
    %get3A_3572 = tpu.vector_load %arg6[%get3A_3571] {strides = array<i32>} : memref<512xi32, #tpu.memory_space<vmem>>, vector<16xi32>,
    %sub3A_3573 = arith.constant 256 : i32
    %sub3A_3574 = vector.broadcast %sub3A_3573 : i32 to vector<16xi32>
    %sub3A_3575 = arith.subi %get3A_3572, %sub3A_3574 : vector<16xi32>
    %ge3A_3576 = arith.constant 256 : i32
    %ge3A_3577 = vector.broadcast %ge3A_3576 : i32 to vector<16xi32>
    %ge3A_3578 = arith.cmpi sge, %get3A_3572, %ge3A_3577 : vector<16xi32>
    %lt3A_3579 = arith.constant 504 : i32
    %lt3A_3580 = vector.broadcast %lt3A_3579 : i32 to vector<16xi32>
    %lt3A_3581 = arith.cmpi slt, %get3A_3572, %lt3A_3580 : vector<16xi32>
    %and3A_3582 = arith.andi %ge3A_3578, %lt3A_3581 : vector<16xi1>
    %add3A_3583 = arith.constant 32 : i32
    %add3A_3584 = vector.broadcast %add3A_3583 : i32 to vector<16xi32>
    %add3A_3585 = arith.addi %iota3A, %add3A_3584 : vector<16xi32>
    tpu.vector_store_idx %arg8[%sub3A_3575, %add3A_3585], %broadcast_in_dim3A_5 masked %and3A_3582 : memref<248x128xf32, #tpu.memory_space<vmem>>[vector<16xi32>, vector<16xi32>], vector<16xf32>, vector<16xi1>
    %get3A_3586 = arith.constant 432 : index
    %get3A_3587 = tpu.vector_load %arg6[%get3A_3586] {strides = array<i32>} : memref<512xi32, #tpu.memory_space<vmem>>, vector<16xi32>,
    %sub3A_3588 = arith.constant 256 : i32
    %sub3A_3589 = vector.broadcast %sub3A_3588 : i32 to vector<16xi32>
    %sub3A_3590 = arith.subi %get3A_3587, %sub3A_3589 : vector<16xi32>
    %ge3A_3591 = arith.constant 256 : i32
    %ge3A_3592 = vector.broadcast %ge3A_3591 : i32 to vector<16xi32>
    %ge3A_3593 = arith.cmpi sge, %get3A_3587, %ge3A_3592 : vector<16xi32>
    %lt3A_3594 = arith.constant 504 : i32
    %lt3A_3595 = vector.broadcast %lt3A_3594 : i32 to vector<16xi32>
    %lt3A_3596 = arith.cmpi slt, %get3A_3587, %lt3A_3595 : vector<16xi32>
    %and3A_3597 = arith.andi %ge3A_3593, %lt3A_3596 : vector<16xi1>
    %add3A_3598 = arith.constant 48 : i32
    %add3A_3599 = vector.broadcast %add3A_3598 : i32 to vector<16xi32>
    %add3A_3600 = arith.addi %iota3A, %add3A_3599 : vector<16xi32>
    tpu.vector_store_idx %arg8[%sub3A_3590, %add3A_3600], %broadcast_in_dim3A_5 masked %and3A_3597 : memref<248x128xf32, #tpu.memory_space<vmem>>[vector<16xi32>, vector<16xi32>], vector<16xf32>, vector<16xi1>
    %get3A_3601 = arith.constant 448 : index
    %get3A_3602 = tpu.vector_load %arg6[%get3A_3601] {strides = array<i32>} : memref<512xi32, #tpu.memory_space<vmem>>, vector<16xi32>,
    %sub3A_3603 = arith.constant 256 : i32
    %sub3A_3604 = vector.broadcast %sub3A_3603 : i32 to vector<16xi32>
    %sub3A_3605 = arith.subi %get3A_3602, %sub3A_3604 : vector<16xi32>
    %ge3A_3606 = arith.constant 256 : i32
    %ge3A_3607 = vector.broadcast %ge3A_3606 : i32 to vector<16xi32>
    %ge3A_3608 = arith.cmpi sge, %get3A_3602, %ge3A_3607 : vector<16xi32>
    %lt3A_3609 = arith.constant 504 : i32
    %lt3A_3610 = vector.broadcast %lt3A_3609 : i32 to vector<16xi32>
    %lt3A_3611 = arith.cmpi slt, %get3A_3602, %lt3A_3610 : vector<16xi32>
    %and3A_3612 = arith.andi %ge3A_3608, %lt3A_3611 : vector<16xi1>
    %add3A_3613 = arith.constant 64 : i32
    %add3A_3614 = vector.broadcast %add3A_3613 : i32 to vector<16xi32>
    %add3A_3615 = arith.addi %iota3A, %add3A_3614 : vector<16xi32>
    tpu.vector_store_idx %arg8[%sub3A_3605, %add3A_3615], %broadcast_in_dim3A_5 masked %and3A_3612 : memref<248x128xf32, #tpu.memory_space<vmem>>[vector<16xi32>, vector<16xi32>], vector<16xf32>, vector<16xi1>
    %get3A_3616 = arith.constant 464 : index
    %get3A_3617 = tpu.vector_load %arg6[%get3A_3616] {strides = array<i32>} : memref<512xi32, #tpu.memory_space<vmem>>, vector<16xi32>,
    %sub3A_3618 = arith.constant 256 : i32
    %sub3A_3619 = vector.broadcast %sub3A_3618 : i32 to vector<16xi32>
    %sub3A_3620 = arith.subi %get3A_3617, %sub3A_3619 : vector<16xi32>
    %ge3A_3621 = arith.constant 256 : i32
    %ge3A_3622 = vector.broadcast %ge3A_3621 : i32 to vector<16xi32>
    %ge3A_3623 = arith.cmpi sge, %get3A_3617, %ge3A_3622 : vector<16xi32>
    %lt3A_3624 = arith.constant 504 : i32
    %lt3A_3625 = vector.broadcast %lt3A_3624 : i32 to vector<16xi32>
    %lt3A_3626 = arith.cmpi slt, %get3A_3617, %lt3A_3625 : vector<16xi32>
    %and3A_3627 = arith.andi %ge3A_3623, %lt3A_3626 : vector<16xi1>
    %add3A_3628 = arith.constant 80 : i32
    %add3A_3629 = vector.broadcast %add3A_3628 : i32 to vector<16xi32>
    %add3A_3630 = arith.addi %iota3A, %add3A_3629 : vector<16xi32>
    tpu.vector_store_idx %arg8[%sub3A_3620, %add3A_3630], %broadcast_in_dim3A_5 masked %and3A_3627 : memref<248x128xf32, #tpu.memory_space<vmem>>[vector<16xi32>, vector<16xi32>], vector<16xf32>, vector<16xi1>
    %get3A_3631 = arith.constant 480 : index
    %get3A_3632 = tpu.vector_load %arg6[%get3A_3631] {strides = array<i32>} : memref<512xi32, #tpu.memory_space<vmem>>, vector<16xi32>,
    %sub3A_3633 = arith.constant 256 : i32
    %sub3A_3634 = vector.broadcast %sub3A_3633 : i32 to vector<16xi32>
    %sub3A_3635 = arith.subi %get3A_3632, %sub3A_3634 : vector<16xi32>
    %ge3A_3636 = arith.constant 256 : i32
    %ge3A_3637 = vector.broadcast %ge3A_3636 : i32 to vector<16xi32>
    %ge3A_3638 = arith.cmpi sge, %get3A_3632, %ge3A_3637 : vector<16xi32>
    %lt3A_3639 = arith.constant 504 : i32
    %lt3A_3640 = vector.broadcast %lt3A_3639 : i32 to vector<16xi32>
    %lt3A_3641 = arith.cmpi slt, %get3A_3632, %lt3A_3640 : vector<16xi32>
    %and3A_3642 = arith.andi %ge3A_3638, %lt3A_3641 : vector<16xi1>
    %add3A_3643 = arith.constant 96 : i32
    %add3A_3644 = vector.broadcast %add3A_3643 : i32 to vector<16xi32>
    %add3A_3645 = arith.addi %iota3A, %add3A_3644 : vector<16xi32>
    tpu.vector_store_idx %arg8[%sub3A_3635, %add3A_3645], %broadcast_in_dim3A_5 masked %and3A_3642 : memref<248x128xf32, #tpu.memory_space<vmem>>[vector<16xi32>, vector<16xi32>], vector<16xf32>, vector<16xi1>
    %get3A_3646 = arith.constant 496 : index
    %get3A_3647 = tpu.vector_load %arg6[%get3A_3646] {strides = array<i32>} : memref<512xi32, #tpu.memory_space<vmem>>, vector<16xi32>,
    %sub3A_3648 = arith.constant 256 : i32
    %sub3A_3649 = vector.broadcast %sub3A_3648 : i32 to vector<16xi32>
    %sub3A_3650 = arith.subi %get3A_3647, %sub3A_3649 : vector<16xi32>
    %ge3A_3651 = arith.constant 256 : i32
    %ge3A_3652 = vector.broadcast %ge3A_3651 : i32 to vector<16xi32>
    %ge3A_3653 = arith.cmpi sge, %get3A_3647, %ge3A_3652 : vector<16xi32>
    %lt3A_3654 = arith.constant 504 : i32
    %lt3A_3655 = vector.broadcast %lt3A_3654 : i32 to vector<16xi32>
    %lt3A_3656 = arith.cmpi slt, %get3A_3647, %lt3A_3655 : vector<16xi32>
    %and3A_3657 = arith.andi %ge3A_3653, %lt3A_3656 : vector<16xi1>
    %add3A_3658 = arith.constant 112 : i32
    %add3A_3659 = vector.broadcast %add3A_3658 : i32 to vector<16xi32>
    %add3A_3660 = arith.addi %iota3A, %add3A_3659 : vector<16xi32>
    tpu.vector_store_idx %arg8[%sub3A_3650, %add3A_3660], %broadcast_in_dim3A_5 masked %and3A_3657 : memref<248x128xf32, #tpu.memory_space<vmem>>[vector<16xi32>, vector<16xi32>], vector<16xf32>, vector<16xi1>
    %get3A_3661 = arith.constant 384 : index
    %get3A_3662 = tpu.vector_load %arg6[%get3A_3661] {strides = array<i32>} : memref<512xi32, #tpu.memory_space<vmem>>, vector<16xi32>,
    %sub3A_3663 = arith.constant 760 : i32
    %sub3A_3664 = vector.broadcast %sub3A_3663 : i32 to vector<16xi32>
    %sub3A_3665 = arith.subi %get3A_3662, %sub3A_3664 : vector<16xi32>
    %ge3A_3666 = arith.constant 760 : i32
    %ge3A_3667 = vector.broadcast %ge3A_3666 : i32 to vector<16xi32>
    %ge3A_3668 = arith.cmpi sge, %get3A_3662, %ge3A_3667 : vector<16xi32>
    %lt3A_3669 = arith.constant 1000 : i32
    %lt3A_3670 = vector.broadcast %lt3A_3669 : i32 to vector<16xi32>
    %lt3A_3671 = arith.cmpi slt, %get3A_3662, %lt3A_3670 : vector<16xi32>
    %and3A_3672 = arith.andi %ge3A_3668, %lt3A_3671 : vector<16xi1>
    %add3A_3673 = arith.constant 0 : i32
    %add3A_3674 = vector.broadcast %add3A_3673 : i32 to vector<16xi32>
    %add3A_3675 = arith.addi %iota3A, %add3A_3674 : vector<16xi32>
    tpu.vector_store_idx %arg8[%sub3A_3665, %add3A_3675], %broadcast_in_dim3A_3 masked %and3A_3672 : memref<248x128xf32, #tpu.memory_space<vmem>>[vector<16xi32>, vector<16xi32>], vector<16xf32>, vector<16xi1>
    %get3A_3676 = arith.constant 400 : index
    %get3A_3677 = tpu.vector_load %arg6[%get3A_3676] {strides = array<i32>} : memref<512xi32, #tpu.memory_space<vmem>>, vector<16xi32>,
    %sub3A_3678 = arith.constant 760 : i32
    %sub3A_3679 = vector.broadcast %sub3A_3678 : i32 to vector<16xi32>
    %sub3A_3680 = arith.subi %get3A_3677, %sub3A_3679 : vector<16xi32>
    %ge3A_3681 = arith.constant 760 : i32
    %ge3A_3682 = vector.broadcast %ge3A_3681 : i32 to vector<16xi32>
    %ge3A_3683 = arith.cmpi sge, %get3A_3677, %ge3A_3682 : vector<16xi32>
    %lt3A_3684 = arith.constant 1000 : i32
    %lt3A_3685 = vector.broadcast %lt3A_3684 : i32 to vector<16xi32>
    %lt3A_3686 = arith.cmpi slt, %get3A_3677, %lt3A_3685 : vector<16xi32>
    %and3A_3687 = arith.andi %ge3A_3683, %lt3A_3686 : vector<16xi1>
    %add3A_3688 = arith.constant 16 : i32
    %add3A_3689 = vector.broadcast %add3A_3688 : i32 to vector<16xi32>
    %add3A_3690 = arith.addi %iota3A, %add3A_3689 : vector<16xi32>
    tpu.vector_store_idx %arg8[%sub3A_3680, %add3A_3690], %broadcast_in_dim3A_3 masked %and3A_3687 : memref<248x128xf32, #tpu.memory_space<vmem>>[vector<16xi32>, vector<16xi32>], vector<16xf32>, vector<16xi1>
    %get3A_3691 = arith.constant 416 : index
    %get3A_3692 = tpu.vector_load %arg6[%get3A_3691] {strides = array<i32>} : memref<512xi32, #tpu.memory_space<vmem>>, vector<16xi32>,
    %sub3A_3693 = arith.constant 760 : i32
    %sub3A_3694 = vector.broadcast %sub3A_3693 : i32 to vector<16xi32>
    %sub3A_3695 = arith.subi %get3A_3692, %sub3A_3694 : vector<16xi32>
    %ge3A_3696 = arith.constant 760 : i32
    %ge3A_3697 = vector.broadcast %ge3A_3696 : i32 to vector<16xi32>
    %ge3A_3698 = arith.cmpi sge, %get3A_3692, %ge3A_3697 : vector<16xi32>
    %lt3A_3699 = arith.constant 1000 : i32
    %lt3A_3700 = vector.broadcast %lt3A_3699 : i32 to vector<16xi32>
    %lt3A_3701 = arith.cmpi slt, %get3A_3692, %lt3A_3700 : vector<16xi32>
    %and3A_3702 = arith.andi %ge3A_3698, %lt3A_3701 : vector<16xi1>
    %add3A_3703 = arith.constant 32 : i32
    %add3A_3704 = vector.broadcast %add3A_3703 : i32 to vector<16xi32>
    %add3A_3705 = arith.addi %iota3A, %add3A_3704 : vector<16xi32>
    tpu.vector_store_idx %arg8[%sub3A_3695, %add3A_3705], %broadcast_in_dim3A_3 masked %and3A_3702 : memref<248x128xf32, #tpu.memory_space<vmem>>[vector<16xi32>, vector<16xi32>], vector<16xf32>, vector<16xi1>
    %get3A_3706 = arith.constant 432 : index
    %get3A_3707 = tpu.vector_load %arg6[%get3A_3706] {strides = array<i32>} : memref<512xi32, #tpu.memory_space<vmem>>, vector<16xi32>,
    %sub3A_3708 = arith.constant 760 : i32
    %sub3A_3709 = vector.broadcast %sub3A_3708 : i32 to vector<16xi32>
    %sub3A_3710 = arith.subi %get3A_3707, %sub3A_3709 : vector<16xi32>
    %ge3A_3711 = arith.constant 760 : i32
    %ge3A_3712 = vector.broadcast %ge3A_3711 : i32 to vector<16xi32>
    %ge3A_3713 = arith.cmpi sge, %get3A_3707, %ge3A_3712 : vector<16xi32>
    %lt3A_3714 = arith.constant 1000 : i32
    %lt3A_3715 = vector.broadcast %lt3A_3714 : i32 to vector<16xi32>
    %lt3A_3716 = arith.cmpi slt, %get3A_3707, %lt3A_3715 : vector<16xi32>
    %and3A_3717 = arith.andi %ge3A_3713, %lt3A_3716 : vector<16xi1>
    %add3A_3718 = arith.constant 48 : i32
    %add3A_3719 = vector.broadcast %add3A_3718 : i32 to vector<16xi32>
    %add3A_3720 = arith.addi %iota3A, %add3A_3719 : vector<16xi32>
    tpu.vector_store_idx %arg8[%sub3A_3710, %add3A_3720], %broadcast_in_dim3A_3 masked %and3A_3717 : memref<248x128xf32, #tpu.memory_space<vmem>>[vector<16xi32>, vector<16xi32>], vector<16xf32>, vector<16xi1>
    %get3A_3721 = arith.constant 448 : index
    %get3A_3722 = tpu.vector_load %arg6[%get3A_3721] {strides = array<i32>} : memref<512xi32, #tpu.memory_space<vmem>>, vector<16xi32>,
    %sub3A_3723 = arith.constant 760 : i32
    %sub3A_3724 = vector.broadcast %sub3A_3723 : i32 to vector<16xi32>
    %sub3A_3725 = arith.subi %get3A_3722, %sub3A_3724 : vector<16xi32>
    %ge3A_3726 = arith.constant 760 : i32
    %ge3A_3727 = vector.broadcast %ge3A_3726 : i32 to vector<16xi32>
    %ge3A_3728 = arith.cmpi sge, %get3A_3722, %ge3A_3727 : vector<16xi32>
    %lt3A_3729 = arith.constant 1000 : i32
    %lt3A_3730 = vector.broadcast %lt3A_3729 : i32 to vector<16xi32>
    %lt3A_3731 = arith.cmpi slt, %get3A_3722, %lt3A_3730 : vector<16xi32>
    %and3A_3732 = arith.andi %ge3A_3728, %lt3A_3731 : vector<16xi1>
    %add3A_3733 = arith.constant 64 : i32
    %add3A_3734 = vector.broadcast %add3A_3733 : i32 to vector<16xi32>
    %add3A_3735 = arith.addi %iota3A, %add3A_3734 : vector<16xi32>
    tpu.vector_store_idx %arg8[%sub3A_3725, %add3A_3735], %broadcast_in_dim3A_3 masked %and3A_3732 : memref<248x128xf32, #tpu.memory_space<vmem>>[vector<16xi32>, vector<16xi32>], vector<16xf32>, vector<16xi1>
    %get3A_3736 = arith.constant 464 : index
    %get3A_3737 = tpu.vector_load %arg6[%get3A_3736] {strides = array<i32>} : memref<512xi32, #tpu.memory_space<vmem>>, vector<16xi32>,
    %sub3A_3738 = arith.constant 760 : i32
    %sub3A_3739 = vector.broadcast %sub3A_3738 : i32 to vector<16xi32>
    %sub3A_3740 = arith.subi %get3A_3737, %sub3A_3739 : vector<16xi32>
    %ge3A_3741 = arith.constant 760 : i32
    %ge3A_3742 = vector.broadcast %ge3A_3741 : i32 to vector<16xi32>
    %ge3A_3743 = arith.cmpi sge, %get3A_3737, %ge3A_3742 : vector<16xi32>
    %lt3A_3744 = arith.constant 1000 : i32
    %lt3A_3745 = vector.broadcast %lt3A_3744 : i32 to vector<16xi32>
    %lt3A_3746 = arith.cmpi slt, %get3A_3737, %lt3A_3745 : vector<16xi32>
    %and3A_3747 = arith.andi %ge3A_3743, %lt3A_3746 : vector<16xi1>
    %add3A_3748 = arith.constant 80 : i32
    %add3A_3749 = vector.broadcast %add3A_3748 : i32 to vector<16xi32>
    %add3A_3750 = arith.addi %iota3A, %add3A_3749 : vector<16xi32>
    tpu.vector_store_idx %arg8[%sub3A_3740, %add3A_3750], %broadcast_in_dim3A_3 masked %and3A_3747 : memref<248x128xf32, #tpu.memory_space<vmem>>[vector<16xi32>, vector<16xi32>], vector<16xf32>, vector<16xi1>
    %get3A_3751 = arith.constant 480 : index
    %get3A_3752 = tpu.vector_load %arg6[%get3A_3751] {strides = array<i32>} : memref<512xi32, #tpu.memory_space<vmem>>, vector<16xi32>,
    %sub3A_3753 = arith.constant 760 : i32
    %sub3A_3754 = vector.broadcast %sub3A_3753 : i32 to vector<16xi32>
    %sub3A_3755 = arith.subi %get3A_3752, %sub3A_3754 : vector<16xi32>
    %ge3A_3756 = arith.constant 760 : i32
    %ge3A_3757 = vector.broadcast %ge3A_3756 : i32 to vector<16xi32>
    %ge3A_3758 = arith.cmpi sge, %get3A_3752, %ge3A_3757 : vector<16xi32>
    %lt3A_3759 = arith.constant 1000 : i32
    %lt3A_3760 = vector.broadcast %lt3A_3759 : i32 to vector<16xi32>
    %lt3A_3761 = arith.cmpi slt, %get3A_3752, %lt3A_3760 : vector<16xi32>
    %and3A_3762 = arith.andi %ge3A_3758, %lt3A_3761 : vector<16xi1>
    %add3A_3763 = arith.constant 96 : i32
    %add3A_3764 = vector.broadcast %add3A_3763 : i32 to vector<16xi32>
    %add3A_3765 = arith.addi %iota3A, %add3A_3764 : vector<16xi32>
    tpu.vector_store_idx %arg8[%sub3A_3755, %add3A_3765], %broadcast_in_dim3A_3 masked %and3A_3762 : memref<248x128xf32, #tpu.memory_space<vmem>>[vector<16xi32>, vector<16xi32>], vector<16xf32>, vector<16xi1>
    %get3A_3766 = arith.constant 496 : index
    %get3A_3767 = tpu.vector_load %arg6[%get3A_3766] {strides = array<i32>} : memref<512xi32, #tpu.memory_space<vmem>>, vector<16xi32>,
    %sub3A_3768 = arith.constant 760 : i32
    %sub3A_3769 = vector.broadcast %sub3A_3768 : i32 to vector<16xi32>
    %sub3A_3770 = arith.subi %get3A_3767, %sub3A_3769 : vector<16xi32>
    %ge3A_3771 = arith.constant 760 : i32
    %ge3A_3772 = vector.broadcast %ge3A_3771 : i32 to vector<16xi32>
    %ge3A_3773 = arith.cmpi sge, %get3A_3767, %ge3A_3772 : vector<16xi32>
    %lt3A_3774 = arith.constant 1000 : i32
    %lt3A_3775 = vector.broadcast %lt3A_3774 : i32 to vector<16xi32>
    %lt3A_3776 = arith.cmpi slt, %get3A_3767, %lt3A_3775 : vector<16xi32>
    %and3A_3777 = arith.andi %ge3A_3773, %lt3A_3776 : vector<16xi1>
    %add3A_3778 = arith.constant 112 : i32
    %add3A_3779 = vector.broadcast %add3A_3778 : i32 to vector<16xi32>
    %add3A_3780 = arith.addi %iota3A, %add3A_3779 : vector<16xi32>
    tpu.vector_store_idx %arg8[%sub3A_3770, %add3A_3780], %broadcast_in_dim3A_3 masked %and3A_3777 : memref<248x128xf32, #tpu.memory_space<vmem>>[vector<16xi32>, vector<16xi32>], vector<16xf32>, vector<16xi1>
    %add3A_3781 = arith.constant 384 : i32
    %add3A_3782 = arith.addi %mul3A_2, %add3A_3781 : i32
    %dma_start3A_3783 = arith.constant 0 : i32
    %dma_start3A_3784 = arith.constant 0 : i32
    %dma_start3A_3785 = tpu.memref_slice %arg8[%dma_start3A_3783, %dma_start3A_3784] : memref<248x128xf32, #tpu.memory_space<vmem>> -> memref<240x128xf32, #tpu.memory_space<vmem>>
    %dma_start3A_3786 = arith.constant 760 : i32
    %dma_start3A_3787 = tpu.memref_slice %arg5[%dma_start3A_3786, %add3A_3782] : memref<1000x16384xf32, #tpu.memory_space<hbm>> -> memref<240x128xf32, #tpu.memory_space<hbm>>
    %dma_start3A_3788 = arith.constant 760 : i32
    %dma_start3A_3789 = tpu.memref_slice %arg5[%dma_start3A_3788, %add3A_3782] : memref<1000x16384xf32, #tpu.memory_space<hbm>> -> memref<240x128xf32, #tpu.memory_space<hbm>>
    %dma_start3A_3790 = arith.constant 0 : i32
    %dma_start3A_3791 = arith.constant 0 : i32
    %dma_start3A_3792 = tpu.memref_slice %arg8[%dma_start3A_3790, %dma_start3A_3791] : memref<248x128xf32, #tpu.memory_space<vmem>> -> memref<240x128xf32, #tpu.memory_space<vmem>>
    tpu.enqueue_dma source(%dma_start3A_3792 : memref<240x128xf32, #tpu.memory_space<vmem>>) target(%dma_start3A_3789 : memref<240x128xf32, #tpu.memory_space<hbm>>) target_semaphore(%arg10 : memref<!tpu.dma_semaphore, #tpu.memory_space<semaphore_mem>>)
    %dma_wait3A_3793 = arith.constant 504 : i32
    %dma_wait3A_3794 = tpu.memref_slice %arg5[%dma_wait3A_3793, %add3A_3532] : memref<1000x16384xf32, #tpu.memory_space<hbm>> -> memref<256x128xf32, #tpu.memory_space<hbm>>
    %dma_wait3A_3795 = arith.constant 504 : i32
    %dma_wait3A_3796 = tpu.memref_slice %arg5[%dma_wait3A_3795, %add3A_3532] : memref<1000x16384xf32, #tpu.memory_space<hbm>> -> memref<256x128xf32, #tpu.memory_space<hbm>>
    tpu.wait_dma2 semaphore(%arg9 : memref<!tpu.dma_semaphore, #tpu.memory_space<semaphore_mem>>) src(%arg7 : memref<256x128xf32, #tpu.memory_space<vmem>>) dst(%dma_wait3A_3796 : memref<256x128xf32, #tpu.memory_space<hbm>>)
    %dma_wait3A_3797 = arith.constant 0 : i32
    %dma_wait3A_3798 = arith.constant 0 : i32
    %dma_wait3A_3799 = tpu.memref_slice %arg8[%dma_wait3A_3797, %dma_wait3A_3798] : memref<248x128xf32, #tpu.memory_space<vmem>> -> memref<240x128xf32, #tpu.memory_space<vmem>>
    %dma_wait3A_3800 = arith.constant 760 : i32
    %dma_wait3A_3801 = tpu.memref_slice %arg5[%dma_wait3A_3800, %add3A_3782] : memref<1000x16384xf32, #tpu.memory_space<hbm>> -> memref<240x128xf32, #tpu.memory_space<hbm>>
    %dma_wait3A_3802 = arith.constant 760 : i32
    %dma_wait3A_3803 = tpu.memref_slice %arg5[%dma_wait3A_3802, %add3A_3782] : memref<1000x16384xf32, #tpu.memory_space<hbm>> -> memref<240x128xf32, #tpu.memory_space<hbm>>
    %dma_wait3A_3804 = arith.constant 0 : i32
    %dma_wait3A_3805 = arith.constant 0 : i32
    %dma_wait3A_3806 = tpu.memref_slice %arg8[%dma_wait3A_3804, %dma_wait3A_3805] : memref<248x128xf32, #tpu.memory_space<vmem>> -> memref<240x128xf32, #tpu.memory_space<vmem>>
    tpu.wait_dma2 semaphore(%arg10 : memref<!tpu.dma_semaphore, #tpu.memory_space<semaphore_mem>>) src(%dma_wait3A_3806 : memref<240x128xf32, #tpu.memory_space<vmem>>) dst(%dma_wait3A_3803 : memref<240x128xf32, #tpu.memory_space<hbm>>)
    return
  }
}

</mosaic_0001>

<sc_bundles>
// kernel: kernel.3.cloned.1.call-start
scs
__scs_entry_jumppad:
0x0: {  	(pc) =	sbr.rel $0x88, $3  }
0x1: {  	(tag) =	ssettag $0x0;
	lr =	simm.s32 $0x1  }
0x2: {  	[smem:$0x3FA0] =	sst lr;
	_ =	strace $0xD0000000  }
0x3: {  	_ = 	snop  }
0x4: {  	_ = 	snop  }
0x5: {  	_ = 	snop  }
0x6: {  	_ = 	snop  }
0x7: {  	_ = 	snop  }
__scs_overlays_trampoline_lowered:
0x8: {  	[smem:$0x3FAF] =	sst s0  }
0x9: {  	[smem:$0x3FB0] =	sst s1  }
0xa: {  	[smem:$0x3FB1] =	sst s2  }
0xb: {  	[smem:$0x3FB2] =	sst s3  }
0xc: {  	[smem:$0x3FB3] =	sst s4  }
0xd: {  	[smem:$0x3FB4] =	sst s5  }
0xe: {  	[smem:$0x3FB5] =	sst s6  }
0xf: {  	[smem:$0x3FB6] =	sst s7  }
0x10: {  	[smem:$0x3FB7] =	sst s8  }
0x11: {  	[smem:$0x3FB8] =	sst s9;
	s0 =	simm.s32 @!p0 $0x0  }
0x12: {  	s1 =	sld [smem:$0x3F9E];
	s0 =	simm.s32 @p0 $0x1  }
0x13: {  	[smem:$0x3FB9] =	sst s0;
	s0 =	simm.s32 @!p1 $0x0  }
0x14: {  	s2 =	sld [smem:$0x3F9D];
	s0 =	simm.s32 @p1 $0x1  }
0x15: {  	[smem:$0x3FBA] =	sst s0;
	s0 =	simm.s32 @!p2 $0x0  }
0x16: {  	s3 =	sld [smem:$0x3FDB];
	s0 =	simm.s32 @p2 $0x1  }
0x17: {  	s4 =	simm.s32 $0x1BF5;
	[smem:$0x3FBC] =	sst s0  }
0x18: {  	s0 =	sld [smem:$0x3F9F];
	_ =	swait.ge [sflag:s4], $0x0  }
0x19: {  	s7 =	sld [smem:$0x3FA0]  }
0x1a: {  	s8 =	sadd.s32 $0xFFFFE003, lr  }
0x1b: {  	s9 =	sadd.s32 $0xFFFFFEF7, lr;
	s5 =	simm.s32 $0xFFFFFFFF;
	p2 =	slt.u32 s8, $0xFFFFF086  }
0x1c: {  	p1 =	slt.u32 s9, $0xF7A;
	s5 =	simm.s32 @!p2 $0x0  }
0x1d: {  	s5 =	simm.s32 @p1 $0x1;
	p0 =	seq.s32 s7, s2  }
0x1e: {  	s7 =	smul.u32 @!p0 $0xF7A, s2;
	p2 =	seq.s32 @!p0 s5, $0x0  }
0x1f: {  	s9 =	smul.u32 $0xF7A, s1;
	s8 =	simm.s32 @!p0 $0x1BF5;
	p2 =	por !p2, p0  }
0x20: {  	[sflag:s8] =	ssyncset.s32 @!p0 $0xFFFFF086;
	s6 =	sadd.s32 @!p0 s3, s7;
	s7 =	simm.s32 @!p0 $0x108  }
0x21: {  	s3 =	sadd.s32 s3, s9;
	s6 =	sadd.s32 @!p0 $0x88, s6;
	s7 =	simm.s32 @p2 $0x1082  }
0x22: {  	[simem:s7], [sflag:s8] =	dma.local @!p0 [hbm:s6], $0xF7A  }
0x23: {  	s9 =	sor.u32 $0xD0000000, s2;
	s6 =	simm.s32 $0x108;
	_ =	swait.ge @!p0 [sflag:s8], $0x0  }
0x24: {  	s3 =	sadd.s32 $0x88, s3;
	s6 =	simm.s32 @!p1 $0x1082;
	[sflag:s4] =	ssyncset.s32 $0xFFFFF086  }
0x25: {  	[simem:s6], [sflag:s4] =	dma.local [hbm:s3], $0xF7A  }
0x26: {  	[smem:$0x3FA0] =	sst s1;
	(tag) =	ssettag s2;
	_ =	strace s9  }
0x27: {  	s1 =	sld [smem:$0x3FB0]  }
0x28: {  	s2 =	sld [smem:$0x3FB1]  }
0x29: {  	s4 =	sld [smem:$0x3FB3]  }
0x2a: {  	p0 =	seq.s32 s5, $0x0;
	s5 =	sld [smem:$0x3FB4]  }
0x2b: {  	s6 =	sld [smem:$0x3FB5]  }
0x2c: {  	s7 =	sld [smem:$0x3FB6]  }
0x2d: {  	s3 =	simm.s32 $0x108;
	s8 =	sld [smem:$0x3FB7]  }
0x2e: {  	s3 =	simm.s32 @!p0 $0x1082;
	s9 =	sld [smem:$0x3FB8]  }
0x2f: {  	lr =	sadd.s32 s0, s3;
	s0 =	sld [smem:$0x3FAF]  }
0x30: {  	s3 =	sld [smem:$0x3FB2]  }
0x31: {  	[smem:$0x3FBB] =	sst s10  }
0x32: {  	s10 =	sld [smem:$0x3FB9];
	_ =	sdelay $0x3  }
0x33: {  	p0 =	seq.s32 s10, $0x1;
	s10 =	sld [smem:$0x3FBB];
	_ =	sdelay $0x3  }
0x34: {  	[smem:$0x3FBB] =	sst s10  }
0x35: {  	s10 =	sld [smem:$0x3FBA];
	_ =	sdelay $0x3  }
0x36: {  	p1 =	seq.s32 s10, $0x1;
	s10 =	sld [smem:$0x3FBB];
	_ =	sdelay $0x3  }
0x37: {  	[smem:$0x3FBB] =	sst s10  }
0x38: {  	s10 =	sld [smem:$0x3FBC]  }
0x39: {  	_ = 	snop;
	(pc) =	sbr.ind lr, $3  }
0x3a: {  	_ = 	snop  }
0x3b: {  	_ = 	snop  }
0x3c: {  	p2 =	seq.s32 s10, $0x1;
	s10 =	sld [smem:$0x3FBB]  }
0x3d: {  	_ =	shalt  }
0x3e: {  	_ =	shalt  }
0x3f: {  	_ =	shalt  }
0x40: {  	_ =	shalt  }
0x41: {  	_ =	shalt  }
0x42: {  	_ =	shalt  }
0x43: {  	_ =	shalt  }
0x44: {  	_ =	shalt  }
0x45: {  	_ =	shalt  }
0x46: {  	_ =	shalt  }
0x47: {  	_ =	shalt  }
0x48: {  	_ =	shalt  }
0x49: {  	_ =	shalt  }
0x4a: {  	_ =	shalt  }
0x4b: {  	_ =	shalt  }
0x4c: {  	_ =	shalt  }
0x4d: {  	_ =	shalt  }
0x4e: {  	_ =	shalt  }
0x4f: {  	_ =	shalt  }
0x50: {  	_ =	shalt  }
0x51: {  	_ =	shalt  }
0x52: {  	_ =	shalt  }
0x53: {  	_ =	shalt  }
0x54: {  	_ =	shalt  }
0x55: {  	_ =	shalt  }
0x56: {  	_ =	shalt  }
0x57: {  	_ =	shalt  }
0x58: {  	_ =	shalt  }
0x59: {  	_ =	shalt  }
0x5a: {  	_ =	shalt  }
0x5b: {  	_ =	shalt  }
0x5c: {  	_ =	shalt  }
0x5d: {  	_ =	shalt  }
0x5e: {  	_ =	shalt  }
0x5f: {  	_ =	shalt  }
0x60: {  	_ =	shalt  }
0x61: {  	_ =	shalt  }
0x62: {  	_ =	shalt  }
0x63: {  	_ =	shalt  }
0x64: {  	_ =	shalt  }
0x65: {  	_ =	shalt  }
0x66: {  	_ =	shalt  }
0x67: {  	_ =	shalt  }
0x68: {  	_ =	shalt  }
0x69: {  	_ =	shalt  }
0x6a: {  	_ =	shalt  }
0x6b: {  	_ =	shalt  }
0x6c: {  	_ =	shalt  }
0x6d: {  	_ =	shalt  }
0x6e: {  	_ =	shalt  }
0x6f: {  	_ =	shalt  }
0x70: {  	_ =	shalt  }
0x71: {  	_ =	shalt  }
0x72: {  	_ =	shalt  }
0x73: {  	_ =	shalt  }
0x74: {  	_ =	shalt  }
0x75: {  	_ =	shalt  }
0x76: {  	_ =	shalt  }
0x77: {  	_ =	shalt  }
0x78: {  	_ =	shalt  }
0x79: {  	_ =	shalt  }
0x7a: {  	_ =	shalt  }
0x7b: {  	_ =	shalt  }
0x7c: {  	_ =	shalt  }
0x7d: {  	_ =	shalt  }
0x7e: {  	_ =	shalt  }
0x7f: {  	_ =	shalt  }
0x80: {  	_ =	shalt  }
0x81: {  	_ =	shalt  }
0x82: {  	_ =	shalt  }
0x83: {  	_ =	shalt  }
0x84: {  	_ =	shalt  }
0x85: {  	_ =	shalt  }
0x86: {  	_ =	shalt  }
0x87: {  	_ =	shalt  }
.Lfunc_end0:
.L_simem_size_0:
called_computation_lowered:
.L_overlay_start_0:
0x88: {  	s2 =	sld [smem:$0x3FD9]  }
0x89: {  	s3 =	sld [smem:$0x3FFE];
	_ =	sdelay $0x1  }
0x8a: {  	s1 =	srdreg.scid  }
0x8b: {  	s0 =	sand.u32 $0x1, s1  }
0x8c: {  	s17 =	sshll.u32 s0, $0xA;
	s2 =	sadd.s32 s3, s2  }
0x8d: {  	s2 =	sadd.s32 s2, s17  }
0x8e: {  	[smem:$0x3FC7] =	sst s2  }
0x8f: {  	_ = 	snop  }
0x90: {  	s2 =	sld [smem:$0x3FC9]  }
0x91: {  	s18 =	sld [smem:$0x3FD0];
	(tm) =	ssettm $0x1  }
0x92: {  	s4 =	sld [smem:$0x3FFB];
	_ =	sdelay $0x3  }
0x93: {  	_ =	strace s4  }
0x94: {  	s4 =	sld [smem:$0x3FFC];
	_ =	sdelay $0x3  }
0x95: {  	_ =	strace s4  }
0x96: {  	s4 =	sld [smem:$0x3FFD];
	_ =	sdelay $0x3  }
0x97: {  	_ =	strace s4  }
0x98: {  	_ =	strace $0x8FFFFFFF  }
0x99: {  	s19 =	sld [smem:$0x3FDB];
	_ =	sdelay $0x1  }
0x9a: {  	s5 =	simm.s32 $_scs_section_size  }
0x9b: {  	s6 =	simm.s32 $_size__tile_overlayer_lowered;
	s7 =	simm.s32 $_tile_overlayer_lowered  }
0x9c: {  	s22 =	simm.s32 $0x1BFF;
	s21 =	sshll.u32 s7, $0x1;
	s4 =	sadd.s32 s5, s19  }
0x9d: {  	s8 =	simm.s32 $0x0;
	s20 =	sshll.u32 s6, $0x1;
	s6 =	sadd.s32 s21, s4  }
0x9e: {  	[timem:s8], [sflag:s22] =	dma.local [hbm:s6], s20  }
0x9f: {  	_ =	swait.ge [sflag:s22], s20  }
0xa0: {  	s5 =	ssub.s32 $0x0, s20;
	[sflag:s22] =	ssyncset.done $0x0  }
0xa1: {  	[sflag:s22] =	ssyncadd.s32 s5;
	_ =	sdelay $0x1  }
0xa2: {  	s23 =	simm.s32 $0x1B8B  }
0xa3: {  	_ =	swait.ge [sflag:s23], $0x1  }
0xa4: {  	[sflag:s23] =	ssyncset.done $0x0  }
0xa5: {  	s25 =	simm.s32 $0x1B8E;
	s24 =	sld [smem:$0x3FFE];
	[sflag:s23] =	ssyncadd.s32 $0xFFFFFFFF  }
0xa6: {  	s26 =	simm.s32 $execute0_lowered;
	[smem:$0x3FD2] =	sst s25  }
0xa7: {  	s6 =	sshll.u32 s26, $0x1;
	_ =	strace $0x80000046;
	[dreg:$0x1] =	wrdreg $0xFFFFFFFF  }
0xa8: {  	s28 =	simm.s32 $_size_execute0_lowered;
	s4 =	sadd.s32 s4, s6;
	[dreg:$0x0] =	wrdreg $0x0  }
0xa9: {  	s6 =	sshll.u32 s28, $0x1;
	[dreg:$0x2] =	wrdreg s4  }
0xaa: {  	[dreg:$0x3] =	wrdreg s6  }
0xab: {  	[dreg:$0x4] =	wrdreg $0xC0  }
0xac: {  	_ =	task [dreg:s8], $0x5FFFF  }
0xad: {  	[dreg:$0x1] =	wrdreg $0xFFFFFFFF  }
0xae: {  	[dreg:$0x0] =	wrdreg $0x60  }
0xaf: {  	[dreg:$0x2] =	wrdreg s2  }
0xb0: {  	[dreg:$0x3] =	wrdreg s24  }
0xb1: {  	[dreg:$0x4] =	wrdreg s18  }
0xb2: {  	[dreg:$0x5] =	wrdreg $0x9  }
0xb3: {  	_ =	task.clear_ibuf [dreg:s8], $0x6FFFF;
	_ =	strace $0x90000046  }
0xb4: {  	s29 =	simm.s32 $0x9;
	_ =	strace $0x80000048  }
0xb5: {  	_ =	swait.ge [sflag:s29], $0x1  }
0xb6: {  	[sflag:s29] =	ssyncadd.s32 $0xFFFFFFFF  }
0xb7: {  	_ =	strace $0x90000048  }
0xb8: {  	_ =	sfence  }
0xb9: {  	s30 =	sld [smem:$0x0];
	_ =	sdelay $0x2  }
0xba: {  	s31 =	sshll.u32 s1, $0xD;
	s1 =	sshrl.u32 s1, $0x2  }
0xbb: {  	s3 =	sand.u32 $0x4000, s31;
	s1 =	sadd.s32 s1, s30  }
0xbc: {  	s0 =	sor.u32 s3, s0;
	s1 =	sshll.u32 s1, $0x11  }
0xbd: {  	s0 =	sor.u32 s1, s0  }
0xbe: {  	s0 =	sadd.s32 $0x8F2B, s0  }
0xbf: {  	[sflag:s0] =	ssyncadd.remote.s32 $0x1  }
0xc0: {  	_ =	sfence.sel $0xFFFF  }
0xc1: {  	[dreg:$0x0] =	wrdreg $0xFFFFFFFF;
	(pc) =	sbr.abs _section_cstart, $3  }
0xc2: {  	[dreg:$0x1] =	wrdreg $0xFFFFFFFF  }
0xc3: {  	_ =	task.clear_ibuf [dreg:s8], $0x2FFFF;
	_ =	strace $0x9FFFFFFF  }
0xc4: {  	(tm) =	ssettm $0x7FFFFFFF  }
0xc5: {  	_ =	shalt  }
tec
execute0_lowered:
.L_overlay_start_1:
0x0: {  	(tag) =	ssettag $0x1  }
0x1: {  	s6 =	rddreg [dreg:$0x0]  }
0x2: {  	s4 =	rddreg [dreg:$0x1]  }
0x3: {  	s5 =	rddreg [dreg:$0x2]  }
0x4: {  	s0 =	rddreg [dreg:$0x3];
	s1 =	simm.s32 $0x0  }
0x5: {  	s7 =	srdreg.scid;
	s2 =	stileid.u32;
	s23 =	simm.s32 $0x200  }
0x6: {  	v0 =	vlaneseq.u32;
	s24 =	simm.s32 $0x8200;
	s25 =	simm.s32 $0x3;
	s26 =	simm.s32 $0x1  }
0x7: {  	s28 =	simm.s32 $0x400;
	s29 =	simm.s32 $0x20000;
	s30 =	simm.s32 $0x2;
	v2 =	vor.u32 $0x10, v0;
	v3 =	vor.u32 $0x20, v0;
	v4 =	vor.u32 $0x30, v0  }
0x8: {  	[smem:$0x7FF] =	sst s1;
	s3 =	sadd.s32 $0x1400, s4;
	s7 =	sand.u32 $0x1, s7;
	v5 =	vor.u32 $0x40, v0;
	v6 =	vor.u32 $0x50, v0;
	v7 =	vor.u32 $0x60, v0  }
0x9: {  	s9 =	sshll.u32 s2, $0xA;
	v8 =	vor.u32 $0x70, v0;
	v9 =	vor.u32 $0xFFFF8000, v0;
	v10 =	vor.u32 $0xFFFF8010, v0;
	s8 =	ssub.s32 $0x2, s7;
	s7 =	sshll.u32 s7, $0x9  }
0xa: {  	s4 =	sadd.s32 $0x400, s4;
	v11 =	vor.u32 $0xFFFF8020, v0;
	v12 =	vor.u32 $0xFFFF8030, v0;
	v13 =	vor.u32 $0xFFFF8040, v0;
	_ =	strace $0x80000047;
	s7 =	sor.u32 s7, s9  }
0xb: {  	v14 =	vor.u32 $0xFFFF8050, v0;
	v15 =	vor.u32 $0xFFFF8060, v0;
	v16 =	vor.u32 $0xFFFF8070, v0;
	s10 =	sshrl.u32 s8, $0x1;
	s31 =	sshrl.u32 s7, $0x3;
	s5 =	sadd.s32 s5, s7  }
0xc: {  	v18 =	vor.u32 $0xFFFF0400, v0;
	v19 =	vor.u32 $0xFFFF0410, v0;
	v20 =	vor.u32 $0xFFFF0420, v0;
	s22 =	ssub.s32 s8, s10;
	s6 =	sadd.s32 s6, s31;
	s7 =	sadd.s32 $0x80000, s5  }
0xd: {  	v21 =	vor.u32 $0xFFFF0430, v0;
	v22 =	vor.u32 $0xFFFF0440, v0;
	v23 =	vor.u32 $0xFFFF0450, v0;
	s8 =	sadd.s32 $0xFC000, s5;
	s9 =	sadd.s32 $0x17C000, s5;
	s10 =	sadd.s32 $0x80, s5  }
0xe: {  	v1 =	vimm.f32 $1.000000000e+00;
	v24 =	vor.u32 $0xFFFF0460, v0;
	v25 =	vor.u32 $0xFFFF0470, v0;
	s11 =	sadd.s32 $0x80080, s5;
	s12 =	sadd.s32 $0xFC080, s5;
	s13 =	sadd.s32 $0x17C080, s5  }
0xf: {  	v26 =	vor.u32 $0xFFFE8400, v0;
	v27 =	vor.u32 $0xFFFE8410, v0;
	v28 =	vor.u32 $0xFFFE8420, v0;
	s14 =	sadd.s32 $0x80100, s5;
	s15 =	sadd.s32 $0x100, s5;
	s16 =	sadd.s32 $0xFC100, s5  }
0x10: {  	v17 =	vimm.f32 $0.0e+00;
	v29 =	vor.u32 $0xFFFE8430, v0;
	v30 =	vor.u32 $0xFFFE8440, v0;
	s17 =	sadd.s32 $0x17C100, s5;
	s18 =	sadd.s32 $0x180, s5;
	s19 =	sadd.s32 $0x80180, s5  }
0x11: {  	v31 =	vor.u32 $0xFFFE8450, v0;
	v32 =	vor.u32 $0xFFFE8460, v0;
	v33 =	vor.u32 $0xFFFE8470, v0;
	s20 =	sadd.s32 $0xFC180, s5;
	s21 =	sadd.s32 $0x17C180, s5;
	s22 =	smax.u32 s22, $0x1  }
.LBB2_1:
0x12: {  	[tilespmem:s23], [sflag:$0x1] =	stream.linear.gather [hbm4b:s3+s1], $0x8000, $0x38;
	[tilespmem:$0xFE00] =	vst v63  }
0x13: {  	_ = 	snop  }
0x14: {  	[tilespmem:s24], [sflag:$0x2] =	stream.linear.gather [hbm4b:s4+s1], $0x7C00, $0x38;
	[tilespmem:$0xFE00] =	vst v63  }
0x15: {  	_ = 	snop  }
0x16: {  	[tilespmem:s1], [sflag:$0x3] =	stream.linear.gather [hbm4b:s6+s1], $0x200, $0x38;
	[tilespmem:$0xFE00] =	vst v63  }
0x17: {  	_ =	swait.ge [sflag:s25], $0x200  }
0x18: {  	[sflag:s25] =	ssyncset.done $0x0  }
0x19: {  	[sflag:s25] =	ssyncadd.s32 $0xFFFFFE00  }
0x1a: {  	_ =	swait.ge [sflag:s26], $0x8000  }
0x1b: {  	[sflag:s26] =	ssyncset.done $0x0  }
0x1c: {  	[sflag:s26] =	ssyncadd.s32 $0xFFFF8000  }
0x1d: {  	v34 =	vld [tilespmem:$0x0];
	_ =	sdelay $0x4  }
0x1e: {  	vm0 =	vlt.u32 v34, $0x100;
	v34 =	vshll.u32 v34, $0x7  }
0x1f: {  	v34 =	vor.u32 v0, v34;
	_ =	sdelay $0x4  }
0x20: {  	[tilespmem:v34+s23+$0x0] =	vst.idx.msk vm0, v1  }
0x21: {  	v34 =	vld [tilespmem:$0x10];
	_ =	sdelay $0x4  }
0x22: {  	vm5 =	vlt.u32 v34, $0x100;
	v34 =	vshll.u32 v34, $0x7  }
0x23: {  	v34 =	vor.u32 v2, v34;
	_ =	sdelay $0x4  }
0x24: {  	[tilespmem:v34+s23+$0x0] =	vst.idx.msk vm5, v1  }
0x25: {  	v34 =	vld [tilespmem:$0x20];
	_ =	sdelay $0x4  }
0x26: {  	vm6 =	vlt.u32 v34, $0x100;
	v34 =	vshll.u32 v34, $0x7  }
0x27: {  	v34 =	vor.u32 v3, v34;
	_ =	sdelay $0x4  }
0x28: {  	[tilespmem:v34+s23+$0x0] =	vst.idx.msk vm6, v1  }
0x29: {  	v34 =	vld [tilespmem:$0x30];
	_ =	sdelay $0x4  }
0x2a: {  	vm7 =	vlt.u32 v34, $0x100;
	v34 =	vshll.u32 v34, $0x7  }
0x2b: {  	v34 =	vor.u32 v4, v34;
	_ =	sdelay $0x4  }
0x2c: {  	[tilespmem:v34+s23+$0x0] =	vst.idx.msk vm7, v1  }
0x2d: {  	v34 =	vld [tilespmem:$0x40];
	_ =	sdelay $0x4  }
0x2e: {  	vm8 =	vlt.u32 v34, $0x100;
	v34 =	vshll.u32 v34, $0x7  }
0x2f: {  	v34 =	vor.u32 v5, v34;
	_ =	sdelay $0x4  }
0x30: {  	[tilespmem:v34+s23+$0x0] =	vst.idx.msk vm8, v1  }
0x31: {  	v34 =	vld [tilespmem:$0x50];
	_ =	sdelay $0x4  }
0x32: {  	vm9 =	vlt.u32 v34, $0x100;
	v34 =	vshll.u32 v34, $0x7  }
0x33: {  	v34 =	vor.u32 v6, v34;
	_ =	sdelay $0x4  }
0x34: {  	[tilespmem:v34+s23+$0x0] =	vst.idx.msk vm9, v1  }
0x35: {  	v34 =	vld [tilespmem:$0x60];
	_ =	sdelay $0x4  }
0x36: {  	vm10 =	vlt.u32 v34, $0x100;
	v34 =	vshll.u32 v34, $0x7  }
0x37: {  	v34 =	vor.u32 v7, v34;
	_ =	sdelay $0x4  }
0x38: {  	[tilespmem:v34+s23+$0x0] =	vst.idx.msk vm10, v1  }
0x39: {  	v34 =	vld [tilespmem:$0x70];
	_ =	sdelay $0x4  }
0x3a: {  	vm11 =	vlt.u32 v34, $0x100;
	v34 =	vshll.u32 v34, $0x7  }
0x3b: {  	v34 =	vor.u32 v8, v34;
	_ =	sdelay $0x4  }
0x3c: {  	[tilespmem:v34+s23+$0x0] =	vst.idx.msk vm11, v1  }
0x3d: {  	[hbm4b:s5+s28] =	stream.strided.scatter [tilespmem:s23], [sflag:$0x1], $0x8000, s29, s28, $0x38;
	[tilespmem:$0xFE00] =	vst v63  }
0x3e: {  	_ =	swait.ge [sflag:s30], $0x7C00  }
0x3f: {  	[sflag:s30] =	ssyncset.done $0x0  }
0x40: {  	[sflag:s30] =	ssyncadd.s32 $0xFFFF8400  }
0x41: {  	v42 =	vld [tilespmem:$0x0];
	_ =	sdelay $0x4  }
0x42: {  	v35 =	vadd.s32 $0xFFFFFF00, v42  }
0x43: {  	v34 =	vshll.u32 v42, $0x7;
	vm12 =	vlt.u32 v35, $0xF8  }
0x44: {  	v34 =	vadd.s32 v9, v34;
	_ =	sdelay $0x4  }
0x45: {  	[tilespmem:v34+s24+$0x0] =	vst.idx.msk vm12, v1  }
0x46: {  	v34 =	vld [tilespmem:$0x10];
	_ =	sdelay $0x4  }
0x47: {  	v43 =	vadd.s32 $0xFFFFFF00, v34  }
0x48: {  	v34 =	vshll.u32 v34, $0x7;
	vm13 =	vlt.u32 v43, $0xF8  }
0x49: {  	v34 =	vadd.s32 v10, v34;
	_ =	sdelay $0x4  }
0x4a: {  	[tilespmem:v34+s24+$0x0] =	vst.idx.msk vm13, v1  }
0x4b: {  	v34 =	vld [tilespmem:$0x20];
	_ =	sdelay $0x4  }
0x4c: {  	v44 =	vadd.s32 $0xFFFFFF00, v34  }
0x4d: {  	v34 =	vshll.u32 v34, $0x7;
	vm14 =	vlt.u32 v44, $0xF8  }
0x4e: {  	v34 =	vadd.s32 v11, v34;
	_ =	sdelay $0x4  }
0x4f: {  	[tilespmem:v34+s24+$0x0] =	vst.idx.msk vm14, v1  }
0x50: {  	v34 =	vld [tilespmem:$0x30];
	_ =	sdelay $0x4  }
0x51: {  	v45 =	vadd.s32 $0xFFFFFF00, v34  }
0x52: {  	v34 =	vshll.u32 v34, $0x7;
	vm15 =	vlt.u32 v45, $0xF8  }
0x53: {  	v34 =	vadd.s32 v12, v34;
	_ =	sdelay $0x4  }
0x54: {  	[tilespmem:v34+s24+$0x0] =	vst.idx.msk vm15, v1  }
0x55: {  	v34 =	vld [tilespmem:$0x40];
	_ =	sdelay $0x4  }
0x56: {  	v46 =	vadd.s32 $0xFFFFFF00, v34  }
0x57: {  	v34 =	vshll.u32 v34, $0x7;
	vm4 =	vlt.u32 v46, $0xF8  }
0x58: {  	v34 =	vadd.s32 v13, v34;
	_ =	sdelay $0x4  }
0x59: {  	[tilespmem:v34+s24+$0x0] =	vst.idx.msk vm4, v1  }
0x5a: {  	v34 =	vld [tilespmem:$0x50];
	_ =	sdelay $0x4  }
0x5b: {  	v47 =	vadd.s32 $0xFFFFFF00, v34  }
0x5c: {  	v34 =	vshll.u32 v34, $0x7;
	vm5 =	vlt.u32 v47, $0xF8  }
0x5d: {  	v34 =	vadd.s32 v14, v34;
	_ =	sdelay $0x4  }
0x5e: {  	[tilespmem:v34+s24+$0x0] =	vst.idx.msk vm5, v1  }
0x5f: {  	v34 =	vld [tilespmem:$0x60];
	_ =	sdelay $0x4  }
0x60: {  	v48 =	vadd.s32 $0xFFFFFF00, v34  }
0x61: {  	v34 =	vshll.u32 v34, $0x7;
	vm6 =	vlt.u32 v48, $0xF8  }
0x62: {  	v34 =	vadd.s32 v15, v34;
	_ =	sdelay $0x4  }
0x63: {  	[tilespmem:v34+s24+$0x0] =	vst.idx.msk vm6, v1  }
0x64: {  	v34 =	vld [tilespmem:$0x70];
	_ =	sdelay $0x4  }
0x65: {  	v49 =	vadd.s32 $0xFFFFFF00, v34  }
0x66: {  	v34 =	vshll.u32 v34, $0x7;
	vm7 =	vlt.u32 v49, $0xF8  }
0x67: {  	v34 =	vadd.s32 v16, v34;
	_ =	sdelay $0x4  }
0x68: {  	[tilespmem:v34+s24+$0x0] =	vst.idx.msk vm7, v1  }
0x69: {  	[hbm4b:s7+s28] =	stream.strided.scatter [tilespmem:s24], [sflag:$0x2], $0x7C00, s29, s28, $0x38;
	[tilespmem:$0xFE00] =	vst v63  }
0x6a: {  	_ =	swait.ge [sflag:s26], $0x8000  }
0x6b: {  	[sflag:s26] =	ssyncset.done $0x0  }
0x6c: {  	[sflag:s26] =	ssyncadd.s32 $0xFFFF8000  }
0x6d: {  	v50 =	vld [tilespmem:$0x0];
	_ =	sdelay $0x4  }
0x6e: {  	vm8 =	vlt.u32 v50, $0x100;
	v34 =	vshll.u32 v50, $0x7  }
0x6f: {  	v34 =	vor.u32 v0, v34;
	_ =	sdelay $0x4  }
0x70: {  	[tilespmem:v34+s23+$0x0] =	vst.idx.msk vm8, v17  }
0x71: {  	v34 =	vld [tilespmem:$0x10];
	_ =	sdelay $0x4  }
0x72: {  	vm9 =	vlt.u32 v34, $0x100;
	v34 =	vshll.u32 v34, $0x7  }
0x73: {  	v34 =	vor.u32 v2, v34;
	_ =	sdelay $0x4  }
0x74: {  	[tilespmem:v34+s23+$0x0] =	vst.idx.msk vm9, v17  }
0x75: {  	v34 =	vld [tilespmem:$0x20];
	_ =	sdelay $0x4  }
0x76: {  	vm10 =	vlt.u32 v34, $0x100;
	v34 =	vshll.u32 v34, $0x7  }
0x77: {  	v34 =	vor.u32 v3, v34;
	_ =	sdelay $0x4  }
0x78: {  	[tilespmem:v34+s23+$0x0] =	vst.idx.msk vm10, v17  }
0x79: {  	v34 =	vld [tilespmem:$0x30];
	_ =	sdelay $0x4  }
0x7a: {  	vm11 =	vlt.u32 v34, $0x100;
	v34 =	vshll.u32 v34, $0x7  }
0x7b: {  	v34 =	vor.u32 v4, v34;
	_ =	sdelay $0x4  }
0x7c: {  	[tilespmem:v34+s23+$0x0] =	vst.idx.msk vm11, v17  }
0x7d: {  	v34 =	vld [tilespmem:$0x40];
	_ =	sdelay $0x4  }
0x7e: {  	vm12 =	vlt.u32 v34, $0x100;
	v34 =	vshll.u32 v34, $0x7  }
0x7f: {  	v34 =	vor.u32 v5, v34;
	_ =	sdelay $0x4  }
0x80: {  	[tilespmem:v34+s23+$0x0] =	vst.idx.msk vm12, v17  }
0x81: {  	v34 =	vld [tilespmem:$0x50];
	_ =	sdelay $0x4  }
0x82: {  	vm13 =	vlt.u32 v34, $0x100;
	v34 =	vshll.u32 v34, $0x7  }
0x83: {  	v34 =	vor.u32 v6, v34;
	_ =	sdelay $0x4  }
0x84: {  	[tilespmem:v34+s23+$0x0] =	vst.idx.msk vm13, v17  }
0x85: {  	v34 =	vld [tilespmem:$0x60];
	_ =	sdelay $0x4  }
0x86: {  	vm14 =	vlt.u32 v34, $0x100;
	v34 =	vshll.u32 v34, $0x7  }
0x87: {  	v34 =	vor.u32 v7, v34;
	_ =	sdelay $0x4  }
0x88: {  	[tilespmem:v34+s23+$0x0] =	vst.idx.msk vm14, v17  }
0x89: {  	v34 =	vld [tilespmem:$0x70];
	_ =	sdelay $0x4  }
0x8a: {  	vm15 =	vlt.u32 v34, $0x100;
	v34 =	vshll.u32 v34, $0x7  }
0x8b: {  	v34 =	vor.u32 v8, v34;
	_ =	sdelay $0x4  }
0x8c: {  	[tilespmem:v34+s23+$0x0] =	vst.idx.msk vm15, v17  }
0x8d: {  	v34 =	vld [tilespmem:$0x0];
	_ =	sdelay $0x4  }
0x8e: {  	v51 =	vadd.s32 $0xFFFFFE08, v34  }
0x8f: {  	v34 =	vshll.u32 v34, $0x7;
	vm4 =	vlt.u32 v51, $0x100  }
0x90: {  	v34 =	vadd.s32 v18, v34;
	_ =	sdelay $0x4  }
0x91: {  	[tilespmem:v34+s23+$0x0] =	vst.idx.msk vm4, v1  }
0x92: {  	v34 =	vld [tilespmem:$0x10];
	_ =	sdelay $0x4  }
0x93: {  	v52 =	vadd.s32 $0xFFFFFE08, v34  }
0x94: {  	v34 =	vshll.u32 v34, $0x7;
	vm5 =	vlt.u32 v52, $0x100  }
0x95: {  	v34 =	vadd.s32 v19, v34;
	_ =	sdelay $0x4  }
0x96: {  	[tilespmem:v34+s23+$0x0] =	vst.idx.msk vm5, v1  }
0x97: {  	v34 =	vld [tilespmem:$0x20];
	_ =	sdelay $0x4  }
0x98: {  	v53 =	vadd.s32 $0xFFFFFE08, v34  }
0x99: {  	v34 =	vshll.u32 v34, $0x7;
	vm6 =	vlt.u32 v53, $0x100  }
0x9a: {  	v34 =	vadd.s32 v20, v34;
	_ =	sdelay $0x4  }
0x9b: {  	[tilespmem:v34+s23+$0x0] =	vst.idx.msk vm6, v1  }
0x9c: {  	v34 =	vld [tilespmem:$0x30];
	_ =	sdelay $0x4  }
0x9d: {  	v54 =	vadd.s32 $0xFFFFFE08, v34  }
0x9e: {  	v34 =	vshll.u32 v34, $0x7;
	vm7 =	vlt.u32 v54, $0x100  }
0x9f: {  	v34 =	vadd.s32 v21, v34;
	_ =	sdelay $0x4  }
0xa0: {  	[tilespmem:v34+s23+$0x0] =	vst.idx.msk vm7, v1  }
0xa1: {  	v34 =	vld [tilespmem:$0x40];
	_ =	sdelay $0x4  }
0xa2: {  	v55 =	vadd.s32 $0xFFFFFE08, v34  }
0xa3: {  	v34 =	vshll.u32 v34, $0x7;
	vm8 =	vlt.u32 v55, $0x100  }
0xa4: {  	v34 =	vadd.s32 v22, v34;
	_ =	sdelay $0x4  }
0xa5: {  	[tilespmem:v34+s23+$0x0] =	vst.idx.msk vm8, v1  }
0xa6: {  	v34 =	vld [tilespmem:$0x50];
	_ =	sdelay $0x4  }
0xa7: {  	v56 =	vadd.s32 $0xFFFFFE08, v34  }
0xa8: {  	v34 =	vshll.u32 v34, $0x7;
	vm9 =	vlt.u32 v56, $0x100  }
0xa9: {  	v34 =	vadd.s32 v23, v34;
	_ =	sdelay $0x4  }
0xaa: {  	[tilespmem:v34+s23+$0x0] =	vst.idx.msk vm9, v1  }
0xab: {  	v34 =	vld [tilespmem:$0x60];
	_ =	sdelay $0x4  }
0xac: {  	v57 =	vadd.s32 $0xFFFFFE08, v34  }
0xad: {  	v34 =	vshll.u32 v34, $0x7;
	vm10 =	vlt.u32 v57, $0x100  }
0xae: {  	v34 =	vadd.s32 v24, v34;
	_ =	sdelay $0x4  }
0xaf: {  	[tilespmem:v34+s23+$0x0] =	vst.idx.msk vm10, v1  }
0xb0: {  	v34 =	vld [tilespmem:$0x70];
	_ =	sdelay $0x4  }
0xb1: {  	v58 =	vadd.s32 $0xFFFFFE08, v34  }
0xb2: {  	v34 =	vshll.u32 v34, $0x7;
	vm11 =	vlt.u32 v58, $0x100  }
0xb3: {  	v34 =	vadd.s32 v25, v34;
	_ =	sdelay $0x4  }
0xb4: {  	[tilespmem:v34+s23+$0x0] =	vst.idx.msk vm11, v1  }
0xb5: {  	[hbm4b:s8+s28] =	stream.strided.scatter [tilespmem:s23], [sflag:$0x1], $0x8000, s29, s28, $0x38;
	[tilespmem:$0xFE00] =	vst v63  }
0xb6: {  	_ =	swait.ge [sflag:s30], $0x7C00  }
0xb7: {  	[sflag:s30] =	ssyncset.done $0x0  }
0xb8: {  	[sflag:s30] =	ssyncadd.s32 $0xFFFF8400  }
0xb9: {  	v59 =	vld [tilespmem:$0x0];
	_ =	sdelay $0x4  }
0xba: {  	v60 =	vadd.s32 $0xFFFFFF00, v59  }
0xbb: {  	v34 =	vshll.u32 v59, $0x7;
	vm12 =	vlt.u32 v60, $0xF8  }
0xbc: {  	v34 =	vadd.s32 v9, v34;
	_ =	sdelay $0x4  }
0xbd: {  	[tilespmem:v34+s24+$0x0] =	vst.idx.msk vm12, v17  }
0xbe: {  	v34 =	vld [tilespmem:$0x10];
	_ =	sdelay $0x4  }
0xbf: {  	v61 =	vadd.s32 $0xFFFFFF00, v34  }
0xc0: {  	v34 =	vshll.u32 v34, $0x7;
	vm13 =	vlt.u32 v61, $0xF8  }
0xc1: {  	v34 =	vadd.s32 v10, v34;
	_ =	sdelay $0x4  }
0xc2: {  	[tilespmem:v34+s24+$0x0] =	vst.idx.msk vm13, v17  }
0xc3: {  	v34 =	vld [tilespmem:$0x20];
	_ =	sdelay $0x4  }
0xc4: {  	v62 =	vadd.s32 $0xFFFFFF00, v34  }
0xc5: {  	v34 =	vshll.u32 v34, $0x7;
	vm14 =	vlt.u32 v62, $0xF8  }
0xc6: {  	v34 =	vadd.s32 v11, v34;
	_ =	sdelay $0x4  }
0xc7: {  	[tilespmem:v34+s24+$0x0] =	vst.idx.msk vm14, v17  }
0xc8: {  	v34 =	vld [tilespmem:$0x30];
	_ =	sdelay $0x4  }
0xc9: {  	v63 =	vadd.s32 $0xFFFFFF00, v34  }
0xca: {  	v34 =	vshll.u32 v34, $0x7;
	vm15 =	vlt.u32 v63, $0xF8  }
0xcb: {  	v34 =	vadd.s32 v12, v34;
	_ =	sdelay $0x4  }
0xcc: {  	[tilespmem:v34+s24+$0x0] =	vst.idx.msk vm15, v17  }
0xcd: {  	v34 =	vld [tilespmem:$0x40];
	_ =	sdelay $0x4  }
0xce: {  	v36 =	vadd.s32 $0xFFFFFF00, v34  }
0xcf: {  	v34 =	vshll.u32 v34, $0x7;
	vm4 =	vlt.u32 v36, $0xF8  }
0xd0: {  	v34 =	vadd.s32 v13, v34;
	_ =	sdelay $0x4  }
0xd1: {  	[tilespmem:v34+s24+$0x0] =	vst.idx.msk vm4, v17  }
0xd2: {  	v34 =	vld [tilespmem:$0x50];
	_ =	sdelay $0x4  }
0xd3: {  	v37 =	vadd.s32 $0xFFFFFF00, v34  }
0xd4: {  	v34 =	vshll.u32 v34, $0x7;
	vm5 =	vlt.u32 v37, $0xF8  }
0xd5: {  	v34 =	vadd.s32 v14, v34;
	_ =	sdelay $0x4  }
0xd6: {  	[tilespmem:v34+s24+$0x0] =	vst.idx.msk vm5, v17  }
0xd7: {  	v34 =	vld [tilespmem:$0x60];
	_ =	sdelay $0x4  }
0xd8: {  	v38 =	vadd.s32 $0xFFFFFF00, v34  }
0xd9: {  	v34 =	vshll.u32 v34, $0x7;
	vm6 =	vlt.u32 v38, $0xF8  }
0xda: {  	v34 =	vadd.s32 v15, v34;
	_ =	sdelay $0x4  }
0xdb: {  	[tilespmem:v34+s24+$0x0] =	vst.idx.msk vm6, v17  }
0xdc: {  	v34 =	vld [tilespmem:$0x70];
	_ =	sdelay $0x4  }
0xdd: {  	v39 =	vadd.s32 $0xFFFFFF00, v34  }
0xde: {  	v34 =	vshll.u32 v34, $0x7;
	vm7 =	vlt.u32 v39, $0xF8  }
0xdf: {  	v34 =	vadd.s32 v16, v34;
	_ =	sdelay $0x4  }
0xe0: {  	[tilespmem:v34+s24+$0x0] =	vst.idx.msk vm7, v17  }
0xe1: {  	v34 =	vld [tilespmem:$0x0];
	_ =	sdelay $0x4  }
0xe2: {  	v40 =	vadd.s32 $0xFFFFFD08, v34  }
0xe3: {  	v34 =	vshll.u32 v34, $0x7;
	vm8 =	vlt.u32 v40, $0xF0  }
0xe4: {  	v34 =	vadd.s32 v26, v34;
	_ =	sdelay $0x4  }
0xe5: {  	[tilespmem:v34+s24+$0x0] =	vst.idx.msk vm8, v1  }
0xe6: {  	v34 =	vld [tilespmem:$0x10];
	_ =	sdelay $0x4  }
0xe7: {  	v41 =	vadd.s32 $0xFFFFFD08, v34  }
0xe8: {  	v34 =	vshll.u32 v34, $0x7;
	vm9 =	vlt.u32 v41, $0xF0  }
0xe9: {  	v34 =	vadd.s32 v27, v34;
	_ =	sdelay $0x4  }
0xea: {  	[tilespmem:v34+s24+$0x0] =	vst.idx.msk vm9, v1  }
0xeb: {  	v34 =	vld [tilespmem:$0x20];
	_ =	sdelay $0x4  }
0xec: {  	v42 =	vadd.s32 $0xFFFFFD08, v34  }
0xed: {  	v34 =	vshll.u32 v34, $0x7;
	vm10 =	vlt.u32 v42, $0xF0  }
0xee: {  	v34 =	vadd.s32 v28, v34;
	_ =	sdelay $0x4  }
0xef: {  	[tilespmem:v34+s24+$0x0] =	vst.idx.msk vm10, v1  }
0xf0: {  	v34 =	vld [tilespmem:$0x30];
	_ =	sdelay $0x4  }
0xf1: {  	v43 =	vadd.s32 $0xFFFFFD08, v34  }
0xf2: {  	v34 =	vshll.u32 v34, $0x7;
	vm11 =	vlt.u32 v43, $0xF0  }
0xf3: {  	v34 =	vadd.s32 v29, v34;
	_ =	sdelay $0x4  }
0xf4: {  	[tilespmem:v34+s24+$0x0] =	vst.idx.msk vm11, v1  }
0xf5: {  	v34 =	vld [tilespmem:$0x40];
	_ =	sdelay $0x4  }
0xf6: {  	v44 =	vadd.s32 $0xFFFFFD08, v34  }
0xf7: {  	v34 =	vshll.u32 v34, $0x7;
	vm12 =	vlt.u32 v44, $0xF0  }
0xf8: {  	v34 =	vadd.s32 v30, v34;
	_ =	sdelay $0x4  }
0xf9: {  	[tilespmem:v34+s24+$0x0] =	vst.idx.msk vm12, v1  }
0xfa: {  	v34 =	vld [tilespmem:$0x50];
	_ =	sdelay $0x4  }
0xfb: {  	v45 =	vadd.s32 $0xFFFFFD08, v34  }
0xfc: {  	v34 =	vshll.u32 v34, $0x7;
	vm13 =	vlt.u32 v45, $0xF0  }
0xfd: {  	v34 =	vadd.s32 v31, v34;
	_ =	sdelay $0x4  }
0xfe: {  	[tilespmem:v34+s24+$0x0] =	vst.idx.msk vm13, v1  }
0xff: {  	v34 =	vld [tilespmem:$0x60];
	_ =	sdelay $0x4  }
0x100: {  	v46 =	vadd.s32 $0xFFFFFD08, v34  }
0x101: {  	v34 =	vshll.u32 v34, $0x7;
	vm14 =	vlt.u32 v46, $0xF0  }
0x102: {  	v34 =	vadd.s32 v32, v34;
	_ =	sdelay $0x4  }
0x103: {  	[tilespmem:v34+s24+$0x0] =	vst.idx.msk vm14, v1  }
0x104: {  	v34 =	vld [tilespmem:$0x70];
	_ =	sdelay $0x4  }
0x105: {  	v47 =	vadd.s32 $0xFFFFFD08, v34  }
0x106: {  	v34 =	vshll.u32 v34, $0x7;
	vm15 =	vlt.u32 v47, $0xF0  }
0x107: {  	v34 =	vadd.s32 v33, v34;
	_ =	sdelay $0x4  }
0x108: {  	[tilespmem:v34+s24+$0x0] =	vst.idx.msk vm15, v1  }
0x109: {  	[hbm4b:s9+s28] =	stream.strided.scatter [tilespmem:s24], [sflag:$0x2], $0x7800, s29, s28, $0x38;
	[tilespmem:$0xFE00] =	vst v63  }
0x10a: {  	_ =	swait.ge [sflag:s26], $0x8000  }
0x10b: {  	[sflag:s26] =	ssyncset.done $0x0  }
0x10c: {  	[sflag:s26] =	ssyncadd.s32 $0xFFFF8000  }
0x10d: {  	v48 =	vld [tilespmem:$0x0];
	_ =	sdelay $0x4  }
0x10e: {  	v49 =	vadd.s32 $0xFFFFFE08, v48  }
0x10f: {  	v34 =	vshll.u32 v48, $0x7;
	vm4 =	vlt.u32 v49, $0x100  }
0x110: {  	v34 =	vadd.s32 v18, v34;
	_ =	sdelay $0x4  }
0x111: {  	[tilespmem:v34+s23+$0x0] =	vst.idx.msk vm4, v17  }
0x112: {  	v34 =	vld [tilespmem:$0x10];
	_ =	sdelay $0x4  }
0x113: {  	v50 =	vadd.s32 $0xFFFFFE08, v34  }
0x114: {  	v34 =	vshll.u32 v34, $0x7;
	vm5 =	vlt.u32 v50, $0x100  }
0x115: {  	v34 =	vadd.s32 v19, v34;
	_ =	sdelay $0x4  }
0x116: {  	[tilespmem:v34+s23+$0x0] =	vst.idx.msk vm5, v17  }
0x117: {  	v34 =	vld [tilespmem:$0x20];
	_ =	sdelay $0x4  }
0x118: {  	v51 =	vadd.s32 $0xFFFFFE08, v34  }
0x119: {  	v34 =	vshll.u32 v34, $0x7;
	vm6 =	vlt.u32 v51, $0x100  }
0x11a: {  	v34 =	vadd.s32 v20, v34;
	_ =	sdelay $0x4  }
0x11b: {  	[tilespmem:v34+s23+$0x0] =	vst.idx.msk vm6, v17  }
0x11c: {  	v34 =	vld [tilespmem:$0x30];
	_ =	sdelay $0x4  }
0x11d: {  	v52 =	vadd.s32 $0xFFFFFE08, v34  }
0x11e: {  	v34 =	vshll.u32 v34, $0x7;
	vm7 =	vlt.u32 v52, $0x100  }
0x11f: {  	v34 =	vadd.s32 v21, v34;
	_ =	sdelay $0x4  }
0x120: {  	[tilespmem:v34+s23+$0x0] =	vst.idx.msk vm7, v17  }
0x121: {  	v34 =	vld [tilespmem:$0x40];
	_ =	sdelay $0x4  }
0x122: {  	v53 =	vadd.s32 $0xFFFFFE08, v34  }
0x123: {  	v34 =	vshll.u32 v34, $0x7;
	vm8 =	vlt.u32 v53, $0x100  }
0x124: {  	v34 =	vadd.s32 v22, v34;
	_ =	sdelay $0x4  }
0x125: {  	[tilespmem:v34+s23+$0x0] =	vst.idx.msk vm8, v17  }
0x126: {  	v34 =	vld [tilespmem:$0x50];
	_ =	sdelay $0x4  }
0x127: {  	v54 =	vadd.s32 $0xFFFFFE08, v34  }
0x128: {  	v34 =	vshll.u32 v34, $0x7;
	vm9 =	vlt.u32 v54, $0x100  }
0x129: {  	v34 =	vadd.s32 v23, v34;
	_ =	sdelay $0x4  }
0x12a: {  	[tilespmem:v34+s23+$0x0] =	vst.idx.msk vm9, v17  }
0x12b: {  	v34 =	vld [tilespmem:$0x60];
	_ =	sdelay $0x4  }
0x12c: {  	v55 =	vadd.s32 $0xFFFFFE08, v34  }
0x12d: {  	v34 =	vshll.u32 v34, $0x7;
	vm10 =	vlt.u32 v55, $0x100  }
0x12e: {  	v34 =	vadd.s32 v24, v34;
	_ =	sdelay $0x4  }
0x12f: {  	[tilespmem:v34+s23+$0x0] =	vst.idx.msk vm10, v17  }
0x130: {  	v34 =	vld [tilespmem:$0x70];
	_ =	sdelay $0x4  }
0x131: {  	v56 =	vadd.s32 $0xFFFFFE08, v34  }
0x132: {  	v34 =	vshll.u32 v34, $0x7;
	vm11 =	vlt.u32 v56, $0x100  }
0x133: {  	v34 =	vadd.s32 v25, v34;
	_ =	sdelay $0x4  }
0x134: {  	[tilespmem:v34+s23+$0x0] =	vst.idx.msk vm11, v17  }
0x135: {  	v34 =	vld [tilespmem:$0x80];
	_ =	sdelay $0x4  }
0x136: {  	vm12 =	vlt.u32 v34, $0x100;
	v34 =	vshll.u32 v34, $0x7  }
0x137: {  	v34 =	vor.u32 v0, v34;
	_ =	sdelay $0x4  }
0x138: {  	[tilespmem:v34+s23+$0x0] =	vst.idx.msk vm12, v1  }
0x139: {  	v34 =	vld [tilespmem:$0x90];
	_ =	sdelay $0x4  }
0x13a: {  	vm13 =	vlt.u32 v34, $0x100;
	v34 =	vshll.u32 v34, $0x7  }
0x13b: {  	v34 =	vor.u32 v2, v34;
	_ =	sdelay $0x4  }
0x13c: {  	[tilespmem:v34+s23+$0x0] =	vst.idx.msk vm13, v1  }
0x13d: {  	v34 =	vld [tilespmem:$0xA0];
	_ =	sdelay $0x4  }
0x13e: {  	vm14 =	vlt.u32 v34, $0x100;
	v34 =	vshll.u32 v34, $0x7  }
0x13f: {  	v34 =	vor.u32 v3, v34;
	_ =	sdelay $0x4  }
0x140: {  	[tilespmem:v34+s23+$0x0] =	vst.idx.msk vm14, v1  }
0x141: {  	v34 =	vld [tilespmem:$0xB0];
	_ =	sdelay $0x4  }
0x142: {  	vm15 =	vlt.u32 v34, $0x100;
	v34 =	vshll.u32 v34, $0x7  }
0x143: {  	v34 =	vor.u32 v4, v34;
	_ =	sdelay $0x4  }
0x144: {  	[tilespmem:v34+s23+$0x0] =	vst.idx.msk vm15, v1  }
0x145: {  	v34 =	vld [tilespmem:$0xC0];
	_ =	sdelay $0x4  }
0x146: {  	vm4 =	vlt.u32 v34, $0x100;
	v34 =	vshll.u32 v34, $0x7  }
0x147: {  	v34 =	vor.u32 v5, v34;
	_ =	sdelay $0x4  }
0x148: {  	[tilespmem:v34+s23+$0x0] =	vst.idx.msk vm4, v1  }
0x149: {  	v34 =	vld [tilespmem:$0xD0];
	_ =	sdelay $0x4  }
0x14a: {  	vm5 =	vlt.u32 v34, $0x100;
	v34 =	vshll.u32 v34, $0x7  }
0x14b: {  	v34 =	vor.u32 v6, v34;
	_ =	sdelay $0x4  }
0x14c: {  	[tilespmem:v34+s23+$0x0] =	vst.idx.msk vm5, v1  }
0x14d: {  	v34 =	vld [tilespmem:$0xE0];
	_ =	sdelay $0x4  }
0x14e: {  	vm6 =	vlt.u32 v34, $0x100;
	v34 =	vshll.u32 v34, $0x7  }
0x14f: {  	v34 =	vor.u32 v7, v34;
	_ =	sdelay $0x4  }
0x150: {  	[tilespmem:v34+s23+$0x0] =	vst.idx.msk vm6, v1  }
0x151: {  	v34 =	vld [tilespmem:$0xF0];
	_ =	sdelay $0x4  }
0x152: {  	vm7 =	vlt.u32 v34, $0x100;
	v34 =	vshll.u32 v34, $0x7  }
0x153: {  	v34 =	vor.u32 v8, v34;
	_ =	sdelay $0x4  }
0x154: {  	[tilespmem:v34+s23+$0x0] =	vst.idx.msk vm7, v1  }
0x155: {  	[hbm4b:s10+s28] =	stream.strided.scatter [tilespmem:s23], [sflag:$0x1], $0x8000, s29, s28, $0x38;
	[tilespmem:$0xFE00] =	vst v63  }
0x156: {  	_ =	swait.ge [sflag:s30], $0x7800  }
0x157: {  	[sflag:s30] =	ssyncset.done $0x0  }
0x158: {  	[sflag:s30] =	ssyncadd.s32 $0xFFFF8800  }
0x159: {  	v57 =	vld [tilespmem:$0x0];
	_ =	sdelay $0x4  }
0x15a: {  	v58 =	vadd.s32 $0xFFFFFD08, v57  }
0x15b: {  	v34 =	vshll.u32 v57, $0x7;
	vm8 =	vlt.u32 v58, $0xF0  }
0x15c: {  	v34 =	vadd.s32 v26, v34;
	_ =	sdelay $0x4  }
0x15d: {  	[tilespmem:v34+s24+$0x0] =	vst.idx.msk vm8, v17  }
0x15e: {  	v34 =	vld [tilespmem:$0x10];
	_ =	sdelay $0x4  }
0x15f: {  	v59 =	vadd.s32 $0xFFFFFD08, v34  }
0x160: {  	v34 =	vshll.u32 v34, $0x7;
	vm9 =	vlt.u32 v59, $0xF0  }
0x161: {  	v34 =	vadd.s32 v27, v34;
	_ =	sdelay $0x4  }
0x162: {  	[tilespmem:v34+s24+$0x0] =	vst.idx.msk vm9, v17  }
0x163: {  	v34 =	vld [tilespmem:$0x20];
	_ =	sdelay $0x4  }
0x164: {  	v60 =	vadd.s32 $0xFFFFFD08, v34  }
0x165: {  	v34 =	vshll.u32 v34, $0x7;
	vm10 =	vlt.u32 v60, $0xF0  }
0x166: {  	v34 =	vadd.s32 v28, v34;
	_ =	sdelay $0x4  }
0x167: {  	[tilespmem:v34+s24+$0x0] =	vst.idx.msk vm10, v17  }
0x168: {  	v34 =	vld [tilespmem:$0x30];
	_ =	sdelay $0x4  }
0x169: {  	v61 =	vadd.s32 $0xFFFFFD08, v34  }
0x16a: {  	v34 =	vshll.u32 v34, $0x7;
	vm11 =	vlt.u32 v61, $0xF0  }
0x16b: {  	v34 =	vadd.s32 v29, v34;
	_ =	sdelay $0x4  }
0x16c: {  	[tilespmem:v34+s24+$0x0] =	vst.idx.msk vm11, v17  }
0x16d: {  	v34 =	vld [tilespmem:$0x40];
	_ =	sdelay $0x4  }
0x16e: {  	v62 =	vadd.s32 $0xFFFFFD08, v34  }
0x16f: {  	v34 =	vshll.u32 v34, $0x7;
	vm12 =	vlt.u32 v62, $0xF0  }
0x170: {  	v34 =	vadd.s32 v30, v34;
	_ =	sdelay $0x4  }
0x171: {  	[tilespmem:v34+s24+$0x0] =	vst.idx.msk vm12, v17  }
0x172: {  	v34 =	vld [tilespmem:$0x50];
	_ =	sdelay $0x4  }
0x173: {  	v63 =	vadd.s32 $0xFFFFFD08, v34  }
0x174: {  	v34 =	vshll.u32 v34, $0x7;
	vm13 =	vlt.u32 v63, $0xF0  }
0x175: {  	v34 =	vadd.s32 v31, v34;
	_ =	sdelay $0x4  }
0x176: {  	[tilespmem:v34+s24+$0x0] =	vst.idx.msk vm13, v17  }
0x177: {  	v34 =	vld [tilespmem:$0x60];
	_ =	sdelay $0x4  }
0x178: {  	v36 =	vadd.s32 $0xFFFFFD08, v34  }
0x179: {  	v34 =	vshll.u32 v34, $0x7;
	vm14 =	vlt.u32 v36, $0xF0  }
0x17a: {  	v34 =	vadd.s32 v32, v34;
	_ =	sdelay $0x4  }
0x17b: {  	[tilespmem:v34+s24+$0x0] =	vst.idx.msk vm14, v17  }
0x17c: {  	v34 =	vld [tilespmem:$0x70];
	_ =	sdelay $0x4  }
0x17d: {  	v37 =	vadd.s32 $0xFFFFFD08, v34  }
0x17e: {  	v34 =	vshll.u32 v34, $0x7;
	vm15 =	vlt.u32 v37, $0xF0  }
0x17f: {  	v34 =	vadd.s32 v33, v34;
	_ =	sdelay $0x4  }
0x180: {  	[tilespmem:v34+s24+$0x0] =	vst.idx.msk vm15, v17  }
0x181: {  	v34 =	vld [tilespmem:$0x80];
	_ =	sdelay $0x4  }
0x182: {  	v38 =	vadd.s32 $0xFFFFFF00, v34  }
0x183: {  	v34 =	vshll.u32 v34, $0x7;
	vm4 =	vlt.u32 v38, $0xF8  }
0x184: {  	v34 =	vadd.s32 v9, v34;
	_ =	sdelay $0x4  }
0x185: {  	[tilespmem:v34+s24+$0x0] =	vst.idx.msk vm4, v1  }
0x186: {  	v34 =	vld [tilespmem:$0x90];
	_ =	sdelay $0x4  }
0x187: {  	v39 =	vadd.s32 $0xFFFFFF00, v34  }
0x188: {  	v34 =	vshll.u32 v34, $0x7;
	vm5 =	vlt.u32 v39, $0xF8  }
0x189: {  	v34 =	vadd.s32 v10, v34;
	_ =	sdelay $0x4  }
0x18a: {  	[tilespmem:v34+s24+$0x0] =	vst.idx.msk vm5, v1  }
0x18b: {  	v34 =	vld [tilespmem:$0xA0];
	_ =	sdelay $0x4  }
0x18c: {  	v40 =	vadd.s32 $0xFFFFFF00, v34  }
0x18d: {  	v34 =	vshll.u32 v34, $0x7;
	vm6 =	vlt.u32 v40, $0xF8  }
0x18e: {  	v34 =	vadd.s32 v11, v34;
	_ =	sdelay $0x4  }
0x18f: {  	[tilespmem:v34+s24+$0x0] =	vst.idx.msk vm6, v1  }
0x190: {  	v34 =	vld [tilespmem:$0xB0];
	_ =	sdelay $0x4  }
0x191: {  	v41 =	vadd.s32 $0xFFFFFF00, v34  }
0x192: {  	v34 =	vshll.u32 v34, $0x7;
	vm7 =	vlt.u32 v41, $0xF8  }
0x193: {  	v34 =	vadd.s32 v12, v34;
	_ =	sdelay $0x4  }
0x194: {  	[tilespmem:v34+s24+$0x0] =	vst.idx.msk vm7, v1  }
0x195: {  	v34 =	vld [tilespmem:$0xC0];
	_ =	sdelay $0x4  }
0x196: {  	v42 =	vadd.s32 $0xFFFFFF00, v34  }
0x197: {  	v34 =	vshll.u32 v34, $0x7;
	vm8 =	vlt.u32 v42, $0xF8  }
0x198: {  	v34 =	vadd.s32 v13, v34;
	_ =	sdelay $0x4  }
0x199: {  	[tilespmem:v34+s24+$0x0] =	vst.idx.msk vm8, v1  }
0x19a: {  	v34 =	vld [tilespmem:$0xD0];
	_ =	sdelay $0x4  }
0x19b: {  	v43 =	vadd.s32 $0xFFFFFF00, v34  }
0x19c: {  	v34 =	vshll.u32 v34, $0x7;
	vm9 =	vlt.u32 v43, $0xF8  }
0x19d: {  	v34 =	vadd.s32 v14, v34;
	_ =	sdelay $0x4  }
0x19e: {  	[tilespmem:v34+s24+$0x0] =	vst.idx.msk vm9, v1  }
0x19f: {  	v34 =	vld [tilespmem:$0xE0];
	_ =	sdelay $0x4  }
0x1a0: {  	v44 =	vadd.s32 $0xFFFFFF00, v34  }
0x1a1: {  	v34 =	vshll.u32 v34, $0x7;
	vm10 =	vlt.u32 v44, $0xF8  }
0x1a2: {  	v34 =	vadd.s32 v15, v34;
	_ =	sdelay $0x4  }
0x1a3: {  	[tilespmem:v34+s24+$0x0] =	vst.idx.msk vm10, v1  }
0x1a4: {  	v34 =	vld [tilespmem:$0xF0];
	_ =	sdelay $0x4  }
0x1a5: {  	v45 =	vadd.s32 $0xFFFFFF00, v34  }
0x1a6: {  	v34 =	vshll.u32 v34, $0x7;
	vm11 =	vlt.u32 v45, $0xF8  }
0x1a7: {  	v34 =	vadd.s32 v16, v34;
	_ =	sdelay $0x4  }
0x1a8: {  	[tilespmem:v34+s24+$0x0] =	vst.idx.msk vm11, v1  }
0x1a9: {  	[hbm4b:s11+s28] =	stream.strided.scatter [tilespmem:s24], [sflag:$0x2], $0x7C00, s29, s28, $0x38;
	[tilespmem:$0xFE00] =	vst v63  }
0x1aa: {  	_ =	swait.ge [sflag:s26], $0x8000  }
0x1ab: {  	[sflag:s26] =	ssyncset.done $0x0  }
0x1ac: {  	[sflag:s26] =	ssyncadd.s32 $0xFFFF8000  }
0x1ad: {  	v46 =	vld [tilespmem:$0x80];
	_ =	sdelay $0x4  }
0x1ae: {  	vm12 =	vlt.u32 v46, $0x100;
	v34 =	vshll.u32 v46, $0x7  }
0x1af: {  	v34 =	vor.u32 v0, v34;
	_ =	sdelay $0x4  }
0x1b0: {  	[tilespmem:v34+s23+$0x0] =	vst.idx.msk vm12, v17  }
0x1b1: {  	v34 =	vld [tilespmem:$0x90];
	_ =	sdelay $0x4  }
0x1b2: {  	vm13 =	vlt.u32 v34, $0x100;
	v34 =	vshll.u32 v34, $0x7  }
0x1b3: {  	v34 =	vor.u32 v2, v34;
	_ =	sdelay $0x4  }
0x1b4: {  	[tilespmem:v34+s23+$0x0] =	vst.idx.msk vm13, v17  }
0x1b5: {  	v34 =	vld [tilespmem:$0xA0];
	_ =	sdelay $0x4  }
0x1b6: {  	vm14 =	vlt.u32 v34, $0x100;
	v34 =	vshll.u32 v34, $0x7  }
0x1b7: {  	v34 =	vor.u32 v3, v34;
	_ =	sdelay $0x4  }
0x1b8: {  	[tilespmem:v34+s23+$0x0] =	vst.idx.msk vm14, v17  }
0x1b9: {  	v34 =	vld [tilespmem:$0xB0];
	_ =	sdelay $0x4  }
0x1ba: {  	vm15 =	vlt.u32 v34, $0x100;
	v34 =	vshll.u32 v34, $0x7  }
0x1bb: {  	v34 =	vor.u32 v4, v34;
	_ =	sdelay $0x4  }
0x1bc: {  	[tilespmem:v34+s23+$0x0] =	vst.idx.msk vm15, v17  }
0x1bd: {  	v34 =	vld [tilespmem:$0xC0];
	_ =	sdelay $0x4  }
0x1be: {  	vm4 =	vlt.u32 v34, $0x100;
	v34 =	vshll.u32 v34, $0x7  }
0x1bf: {  	v34 =	vor.u32 v5, v34;
	_ =	sdelay $0x4  }
0x1c0: {  	[tilespmem:v34+s23+$0x0] =	vst.idx.msk vm4, v17  }
0x1c1: {  	v34 =	vld [tilespmem:$0xD0];
	_ =	sdelay $0x4  }
0x1c2: {  	vm5 =	vlt.u32 v34, $0x100;
	v34 =	vshll.u32 v34, $0x7  }
0x1c3: {  	v34 =	vor.u32 v6, v34;
	_ =	sdelay $0x4  }
0x1c4: {  	[tilespmem:v34+s23+$0x0] =	vst.idx.msk vm5, v17  }
0x1c5: {  	v34 =	vld [tilespmem:$0xE0];
	_ =	sdelay $0x4  }
0x1c6: {  	vm6 =	vlt.u32 v34, $0x100;
	v34 =	vshll.u32 v34, $0x7  }
0x1c7: {  	v34 =	vor.u32 v7, v34;
	_ =	sdelay $0x4  }
0x1c8: {  	[tilespmem:v34+s23+$0x0] =	vst.idx.msk vm6, v17  }
0x1c9: {  	v34 =	vld [tilespmem:$0xF0];
	_ =	sdelay $0x4  }
0x1ca: {  	vm7 =	vlt.u32 v34, $0x100;
	v34 =	vshll.u32 v34, $0x7  }
0x1cb: {  	v34 =	vor.u32 v8, v34;
	_ =	sdelay $0x4  }
0x1cc: {  	[tilespmem:v34+s23+$0x0] =	vst.idx.msk vm7, v17  }
0x1cd: {  	v34 =	vld [tilespmem:$0x80];
	_ =	sdelay $0x4  }
0x1ce: {  	v47 =	vadd.s32 $0xFFFFFE08, v34  }
0x1cf: {  	v34 =	vshll.u32 v34, $0x7;
	vm8 =	vlt.u32 v47, $0x100  }
0x1d0: {  	v34 =	vadd.s32 v18, v34;
	_ =	sdelay $0x4  }
0x1d1: {  	[tilespmem:v34+s23+$0x0] =	vst.idx.msk vm8, v1  }
0x1d2: {  	v34 =	vld [tilespmem:$0x90];
	_ =	sdelay $0x4  }
0x1d3: {  	v48 =	vadd.s32 $0xFFFFFE08, v34  }
0x1d4: {  	v34 =	vshll.u32 v34, $0x7;
	vm9 =	vlt.u32 v48, $0x100  }
0x1d5: {  	v34 =	vadd.s32 v19, v34;
	_ =	sdelay $0x4  }
0x1d6: {  	[tilespmem:v34+s23+$0x0] =	vst.idx.msk vm9, v1  }
0x1d7: {  	v34 =	vld [tilespmem:$0xA0];
	_ =	sdelay $0x4  }
0x1d8: {  	v49 =	vadd.s32 $0xFFFFFE08, v34  }
0x1d9: {  	v34 =	vshll.u32 v34, $0x7;
	vm10 =	vlt.u32 v49, $0x100  }
0x1da: {  	v34 =	vadd.s32 v20, v34;
	_ =	sdelay $0x4  }
0x1db: {  	[tilespmem:v34+s23+$0x0] =	vst.idx.msk vm10, v1  }
0x1dc: {  	v34 =	vld [tilespmem:$0xB0];
	_ =	sdelay $0x4  }
0x1dd: {  	v50 =	vadd.s32 $0xFFFFFE08, v34  }
0x1de: {  	v34 =	vshll.u32 v34, $0x7;
	vm11 =	vlt.u32 v50, $0x100  }
0x1df: {  	v34 =	vadd.s32 v21, v34;
	_ =	sdelay $0x4  }
0x1e0: {  	[tilespmem:v34+s23+$0x0] =	vst.idx.msk vm11, v1  }
0x1e1: {  	v34 =	vld [tilespmem:$0xC0];
	_ =	sdelay $0x4  }
0x1e2: {  	v51 =	vadd.s32 $0xFFFFFE08, v34  }
0x1e3: {  	v34 =	vshll.u32 v34, $0x7;
	vm12 =	vlt.u32 v51, $0x100  }
0x1e4: {  	v34 =	vadd.s32 v22, v34;
	_ =	sdelay $0x4  }
0x1e5: {  	[tilespmem:v34+s23+$0x0] =	vst.idx.msk vm12, v1  }
0x1e6: {  	v34 =	vld [tilespmem:$0xD0];
	_ =	sdelay $0x4  }
0x1e7: {  	v52 =	vadd.s32 $0xFFFFFE08, v34  }
0x1e8: {  	v34 =	vshll.u32 v34, $0x7;
	vm13 =	vlt.u32 v52, $0x100  }
0x1e9: {  	v34 =	vadd.s32 v23, v34;
	_ =	sdelay $0x4  }
0x1ea: {  	[tilespmem:v34+s23+$0x0] =	vst.idx.msk vm13, v1  }
0x1eb: {  	v34 =	vld [tilespmem:$0xE0];
	_ =	sdelay $0x4  }
0x1ec: {  	v53 =	vadd.s32 $0xFFFFFE08, v34  }
0x1ed: {  	v34 =	vshll.u32 v34, $0x7;
	vm14 =	vlt.u32 v53, $0x100  }
0x1ee: {  	v34 =	vadd.s32 v24, v34;
	_ =	sdelay $0x4  }
0x1ef: {  	[tilespmem:v34+s23+$0x0] =	vst.idx.msk vm14, v1  }
0x1f0: {  	v34 =	vld [tilespmem:$0xF0];
	_ =	sdelay $0x4  }
0x1f1: {  	v54 =	vadd.s32 $0xFFFFFE08, v34  }
0x1f2: {  	v34 =	vshll.u32 v34, $0x7;
	vm15 =	vlt.u32 v54, $0x100  }
0x1f3: {  	v34 =	vadd.s32 v25, v34;
	_ =	sdelay $0x4  }
0x1f4: {  	[tilespmem:v34+s23+$0x0] =	vst.idx.msk vm15, v1  }
0x1f5: {  	[hbm4b:s12+s28] =	stream.strided.scatter [tilespmem:s23], [sflag:$0x1], $0x8000, s29, s28, $0x38;
	[tilespmem:$0xFE00] =	vst v63  }
0x1f6: {  	_ =	swait.ge [sflag:s30], $0x7C00  }
0x1f7: {  	[sflag:s30] =	ssyncset.done $0x0  }
0x1f8: {  	[sflag:s30] =	ssyncadd.s32 $0xFFFF8400  }
0x1f9: {  	v55 =	vld [tilespmem:$0x80];
	_ =	sdelay $0x4  }
0x1fa: {  	v56 =	vadd.s32 $0xFFFFFF00, v55  }
0x1fb: {  	v34 =	vshll.u32 v55, $0x7;
	vm4 =	vlt.u32 v56, $0xF8  }
0x1fc: {  	v34 =	vadd.s32 v9, v34;
	_ =	sdelay $0x4  }
0x1fd: {  	[tilespmem:v34+s24+$0x0] =	vst.idx.msk vm4, v17  }
0x1fe: {  	v34 =	vld [tilespmem:$0x90];
	_ =	sdelay $0x4  }
0x1ff: {  	v57 =	vadd.s32 $0xFFFFFF00, v34  }
0x200: {  	v34 =	vshll.u32 v34, $0x7;
	vm5 =	vlt.u32 v57, $0xF8  }
0x201: {  	v34 =	vadd.s32 v10, v34;
	_ =	sdelay $0x4  }
0x202: {  	[tilespmem:v34+s24+$0x0] =	vst.idx.msk vm5, v17  }
0x203: {  	v34 =	vld [tilespmem:$0xA0];
	_ =	sdelay $0x4  }
0x204: {  	v58 =	vadd.s32 $0xFFFFFF00, v34  }
0x205: {  	v34 =	vshll.u32 v34, $0x7;
	vm6 =	vlt.u32 v58, $0xF8  }
0x206: {  	v34 =	vadd.s32 v11, v34;
	_ =	sdelay $0x4  }
0x207: {  	[tilespmem:v34+s24+$0x0] =	vst.idx.msk vm6, v17  }
0x208: {  	v34 =	vld [tilespmem:$0xB0];
	_ =	sdelay $0x4  }
0x209: {  	v59 =	vadd.s32 $0xFFFFFF00, v34  }
0x20a: {  	v34 =	vshll.u32 v34, $0x7;
	vm7 =	vlt.u32 v59, $0xF8  }
0x20b: {  	v34 =	vadd.s32 v12, v34;
	_ =	sdelay $0x4  }
0x20c: {  	[tilespmem:v34+s24+$0x0] =	vst.idx.msk vm7, v17  }
0x20d: {  	v34 =	vld [tilespmem:$0xC0];
	_ =	sdelay $0x4  }
0x20e: {  	v60 =	vadd.s32 $0xFFFFFF00, v34  }
0x20f: {  	v34 =	vshll.u32 v34, $0x7;
	vm8 =	vlt.u32 v60, $0xF8  }
0x210: {  	v34 =	vadd.s32 v13, v34;
	_ =	sdelay $0x4  }
0x211: {  	[tilespmem:v34+s24+$0x0] =	vst.idx.msk vm8, v17  }
0x212: {  	v34 =	vld [tilespmem:$0xD0];
	_ =	sdelay $0x4  }
0x213: {  	v61 =	vadd.s32 $0xFFFFFF00, v34  }
0x214: {  	v34 =	vshll.u32 v34, $0x7;
	vm9 =	vlt.u32 v61, $0xF8  }
0x215: {  	v34 =	vadd.s32 v14, v34;
	_ =	sdelay $0x4  }
0x216: {  	[tilespmem:v34+s24+$0x0] =	vst.idx.msk vm9, v17  }
0x217: {  	v34 =	vld [tilespmem:$0xE0];
	_ =	sdelay $0x4  }
0x218: {  	v62 =	vadd.s32 $0xFFFFFF00, v34  }
0x219: {  	v34 =	vshll.u32 v34, $0x7;
	vm10 =	vlt.u32 v62, $0xF8  }
0x21a: {  	v34 =	vadd.s32 v15, v34;
	_ =	sdelay $0x4  }
0x21b: {  	[tilespmem:v34+s24+$0x0] =	vst.idx.msk vm10, v17  }
0x21c: {  	v34 =	vld [tilespmem:$0xF0];
	_ =	sdelay $0x4  }
0x21d: {  	v63 =	vadd.s32 $0xFFFFFF00, v34  }
0x21e: {  	v34 =	vshll.u32 v34, $0x7;
	vm11 =	vlt.u32 v63, $0xF8  }
0x21f: {  	v34 =	vadd.s32 v16, v34;
	_ =	sdelay $0x4  }
0x220: {  	[tilespmem:v34+s24+$0x0] =	vst.idx.msk vm11, v17  }
0x221: {  	v34 =	vld [tilespmem:$0x80];
	_ =	sdelay $0x4  }
0x222: {  	v36 =	vadd.s32 $0xFFFFFD08, v34  }
0x223: {  	v34 =	vshll.u32 v34, $0x7;
	vm12 =	vlt.u32 v36, $0xF0  }
0x224: {  	v34 =	vadd.s32 v26, v34;
	_ =	sdelay $0x4  }
0x225: {  	[tilespmem:v34+s24+$0x0] =	vst.idx.msk vm12, v1  }
0x226: {  	v34 =	vld [tilespmem:$0x90];
	_ =	sdelay $0x4  }
0x227: {  	v37 =	vadd.s32 $0xFFFFFD08, v34  }
0x228: {  	v34 =	vshll.u32 v34, $0x7;
	vm13 =	vlt.u32 v37, $0xF0  }
0x229: {  	v34 =	vadd.s32 v27, v34;
	_ =	sdelay $0x4  }
0x22a: {  	[tilespmem:v34+s24+$0x0] =	vst.idx.msk vm13, v1  }
0x22b: {  	v34 =	vld [tilespmem:$0xA0];
	_ =	sdelay $0x4  }
0x22c: {  	v38 =	vadd.s32 $0xFFFFFD08, v34  }
0x22d: {  	v34 =	vshll.u32 v34, $0x7;
	vm14 =	vlt.u32 v38, $0xF0  }
0x22e: {  	v34 =	vadd.s32 v28, v34;
	_ =	sdelay $0x4  }
0x22f: {  	[tilespmem:v34+s24+$0x0] =	vst.idx.msk vm14, v1  }
0x230: {  	v34 =	vld [tilespmem:$0xB0];
	_ =	sdelay $0x4  }
0x231: {  	v39 =	vadd.s32 $0xFFFFFD08, v34  }
0x232: {  	v34 =	vshll.u32 v34, $0x7;
	vm15 =	vlt.u32 v39, $0xF0  }
0x233: {  	v34 =	vadd.s32 v29, v34;
	_ =	sdelay $0x4  }
0x234: {  	[tilespmem:v34+s24+$0x0] =	vst.idx.msk vm15, v1  }
0x235: {  	v34 =	vld [tilespmem:$0xC0];
	_ =	sdelay $0x4  }
0x236: {  	v40 =	vadd.s32 $0xFFFFFD08, v34  }
0x237: {  	v34 =	vshll.u32 v34, $0x7;
	vm4 =	vlt.u32 v40, $0xF0  }
0x238: {  	v34 =	vadd.s32 v30, v34;
	_ =	sdelay $0x4  }
0x239: {  	[tilespmem:v34+s24+$0x0] =	vst.idx.msk vm4, v1  }
0x23a: {  	v34 =	vld [tilespmem:$0xD0];
	_ =	sdelay $0x4  }
0x23b: {  	v41 =	vadd.s32 $0xFFFFFD08, v34  }
0x23c: {  	v34 =	vshll.u32 v34, $0x7;
	vm5 =	vlt.u32 v41, $0xF0  }
0x23d: {  	v34 =	vadd.s32 v31, v34;
	_ =	sdelay $0x4  }
0x23e: {  	[tilespmem:v34+s24+$0x0] =	vst.idx.msk vm5, v1  }
0x23f: {  	v34 =	vld [tilespmem:$0xE0];
	_ =	sdelay $0x4  }
0x240: {  	v42 =	vadd.s32 $0xFFFFFD08, v34  }
0x241: {  	v34 =	vshll.u32 v34, $0x7;
	vm6 =	vlt.u32 v42, $0xF0  }
0x242: {  	v34 =	vadd.s32 v32, v34;
	_ =	sdelay $0x4  }
0x243: {  	[tilespmem:v34+s24+$0x0] =	vst.idx.msk vm6, v1  }
0x244: {  	v34 =	vld [tilespmem:$0xF0];
	_ =	sdelay $0x4  }
0x245: {  	v43 =	vadd.s32 $0xFFFFFD08, v34  }
0x246: {  	v34 =	vshll.u32 v34, $0x7;
	vm7 =	vlt.u32 v43, $0xF0  }
0x247: {  	v34 =	vadd.s32 v33, v34;
	_ =	sdelay $0x4  }
0x248: {  	[tilespmem:v34+s24+$0x0] =	vst.idx.msk vm7, v1  }
0x249: {  	[hbm4b:s13+s28] =	stream.strided.scatter [tilespmem:s24], [sflag:$0x2], $0x7800, s29, s28, $0x38;
	[tilespmem:$0xFE00] =	vst v63  }
0x24a: {  	_ =	swait.ge [sflag:s26], $0x8000  }
0x24b: {  	[sflag:s26] =	ssyncset.done $0x0  }
0x24c: {  	[sflag:s26] =	ssyncadd.s32 $0xFFFF8000  }
0x24d: {  	v44 =	vld [tilespmem:$0x80];
	_ =	sdelay $0x4  }
0x24e: {  	v45 =	vadd.s32 $0xFFFFFE08, v44  }
0x24f: {  	v34 =	vshll.u32 v44, $0x7;
	vm8 =	vlt.u32 v45, $0x100  }
0x250: {  	v34 =	vadd.s32 v18, v34;
	_ =	sdelay $0x4  }
0x251: {  	[tilespmem:v34+s23+$0x0] =	vst.idx.msk vm8, v17  }
0x252: {  	v34 =	vld [tilespmem:$0x90];
	_ =	sdelay $0x4  }
0x253: {  	v46 =	vadd.s32 $0xFFFFFE08, v34  }
0x254: {  	v34 =	vshll.u32 v34, $0x7;
	vm9 =	vlt.u32 v46, $0x100  }
0x255: {  	v34 =	vadd.s32 v19, v34;
	_ =	sdelay $0x4  }
0x256: {  	[tilespmem:v34+s23+$0x0] =	vst.idx.msk vm9, v17  }
0x257: {  	v34 =	vld [tilespmem:$0xA0];
	_ =	sdelay $0x4  }
0x258: {  	v47 =	vadd.s32 $0xFFFFFE08, v34  }
0x259: {  	v34 =	vshll.u32 v34, $0x7;
	vm10 =	vlt.u32 v47, $0x100  }
0x25a: {  	v34 =	vadd.s32 v20, v34;
	_ =	sdelay $0x4  }
0x25b: {  	[tilespmem:v34+s23+$0x0] =	vst.idx.msk vm10, v17  }
0x25c: {  	v34 =	vld [tilespmem:$0xB0];
	_ =	sdelay $0x4  }
0x25d: {  	v48 =	vadd.s32 $0xFFFFFE08, v34  }
0x25e: {  	v34 =	vshll.u32 v34, $0x7;
	vm11 =	vlt.u32 v48, $0x100  }
0x25f: {  	v34 =	vadd.s32 v21, v34;
	_ =	sdelay $0x4  }
0x260: {  	[tilespmem:v34+s23+$0x0] =	vst.idx.msk vm11, v17  }
0x261: {  	v34 =	vld [tilespmem:$0xC0];
	_ =	sdelay $0x4  }
0x262: {  	v49 =	vadd.s32 $0xFFFFFE08, v34  }
0x263: {  	v34 =	vshll.u32 v34, $0x7;
	vm12 =	vlt.u32 v49, $0x100  }
0x264: {  	v34 =	vadd.s32 v22, v34;
	_ =	sdelay $0x4  }
0x265: {  	[tilespmem:v34+s23+$0x0] =	vst.idx.msk vm12, v17  }
0x266: {  	v34 =	vld [tilespmem:$0xD0];
	_ =	sdelay $0x4  }
0x267: {  	v50 =	vadd.s32 $0xFFFFFE08, v34  }
0x268: {  	v34 =	vshll.u32 v34, $0x7;
	vm13 =	vlt.u32 v50, $0x100  }
0x269: {  	v34 =	vadd.s32 v23, v34;
	_ =	sdelay $0x4  }
0x26a: {  	[tilespmem:v34+s23+$0x0] =	vst.idx.msk vm13, v17  }
0x26b: {  	v34 =	vld [tilespmem:$0xE0];
	_ =	sdelay $0x4  }
0x26c: {  	v51 =	vadd.s32 $0xFFFFFE08, v34  }
0x26d: {  	v34 =	vshll.u32 v34, $0x7;
	vm14 =	vlt.u32 v51, $0x100  }
0x26e: {  	v34 =	vadd.s32 v24, v34;
	_ =	sdelay $0x4  }
0x26f: {  	[tilespmem:v34+s23+$0x0] =	vst.idx.msk vm14, v17  }
0x270: {  	v34 =	vld [tilespmem:$0xF0];
	_ =	sdelay $0x4  }
0x271: {  	v52 =	vadd.s32 $0xFFFFFE08, v34  }
0x272: {  	v34 =	vshll.u32 v34, $0x7;
	vm15 =	vlt.u32 v52, $0x100  }
0x273: {  	v34 =	vadd.s32 v25, v34;
	_ =	sdelay $0x4  }
0x274: {  	[tilespmem:v34+s23+$0x0] =	vst.idx.msk vm15, v17  }
0x275: {  	v34 =	vld [tilespmem:$0x100];
	_ =	sdelay $0x4  }
0x276: {  	vm4 =	vlt.u32 v34, $0x100;
	v34 =	vshll.u32 v34, $0x7  }
0x277: {  	v34 =	vor.u32 v0, v34;
	_ =	sdelay $0x4  }
0x278: {  	[tilespmem:v34+s23+$0x0] =	vst.idx.msk vm4, v1  }
0x279: {  	v34 =	vld [tilespmem:$0x110];
	_ =	sdelay $0x4  }
0x27a: {  	vm5 =	vlt.u32 v34, $0x100;
	v34 =	vshll.u32 v34, $0x7  }
0x27b: {  	v34 =	vor.u32 v2, v34;
	_ =	sdelay $0x4  }
0x27c: {  	[tilespmem:v34+s23+$0x0] =	vst.idx.msk vm5, v1  }
0x27d: {  	v34 =	vld [tilespmem:$0x120];
	_ =	sdelay $0x4  }
0x27e: {  	vm6 =	vlt.u32 v34, $0x100;
	v34 =	vshll.u32 v34, $0x7  }
0x27f: {  	v34 =	vor.u32 v3, v34;
	_ =	sdelay $0x4  }
0x280: {  	[tilespmem:v34+s23+$0x0] =	vst.idx.msk vm6, v1  }
0x281: {  	v34 =	vld [tilespmem:$0x130];
	_ =	sdelay $0x4  }
0x282: {  	vm7 =	vlt.u32 v34, $0x100;
	v34 =	vshll.u32 v34, $0x7  }
0x283: {  	v34 =	vor.u32 v4, v34;
	_ =	sdelay $0x4  }
0x284: {  	[tilespmem:v34+s23+$0x0] =	vst.idx.msk vm7, v1  }
0x285: {  	v34 =	vld [tilespmem:$0x140];
	_ =	sdelay $0x4  }
0x286: {  	vm8 =	vlt.u32 v34, $0x100;
	v34 =	vshll.u32 v34, $0x7  }
0x287: {  	v34 =	vor.u32 v5, v34;
	_ =	sdelay $0x4  }
0x288: {  	[tilespmem:v34+s23+$0x0] =	vst.idx.msk vm8, v1  }
0x289: {  	v34 =	vld [tilespmem:$0x150];
	_ =	sdelay $0x4  }
0x28a: {  	vm9 =	vlt.u32 v34, $0x100;
	v34 =	vshll.u32 v34, $0x7  }
0x28b: {  	v34 =	vor.u32 v6, v34;
	_ =	sdelay $0x4  }
0x28c: {  	[tilespmem:v34+s23+$0x0] =	vst.idx.msk vm9, v1  }
0x28d: {  	v34 =	vld [tilespmem:$0x160];
	_ =	sdelay $0x4  }
0x28e: {  	vm10 =	vlt.u32 v34, $0x100;
	v34 =	vshll.u32 v34, $0x7  }
0x28f: {  	v34 =	vor.u32 v7, v34;
	_ =	sdelay $0x4  }
0x290: {  	[tilespmem:v34+s23+$0x0] =	vst.idx.msk vm10, v1  }
0x291: {  	v34 =	vld [tilespmem:$0x170];
	_ =	sdelay $0x4  }
0x292: {  	vm11 =	vlt.u32 v34, $0x100;
	v34 =	vshll.u32 v34, $0x7  }
0x293: {  	v34 =	vor.u32 v8, v34;
	_ =	sdelay $0x4  }
0x294: {  	[tilespmem:v34+s23+$0x0] =	vst.idx.msk vm11, v1  }
0x295: {  	[hbm4b:s15+s28] =	stream.strided.scatter [tilespmem:s23], [sflag:$0x1], $0x8000, s29, s28, $0x38;
	[tilespmem:$0xFE00] =	vst v63  }
0x296: {  	_ =	swait.ge [sflag:s30], $0x7800  }
0x297: {  	[sflag:s30] =	ssyncset.done $0x0  }
0x298: {  	[sflag:s30] =	ssyncadd.s32 $0xFFFF8800  }
0x299: {  	v53 =	vld [tilespmem:$0x80];
	_ =	sdelay $0x4  }
0x29a: {  	v54 =	vadd.s32 $0xFFFFFD08, v53  }
0x29b: {  	v34 =	vshll.u32 v53, $0x7;
	vm12 =	vlt.u32 v54, $0xF0  }
0x29c: {  	v34 =	vadd.s32 v26, v34;
	_ =	sdelay $0x4  }
0x29d: {  	[tilespmem:v34+s24+$0x0] =	vst.idx.msk vm12, v17  }
0x29e: {  	v34 =	vld [tilespmem:$0x90];
	_ =	sdelay $0x4  }
0x29f: {  	v55 =	vadd.s32 $0xFFFFFD08, v34  }
0x2a0: {  	v34 =	vshll.u32 v34, $0x7;
	vm13 =	vlt.u32 v55, $0xF0  }
0x2a1: {  	v34 =	vadd.s32 v27, v34;
	_ =	sdelay $0x4  }
0x2a2: {  	[tilespmem:v34+s24+$0x0] =	vst.idx.msk vm13, v17  }
0x2a3: {  	v34 =	vld [tilespmem:$0xA0];
	_ =	sdelay $0x4  }
0x2a4: {  	v56 =	vadd.s32 $0xFFFFFD08, v34  }
0x2a5: {  	v34 =	vshll.u32 v34, $0x7;
	vm14 =	vlt.u32 v56, $0xF0  }
0x2a6: {  	v34 =	vadd.s32 v28, v34;
	_ =	sdelay $0x4  }
0x2a7: {  	[tilespmem:v34+s24+$0x0] =	vst.idx.msk vm14, v17  }
0x2a8: {  	v34 =	vld [tilespmem:$0xB0];
	_ =	sdelay $0x4  }
0x2a9: {  	v57 =	vadd.s32 $0xFFFFFD08, v34  }
0x2aa: {  	v34 =	vshll.u32 v34, $0x7;
	vm15 =	vlt.u32 v57, $0xF0  }
0x2ab: {  	v34 =	vadd.s32 v29, v34;
	_ =	sdelay $0x4  }
0x2ac: {  	[tilespmem:v34+s24+$0x0] =	vst.idx.msk vm15, v17  }
0x2ad: {  	v34 =	vld [tilespmem:$0xC0];
	_ =	sdelay $0x4  }
0x2ae: {  	v58 =	vadd.s32 $0xFFFFFD08, v34  }
0x2af: {  	v34 =	vshll.u32 v34, $0x7;
	vm4 =	vlt.u32 v58, $0xF0  }
0x2b0: {  	v34 =	vadd.s32 v30, v34;
	_ =	sdelay $0x4  }
0x2b1: {  	[tilespmem:v34+s24+$0x0] =	vst.idx.msk vm4, v17  }
0x2b2: {  	v34 =	vld [tilespmem:$0xD0];
	_ =	sdelay $0x4  }
0x2b3: {  	v59 =	vadd.s32 $0xFFFFFD08, v34  }
0x2b4: {  	v34 =	vshll.u32 v34, $0x7;
	vm5 =	vlt.u32 v59, $0xF0  }
0x2b5: {  	v34 =	vadd.s32 v31, v34;
	_ =	sdelay $0x4  }
0x2b6: {  	[tilespmem:v34+s24+$0x0] =	vst.idx.msk vm5, v17  }
0x2b7: {  	v34 =	vld [tilespmem:$0xE0];
	_ =	sdelay $0x4  }
0x2b8: {  	v60 =	vadd.s32 $0xFFFFFD08, v34  }
0x2b9: {  	v34 =	vshll.u32 v34, $0x7;
	vm6 =	vlt.u32 v60, $0xF0  }
0x2ba: {  	v34 =	vadd.s32 v32, v34;
	_ =	sdelay $0x4  }
0x2bb: {  	[tilespmem:v34+s24+$0x0] =	vst.idx.msk vm6, v17  }
0x2bc: {  	v34 =	vld [tilespmem:$0xF0];
	_ =	sdelay $0x4  }
0x2bd: {  	v61 =	vadd.s32 $0xFFFFFD08, v34  }
0x2be: {  	v34 =	vshll.u32 v34, $0x7;
	vm7 =	vlt.u32 v61, $0xF0  }
0x2bf: {  	v34 =	vadd.s32 v33, v34;
	_ =	sdelay $0x4  }
0x2c0: {  	[tilespmem:v34+s24+$0x0] =	vst.idx.msk vm7, v17  }
0x2c1: {  	v34 =	vld [tilespmem:$0x100];
	_ =	sdelay $0x4  }
0x2c2: {  	v62 =	vadd.s32 $0xFFFFFF00, v34  }
0x2c3: {  	v34 =	vshll.u32 v34, $0x7;
	vm8 =	vlt.u32 v62, $0xF8  }
0x2c4: {  	v34 =	vadd.s32 v9, v34;
	_ =	sdelay $0x4  }
0x2c5: {  	[tilespmem:v34+s24+$0x0] =	vst.idx.msk vm8, v1  }
0x2c6: {  	v34 =	vld [tilespmem:$0x110];
	_ =	sdelay $0x4  }
0x2c7: {  	v63 =	vadd.s32 $0xFFFFFF00, v34  }
0x2c8: {  	v34 =	vshll.u32 v34, $0x7;
	vm9 =	vlt.u32 v63, $0xF8  }
0x2c9: {  	v34 =	vadd.s32 v10, v34;
	_ =	sdelay $0x4  }
0x2ca: {  	[tilespmem:v34+s24+$0x0] =	vst.idx.msk vm9, v1  }
0x2cb: {  	v34 =	vld [tilespmem:$0x120];
	_ =	sdelay $0x4  }
0x2cc: {  	v36 =	vadd.s32 $0xFFFFFF00, v34  }
0x2cd: {  	v34 =	vshll.u32 v34, $0x7;
	vm10 =	vlt.u32 v36, $0xF8  }
0x2ce: {  	v34 =	vadd.s32 v11, v34;
	_ =	sdelay $0x4  }
0x2cf: {  	[tilespmem:v34+s24+$0x0] =	vst.idx.msk vm10, v1  }
0x2d0: {  	v34 =	vld [tilespmem:$0x130];
	_ =	sdelay $0x4  }
0x2d1: {  	v37 =	vadd.s32 $0xFFFFFF00, v34  }
0x2d2: {  	v34 =	vshll.u32 v34, $0x7;
	vm11 =	vlt.u32 v37, $0xF8  }
0x2d3: {  	v34 =	vadd.s32 v12, v34;
	_ =	sdelay $0x4  }
0x2d4: {  	[tilespmem:v34+s24+$0x0] =	vst.idx.msk vm11, v1  }
0x2d5: {  	v34 =	vld [tilespmem:$0x140];
	_ =	sdelay $0x4  }
0x2d6: {  	v38 =	vadd.s32 $0xFFFFFF00, v34  }
0x2d7: {  	v34 =	vshll.u32 v34, $0x7;
	vm12 =	vlt.u32 v38, $0xF8  }
0x2d8: {  	v34 =	vadd.s32 v13, v34;
	_ =	sdelay $0x4  }
0x2d9: {  	[tilespmem:v34+s24+$0x0] =	vst.idx.msk vm12, v1  }
0x2da: {  	v34 =	vld [tilespmem:$0x150];
	_ =	sdelay $0x4  }
0x2db: {  	v39 =	vadd.s32 $0xFFFFFF00, v34  }
0x2dc: {  	v34 =	vshll.u32 v34, $0x7;
	vm13 =	vlt.u32 v39, $0xF8  }
0x2dd: {  	v34 =	vadd.s32 v14, v34;
	_ =	sdelay $0x4  }
0x2de: {  	[tilespmem:v34+s24+$0x0] =	vst.idx.msk vm13, v1  }
0x2df: {  	v34 =	vld [tilespmem:$0x160];
	_ =	sdelay $0x4  }
0x2e0: {  	v40 =	vadd.s32 $0xFFFFFF00, v34  }
0x2e1: {  	v34 =	vshll.u32 v34, $0x7;
	vm14 =	vlt.u32 v40, $0xF8  }
0x2e2: {  	v34 =	vadd.s32 v15, v34;
	_ =	sdelay $0x4  }
0x2e3: {  	[tilespmem:v34+s24+$0x0] =	vst.idx.msk vm14, v1  }
0x2e4: {  	v34 =	vld [tilespmem:$0x170];
	_ =	sdelay $0x4  }
0x2e5: {  	v41 =	vadd.s32 $0xFFFFFF00, v34  }
0x2e6: {  	v34 =	vshll.u32 v34, $0x7;
	vm15 =	vlt.u32 v41, $0xF8  }
0x2e7: {  	v34 =	vadd.s32 v16, v34;
	_ =	sdelay $0x4  }
0x2e8: {  	[tilespmem:v34+s24+$0x0] =	vst.idx.msk vm15, v1  }
0x2e9: {  	[hbm4b:s14+s28] =	stream.strided.scatter [tilespmem:s24], [sflag:$0x2], $0x7C00, s29, s28, $0x38;
	[tilespmem:$0xFE00] =	vst v63  }
0x2ea: {  	_ =	swait.ge [sflag:s26], $0x8000  }
0x2eb: {  	[sflag:s26] =	ssyncset.done $0x0  }
0x2ec: {  	[sflag:s26] =	ssyncadd.s32 $0xFFFF8000  }
0x2ed: {  	v42 =	vld [tilespmem:$0x100];
	_ =	sdelay $0x4  }
0x2ee: {  	vm4 =	vlt.u32 v42, $0x100;
	v34 =	vshll.u32 v42, $0x7  }
0x2ef: {  	v34 =	vor.u32 v0, v34;
	_ =	sdelay $0x4  }
0x2f0: {  	[tilespmem:v34+s23+$0x0] =	vst.idx.msk vm4, v17  }
0x2f1: {  	v34 =	vld [tilespmem:$0x110];
	_ =	sdelay $0x4  }
0x2f2: {  	vm5 =	vlt.u32 v34, $0x100;
	v34 =	vshll.u32 v34, $0x7  }
0x2f3: {  	v34 =	vor.u32 v2, v34;
	_ =	sdelay $0x4  }
0x2f4: {  	[tilespmem:v34+s23+$0x0] =	vst.idx.msk vm5, v17  }
0x2f5: {  	v34 =	vld [tilespmem:$0x120];
	_ =	sdelay $0x4  }
0x2f6: {  	vm6 =	vlt.u32 v34, $0x100;
	v34 =	vshll.u32 v34, $0x7  }
0x2f7: {  	v34 =	vor.u32 v3, v34;
	_ =	sdelay $0x4  }
0x2f8: {  	[tilespmem:v34+s23+$0x0] =	vst.idx.msk vm6, v17  }
0x2f9: {  	v34 =	vld [tilespmem:$0x130];
	_ =	sdelay $0x4  }
0x2fa: {  	vm7 =	vlt.u32 v34, $0x100;
	v34 =	vshll.u32 v34, $0x7  }
0x2fb: {  	v34 =	vor.u32 v4, v34;
	_ =	sdelay $0x4  }
0x2fc: {  	[tilespmem:v34+s23+$0x0] =	vst.idx.msk vm7, v17  }
0x2fd: {  	v34 =	vld [tilespmem:$0x140];
	_ =	sdelay $0x4  }
0x2fe: {  	vm8 =	vlt.u32 v34, $0x100;
	v34 =	vshll.u32 v34, $0x7  }
0x2ff: {  	v34 =	vor.u32 v5, v34;
	_ =	sdelay $0x4  }
0x300: {  	[tilespmem:v34+s23+$0x0] =	vst.idx.msk vm8, v17  }
0x301: {  	v34 =	vld [tilespmem:$0x150];
	_ =	sdelay $0x4  }
0x302: {  	vm9 =	vlt.u32 v34, $0x100;
	v34 =	vshll.u32 v34, $0x7  }
0x303: {  	v34 =	vor.u32 v6, v34;
	_ =	sdelay $0x4  }
0x304: {  	[tilespmem:v34+s23+$0x0] =	vst.idx.msk vm9, v17  }
0x305: {  	v34 =	vld [tilespmem:$0x160];
	_ =	sdelay $0x4  }
0x306: {  	vm10 =	vlt.u32 v34, $0x100;
	v34 =	vshll.u32 v34, $0x7  }
0x307: {  	v34 =	vor.u32 v7, v34;
	_ =	sdelay $0x4  }
0x308: {  	[tilespmem:v34+s23+$0x0] =	vst.idx.msk vm10, v17  }
0x309: {  	v34 =	vld [tilespmem:$0x170];
	_ =	sdelay $0x4  }
0x30a: {  	vm11 =	vlt.u32 v34, $0x100;
	v34 =	vshll.u32 v34, $0x7  }
0x30b: {  	v34 =	vor.u32 v8, v34;
	_ =	sdelay $0x4  }
0x30c: {  	[tilespmem:v34+s23+$0x0] =	vst.idx.msk vm11, v17  }
0x30d: {  	v34 =	vld [tilespmem:$0x100];
	_ =	sdelay $0x4  }
0x30e: {  	v43 =	vadd.s32 $0xFFFFFE08, v34  }
0x30f: {  	v34 =	vshll.u32 v34, $0x7;
	vm12 =	vlt.u32 v43, $0x100  }
0x310: {  	v34 =	vadd.s32 v18, v34;
	_ =	sdelay $0x4  }
0x311: {  	[tilespmem:v34+s23+$0x0] =	vst.idx.msk vm12, v1  }
0x312: {  	v34 =	vld [tilespmem:$0x110];
	_ =	sdelay $0x4  }
0x313: {  	v44 =	vadd.s32 $0xFFFFFE08, v34  }
0x314: {  	v34 =	vshll.u32 v34, $0x7;
	vm13 =	vlt.u32 v44, $0x100  }
0x315: {  	v34 =	vadd.s32 v19, v34;
	_ =	sdelay $0x4  }
0x316: {  	[tilespmem:v34+s23+$0x0] =	vst.idx.msk vm13, v1  }
0x317: {  	v34 =	vld [tilespmem:$0x120];
	_ =	sdelay $0x4  }
0x318: {  	v45 =	vadd.s32 $0xFFFFFE08, v34  }
0x319: {  	v34 =	vshll.u32 v34, $0x7;
	vm14 =	vlt.u32 v45, $0x100  }
0x31a: {  	v34 =	vadd.s32 v20, v34;
	_ =	sdelay $0x4  }
0x31b: {  	[tilespmem:v34+s23+$0x0] =	vst.idx.msk vm14, v1  }
0x31c: {  	v34 =	vld [tilespmem:$0x130];
	_ =	sdelay $0x4  }
0x31d: {  	v46 =	vadd.s32 $0xFFFFFE08, v34  }
0x31e: {  	v34 =	vshll.u32 v34, $0x7;
	vm15 =	vlt.u32 v46, $0x100  }
0x31f: {  	v34 =	vadd.s32 v21, v34;
	_ =	sdelay $0x4  }
0x320: {  	[tilespmem:v34+s23+$0x0] =	vst.idx.msk vm15, v1  }
0x321: {  	v34 =	vld [tilespmem:$0x140];
	_ =	sdelay $0x4  }
0x322: {  	v47 =	vadd.s32 $0xFFFFFE08, v34  }
0x323: {  	v34 =	vshll.u32 v34, $0x7;
	vm4 =	vlt.u32 v47, $0x100  }
0x324: {  	v34 =	vadd.s32 v22, v34;
	_ =	sdelay $0x4  }
0x325: {  	[tilespmem:v34+s23+$0x0] =	vst.idx.msk vm4, v1  }
0x326: {  	v34 =	vld [tilespmem:$0x150];
	_ =	sdelay $0x4  }
0x327: {  	v48 =	vadd.s32 $0xFFFFFE08, v34  }
0x328: {  	v34 =	vshll.u32 v34, $0x7;
	vm5 =	vlt.u32 v48, $0x100  }
0x329: {  	v34 =	vadd.s32 v23, v34;
	_ =	sdelay $0x4  }
0x32a: {  	[tilespmem:v34+s23+$0x0] =	vst.idx.msk vm5, v1  }
0x32b: {  	v34 =	vld [tilespmem:$0x160];
	_ =	sdelay $0x4  }
0x32c: {  	v49 =	vadd.s32 $0xFFFFFE08, v34  }
0x32d: {  	v34 =	vshll.u32 v34, $0x7;
	vm6 =	vlt.u32 v49, $0x100  }
0x32e: {  	v34 =	vadd.s32 v24, v34;
	_ =	sdelay $0x4  }
0x32f: {  	[tilespmem:v34+s23+$0x0] =	vst.idx.msk vm6, v1  }
0x330: {  	v34 =	vld [tilespmem:$0x170];
	_ =	sdelay $0x4  }
0x331: {  	v50 =	vadd.s32 $0xFFFFFE08, v34  }
0x332: {  	v34 =	vshll.u32 v34, $0x7;
	vm7 =	vlt.u32 v50, $0x100  }
0x333: {  	v34 =	vadd.s32 v25, v34;
	_ =	sdelay $0x4  }
0x334: {  	[tilespmem:v34+s23+$0x0] =	vst.idx.msk vm7, v1  }
0x335: {  	[hbm4b:s16+s28] =	stream.strided.scatter [tilespmem:s23], [sflag:$0x1], $0x8000, s29, s28, $0x38;
	[tilespmem:$0xFE00] =	vst v63  }
0x336: {  	_ =	swait.ge [sflag:s30], $0x7C00  }
0x337: {  	[sflag:s30] =	ssyncset.done $0x0  }
0x338: {  	[sflag:s30] =	ssyncadd.s32 $0xFFFF8400  }
0x339: {  	v51 =	vld [tilespmem:$0x100];
	_ =	sdelay $0x4  }
0x33a: {  	v52 =	vadd.s32 $0xFFFFFF00, v51  }
0x33b: {  	v34 =	vshll.u32 v51, $0x7;
	vm8 =	vlt.u32 v52, $0xF8  }
0x33c: {  	v34 =	vadd.s32 v9, v34;
	_ =	sdelay $0x4  }
0x33d: {  	[tilespmem:v34+s24+$0x0] =	vst.idx.msk vm8, v17  }
0x33e: {  	v34 =	vld [tilespmem:$0x110];
	_ =	sdelay $0x4  }
0x33f: {  	v53 =	vadd.s32 $0xFFFFFF00, v34  }
0x340: {  	v34 =	vshll.u32 v34, $0x7;
	vm9 =	vlt.u32 v53, $0xF8  }
0x341: {  	v34 =	vadd.s32 v10, v34;
	_ =	sdelay $0x4  }
0x342: {  	[tilespmem:v34+s24+$0x0] =	vst.idx.msk vm9, v17  }
0x343: {  	v34 =	vld [tilespmem:$0x120];
	_ =	sdelay $0x4  }
0x344: {  	v54 =	vadd.s32 $0xFFFFFF00, v34  }
0x345: {  	v34 =	vshll.u32 v34, $0x7;
	vm10 =	vlt.u32 v54, $0xF8  }
0x346: {  	v34 =	vadd.s32 v11, v34;
	_ =	sdelay $0x4  }
0x347: {  	[tilespmem:v34+s24+$0x0] =	vst.idx.msk vm10, v17  }
0x348: {  	v34 =	vld [tilespmem:$0x130];
	_ =	sdelay $0x4  }
0x349: {  	v55 =	vadd.s32 $0xFFFFFF00, v34  }
0x34a: {  	v34 =	vshll.u32 v34, $0x7;
	vm11 =	vlt.u32 v55, $0xF8  }
0x34b: {  	v34 =	vadd.s32 v12, v34;
	_ =	sdelay $0x4  }
0x34c: {  	[tilespmem:v34+s24+$0x0] =	vst.idx.msk vm11, v17  }
0x34d: {  	v34 =	vld [tilespmem:$0x140];
	_ =	sdelay $0x4  }
0x34e: {  	v56 =	vadd.s32 $0xFFFFFF00, v34  }
0x34f: {  	v34 =	vshll.u32 v34, $0x7;
	vm12 =	vlt.u32 v56, $0xF8  }
0x350: {  	v34 =	vadd.s32 v13, v34;
	_ =	sdelay $0x4  }
0x351: {  	[tilespmem:v34+s24+$0x0] =	vst.idx.msk vm12, v17  }
0x352: {  	v34 =	vld [tilespmem:$0x150];
	_ =	sdelay $0x4  }
0x353: {  	v57 =	vadd.s32 $0xFFFFFF00, v34  }
0x354: {  	v34 =	vshll.u32 v34, $0x7;
	vm13 =	vlt.u32 v57, $0xF8  }
0x355: {  	v34 =	vadd.s32 v14, v34;
	_ =	sdelay $0x4  }
0x356: {  	[tilespmem:v34+s24+$0x0] =	vst.idx.msk vm13, v17  }
0x357: {  	v34 =	vld [tilespmem:$0x160];
	_ =	sdelay $0x4  }
0x358: {  	v58 =	vadd.s32 $0xFFFFFF00, v34  }
0x359: {  	v34 =	vshll.u32 v34, $0x7;
	vm14 =	vlt.u32 v58, $0xF8  }
0x35a: {  	v34 =	vadd.s32 v15, v34;
	_ =	sdelay $0x4  }
0x35b: {  	[tilespmem:v34+s24+$0x0] =	vst.idx.msk vm14, v17  }
0x35c: {  	v34 =	vld [tilespmem:$0x170];
	_ =	sdelay $0x4  }
0x35d: {  	v59 =	vadd.s32 $0xFFFFFF00, v34  }
0x35e: {  	v34 =	vshll.u32 v34, $0x7;
	vm15 =	vlt.u32 v59, $0xF8  }
0x35f: {  	v34 =	vadd.s32 v16, v34;
	_ =	sdelay $0x4  }
0x360: {  	[tilespmem:v34+s24+$0x0] =	vst.idx.msk vm15, v17  }
0x361: {  	v34 =	vld [tilespmem:$0x100];
	_ =	sdelay $0x4  }
0x362: {  	v60 =	vadd.s32 $0xFFFFFD08, v34  }
0x363: {  	v34 =	vshll.u32 v34, $0x7;
	vm4 =	vlt.u32 v60, $0xF0  }
0x364: {  	v34 =	vadd.s32 v26, v34;
	_ =	sdelay $0x4  }
0x365: {  	[tilespmem:v34+s24+$0x0] =	vst.idx.msk vm4, v1  }
0x366: {  	v34 =	vld [tilespmem:$0x110];
	_ =	sdelay $0x4  }
0x367: {  	v61 =	vadd.s32 $0xFFFFFD08, v34  }
0x368: {  	v34 =	vshll.u32 v34, $0x7;
	vm5 =	vlt.u32 v61, $0xF0  }
0x369: {  	v34 =	vadd.s32 v27, v34;
	_ =	sdelay $0x4  }
0x36a: {  	[tilespmem:v34+s24+$0x0] =	vst.idx.msk vm5, v1  }
0x36b: {  	v34 =	vld [tilespmem:$0x120];
	_ =	sdelay $0x4  }
0x36c: {  	v62 =	vadd.s32 $0xFFFFFD08, v34  }
0x36d: {  	v34 =	vshll.u32 v34, $0x7;
	vm6 =	vlt.u32 v62, $0xF0  }
0x36e: {  	v34 =	vadd.s32 v28, v34;
	_ =	sdelay $0x4  }
0x36f: {  	[tilespmem:v34+s24+$0x0] =	vst.idx.msk vm6, v1  }
0x370: {  	v34 =	vld [tilespmem:$0x130];
	_ =	sdelay $0x4  }
0x371: {  	v63 =	vadd.s32 $0xFFFFFD08, v34  }
0x372: {  	v34 =	vshll.u32 v34, $0x7;
	vm7 =	vlt.u32 v63, $0xF0  }
0x373: {  	v34 =	vadd.s32 v29, v34;
	_ =	sdelay $0x4  }
0x374: {  	[tilespmem:v34+s24+$0x0] =	vst.idx.msk vm7, v1  }
0x375: {  	v34 =	vld [tilespmem:$0x140];
	_ =	sdelay $0x4  }
0x376: {  	v36 =	vadd.s32 $0xFFFFFD08, v34  }
0x377: {  	v34 =	vshll.u32 v34, $0x7;
	vm8 =	vlt.u32 v36, $0xF0  }
0x378: {  	v34 =	vadd.s32 v30, v34;
	_ =	sdelay $0x4  }
0x379: {  	[tilespmem:v34+s24+$0x0] =	vst.idx.msk vm8, v1  }
0x37a: {  	v34 =	vld [tilespmem:$0x150];
	_ =	sdelay $0x4  }
0x37b: {  	v37 =	vadd.s32 $0xFFFFFD08, v34  }
0x37c: {  	v34 =	vshll.u32 v34, $0x7;
	vm9 =	vlt.u32 v37, $0xF0  }
0x37d: {  	v34 =	vadd.s32 v31, v34;
	_ =	sdelay $0x4  }
0x37e: {  	[tilespmem:v34+s24+$0x0] =	vst.idx.msk vm9, v1  }
0x37f: {  	v34 =	vld [tilespmem:$0x160];
	_ =	sdelay $0x4  }
0x380: {  	v38 =	vadd.s32 $0xFFFFFD08, v34  }
0x381: {  	v34 =	vshll.u32 v34, $0x7;
	vm10 =	vlt.u32 v38, $0xF0  }
0x382: {  	v34 =	vadd.s32 v32, v34;
	_ =	sdelay $0x4  }
0x383: {  	[tilespmem:v34+s24+$0x0] =	vst.idx.msk vm10, v1  }
0x384: {  	v34 =	vld [tilespmem:$0x170];
	_ =	sdelay $0x4  }
0x385: {  	v39 =	vadd.s32 $0xFFFFFD08, v34  }
0x386: {  	v34 =	vshll.u32 v34, $0x7;
	vm11 =	vlt.u32 v39, $0xF0  }
0x387: {  	v34 =	vadd.s32 v33, v34;
	_ =	sdelay $0x4  }
0x388: {  	[tilespmem:v34+s24+$0x0] =	vst.idx.msk vm11, v1  }
0x389: {  	[hbm4b:s17+s28] =	stream.strided.scatter [tilespmem:s24], [sflag:$0x2], $0x7800, s29, s28, $0x38;
	[tilespmem:$0xFE00] =	vst v63  }
0x38a: {  	_ =	swait.ge [sflag:s26], $0x8000  }
0x38b: {  	[sflag:s26] =	ssyncset.done $0x0  }
0x38c: {  	[sflag:s26] =	ssyncadd.s32 $0xFFFF8000  }
0x38d: {  	v40 =	vld [tilespmem:$0x100];
	_ =	sdelay $0x4  }
0x38e: {  	v41 =	vadd.s32 $0xFFFFFE08, v40  }
0x38f: {  	v34 =	vshll.u32 v40, $0x7;
	vm12 =	vlt.u32 v41, $0x100  }
0x390: {  	v34 =	vadd.s32 v18, v34;
	_ =	sdelay $0x4  }
0x391: {  	[tilespmem:v34+s23+$0x0] =	vst.idx.msk vm12, v17  }
0x392: {  	v34 =	vld [tilespmem:$0x110];
	_ =	sdelay $0x4  }
0x393: {  	v42 =	vadd.s32 $0xFFFFFE08, v34  }
0x394: {  	v34 =	vshll.u32 v34, $0x7;
	vm13 =	vlt.u32 v42, $0x100  }
0x395: {  	v34 =	vadd.s32 v19, v34;
	_ =	sdelay $0x4  }
0x396: {  	[tilespmem:v34+s23+$0x0] =	vst.idx.msk vm13, v17  }
0x397: {  	v34 =	vld [tilespmem:$0x120];
	_ =	sdelay $0x4  }
0x398: {  	v43 =	vadd.s32 $0xFFFFFE08, v34  }
0x399: {  	v34 =	vshll.u32 v34, $0x7;
	vm14 =	vlt.u32 v43, $0x100  }
0x39a: {  	v34 =	vadd.s32 v20, v34;
	_ =	sdelay $0x4  }
0x39b: {  	[tilespmem:v34+s23+$0x0] =	vst.idx.msk vm14, v17  }
0x39c: {  	v34 =	vld [tilespmem:$0x130];
	_ =	sdelay $0x4  }
0x39d: {  	v44 =	vadd.s32 $0xFFFFFE08, v34  }
0x39e: {  	v34 =	vshll.u32 v34, $0x7;
	vm15 =	vlt.u32 v44, $0x100  }
0x39f: {  	v34 =	vadd.s32 v21, v34;
	_ =	sdelay $0x4  }
0x3a0: {  	[tilespmem:v34+s23+$0x0] =	vst.idx.msk vm15, v17  }
0x3a1: {  	v34 =	vld [tilespmem:$0x140];
	_ =	sdelay $0x4  }
0x3a2: {  	v45 =	vadd.s32 $0xFFFFFE08, v34  }
0x3a3: {  	v34 =	vshll.u32 v34, $0x7;
	vm4 =	vlt.u32 v45, $0x100  }
0x3a4: {  	v34 =	vadd.s32 v22, v34;
	_ =	sdelay $0x4  }
0x3a5: {  	[tilespmem:v34+s23+$0x0] =	vst.idx.msk vm4, v17  }
0x3a6: {  	v34 =	vld [tilespmem:$0x150];
	_ =	sdelay $0x4  }
0x3a7: {  	v46 =	vadd.s32 $0xFFFFFE08, v34  }
0x3a8: {  	v34 =	vshll.u32 v34, $0x7;
	vm5 =	vlt.u32 v46, $0x100  }
0x3a9: {  	v34 =	vadd.s32 v23, v34;
	_ =	sdelay $0x4  }
0x3aa: {  	[tilespmem:v34+s23+$0x0] =	vst.idx.msk vm5, v17  }
0x3ab: {  	v34 =	vld [tilespmem:$0x160];
	_ =	sdelay $0x4  }
0x3ac: {  	v47 =	vadd.s32 $0xFFFFFE08, v34  }
0x3ad: {  	v34 =	vshll.u32 v34, $0x7;
	vm6 =	vlt.u32 v47, $0x100  }
0x3ae: {  	v34 =	vadd.s32 v24, v34;
	_ =	sdelay $0x4  }
0x3af: {  	[tilespmem:v34+s23+$0x0] =	vst.idx.msk vm6, v17  }
0x3b0: {  	v34 =	vld [tilespmem:$0x170];
	_ =	sdelay $0x4  }
0x3b1: {  	v48 =	vadd.s32 $0xFFFFFE08, v34  }
0x3b2: {  	v34 =	vshll.u32 v34, $0x7;
	vm7 =	vlt.u32 v48, $0x100  }
0x3b3: {  	v34 =	vadd.s32 v25, v34;
	_ =	sdelay $0x4  }
0x3b4: {  	[tilespmem:v34+s23+$0x0] =	vst.idx.msk vm7, v17  }
0x3b5: {  	v34 =	vld [tilespmem:$0x180];
	_ =	sdelay $0x4  }
0x3b6: {  	vm8 =	vlt.u32 v34, $0x100;
	v34 =	vshll.u32 v34, $0x7  }
0x3b7: {  	v34 =	vor.u32 v0, v34;
	_ =	sdelay $0x4  }
0x3b8: {  	[tilespmem:v34+s23+$0x0] =	vst.idx.msk vm8, v1  }
0x3b9: {  	v34 =	vld [tilespmem:$0x190];
	_ =	sdelay $0x4  }
0x3ba: {  	vm9 =	vlt.u32 v34, $0x100;
	v34 =	vshll.u32 v34, $0x7  }
0x3bb: {  	v34 =	vor.u32 v2, v34;
	_ =	sdelay $0x4  }
0x3bc: {  	[tilespmem:v34+s23+$0x0] =	vst.idx.msk vm9, v1  }
0x3bd: {  	v34 =	vld [tilespmem:$0x1A0];
	_ =	sdelay $0x4  }
0x3be: {  	vm10 =	vlt.u32 v34, $0x100;
	v34 =	vshll.u32 v34, $0x7  }
0x3bf: {  	v34 =	vor.u32 v3, v34;
	_ =	sdelay $0x4  }
0x3c0: {  	[tilespmem:v34+s23+$0x0] =	vst.idx.msk vm10, v1  }
0x3c1: {  	v34 =	vld [tilespmem:$0x1B0];
	_ =	sdelay $0x4  }
0x3c2: {  	vm11 =	vlt.u32 v34, $0x100;
	v34 =	vshll.u32 v34, $0x7  }
0x3c3: {  	v34 =	vor.u32 v4, v34;
	_ =	sdelay $0x4  }
0x3c4: {  	[tilespmem:v34+s23+$0x0] =	vst.idx.msk vm11, v1  }
0x3c5: {  	v34 =	vld [tilespmem:$0x1C0];
	_ =	sdelay $0x4  }
0x3c6: {  	vm12 =	vlt.u32 v34, $0x100;
	v34 =	vshll.u32 v34, $0x7  }
0x3c7: {  	v34 =	vor.u32 v5, v34;
	_ =	sdelay $0x4  }
0x3c8: {  	[tilespmem:v34+s23+$0x0] =	vst.idx.msk vm12, v1  }
0x3c9: {  	v34 =	vld [tilespmem:$0x1D0];
	_ =	sdelay $0x4  }
0x3ca: {  	vm13 =	vlt.u32 v34, $0x100;
	v34 =	vshll.u32 v34, $0x7  }
0x3cb: {  	v34 =	vor.u32 v6, v34;
	_ =	sdelay $0x4  }
0x3cc: {  	[tilespmem:v34+s23+$0x0] =	vst.idx.msk vm13, v1  }
0x3cd: {  	v34 =	vld [tilespmem:$0x1E0];
	_ =	sdelay $0x4  }
0x3ce: {  	vm14 =	vlt.u32 v34, $0x100;
	v34 =	vshll.u32 v34, $0x7  }
0x3cf: {  	v34 =	vor.u32 v7, v34;
	_ =	sdelay $0x4  }
0x3d0: {  	[tilespmem:v34+s23+$0x0] =	vst.idx.msk vm14, v1  }
0x3d1: {  	v34 =	vld [tilespmem:$0x1F0];
	_ =	sdelay $0x4  }
0x3d2: {  	vm15 =	vlt.u32 v34, $0x100;
	v34 =	vshll.u32 v34, $0x7  }
0x3d3: {  	v34 =	vor.u32 v8, v34;
	_ =	sdelay $0x4  }
0x3d4: {  	[tilespmem:v34+s23+$0x0] =	vst.idx.msk vm15, v1  }
0x3d5: {  	[hbm4b:s18+s28] =	stream.strided.scatter [tilespmem:s23], [sflag:$0x1], $0x8000, s29, s28, $0x38;
	[tilespmem:$0xFE00] =	vst v63  }
0x3d6: {  	_ =	swait.ge [sflag:s30], $0x7800  }
0x3d7: {  	[sflag:s30] =	ssyncset.done $0x0  }
0x3d8: {  	[sflag:s30] =	ssyncadd.s32 $0xFFFF8800  }
0x3d9: {  	v49 =	vld [tilespmem:$0x100];
	_ =	sdelay $0x4  }
0x3da: {  	v50 =	vadd.s32 $0xFFFFFD08, v49  }
0x3db: {  	v34 =	vshll.u32 v49, $0x7;
	vm4 =	vlt.u32 v50, $0xF0  }
0x3dc: {  	v34 =	vadd.s32 v26, v34;
	_ =	sdelay $0x4  }
0x3dd: {  	[tilespmem:v34+s24+$0x0] =	vst.idx.msk vm4, v17  }
0x3de: {  	v34 =	vld [tilespmem:$0x110];
	_ =	sdelay $0x4  }
0x3df: {  	v51 =	vadd.s32 $0xFFFFFD08, v34  }
0x3e0: {  	v34 =	vshll.u32 v34, $0x7;
	vm5 =	vlt.u32 v51, $0xF0  }
0x3e1: {  	v34 =	vadd.s32 v27, v34;
	_ =	sdelay $0x4  }
0x3e2: {  	[tilespmem:v34+s24+$0x0] =	vst.idx.msk vm5, v17  }
0x3e3: {  	v34 =	vld [tilespmem:$0x120];
	_ =	sdelay $0x4  }
0x3e4: {  	v52 =	vadd.s32 $0xFFFFFD08, v34  }
0x3e5: {  	v34 =	vshll.u32 v34, $0x7;
	vm6 =	vlt.u32 v52, $0xF0  }
0x3e6: {  	v34 =	vadd.s32 v28, v34;
	_ =	sdelay $0x4  }
0x3e7: {  	[tilespmem:v34+s24+$0x0] =	vst.idx.msk vm6, v17  }
0x3e8: {  	v34 =	vld [tilespmem:$0x130];
	_ =	sdelay $0x4  }
0x3e9: {  	v53 =	vadd.s32 $0xFFFFFD08, v34  }
0x3ea: {  	v34 =	vshll.u32 v34, $0x7;
	vm7 =	vlt.u32 v53, $0xF0  }
0x3eb: {  	v34 =	vadd.s32 v29, v34;
	_ =	sdelay $0x4  }
0x3ec: {  	[tilespmem:v34+s24+$0x0] =	vst.idx.msk vm7, v17  }
0x3ed: {  	v34 =	vld [tilespmem:$0x140];
	_ =	sdelay $0x4  }
0x3ee: {  	v54 =	vadd.s32 $0xFFFFFD08, v34  }
0x3ef: {  	v34 =	vshll.u32 v34, $0x7;
	vm8 =	vlt.u32 v54, $0xF0  }
0x3f0: {  	v34 =	vadd.s32 v30, v34;
	_ =	sdelay $0x4  }
0x3f1: {  	[tilespmem:v34+s24+$0x0] =	vst.idx.msk vm8, v17  }
0x3f2: {  	v34 =	vld [tilespmem:$0x150];
	_ =	sdelay $0x4  }
0x3f3: {  	v55 =	vadd.s32 $0xFFFFFD08, v34  }
0x3f4: {  	v34 =	vshll.u32 v34, $0x7;
	vm9 =	vlt.u32 v55, $0xF0  }
0x3f5: {  	v34 =	vadd.s32 v31, v34;
	_ =	sdelay $0x4  }
0x3f6: {  	[tilespmem:v34+s24+$0x0] =	vst.idx.msk vm9, v17  }
0x3f7: {  	v34 =	vld [tilespmem:$0x160];
	_ =	sdelay $0x4  }
0x3f8: {  	v56 =	vadd.s32 $0xFFFFFD08, v34  }
0x3f9: {  	v34 =	vshll.u32 v34, $0x7;
	vm10 =	vlt.u32 v56, $0xF0  }
0x3fa: {  	v34 =	vadd.s32 v32, v34;
	_ =	sdelay $0x4  }
0x3fb: {  	[tilespmem:v34+s24+$0x0] =	vst.idx.msk vm10, v17  }
0x3fc: {  	v34 =	vld [tilespmem:$0x170];
	_ =	sdelay $0x4  }
0x3fd: {  	v57 =	vadd.s32 $0xFFFFFD08, v34  }
0x3fe: {  	v34 =	vshll.u32 v34, $0x7;
	vm11 =	vlt.u32 v57, $0xF0  }
0x3ff: {  	v34 =	vadd.s32 v33, v34;
	_ =	sdelay $0x4  }
0x400: {  	[tilespmem:v34+s24+$0x0] =	vst.idx.msk vm11, v17  }
0x401: {  	v34 =	vld [tilespmem:$0x180];
	_ =	sdelay $0x4  }
0x402: {  	v58 =	vadd.s32 $0xFFFFFF00, v34  }
0x403: {  	v34 =	vshll.u32 v34, $0x7;
	vm12 =	vlt.u32 v58, $0xF8  }
0x404: {  	v34 =	vadd.s32 v9, v34;
	_ =	sdelay $0x4  }
0x405: {  	[tilespmem:v34+s24+$0x0] =	vst.idx.msk vm12, v1  }
0x406: {  	v34 =	vld [tilespmem:$0x190];
	_ =	sdelay $0x4  }
0x407: {  	v59 =	vadd.s32 $0xFFFFFF00, v34  }
0x408: {  	v34 =	vshll.u32 v34, $0x7;
	vm13 =	vlt.u32 v59, $0xF8  }
0x409: {  	v34 =	vadd.s32 v10, v34;
	_ =	sdelay $0x4  }
0x40a: {  	[tilespmem:v34+s24+$0x0] =	vst.idx.msk vm13, v1  }
0x40b: {  	v34 =	vld [tilespmem:$0x1A0];
	_ =	sdelay $0x4  }
0x40c: {  	v60 =	vadd.s32 $0xFFFFFF00, v34  }
0x40d: {  	v34 =	vshll.u32 v34, $0x7;
	vm14 =	vlt.u32 v60, $0xF8  }
0x40e: {  	v34 =	vadd.s32 v11, v34;
	_ =	sdelay $0x4  }
0x40f: {  	[tilespmem:v34+s24+$0x0] =	vst.idx.msk vm14, v1  }
0x410: {  	v34 =	vld [tilespmem:$0x1B0];
	_ =	sdelay $0x4  }
0x411: {  	v61 =	vadd.s32 $0xFFFFFF00, v34  }
0x412: {  	v34 =	vshll.u32 v34, $0x7;
	vm15 =	vlt.u32 v61, $0xF8  }
0x413: {  	v34 =	vadd.s32 v12, v34;
	_ =	sdelay $0x4  }
0x414: {  	[tilespmem:v34+s24+$0x0] =	vst.idx.msk vm15, v1  }
0x415: {  	v34 =	vld [tilespmem:$0x1C0];
	_ =	sdelay $0x4  }
0x416: {  	v62 =	vadd.s32 $0xFFFFFF00, v34  }
0x417: {  	v34 =	vshll.u32 v34, $0x7;
	vm4 =	vlt.u32 v62, $0xF8  }
0x418: {  	v34 =	vadd.s32 v13, v34;
	_ =	sdelay $0x4  }
0x419: {  	[tilespmem:v34+s24+$0x0] =	vst.idx.msk vm4, v1  }
0x41a: {  	v34 =	vld [tilespmem:$0x1D0];
	_ =	sdelay $0x4  }
0x41b: {  	v63 =	vadd.s32 $0xFFFFFF00, v34  }
0x41c: {  	v34 =	vshll.u32 v34, $0x7;
	vm5 =	vlt.u32 v63, $0xF8  }
0x41d: {  	v34 =	vadd.s32 v14, v34;
	_ =	sdelay $0x4  }
0x41e: {  	[tilespmem:v34+s24+$0x0] =	vst.idx.msk vm5, v1  }
0x41f: {  	v34 =	vld [tilespmem:$0x1E0];
	_ =	sdelay $0x4  }
0x420: {  	v36 =	vadd.s32 $0xFFFFFF00, v34  }
0x421: {  	v34 =	vshll.u32 v34, $0x7;
	vm6 =	vlt.u32 v36, $0xF8  }
0x422: {  	v34 =	vadd.s32 v15, v34;
	_ =	sdelay $0x4  }
0x423: {  	[tilespmem:v34+s24+$0x0] =	vst.idx.msk vm6, v1  }
0x424: {  	v34 =	vld [tilespmem:$0x1F0];
	_ =	sdelay $0x4  }
0x425: {  	v37 =	vadd.s32 $0xFFFFFF00, v34  }
0x426: {  	v34 =	vshll.u32 v34, $0x7;
	vm7 =	vlt.u32 v37, $0xF8  }
0x427: {  	v34 =	vadd.s32 v16, v34;
	_ =	sdelay $0x4  }
0x428: {  	[tilespmem:v34+s24+$0x0] =	vst.idx.msk vm7, v1  }
0x429: {  	[hbm4b:s19+s28] =	stream.strided.scatter [tilespmem:s24], [sflag:$0x2], $0x7C00, s29, s28, $0x38;
	[tilespmem:$0xFE00] =	vst v63  }
0x42a: {  	_ =	swait.ge [sflag:s26], $0x8000  }
0x42b: {  	[sflag:s26] =	ssyncset.done $0x0  }
0x42c: {  	[sflag:s26] =	ssyncadd.s32 $0xFFFF8000  }
0x42d: {  	v38 =	vld [tilespmem:$0x180];
	_ =	sdelay $0x4  }
0x42e: {  	vm8 =	vlt.u32 v38, $0x100;
	v34 =	vshll.u32 v38, $0x7  }
0x42f: {  	v34 =	vor.u32 v0, v34;
	_ =	sdelay $0x4  }
0x430: {  	[tilespmem:v34+s23+$0x0] =	vst.idx.msk vm8, v17  }
0x431: {  	v34 =	vld [tilespmem:$0x190];
	_ =	sdelay $0x4  }
0x432: {  	vm9 =	vlt.u32 v34, $0x100;
	v34 =	vshll.u32 v34, $0x7  }
0x433: {  	v34 =	vor.u32 v2, v34;
	_ =	sdelay $0x4  }
0x434: {  	[tilespmem:v34+s23+$0x0] =	vst.idx.msk vm9, v17  }
0x435: {  	v34 =	vld [tilespmem:$0x1A0];
	_ =	sdelay $0x4  }
0x436: {  	vm10 =	vlt.u32 v34, $0x100;
	v34 =	vshll.u32 v34, $0x7  }
0x437: {  	v34 =	vor.u32 v3, v34;
	_ =	sdelay $0x4  }
0x438: {  	[tilespmem:v34+s23+$0x0] =	vst.idx.msk vm10, v17  }
0x439: {  	v34 =	vld [tilespmem:$0x1B0];
	_ =	sdelay $0x4  }
0x43a: {  	vm11 =	vlt.u32 v34, $0x100;
	v34 =	vshll.u32 v34, $0x7  }
0x43b: {  	v34 =	vor.u32 v4, v34;
	_ =	sdelay $0x4  }
0x43c: {  	[tilespmem:v34+s23+$0x0] =	vst.idx.msk vm11, v17  }
0x43d: {  	v34 =	vld [tilespmem:$0x1C0];
	_ =	sdelay $0x4  }
0x43e: {  	vm12 =	vlt.u32 v34, $0x100;
	v34 =	vshll.u32 v34, $0x7  }
0x43f: {  	v34 =	vor.u32 v5, v34;
	_ =	sdelay $0x4  }
0x440: {  	[tilespmem:v34+s23+$0x0] =	vst.idx.msk vm12, v17  }
0x441: {  	v34 =	vld [tilespmem:$0x1D0];
	_ =	sdelay $0x4  }
0x442: {  	vm13 =	vlt.u32 v34, $0x100;
	v34 =	vshll.u32 v34, $0x7  }
0x443: {  	v34 =	vor.u32 v6, v34;
	_ =	sdelay $0x4  }
0x444: {  	[tilespmem:v34+s23+$0x0] =	vst.idx.msk vm13, v17  }
0x445: {  	v34 =	vld [tilespmem:$0x1E0];
	_ =	sdelay $0x4  }
0x446: {  	vm14 =	vlt.u32 v34, $0x100;
	v34 =	vshll.u32 v34, $0x7  }
0x447: {  	v34 =	vor.u32 v7, v34;
	_ =	sdelay $0x4  }
0x448: {  	[tilespmem:v34+s23+$0x0] =	vst.idx.msk vm14, v17  }
0x449: {  	v34 =	vld [tilespmem:$0x1F0];
	_ =	sdelay $0x4  }
0x44a: {  	vm15 =	vlt.u32 v34, $0x100;
	v34 =	vshll.u32 v34, $0x7  }
0x44b: {  	v34 =	vor.u32 v8, v34;
	_ =	sdelay $0x4  }
0x44c: {  	[tilespmem:v34+s23+$0x0] =	vst.idx.msk vm15, v17  }
0x44d: {  	v34 =	vld [tilespmem:$0x180];
	_ =	sdelay $0x4  }
0x44e: {  	v39 =	vadd.s32 $0xFFFFFE08, v34  }
0x44f: {  	v34 =	vshll.u32 v34, $0x7;
	vm4 =	vlt.u32 v39, $0x100  }
0x450: {  	v34 =	vadd.s32 v18, v34;
	_ =	sdelay $0x4  }
0x451: {  	[tilespmem:v34+s23+$0x0] =	vst.idx.msk vm4, v1  }
0x452: {  	v34 =	vld [tilespmem:$0x190];
	_ =	sdelay $0x4  }
0x453: {  	v40 =	vadd.s32 $0xFFFFFE08, v34  }
0x454: {  	v34 =	vshll.u32 v34, $0x7;
	vm5 =	vlt.u32 v40, $0x100  }
0x455: {  	v34 =	vadd.s32 v19, v34;
	_ =	sdelay $0x4  }
0x456: {  	[tilespmem:v34+s23+$0x0] =	vst.idx.msk vm5, v1  }
0x457: {  	v34 =	vld [tilespmem:$0x1A0];
	_ =	sdelay $0x4  }
0x458: {  	v41 =	vadd.s32 $0xFFFFFE08, v34  }
0x459: {  	v34 =	vshll.u32 v34, $0x7;
	vm6 =	vlt.u32 v41, $0x100  }
0x45a: {  	v34 =	vadd.s32 v20, v34;
	_ =	sdelay $0x4  }
0x45b: {  	[tilespmem:v34+s23+$0x0] =	vst.idx.msk vm6, v1  }
0x45c: {  	v34 =	vld [tilespmem:$0x1B0];
	_ =	sdelay $0x4  }
0x45d: {  	v42 =	vadd.s32 $0xFFFFFE08, v34  }
0x45e: {  	v34 =	vshll.u32 v34, $0x7;
	vm7 =	vlt.u32 v42, $0x100  }
0x45f: {  	v34 =	vadd.s32 v21, v34;
	_ =	sdelay $0x4  }
0x460: {  	[tilespmem:v34+s23+$0x0] =	vst.idx.msk vm7, v1  }
0x461: {  	v34 =	vld [tilespmem:$0x1C0];
	_ =	sdelay $0x4  }
0x462: {  	v43 =	vadd.s32 $0xFFFFFE08, v34  }
0x463: {  	v34 =	vshll.u32 v34, $0x7;
	vm8 =	vlt.u32 v43, $0x100  }
0x464: {  	v34 =	vadd.s32 v22, v34;
	_ =	sdelay $0x4  }
0x465: {  	[tilespmem:v34+s23+$0x0] =	vst.idx.msk vm8, v1  }
0x466: {  	v34 =	vld [tilespmem:$0x1D0];
	_ =	sdelay $0x4  }
0x467: {  	v44 =	vadd.s32 $0xFFFFFE08, v34  }
0x468: {  	v34 =	vshll.u32 v34, $0x7;
	vm9 =	vlt.u32 v44, $0x100  }
0x469: {  	v34 =	vadd.s32 v23, v34;
	_ =	sdelay $0x4  }
0x46a: {  	[tilespmem:v34+s23+$0x0] =	vst.idx.msk vm9, v1  }
0x46b: {  	v34 =	vld [tilespmem:$0x1E0];
	_ =	sdelay $0x4  }
0x46c: {  	v45 =	vadd.s32 $0xFFFFFE08, v34  }
0x46d: {  	v34 =	vshll.u32 v34, $0x7;
	vm10 =	vlt.u32 v45, $0x100  }
0x46e: {  	v34 =	vadd.s32 v24, v34;
	_ =	sdelay $0x4  }
0x46f: {  	[tilespmem:v34+s23+$0x0] =	vst.idx.msk vm10, v1  }
0x470: {  	v34 =	vld [tilespmem:$0x1F0];
	_ =	sdelay $0x4  }
0x471: {  	v46 =	vadd.s32 $0xFFFFFE08, v34  }
0x472: {  	v34 =	vshll.u32 v34, $0x7;
	vm11 =	vlt.u32 v46, $0x100  }
0x473: {  	v34 =	vadd.s32 v25, v34;
	_ =	sdelay $0x4  }
0x474: {  	[tilespmem:v34+s23+$0x0] =	vst.idx.msk vm11, v1  }
0x475: {  	[hbm4b:s20+s28] =	stream.strided.scatter [tilespmem:s23], [sflag:$0x1], $0x8000, s29, s28, $0x38;
	[tilespmem:$0xFE00] =	vst v63  }
0x476: {  	_ =	swait.ge [sflag:s30], $0x7C00  }
0x477: {  	[sflag:s30] =	ssyncset.done $0x0  }
0x478: {  	[sflag:s30] =	ssyncadd.s32 $0xFFFF8400  }
0x479: {  	v47 =	vld [tilespmem:$0x180];
	_ =	sdelay $0x4  }
0x47a: {  	v48 =	vadd.s32 $0xFFFFFF00, v47  }
0x47b: {  	v34 =	vshll.u32 v47, $0x7;
	vm12 =	vlt.u32 v48, $0xF8  }
0x47c: {  	v34 =	vadd.s32 v9, v34;
	_ =	sdelay $0x4  }
0x47d: {  	[tilespmem:v34+s24+$0x0] =	vst.idx.msk vm12, v17  }
0x47e: {  	v34 =	vld [tilespmem:$0x190];
	_ =	sdelay $0x4  }
0x47f: {  	v49 =	vadd.s32 $0xFFFFFF00, v34  }
0x480: {  	v34 =	vshll.u32 v34, $0x7;
	vm13 =	vlt.u32 v49, $0xF8  }
0x481: {  	v34 =	vadd.s32 v10, v34;
	_ =	sdelay $0x4  }
0x482: {  	[tilespmem:v34+s24+$0x0] =	vst.idx.msk vm13, v17  }
0x483: {  	v34 =	vld [tilespmem:$0x1A0];
	_ =	sdelay $0x4  }
0x484: {  	v50 =	vadd.s32 $0xFFFFFF00, v34  }
0x485: {  	v34 =	vshll.u32 v34, $0x7;
	vm14 =	vlt.u32 v50, $0xF8  }
0x486: {  	v34 =	vadd.s32 v11, v34;
	_ =	sdelay $0x4  }
0x487: {  	[tilespmem:v34+s24+$0x0] =	vst.idx.msk vm14, v17  }
0x488: {  	v34 =	vld [tilespmem:$0x1B0];
	_ =	sdelay $0x4  }
0x489: {  	v51 =	vadd.s32 $0xFFFFFF00, v34  }
0x48a: {  	v34 =	vshll.u32 v34, $0x7;
	vm15 =	vlt.u32 v51, $0xF8  }
0x48b: {  	v34 =	vadd.s32 v12, v34;
	_ =	sdelay $0x4  }
0x48c: {  	[tilespmem:v34+s24+$0x0] =	vst.idx.msk vm15, v17  }
0x48d: {  	v34 =	vld [tilespmem:$0x1C0];
	_ =	sdelay $0x4  }
0x48e: {  	v52 =	vadd.s32 $0xFFFFFF00, v34  }
0x48f: {  	v34 =	vshll.u32 v34, $0x7;
	vm4 =	vlt.u32 v52, $0xF8  }
0x490: {  	v34 =	vadd.s32 v13, v34;
	_ =	sdelay $0x4  }
0x491: {  	[tilespmem:v34+s24+$0x0] =	vst.idx.msk vm4, v17  }
0x492: {  	v34 =	vld [tilespmem:$0x1D0];
	_ =	sdelay $0x4  }
0x493: {  	v53 =	vadd.s32 $0xFFFFFF00, v34  }
0x494: {  	v34 =	vshll.u32 v34, $0x7;
	vm5 =	vlt.u32 v53, $0xF8  }
0x495: {  	v34 =	vadd.s32 v14, v34;
	_ =	sdelay $0x4  }
0x496: {  	[tilespmem:v34+s24+$0x0] =	vst.idx.msk vm5, v17  }
0x497: {  	v34 =	vld [tilespmem:$0x1E0];
	_ =	sdelay $0x4  }
0x498: {  	v54 =	vadd.s32 $0xFFFFFF00, v34  }
0x499: {  	v34 =	vshll.u32 v34, $0x7;
	vm6 =	vlt.u32 v54, $0xF8  }
0x49a: {  	v34 =	vadd.s32 v15, v34;
	_ =	sdelay $0x4  }
0x49b: {  	[tilespmem:v34+s24+$0x0] =	vst.idx.msk vm6, v17  }
0x49c: {  	v34 =	vld [tilespmem:$0x1F0];
	_ =	sdelay $0x4  }
0x49d: {  	v55 =	vadd.s32 $0xFFFFFF00, v34  }
0x49e: {  	v34 =	vshll.u32 v34, $0x7;
	vm7 =	vlt.u32 v55, $0xF8  }
0x49f: {  	v34 =	vadd.s32 v16, v34;
	_ =	sdelay $0x4  }
0x4a0: {  	[tilespmem:v34+s24+$0x0] =	vst.idx.msk vm7, v17  }
0x4a1: {  	v34 =	vld [tilespmem:$0x180];
	_ =	sdelay $0x4  }
0x4a2: {  	v56 =	vadd.s32 $0xFFFFFD08, v34  }
0x4a3: {  	v34 =	vshll.u32 v34, $0x7;
	vm8 =	vlt.u32 v56, $0xF0  }
0x4a4: {  	v34 =	vadd.s32 v26, v34;
	_ =	sdelay $0x4  }
0x4a5: {  	[tilespmem:v34+s24+$0x0] =	vst.idx.msk vm8, v1  }
0x4a6: {  	v34 =	vld [tilespmem:$0x190];
	_ =	sdelay $0x4  }
0x4a7: {  	v57 =	vadd.s32 $0xFFFFFD08, v34  }
0x4a8: {  	v34 =	vshll.u32 v34, $0x7;
	vm9 =	vlt.u32 v57, $0xF0  }
0x4a9: {  	v34 =	vadd.s32 v27, v34;
	_ =	sdelay $0x4  }
0x4aa: {  	[tilespmem:v34+s24+$0x0] =	vst.idx.msk vm9, v1  }
0x4ab: {  	v34 =	vld [tilespmem:$0x1A0];
	_ =	sdelay $0x4  }
0x4ac: {  	v58 =	vadd.s32 $0xFFFFFD08, v34  }
0x4ad: {  	v34 =	vshll.u32 v34, $0x7;
	vm10 =	vlt.u32 v58, $0xF0  }
0x4ae: {  	v34 =	vadd.s32 v28, v34;
	_ =	sdelay $0x4  }
0x4af: {  	[tilespmem:v34+s24+$0x0] =	vst.idx.msk vm10, v1  }
0x4b0: {  	v34 =	vld [tilespmem:$0x1B0];
	_ =	sdelay $0x4  }
0x4b1: {  	v59 =	vadd.s32 $0xFFFFFD08, v34  }
0x4b2: {  	v34 =	vshll.u32 v34, $0x7;
	vm11 =	vlt.u32 v59, $0xF0  }
0x4b3: {  	v34 =	vadd.s32 v29, v34;
	_ =	sdelay $0x4  }
0x4b4: {  	[tilespmem:v34+s24+$0x0] =	vst.idx.msk vm11, v1  }
0x4b5: {  	v34 =	vld [tilespmem:$0x1C0];
	_ =	sdelay $0x4  }
0x4b6: {  	v60 =	vadd.s32 $0xFFFFFD08, v34  }
0x4b7: {  	v34 =	vshll.u32 v34, $0x7;
	vm12 =	vlt.u32 v60, $0xF0  }
0x4b8: {  	v34 =	vadd.s32 v30, v34;
	_ =	sdelay $0x4  }
0x4b9: {  	[tilespmem:v34+s24+$0x0] =	vst.idx.msk vm12, v1  }
0x4ba: {  	v34 =	vld [tilespmem:$0x1D0];
	_ =	sdelay $0x4  }
0x4bb: {  	v61 =	vadd.s32 $0xFFFFFD08, v34  }
0x4bc: {  	v34 =	vshll.u32 v34, $0x7;
	vm13 =	vlt.u32 v61, $0xF0  }
0x4bd: {  	v34 =	vadd.s32 v31, v34;
	_ =	sdelay $0x4  }
0x4be: {  	[tilespmem:v34+s24+$0x0] =	vst.idx.msk vm13, v1  }
0x4bf: {  	v34 =	vld [tilespmem:$0x1E0];
	_ =	sdelay $0x4  }
0x4c0: {  	v62 =	vadd.s32 $0xFFFFFD08, v34  }
0x4c1: {  	v34 =	vshll.u32 v34, $0x7;
	vm14 =	vlt.u32 v62, $0xF0  }
0x4c2: {  	v34 =	vadd.s32 v32, v34;
	_ =	sdelay $0x4  }
0x4c3: {  	[tilespmem:v34+s24+$0x0] =	vst.idx.msk vm14, v1  }
0x4c4: {  	v34 =	vld [tilespmem:$0x1F0];
	_ =	sdelay $0x4  }
0x4c5: {  	v63 =	vadd.s32 $0xFFFFFD08, v34  }
0x4c6: {  	v34 =	vshll.u32 v34, $0x7;
	vm15 =	vlt.u32 v63, $0xF0  }
0x4c7: {  	v34 =	vadd.s32 v33, v34;
	_ =	sdelay $0x4  }
0x4c8: {  	[tilespmem:v34+s24+$0x0] =	vst.idx.msk vm15, v1  }
0x4c9: {  	[hbm4b:s21+s28] =	stream.strided.scatter [tilespmem:s24], [sflag:$0x2], $0x7800, s29, s28, $0x38;
	[tilespmem:$0xFE00] =	vst v63  }
0x4ca: {  	p0 =	sne.s32 s22, $0x1;
	_ =	swait.ge [sflag:s26], $0x8000  }
.Ltmp0:
0x4cb: {  	[sflag:s26] =	ssyncset.done $0x0;
	(pc) =	sbr.rel @p0 .LBB2_1-.Ltmp0, $4  }
0x4cc: {  	[sflag:s26] =	ssyncadd.s32 $0xFFFF8000  }
0x4cd: {  	_ =	swait.ge [sflag:s30], $0x7800  }
0x4ce: {  	[sflag:s30] =	ssyncset.done $0x0  }
0x4cf: {  	s22 =	sadd.s32 $0xFFFFFFFF, s22;
	[sflag:s30] =	ssyncadd.s32 $0xFFFF8800  }
0x4d0: {  	_ =	sfence.sel $0x180000  }
0x4d1: {  	[bflag:$0x0] =	sbarrier.arrive $0xFFFF  }
0x4d2: {  	p0 =	sne.s32 s2, $0x0;
	_ =	strace $0x90000047  }
0x4d3: {  	s0 =	sadd.s32 @!p0 $0x100000, s0;
	[bflag:$0x2] =	sbarrier.arrive $0xFFFF  }
0x4d4: {  	[sflag:s0] =	ssyncadd.tile.s32 @!p0 $0x1;
	_ =	shalt  }
.Lfunc_end2:
_tile_overlayer_lowered:
.L_overlay_start_2:
0x4d5: {  	(tag) =	ssettag $0x2  }
0x4d6: {  	s0 =	rddreg [dreg:$0x0];
	s2 =	stileid.u32  }
0x4d7: {  	s1 =	rddreg [dreg:$0x1];
	p0 =	sne.s32 s2, $0x0  }
0x4d8: {  	s3 =	rddreg [dreg:$0x2];
	[bflag:$0x3] =	sbarrier.arrive $0xFFFF;
	s2 =	simm.s32 @!p0 $0x1C03  }
0x4d9: {  	[timem:s3], [sflag:s2] =	dma.local @!p0 [hbm:s0], s1  }
0x4da: {  	s0 =	simm.s32 @!p0 $0x3  }
0x4db: {  	_ =	swait.ge @!p0 [sflag:s0], s1  }
0x4dc: {  	s1 =	ssub.s32 @!p0 $0x0, s1;
	[sflag:s0] =	ssyncset.done @!p0 $0x0  }
0x4dd: {  	[sflag:s0] =	ssyncadd.s32 @!p0 s1  }
0x4de: {  	[bflag:$0x3] =	sbarrier.arrive $0xFFFF  }
0x4df: {  	_ =	shalt  }

</sc_bundles>
